<compile_context>
chip_gen: v7x
topology: tpu7x:2x2x1
jax: 0.10.2.dev20260603
libtpu: 0.0.44.dev20260713+nightly
codegen_flags: <defaults>
</compile_context>

<pallas_src>
import functools

import jax
import jax.numpy as jnp
from jax import lax
from jax.experimental import pallas as pl
from jax.experimental.pallas import tpu as pltpu
from jax.experimental.pallas import tpu_sc as plsc

F = 26
V = 100000
D = 16
B = 16384

_info = plsc.get_sparse_core_info()
NC, NS, L = _info.num_cores, _info.num_subcores, _info.num_lanes
J = F * D
SPC = J // NC
FPC = F // NC
BPT = B // NS
G = 4
NBUF = 16
FD = 8

_mesh = plsc.VectorSubcoreMesh(core_axis_name="c", subcore_axis_name="s")


@functools.partial(
    pl.kernel,
    out_type=jax.ShapeDtypeStruct((J, B), jnp.float32),
    mesh=_mesh,
    compiler_params=pltpu.CompilerParams(use_tc_tiling_on_sc=True),
    scratch_types=[
        [pltpu.VMEM_SHARED((V,), jnp.float32) for _ in range(NBUF)],
        [pltpu.VMEM((BPT,), jnp.int32) for _ in range(2)],
        [pltpu.VMEM((BPT,), jnp.float32) for _ in range(NBUF)],
        pltpu.SemaphoreType.DMA,
        pltpu.SemaphoreType.DMA,
        pltpu.SemaphoreType.DMA,
        pltpu.SemaphoreType.DMA,
    ],
)
def _sc_lookup(tab_hbm, idx_hbm, out_hbm, st, iv, cv, fsem, isem, gsem, wsem):
    c = lax.axis_index("c")
    s = lax.axis_index("s")
    j0 = c * SPC
    f0 = c * FPC
    col = pl.ds(s * BPT, BPT)

    for p in range(FD):
        @pl.when(s == p)
        def _prime_fill(p=p):
            pltpu.async_copy(tab_hbm.at[(j0 + p) >> 4, (j0 + p) & 15], st[p], fsem)

    pltpu.sync_copy(idx_hbm.at[f0, col], iv[0])

    for p in range(G):
        @pl.when(s == p)
        def _wait_prime(p=p):
            pltpu.make_async_copy(tab_hbm.at[(j0 + p) >> 4, (j0 + p) & 15], st[p], fsem).wait()

    plsc.subcore_barrier()

    def _rounds(fld, h, a0):
        static = isinstance(a0, int)
        for kk in range(G):
            a = a0 + G * kk
            q0 = G * kk

            for i in range(G):
                if static and a + FD + i >= SPC:
                    continue
                pred = s == ((a + FD + i) & 15)
                if not static:
                    pred = pred & (a + FD + i < SPC)

                @pl.when(pred)
                def _start_fill(i=i, a=a):
                    jf = j0 + a + FD + i
                    pltpu.async_copy(tab_hbm.at[jf >> 4, jf & 15],
                                     st[(q0 + FD + i) % NBUF], fsem)

            if kk == 0 and fld is not None:
                @pl.when(fld + 1 < FPC)
                def _start_idx():
                    pltpu.async_copy(idx_hbm.at[f0 + fld + 1, col], iv[1 - h], isem)

            def _drains(a=a):
                for i in range(G):
                    pltpu.make_async_copy(cv[q0 + i], out_hbm.at[j0 + a + i, col],
                                          wsem).wait()

            if static:
                if a >= NBUF:
                    _drains()
            else:
                pl.when(a >= NBUF)(_drains)

            gs = [pltpu.async_copy(st[q0 + i].at[iv[h]], cv[q0 + i], gsem)
                  for i in range(G)]
            for g in gs:
                g.wait()
            for i in range(G):
                pltpu.async_copy(cv[q0 + i], out_hbm.at[j0 + a + i, col], wsem)

            if kk == G - 1 and fld is not None:
                @pl.when(fld + 1 < FPC)
                def _wait_idx():
                    pltpu.make_async_copy(idx_hbm.at[f0 + fld + 1, col], iv[1 - h], isem).wait()

            for i in range(G):
                if static and a + G + i >= SPC:
                    continue
                pred = s == ((a + G + i) & 15)
                if not static:
                    pred = pred & (a + G + i < SPC)

                @pl.when(pred)
                def _wait_fill(i=i, a=a):
                    jn = j0 + a + G + i
                    pltpu.make_async_copy(tab_hbm.at[jn >> 4, jn & 15],
                                          st[(q0 + G + i) % NBUF], fsem).wait()

            plsc.subcore_barrier()

    def pair(t, carry):
        _rounds(2 * t, 0, 2 * NBUF * t)
        _rounds(2 * t + 1, 1, 2 * NBUF * t + NBUF)
        return carry

    lax.fori_loop(0, FPC // 2, pair, 0)
    _rounds(None, 0, (FPC - 1) * D)

    for q in range(NBUF):
        pltpu.make_async_copy(cv[q], out_hbm.at[j0, col], wsem).wait()


def kernel(indices, tables):
    tab2 = jnp.transpose(tables, (0, 2, 1))
    out = _sc_lookup(tab2, indices)
    return out.T

# --- scband reference (transcript-rebuilt; emitter-appended) ---
"""Pipeline reference for scband-my-input-51419348468089 (READ-ONLY COPY).

The authoritative reference and input builder live on the scoring server;
editing this copy changes nothing except your own understanding.
"""

import jax, jax.numpy as jnp
import numpy as np

N_FIELDS = 26
VOCAB = 100000
EMBED_DIM = 16
BATCH = 16384


def setup_inputs(seed: int = 0) -> dict:
    key = jax.random.key(seed)
    k_idx, k_tab = jax.random.split(key)
    # indices[f, b] = category id for field f, example b  (26 sparse fields)
    indices = jax.random.randint(k_idx, (N_FIELDS, BATCH), 0, VOCAB)
    # Per-field embedding tables, stacked: [F, VOCAB, EMBED_DIM]
    tables = jax.random.normal(k_tab, (N_FIELDS, VOCAB, EMBED_DIM), dtype=jnp.float32)
    return {"indices": indices, "tables": tables}


def reference(indices, tables):
    # MyInput.forward with annotation={'embeddings': ...}, use_bn=False:
    # per-field nn.Embedding lookup, then concat along last dim.
    F = tables.shape[0]
    field_ids = jnp.arange(F)[:, None]           # [F, 1]
    emb = tables[field_ids, indices]             # gather -> [F, B, D]
    out = jnp.transpose(emb, (1, 0, 2)).reshape(indices.shape[1], F * tables.shape[2])
    return out                                   # [B, F*D] = [16384, 416]

if __name__ == "__main__":
    import jax
    _d = setup_inputs()
    print(jax.jit(kernel)(*tuple(_d.values())))

</pallas_src>

<mosaic_0001>
#map = affine_map<(d0, d1) -> (0, 0, 0)>
#map1 = affine_map<(d0, d1) -> (0, 0)>
module attributes {stable_mosaic.version = 14 : i64} {
  func.func @_sc_lookup(%arg0: i32, %arg1: i32, %arg2: memref<26x16x100000xf32, #tpu.memory_space<hbm>>, %arg3: memref<26x16384xi32, #tpu.memory_space<hbm>>, %arg4: memref<416x16384xf32, #tpu.memory_space<hbm>>, %arg5: memref<100000xf32, #tpu.memory_space<vmem_shared>>, %arg6: memref<100000xf32, #tpu.memory_space<vmem_shared>>, %arg7: memref<100000xf32, #tpu.memory_space<vmem_shared>>, %arg8: memref<100000xf32, #tpu.memory_space<vmem_shared>>, %arg9: memref<100000xf32, #tpu.memory_space<vmem_shared>>, %arg10: memref<100000xf32, #tpu.memory_space<vmem_shared>>, %arg11: memref<100000xf32, #tpu.memory_space<vmem_shared>>, %arg12: memref<100000xf32, #tpu.memory_space<vmem_shared>>, %arg13: memref<100000xf32, #tpu.memory_space<vmem_shared>>, %arg14: memref<100000xf32, #tpu.memory_space<vmem_shared>>, %arg15: memref<100000xf32, #tpu.memory_space<vmem_shared>>, %arg16: memref<100000xf32, #tpu.memory_space<vmem_shared>>, %arg17: memref<100000xf32, #tpu.memory_space<vmem_shared>>, %arg18: memref<100000xf32, #tpu.memory_space<vmem_shared>>, %arg19: memref<100000xf32, #tpu.memory_space<vmem_shared>>, %arg20: memref<100000xf32, #tpu.memory_space<vmem_shared>>, %arg21: memref<1024xi32, #tpu.memory_space<vmem>>, %arg22: memref<1024xi32, #tpu.memory_space<vmem>>, %arg23: memref<1024xf32, #tpu.memory_space<vmem>>, %arg24: memref<1024xf32, #tpu.memory_space<vmem>>, %arg25: memref<1024xf32, #tpu.memory_space<vmem>>, %arg26: memref<1024xf32, #tpu.memory_space<vmem>>, %arg27: memref<1024xf32, #tpu.memory_space<vmem>>, %arg28: memref<1024xf32, #tpu.memory_space<vmem>>, %arg29: memref<1024xf32, #tpu.memory_space<vmem>>, %arg30: memref<1024xf32, #tpu.memory_space<vmem>>, %arg31: memref<1024xf32, #tpu.memory_space<vmem>>, %arg32: memref<1024xf32, #tpu.memory_space<vmem>>, %arg33: memref<1024xf32, #tpu.memory_space<vmem>>, %arg34: memref<1024xf32, #tpu.memory_space<vmem>>, %arg35: memref<1024xf32, #tpu.memory_space<vmem>>, %arg36: memref<1024xf32, #tpu.memory_space<vmem>>, %arg37: memref<1024xf32, #tpu.memory_space<vmem>>, %arg38: memref<1024xf32, #tpu.memory_space<vmem>>, %arg39: memref<!tpu.dma_semaphore, #tpu.memory_space<semaphore_mem>>, %arg40: memref<!tpu.dma_semaphore, #tpu.memory_space<semaphore_mem>>, %arg41: memref<!tpu.dma_semaphore, #tpu.memory_space<semaphore_mem>>, %arg42: memref<!tpu.dma_semaphore, #tpu.memory_space<semaphore_mem>>) attributes {dimension_semantics = [#tpu.dimension_semantics<core_parallel>, #tpu.dimension_semantics<subcore_parallel>], iteration_bounds = array<i64: 2, 16>, scalar_prefetch = 0 : i64, scratch_operands = 38 : i64, tpu.core_type = #tpu.core_type<sc_vector_subcore>, window_params = [{transform_indices = #map}, {transform_indices = #map1}, {transform_indices = #map1}]} {
    %mul3A = arith.constant 208 : i32
    %mul3A_0 = arith.muli %arg0, %mul3A : i32
    %mul3A_1 = arith.constant 13 : i32
    %mul3A_2 = arith.muli %arg0, %mul3A_1 : i32
    %mul3A_3 = arith.constant 1024 : i32
    %mul3A_4 = arith.muli %arg1, %mul3A_3 : i32
    %eq3A = arith.constant 0 : i32
    %eq3A_5 = arith.cmpi eq, %arg1, %eq3A : i32
    %convert_element_type3A = arith.extui %eq3A_5 : i1 to i32
    %cond3A = arith.constant 0 : i32
    %cond3A_6 = arith.cmpi ne, %convert_element_type3A, %cond3A : i32
    scf.if %cond3A_6 {
      %add3A_552 = arith.constant 0 : i32
      %add3A_553 = arith.addi %mul3A_0, %add3A_552 : i32
      %shift_right_arithmetic3A = arith.constant 4 : i32
      %shift_right_arithmetic3A_554 = arith.shrsi %add3A_553, %shift_right_arithmetic3A : i32
      %add3A_555 = arith.constant 0 : i32
      %add3A_556 = arith.addi %mul3A_0, %add3A_555 : i32
      %and3A = arith.constant 15 : i32
      %and3A_557 = arith.andi %add3A_556, %and3A : i32
      %dma_start3A_558 = arith.constant 0 : i32
      %dma_start3A_559 = tpu.memref_slice %arg2[%shift_right_arithmetic3A_554, %and3A_557, %dma_start3A_558] : memref<26x16x100000xf32, #tpu.memory_space<hbm>> -> memref<1x1x100000xf32, #tpu.memory_space<hbm>>
      %dma_start3A_560 = tpu.memref_squeeze %dma_start3A_559 : memref<1x1x100000xf32, #tpu.memory_space<hbm>> -> memref<100000xf32, #tpu.memory_space<hbm>>
      tpu.enqueue_dma source(%dma_start3A_560 : memref<100000xf32, #tpu.memory_space<hbm>>) target(%arg5 : memref<100000xf32, #tpu.memory_space<vmem_shared>>) target_semaphore(%arg39 : memref<!tpu.dma_semaphore, #tpu.memory_space<semaphore_mem>>)
    } else {
    }
    %eq3A_7 = arith.constant 1 : i32
    %eq3A_8 = arith.cmpi eq, %arg1, %eq3A_7 : i32
    %convert_element_type3A_9 = arith.extui %eq3A_8 : i1 to i32
    %cond3A_10 = arith.constant 0 : i32
    %cond3A_11 = arith.cmpi ne, %convert_element_type3A_9, %cond3A_10 : i32
    scf.if %cond3A_11 {
      %add3A_552 = arith.constant 1 : i32
      %add3A_553 = arith.addi %mul3A_0, %add3A_552 : i32
      %shift_right_arithmetic3A = arith.constant 4 : i32
      %shift_right_arithmetic3A_554 = arith.shrsi %add3A_553, %shift_right_arithmetic3A : i32
      %add3A_555 = arith.constant 1 : i32
      %add3A_556 = arith.addi %mul3A_0, %add3A_555 : i32
      %and3A = arith.constant 15 : i32
      %and3A_557 = arith.andi %add3A_556, %and3A : i32
      %dma_start3A_558 = arith.constant 0 : i32
      %dma_start3A_559 = tpu.memref_slice %arg2[%shift_right_arithmetic3A_554, %and3A_557, %dma_start3A_558] : memref<26x16x100000xf32, #tpu.memory_space<hbm>> -> memref<1x1x100000xf32, #tpu.memory_space<hbm>>
      %dma_start3A_560 = tpu.memref_squeeze %dma_start3A_559 : memref<1x1x100000xf32, #tpu.memory_space<hbm>> -> memref<100000xf32, #tpu.memory_space<hbm>>
      tpu.enqueue_dma source(%dma_start3A_560 : memref<100000xf32, #tpu.memory_space<hbm>>) target(%arg6 : memref<100000xf32, #tpu.memory_space<vmem_shared>>) target_semaphore(%arg39 : memref<!tpu.dma_semaphore, #tpu.memory_space<semaphore_mem>>)
    } else {
    }
    %eq3A_12 = arith.constant 2 : i32
    %eq3A_13 = arith.cmpi eq, %arg1, %eq3A_12 : i32
    %convert_element_type3A_14 = arith.extui %eq3A_13 : i1 to i32
    %cond3A_15 = arith.constant 0 : i32
    %cond3A_16 = arith.cmpi ne, %convert_element_type3A_14, %cond3A_15 : i32
    scf.if %cond3A_16 {
      %add3A_552 = arith.constant 2 : i32
      %add3A_553 = arith.addi %mul3A_0, %add3A_552 : i32
      %shift_right_arithmetic3A = arith.constant 4 : i32
      %shift_right_arithmetic3A_554 = arith.shrsi %add3A_553, %shift_right_arithmetic3A : i32
      %add3A_555 = arith.constant 2 : i32
      %add3A_556 = arith.addi %mul3A_0, %add3A_555 : i32
      %and3A = arith.constant 15 : i32
      %and3A_557 = arith.andi %add3A_556, %and3A : i32
      %dma_start3A_558 = arith.constant 0 : i32
      %dma_start3A_559 = tpu.memref_slice %arg2[%shift_right_arithmetic3A_554, %and3A_557, %dma_start3A_558] : memref<26x16x100000xf32, #tpu.memory_space<hbm>> -> memref<1x1x100000xf32, #tpu.memory_space<hbm>>
      %dma_start3A_560 = tpu.memref_squeeze %dma_start3A_559 : memref<1x1x100000xf32, #tpu.memory_space<hbm>> -> memref<100000xf32, #tpu.memory_space<hbm>>
      tpu.enqueue_dma source(%dma_start3A_560 : memref<100000xf32, #tpu.memory_space<hbm>>) target(%arg7 : memref<100000xf32, #tpu.memory_space<vmem_shared>>) target_semaphore(%arg39 : memref<!tpu.dma_semaphore, #tpu.memory_space<semaphore_mem>>)
    } else {
    }
    %eq3A_17 = arith.constant 3 : i32
    %eq3A_18 = arith.cmpi eq, %arg1, %eq3A_17 : i32
    %convert_element_type3A_19 = arith.extui %eq3A_18 : i1 to i32
    %cond3A_20 = arith.constant 0 : i32
    %cond3A_21 = arith.cmpi ne, %convert_element_type3A_19, %cond3A_20 : i32
    scf.if %cond3A_21 {
      %add3A_552 = arith.constant 3 : i32
      %add3A_553 = arith.addi %mul3A_0, %add3A_552 : i32
      %shift_right_arithmetic3A = arith.constant 4 : i32
      %shift_right_arithmetic3A_554 = arith.shrsi %add3A_553, %shift_right_arithmetic3A : i32
      %add3A_555 = arith.constant 3 : i32
      %add3A_556 = arith.addi %mul3A_0, %add3A_555 : i32
      %and3A = arith.constant 15 : i32
      %and3A_557 = arith.andi %add3A_556, %and3A : i32
      %dma_start3A_558 = arith.constant 0 : i32
      %dma_start3A_559 = tpu.memref_slice %arg2[%shift_right_arithmetic3A_554, %and3A_557, %dma_start3A_558] : memref<26x16x100000xf32, #tpu.memory_space<hbm>> -> memref<1x1x100000xf32, #tpu.memory_space<hbm>>
      %dma_start3A_560 = tpu.memref_squeeze %dma_start3A_559 : memref<1x1x100000xf32, #tpu.memory_space<hbm>> -> memref<100000xf32, #tpu.memory_space<hbm>>
      tpu.enqueue_dma source(%dma_start3A_560 : memref<100000xf32, #tpu.memory_space<hbm>>) target(%arg8 : memref<100000xf32, #tpu.memory_space<vmem_shared>>) target_semaphore(%arg39 : memref<!tpu.dma_semaphore, #tpu.memory_space<semaphore_mem>>)
    } else {
    }
    %eq3A_22 = arith.constant 4 : i32
    %eq3A_23 = arith.cmpi eq, %arg1, %eq3A_22 : i32
    %convert_element_type3A_24 = arith.extui %eq3A_23 : i1 to i32
    %cond3A_25 = arith.constant 0 : i32
    %cond3A_26 = arith.cmpi ne, %convert_element_type3A_24, %cond3A_25 : i32
    scf.if %cond3A_26 {
      %add3A_552 = arith.constant 4 : i32
      %add3A_553 = arith.addi %mul3A_0, %add3A_552 : i32
      %shift_right_arithmetic3A = arith.constant 4 : i32
      %shift_right_arithmetic3A_554 = arith.shrsi %add3A_553, %shift_right_arithmetic3A : i32
      %add3A_555 = arith.constant 4 : i32
      %add3A_556 = arith.addi %mul3A_0, %add3A_555 : i32
      %and3A = arith.constant 15 : i32
      %and3A_557 = arith.andi %add3A_556, %and3A : i32
      %dma_start3A_558 = arith.constant 0 : i32
      %dma_start3A_559 = tpu.memref_slice %arg2[%shift_right_arithmetic3A_554, %and3A_557, %dma_start3A_558] : memref<26x16x100000xf32, #tpu.memory_space<hbm>> -> memref<1x1x100000xf32, #tpu.memory_space<hbm>>
      %dma_start3A_560 = tpu.memref_squeeze %dma_start3A_559 : memref<1x1x100000xf32, #tpu.memory_space<hbm>> -> memref<100000xf32, #tpu.memory_space<hbm>>
      tpu.enqueue_dma source(%dma_start3A_560 : memref<100000xf32, #tpu.memory_space<hbm>>) target(%arg9 : memref<100000xf32, #tpu.memory_space<vmem_shared>>) target_semaphore(%arg39 : memref<!tpu.dma_semaphore, #tpu.memory_space<semaphore_mem>>)
    } else {
    }
    %eq3A_27 = arith.constant 5 : i32
    %eq3A_28 = arith.cmpi eq, %arg1, %eq3A_27 : i32
    %convert_element_type3A_29 = arith.extui %eq3A_28 : i1 to i32
    %cond3A_30 = arith.constant 0 : i32
    %cond3A_31 = arith.cmpi ne, %convert_element_type3A_29, %cond3A_30 : i32
    scf.if %cond3A_31 {
      %add3A_552 = arith.constant 5 : i32
      %add3A_553 = arith.addi %mul3A_0, %add3A_552 : i32
      %shift_right_arithmetic3A = arith.constant 4 : i32
      %shift_right_arithmetic3A_554 = arith.shrsi %add3A_553, %shift_right_arithmetic3A : i32
      %add3A_555 = arith.constant 5 : i32
      %add3A_556 = arith.addi %mul3A_0, %add3A_555 : i32
      %and3A = arith.constant 15 : i32
      %and3A_557 = arith.andi %add3A_556, %and3A : i32
      %dma_start3A_558 = arith.constant 0 : i32
      %dma_start3A_559 = tpu.memref_slice %arg2[%shift_right_arithmetic3A_554, %and3A_557, %dma_start3A_558] : memref<26x16x100000xf32, #tpu.memory_space<hbm>> -> memref<1x1x100000xf32, #tpu.memory_space<hbm>>
      %dma_start3A_560 = tpu.memref_squeeze %dma_start3A_559 : memref<1x1x100000xf32, #tpu.memory_space<hbm>> -> memref<100000xf32, #tpu.memory_space<hbm>>
      tpu.enqueue_dma source(%dma_start3A_560 : memref<100000xf32, #tpu.memory_space<hbm>>) target(%arg10 : memref<100000xf32, #tpu.memory_space<vmem_shared>>) target_semaphore(%arg39 : memref<!tpu.dma_semaphore, #tpu.memory_space<semaphore_mem>>)
    } else {
    }
    %eq3A_32 = arith.constant 6 : i32
    %eq3A_33 = arith.cmpi eq, %arg1, %eq3A_32 : i32
    %convert_element_type3A_34 = arith.extui %eq3A_33 : i1 to i32
    %cond3A_35 = arith.constant 0 : i32
    %cond3A_36 = arith.cmpi ne, %convert_element_type3A_34, %cond3A_35 : i32
    scf.if %cond3A_36 {
      %add3A_552 = arith.constant 6 : i32
      %add3A_553 = arith.addi %mul3A_0, %add3A_552 : i32
      %shift_right_arithmetic3A = arith.constant 4 : i32
      %shift_right_arithmetic3A_554 = arith.shrsi %add3A_553, %shift_right_arithmetic3A : i32
      %add3A_555 = arith.constant 6 : i32
      %add3A_556 = arith.addi %mul3A_0, %add3A_555 : i32
      %and3A = arith.constant 15 : i32
      %and3A_557 = arith.andi %add3A_556, %and3A : i32
      %dma_start3A_558 = arith.constant 0 : i32
      %dma_start3A_559 = tpu.memref_slice %arg2[%shift_right_arithmetic3A_554, %and3A_557, %dma_start3A_558] : memref<26x16x100000xf32, #tpu.memory_space<hbm>> -> memref<1x1x100000xf32, #tpu.memory_space<hbm>>
      %dma_start3A_560 = tpu.memref_squeeze %dma_start3A_559 : memref<1x1x100000xf32, #tpu.memory_space<hbm>> -> memref<100000xf32, #tpu.memory_space<hbm>>
      tpu.enqueue_dma source(%dma_start3A_560 : memref<100000xf32, #tpu.memory_space<hbm>>) target(%arg11 : memref<100000xf32, #tpu.memory_space<vmem_shared>>) target_semaphore(%arg39 : memref<!tpu.dma_semaphore, #tpu.memory_space<semaphore_mem>>)
    } else {
    }
    %eq3A_37 = arith.constant 7 : i32
    %eq3A_38 = arith.cmpi eq, %arg1, %eq3A_37 : i32
    %convert_element_type3A_39 = arith.extui %eq3A_38 : i1 to i32
    %cond3A_40 = arith.constant 0 : i32
    %cond3A_41 = arith.cmpi ne, %convert_element_type3A_39, %cond3A_40 : i32
    scf.if %cond3A_41 {
      %add3A_552 = arith.constant 7 : i32
      %add3A_553 = arith.addi %mul3A_0, %add3A_552 : i32
      %shift_right_arithmetic3A = arith.constant 4 : i32
      %shift_right_arithmetic3A_554 = arith.shrsi %add3A_553, %shift_right_arithmetic3A : i32
      %add3A_555 = arith.constant 7 : i32
      %add3A_556 = arith.addi %mul3A_0, %add3A_555 : i32
      %and3A = arith.constant 15 : i32
      %and3A_557 = arith.andi %add3A_556, %and3A : i32
      %dma_start3A_558 = arith.constant 0 : i32
      %dma_start3A_559 = tpu.memref_slice %arg2[%shift_right_arithmetic3A_554, %and3A_557, %dma_start3A_558] : memref<26x16x100000xf32, #tpu.memory_space<hbm>> -> memref<1x1x100000xf32, #tpu.memory_space<hbm>>
      %dma_start3A_560 = tpu.memref_squeeze %dma_start3A_559 : memref<1x1x100000xf32, #tpu.memory_space<hbm>> -> memref<100000xf32, #tpu.memory_space<hbm>>
      tpu.enqueue_dma source(%dma_start3A_560 : memref<100000xf32, #tpu.memory_space<hbm>>) target(%arg12 : memref<100000xf32, #tpu.memory_space<vmem_shared>>) target_semaphore(%arg39 : memref<!tpu.dma_semaphore, #tpu.memory_space<semaphore_mem>>)
    } else {
    }
    "tpu.region"() ({
      %run_scoped3A = tpu.sem_alloc : memref<!tpu.dma_semaphore, #tpu.memory_space<semaphore_mem>>
      %dma_start3A_552 = tpu.memref_slice %arg3[%mul3A_2, %mul3A_4] : memref<26x16384xi32, #tpu.memory_space<hbm>> -> memref<1x1024xi32, #tpu.memory_space<hbm>>
      %dma_start3A_553 = tpu.memref_squeeze %dma_start3A_552 : memref<1x1024xi32, #tpu.memory_space<hbm>> -> memref<1024xi32, #tpu.memory_space<hbm>>
      %dma_start3A_554 = tpu.memref_slice %arg3[%mul3A_2, %mul3A_4] : memref<26x16384xi32, #tpu.memory_space<hbm>> -> memref<1x1024xi32, #tpu.memory_space<hbm>>
      %dma_start3A_555 = tpu.memref_squeeze %dma_start3A_554 : memref<1x1024xi32, #tpu.memory_space<hbm>> -> memref<1024xi32, #tpu.memory_space<hbm>>
      tpu.enqueue_dma source(%dma_start3A_555 : memref<1024xi32, #tpu.memory_space<hbm>>) target(%arg21 : memref<1024xi32, #tpu.memory_space<vmem>>) target_semaphore(%run_scoped3A : memref<!tpu.dma_semaphore, #tpu.memory_space<semaphore_mem>>)
      %dma_wait3A_556 = tpu.memref_slice %arg3[%mul3A_2, %mul3A_4] : memref<26x16384xi32, #tpu.memory_space<hbm>> -> memref<1x1024xi32, #tpu.memory_space<hbm>>
      %dma_wait3A_557 = tpu.memref_squeeze %dma_wait3A_556 : memref<1x1024xi32, #tpu.memory_space<hbm>> -> memref<1024xi32, #tpu.memory_space<hbm>>
      %dma_wait3A_558 = tpu.memref_slice %arg3[%mul3A_2, %mul3A_4] : memref<26x16384xi32, #tpu.memory_space<hbm>> -> memref<1x1024xi32, #tpu.memory_space<hbm>>
      %dma_wait3A_559 = tpu.memref_squeeze %dma_wait3A_558 : memref<1x1024xi32, #tpu.memory_space<hbm>> -> memref<1024xi32, #tpu.memory_space<hbm>>
      tpu.wait_dma2 semaphore(%run_scoped3A : memref<!tpu.dma_semaphore, #tpu.memory_space<semaphore_mem>>) src(%dma_wait3A_559 : memref<1024xi32, #tpu.memory_space<hbm>>) dst(%arg21 : memref<1024xi32, #tpu.memory_space<vmem>>)
      tpu.yield
    }) : () -> ()
    %eq3A_42 = arith.constant 0 : i32
    %eq3A_43 = arith.cmpi eq, %arg1, %eq3A_42 : i32
    %convert_element_type3A_44 = arith.extui %eq3A_43 : i1 to i32
    %cond3A_45 = arith.constant 0 : i32
    %cond3A_46 = arith.cmpi ne, %convert_element_type3A_44, %cond3A_45 : i32
    scf.if %cond3A_46 {
      %add3A_552 = arith.constant 0 : i32
      %add3A_553 = arith.addi %mul3A_0, %add3A_552 : i32
      %shift_right_arithmetic3A = arith.constant 4 : i32
      %shift_right_arithmetic3A_554 = arith.shrsi %add3A_553, %shift_right_arithmetic3A : i32
      %add3A_555 = arith.constant 0 : i32
      %add3A_556 = arith.addi %mul3A_0, %add3A_555 : i32
      %and3A = arith.constant 15 : i32
      %and3A_557 = arith.andi %add3A_556, %and3A : i32
      %dma_wait3A_558 = arith.constant 0 : i32
      %dma_wait3A_559 = tpu.memref_slice %arg2[%shift_right_arithmetic3A_554, %and3A_557, %dma_wait3A_558] : memref<26x16x100000xf32, #tpu.memory_space<hbm>> -> memref<1x1x100000xf32, #tpu.memory_space<hbm>>
      %dma_wait3A_560 = tpu.memref_squeeze %dma_wait3A_559 : memref<1x1x100000xf32, #tpu.memory_space<hbm>> -> memref<100000xf32, #tpu.memory_space<hbm>>
      tpu.wait_dma2 semaphore(%arg39 : memref<!tpu.dma_semaphore, #tpu.memory_space<semaphore_mem>>) src(%dma_wait3A_560 : memref<100000xf32, #tpu.memory_space<hbm>>) dst(%arg5 : memref<100000xf32, #tpu.memory_space<vmem_shared>>)
    } else {
    }
    %eq3A_47 = arith.constant 1 : i32
    %eq3A_48 = arith.cmpi eq, %arg1, %eq3A_47 : i32
    %convert_element_type3A_49 = arith.extui %eq3A_48 : i1 to i32
    %cond3A_50 = arith.constant 0 : i32
    %cond3A_51 = arith.cmpi ne, %convert_element_type3A_49, %cond3A_50 : i32
    scf.if %cond3A_51 {
      %add3A_552 = arith.constant 1 : i32
      %add3A_553 = arith.addi %mul3A_0, %add3A_552 : i32
      %shift_right_arithmetic3A = arith.constant 4 : i32
      %shift_right_arithmetic3A_554 = arith.shrsi %add3A_553, %shift_right_arithmetic3A : i32
      %add3A_555 = arith.constant 1 : i32
      %add3A_556 = arith.addi %mul3A_0, %add3A_555 : i32
      %and3A = arith.constant 15 : i32
      %and3A_557 = arith.andi %add3A_556, %and3A : i32
      %dma_wait3A_558 = arith.constant 0 : i32
      %dma_wait3A_559 = tpu.memref_slice %arg2[%shift_right_arithmetic3A_554, %and3A_557, %dma_wait3A_558] : memref<26x16x100000xf32, #tpu.memory_space<hbm>> -> memref<1x1x100000xf32, #tpu.memory_space<hbm>>
      %dma_wait3A_560 = tpu.memref_squeeze %dma_wait3A_559 : memref<1x1x100000xf32, #tpu.memory_space<hbm>> -> memref<100000xf32, #tpu.memory_space<hbm>>
      tpu.wait_dma2 semaphore(%arg39 : memref<!tpu.dma_semaphore, #tpu.memory_space<semaphore_mem>>) src(%dma_wait3A_560 : memref<100000xf32, #tpu.memory_space<hbm>>) dst(%arg6 : memref<100000xf32, #tpu.memory_space<vmem_shared>>)
    } else {
    }
    %eq3A_52 = arith.constant 2 : i32
    %eq3A_53 = arith.cmpi eq, %arg1, %eq3A_52 : i32
    %convert_element_type3A_54 = arith.extui %eq3A_53 : i1 to i32
    %cond3A_55 = arith.constant 0 : i32
    %cond3A_56 = arith.cmpi ne, %convert_element_type3A_54, %cond3A_55 : i32
    scf.if %cond3A_56 {
      %add3A_552 = arith.constant 2 : i32
      %add3A_553 = arith.addi %mul3A_0, %add3A_552 : i32
      %shift_right_arithmetic3A = arith.constant 4 : i32
      %shift_right_arithmetic3A_554 = arith.shrsi %add3A_553, %shift_right_arithmetic3A : i32
      %add3A_555 = arith.constant 2 : i32
      %add3A_556 = arith.addi %mul3A_0, %add3A_555 : i32
      %and3A = arith.constant 15 : i32
      %and3A_557 = arith.andi %add3A_556, %and3A : i32
      %dma_wait3A_558 = arith.constant 0 : i32
      %dma_wait3A_559 = tpu.memref_slice %arg2[%shift_right_arithmetic3A_554, %and3A_557, %dma_wait3A_558] : memref<26x16x100000xf32, #tpu.memory_space<hbm>> -> memref<1x1x100000xf32, #tpu.memory_space<hbm>>
      %dma_wait3A_560 = tpu.memref_squeeze %dma_wait3A_559 : memref<1x1x100000xf32, #tpu.memory_space<hbm>> -> memref<100000xf32, #tpu.memory_space<hbm>>
      tpu.wait_dma2 semaphore(%arg39 : memref<!tpu.dma_semaphore, #tpu.memory_space<semaphore_mem>>) src(%dma_wait3A_560 : memref<100000xf32, #tpu.memory_space<hbm>>) dst(%arg7 : memref<100000xf32, #tpu.memory_space<vmem_shared>>)
    } else {
    }
    %eq3A_57 = arith.constant 3 : i32
    %eq3A_58 = arith.cmpi eq, %arg1, %eq3A_57 : i32
    %convert_element_type3A_59 = arith.extui %eq3A_58 : i1 to i32
    %cond3A_60 = arith.constant 0 : i32
    %cond3A_61 = arith.cmpi ne, %convert_element_type3A_59, %cond3A_60 : i32
    scf.if %cond3A_61 {
      %add3A_552 = arith.constant 3 : i32
      %add3A_553 = arith.addi %mul3A_0, %add3A_552 : i32
      %shift_right_arithmetic3A = arith.constant 4 : i32
      %shift_right_arithmetic3A_554 = arith.shrsi %add3A_553, %shift_right_arithmetic3A : i32
      %add3A_555 = arith.constant 3 : i32
      %add3A_556 = arith.addi %mul3A_0, %add3A_555 : i32
      %and3A = arith.constant 15 : i32
      %and3A_557 = arith.andi %add3A_556, %and3A : i32
      %dma_wait3A_558 = arith.constant 0 : i32
      %dma_wait3A_559 = tpu.memref_slice %arg2[%shift_right_arithmetic3A_554, %and3A_557, %dma_wait3A_558] : memref<26x16x100000xf32, #tpu.memory_space<hbm>> -> memref<1x1x100000xf32, #tpu.memory_space<hbm>>
      %dma_wait3A_560 = tpu.memref_squeeze %dma_wait3A_559 : memref<1x1x100000xf32, #tpu.memory_space<hbm>> -> memref<100000xf32, #tpu.memory_space<hbm>>
      tpu.wait_dma2 semaphore(%arg39 : memref<!tpu.dma_semaphore, #tpu.memory_space<semaphore_mem>>) src(%dma_wait3A_560 : memref<100000xf32, #tpu.memory_space<hbm>>) dst(%arg8 : memref<100000xf32, #tpu.memory_space<vmem_shared>>)
    } else {
    }
    %barrier3A = arith.constant 0 : index
    tpu.barrier barrier_id(%barrier3A)
    %scan3A = arith.constant 0 : i32
    %scan3A_62 = arith.constant 0 : i32
    %scan3A_63 = arith.constant 6 : i32
    %scan3A_64 = arith.addi %scan3A_62, %scan3A_63 : i32
    %scan3A_65 = arith.constant 1 : i32
    scf.for %scan3A_552 = %scan3A_62 to %scan3A_64 step %scan3A_65  : i32 {
      %mul3A_553 = arith.constant 2 : i32
      %mul3A_554 = arith.muli %mul3A_553, %scan3A_552 : i32
      %mul3A_555 = arith.constant 32 : i32
      %mul3A_556 = arith.muli %mul3A_555, %scan3A_552 : i32
      %add3A_557 = arith.constant 0 : i32
      %add3A_558 = arith.addi %mul3A_556, %add3A_557 : i32
      %add3A_559 = arith.constant 8 : i32
      %add3A_560 = arith.addi %add3A_558, %add3A_559 : i32
      %add3A_561 = arith.constant 0 : i32
      %add3A_562 = arith.addi %add3A_560, %add3A_561 : i32
      %and3A = arith.constant 15 : i32
      %and3A_563 = arith.andi %add3A_562, %and3A : i32
      %eq3A_564 = arith.cmpi eq, %arg1, %and3A_563 : i32
      %add3A_565 = arith.constant 8 : i32
      %add3A_566 = arith.addi %add3A_558, %add3A_565 : i32
      %add3A_567 = arith.constant 0 : i32
      %add3A_568 = arith.addi %add3A_566, %add3A_567 : i32
      %lt3A = arith.constant 208 : i32
      %lt3A_569 = arith.cmpi slt, %add3A_568, %lt3A : i32
      %and3A_570 = arith.andi %eq3A_564, %lt3A_569 : i1
      %convert_element_type3A_571 = arith.extui %and3A_570 : i1 to i32
      %cond3A_572 = arith.constant 0 : i32
      %cond3A_573 = arith.cmpi ne, %convert_element_type3A_571, %cond3A_572 : i32
      scf.if %cond3A_573 {
        %add3A_2094 = arith.addi %mul3A_0, %add3A_558 : i32
        %add3A_2095 = arith.constant 8 : i32
        %add3A_2096 = arith.addi %add3A_2094, %add3A_2095 : i32
        %add3A_2097 = arith.constant 0 : i32
        %add3A_2098 = arith.addi %add3A_2096, %add3A_2097 : i32
        %shift_right_arithmetic3A = arith.constant 4 : i32
        %shift_right_arithmetic3A_2099 = arith.shrsi %add3A_2098, %shift_right_arithmetic3A : i32
        %and3A_2100 = arith.constant 15 : i32
        %and3A_2101 = arith.andi %add3A_2098, %and3A_2100 : i32
        %dma_start3A_2102 = arith.constant 0 : i32
        %dma_start3A_2103 = tpu.memref_slice %arg2[%shift_right_arithmetic3A_2099, %and3A_2101, %dma_start3A_2102] : memref<26x16x100000xf32, #tpu.memory_space<hbm>> -> memref<1x1x100000xf32, #tpu.memory_space<hbm>>
        %dma_start3A_2104 = tpu.memref_squeeze %dma_start3A_2103 : memref<1x1x100000xf32, #tpu.memory_space<hbm>> -> memref<100000xf32, #tpu.memory_space<hbm>>
        tpu.enqueue_dma source(%dma_start3A_2104 : memref<100000xf32, #tpu.memory_space<hbm>>) target(%arg13 : memref<100000xf32, #tpu.memory_space<vmem_shared>>) target_semaphore(%arg39 : memref<!tpu.dma_semaphore, #tpu.memory_space<semaphore_mem>>)
      } else {
      }
      %add3A_574 = arith.constant 8 : i32
      %add3A_575 = arith.addi %add3A_558, %add3A_574 : i32
      %add3A_576 = arith.constant 1 : i32
      %add3A_577 = arith.addi %add3A_575, %add3A_576 : i32
      %and3A_578 = arith.constant 15 : i32
      %and3A_579 = arith.andi %add3A_577, %and3A_578 : i32
      %eq3A_580 = arith.cmpi eq, %arg1, %and3A_579 : i32
      %add3A_581 = arith.constant 8 : i32
      %add3A_582 = arith.addi %add3A_558, %add3A_581 : i32
      %add3A_583 = arith.constant 1 : i32
      %add3A_584 = arith.addi %add3A_582, %add3A_583 : i32
      %lt3A_585 = arith.constant 208 : i32
      %lt3A_586 = arith.cmpi slt, %add3A_584, %lt3A_585 : i32
      %and3A_587 = arith.andi %eq3A_580, %lt3A_586 : i1
      %convert_element_type3A_588 = arith.extui %and3A_587 : i1 to i32
      %cond3A_589 = arith.constant 0 : i32
      %cond3A_590 = arith.cmpi ne, %convert_element_type3A_588, %cond3A_589 : i32
      scf.if %cond3A_590 {
        %add3A_2094 = arith.addi %mul3A_0, %add3A_558 : i32
        %add3A_2095 = arith.constant 8 : i32
        %add3A_2096 = arith.addi %add3A_2094, %add3A_2095 : i32
        %add3A_2097 = arith.constant 1 : i32
        %add3A_2098 = arith.addi %add3A_2096, %add3A_2097 : i32
        %shift_right_arithmetic3A = arith.constant 4 : i32
        %shift_right_arithmetic3A_2099 = arith.shrsi %add3A_2098, %shift_right_arithmetic3A : i32
        %and3A_2100 = arith.constant 15 : i32
        %and3A_2101 = arith.andi %add3A_2098, %and3A_2100 : i32
        %dma_start3A_2102 = arith.constant 0 : i32
        %dma_start3A_2103 = tpu.memref_slice %arg2[%shift_right_arithmetic3A_2099, %and3A_2101, %dma_start3A_2102] : memref<26x16x100000xf32, #tpu.memory_space<hbm>> -> memref<1x1x100000xf32, #tpu.memory_space<hbm>>
        %dma_start3A_2104 = tpu.memref_squeeze %dma_start3A_2103 : memref<1x1x100000xf32, #tpu.memory_space<hbm>> -> memref<100000xf32, #tpu.memory_space<hbm>>
        tpu.enqueue_dma source(%dma_start3A_2104 : memref<100000xf32, #tpu.memory_space<hbm>>) target(%arg14 : memref<100000xf32, #tpu.memory_space<vmem_shared>>) target_semaphore(%arg39 : memref<!tpu.dma_semaphore, #tpu.memory_space<semaphore_mem>>)
      } else {
      }
      %add3A_591 = arith.constant 8 : i32
      %add3A_592 = arith.addi %add3A_558, %add3A_591 : i32
      %add3A_593 = arith.constant 2 : i32
      %add3A_594 = arith.addi %add3A_592, %add3A_593 : i32
      %and3A_595 = arith.constant 15 : i32
      %and3A_596 = arith.andi %add3A_594, %and3A_595 : i32
      %eq3A_597 = arith.cmpi eq, %arg1, %and3A_596 : i32
      %add3A_598 = arith.constant 8 : i32
      %add3A_599 = arith.addi %add3A_558, %add3A_598 : i32
      %add3A_600 = arith.constant 2 : i32
      %add3A_601 = arith.addi %add3A_599, %add3A_600 : i32
      %lt3A_602 = arith.constant 208 : i32
      %lt3A_603 = arith.cmpi slt, %add3A_601, %lt3A_602 : i32
      %and3A_604 = arith.andi %eq3A_597, %lt3A_603 : i1
      %convert_element_type3A_605 = arith.extui %and3A_604 : i1 to i32
      %cond3A_606 = arith.constant 0 : i32
      %cond3A_607 = arith.cmpi ne, %convert_element_type3A_605, %cond3A_606 : i32
      scf.if %cond3A_607 {
        %add3A_2094 = arith.addi %mul3A_0, %add3A_558 : i32
        %add3A_2095 = arith.constant 8 : i32
        %add3A_2096 = arith.addi %add3A_2094, %add3A_2095 : i32
        %add3A_2097 = arith.constant 2 : i32
        %add3A_2098 = arith.addi %add3A_2096, %add3A_2097 : i32
        %shift_right_arithmetic3A = arith.constant 4 : i32
        %shift_right_arithmetic3A_2099 = arith.shrsi %add3A_2098, %shift_right_arithmetic3A : i32
        %and3A_2100 = arith.constant 15 : i32
        %and3A_2101 = arith.andi %add3A_2098, %and3A_2100 : i32
        %dma_start3A_2102 = arith.constant 0 : i32
        %dma_start3A_2103 = tpu.memref_slice %arg2[%shift_right_arithmetic3A_2099, %and3A_2101, %dma_start3A_2102] : memref<26x16x100000xf32, #tpu.memory_space<hbm>> -> memref<1x1x100000xf32, #tpu.memory_space<hbm>>
        %dma_start3A_2104 = tpu.memref_squeeze %dma_start3A_2103 : memref<1x1x100000xf32, #tpu.memory_space<hbm>> -> memref<100000xf32, #tpu.memory_space<hbm>>
        tpu.enqueue_dma source(%dma_start3A_2104 : memref<100000xf32, #tpu.memory_space<hbm>>) target(%arg15 : memref<100000xf32, #tpu.memory_space<vmem_shared>>) target_semaphore(%arg39 : memref<!tpu.dma_semaphore, #tpu.memory_space<semaphore_mem>>)
      } else {
      }
      %add3A_608 = arith.constant 8 : i32
      %add3A_609 = arith.addi %add3A_558, %add3A_608 : i32
      %add3A_610 = arith.constant 3 : i32
      %add3A_611 = arith.addi %add3A_609, %add3A_610 : i32
      %and3A_612 = arith.constant 15 : i32
      %and3A_613 = arith.andi %add3A_611, %and3A_612 : i32
      %eq3A_614 = arith.cmpi eq, %arg1, %and3A_613 : i32
      %add3A_615 = arith.constant 8 : i32
      %add3A_616 = arith.addi %add3A_558, %add3A_615 : i32
      %add3A_617 = arith.constant 3 : i32
      %add3A_618 = arith.addi %add3A_616, %add3A_617 : i32
      %lt3A_619 = arith.constant 208 : i32
      %lt3A_620 = arith.cmpi slt, %add3A_618, %lt3A_619 : i32
      %and3A_621 = arith.andi %eq3A_614, %lt3A_620 : i1
      %convert_element_type3A_622 = arith.extui %and3A_621 : i1 to i32
      %cond3A_623 = arith.constant 0 : i32
      %cond3A_624 = arith.cmpi ne, %convert_element_type3A_622, %cond3A_623 : i32
      scf.if %cond3A_624 {
        %add3A_2094 = arith.addi %mul3A_0, %add3A_558 : i32
        %add3A_2095 = arith.constant 8 : i32
        %add3A_2096 = arith.addi %add3A_2094, %add3A_2095 : i32
        %add3A_2097 = arith.constant 3 : i32
        %add3A_2098 = arith.addi %add3A_2096, %add3A_2097 : i32
        %shift_right_arithmetic3A = arith.constant 4 : i32
        %shift_right_arithmetic3A_2099 = arith.shrsi %add3A_2098, %shift_right_arithmetic3A : i32
        %and3A_2100 = arith.constant 15 : i32
        %and3A_2101 = arith.andi %add3A_2098, %and3A_2100 : i32
        %dma_start3A_2102 = arith.constant 0 : i32
        %dma_start3A_2103 = tpu.memref_slice %arg2[%shift_right_arithmetic3A_2099, %and3A_2101, %dma_start3A_2102] : memref<26x16x100000xf32, #tpu.memory_space<hbm>> -> memref<1x1x100000xf32, #tpu.memory_space<hbm>>
        %dma_start3A_2104 = tpu.memref_squeeze %dma_start3A_2103 : memref<1x1x100000xf32, #tpu.memory_space<hbm>> -> memref<100000xf32, #tpu.memory_space<hbm>>
        tpu.enqueue_dma source(%dma_start3A_2104 : memref<100000xf32, #tpu.memory_space<hbm>>) target(%arg16 : memref<100000xf32, #tpu.memory_space<vmem_shared>>) target_semaphore(%arg39 : memref<!tpu.dma_semaphore, #tpu.memory_space<semaphore_mem>>)
      } else {
      }
      %add3A_625 = arith.constant 1 : i32
      %add3A_626 = arith.addi %mul3A_554, %add3A_625 : i32
      %lt3A_627 = arith.constant 13 : i32
      %lt3A_628 = arith.cmpi slt, %add3A_626, %lt3A_627 : i32
      %convert_element_type3A_629 = arith.extui %lt3A_628 : i1 to i32
      %cond3A_630 = arith.constant 0 : i32
      %cond3A_631 = arith.cmpi ne, %convert_element_type3A_629, %cond3A_630 : i32
      scf.if %cond3A_631 {
        %add3A_2094 = arith.addi %mul3A_2, %mul3A_554 : i32
        %add3A_2095 = arith.constant 1 : i32
        %add3A_2096 = arith.addi %add3A_2094, %add3A_2095 : i32
        %dma_start3A_2097 = tpu.memref_slice %arg3[%add3A_2096, %mul3A_4] : memref<26x16384xi32, #tpu.memory_space<hbm>> -> memref<1x1024xi32, #tpu.memory_space<hbm>>
        %dma_start3A_2098 = tpu.memref_squeeze %dma_start3A_2097 : memref<1x1024xi32, #tpu.memory_space<hbm>> -> memref<1024xi32, #tpu.memory_space<hbm>>
        %dma_start3A_2099 = tpu.memref_slice %arg3[%add3A_2096, %mul3A_4] : memref<26x16384xi32, #tpu.memory_space<hbm>> -> memref<1x1024xi32, #tpu.memory_space<hbm>>
        %dma_start3A_2100 = tpu.memref_squeeze %dma_start3A_2099 : memref<1x1024xi32, #tpu.memory_space<hbm>> -> memref<1024xi32, #tpu.memory_space<hbm>>
        tpu.enqueue_dma source(%dma_start3A_2100 : memref<1024xi32, #tpu.memory_space<hbm>>) target(%arg22 : memref<1024xi32, #tpu.memory_space<vmem>>) target_semaphore(%arg40 : memref<!tpu.dma_semaphore, #tpu.memory_space<semaphore_mem>>)
      } else {
      }
      %ge3A = arith.constant 16 : i32
      %ge3A_632 = arith.cmpi sge, %add3A_558, %ge3A : i32
      %convert_element_type3A_633 = arith.extui %ge3A_632 : i1 to i32
      %cond3A_634 = arith.constant 0 : i32
      %cond3A_635 = arith.cmpi ne, %convert_element_type3A_633, %cond3A_634 : i32
      scf.if %cond3A_635 {
        %add3A_2094 = arith.addi %mul3A_0, %add3A_558 : i32
        %add3A_2095 = arith.constant 0 : i32
        %add3A_2096 = arith.addi %add3A_2094, %add3A_2095 : i32
        %dma_wait3A_2097 = tpu.memref_slice %arg4[%add3A_2096, %mul3A_4] : memref<416x16384xf32, #tpu.memory_space<hbm>> -> memref<1x1024xf32, #tpu.memory_space<hbm>>
        %dma_wait3A_2098 = tpu.memref_squeeze %dma_wait3A_2097 : memref<1x1024xf32, #tpu.memory_space<hbm>> -> memref<1024xf32, #tpu.memory_space<hbm>>
        %dma_wait3A_2099 = tpu.memref_slice %arg4[%add3A_2096, %mul3A_4] : memref<416x16384xf32, #tpu.memory_space<hbm>> -> memref<1x1024xf32, #tpu.memory_space<hbm>>
        %dma_wait3A_2100 = tpu.memref_squeeze %dma_wait3A_2099 : memref<1x1024xf32, #tpu.memory_space<hbm>> -> memref<1024xf32, #tpu.memory_space<hbm>>
        tpu.wait_dma2 semaphore(%arg42 : memref<!tpu.dma_semaphore, #tpu.memory_space<semaphore_mem>>) src(%arg23 : memref<1024xf32, #tpu.memory_space<vmem>>) dst(%dma_wait3A_2100 : memref<1024xf32, #tpu.memory_space<hbm>>)
        %add3A_2101 = arith.addi %mul3A_0, %add3A_558 : i32
        %add3A_2102 = arith.constant 1 : i32
        %add3A_2103 = arith.addi %add3A_2101, %add3A_2102 : i32
        %dma_wait3A_2104 = tpu.memref_slice %arg4[%add3A_2103, %mul3A_4] : memref<416x16384xf32, #tpu.memory_space<hbm>> -> memref<1x1024xf32, #tpu.memory_space<hbm>>
        %dma_wait3A_2105 = tpu.memref_squeeze %dma_wait3A_2104 : memref<1x1024xf32, #tpu.memory_space<hbm>> -> memref<1024xf32, #tpu.memory_space<hbm>>
        %dma_wait3A_2106 = tpu.memref_slice %arg4[%add3A_2103, %mul3A_4] : memref<416x16384xf32, #tpu.memory_space<hbm>> -> memref<1x1024xf32, #tpu.memory_space<hbm>>
        %dma_wait3A_2107 = tpu.memref_squeeze %dma_wait3A_2106 : memref<1x1024xf32, #tpu.memory_space<hbm>> -> memref<1024xf32, #tpu.memory_space<hbm>>
        tpu.wait_dma2 semaphore(%arg42 : memref<!tpu.dma_semaphore, #tpu.memory_space<semaphore_mem>>) src(%arg24 : memref<1024xf32, #tpu.memory_space<vmem>>) dst(%dma_wait3A_2107 : memref<1024xf32, #tpu.memory_space<hbm>>)
        %add3A_2108 = arith.addi %mul3A_0, %add3A_558 : i32
        %add3A_2109 = arith.constant 2 : i32
        %add3A_2110 = arith.addi %add3A_2108, %add3A_2109 : i32
        %dma_wait3A_2111 = tpu.memref_slice %arg4[%add3A_2110, %mul3A_4] : memref<416x16384xf32, #tpu.memory_space<hbm>> -> memref<1x1024xf32, #tpu.memory_space<hbm>>
        %dma_wait3A_2112 = tpu.memref_squeeze %dma_wait3A_2111 : memref<1x1024xf32, #tpu.memory_space<hbm>> -> memref<1024xf32, #tpu.memory_space<hbm>>
        %dma_wait3A_2113 = tpu.memref_slice %arg4[%add3A_2110, %mul3A_4] : memref<416x16384xf32, #tpu.memory_space<hbm>> -> memref<1x1024xf32, #tpu.memory_space<hbm>>
        %dma_wait3A_2114 = tpu.memref_squeeze %dma_wait3A_2113 : memref<1x1024xf32, #tpu.memory_space<hbm>> -> memref<1024xf32, #tpu.memory_space<hbm>>
        tpu.wait_dma2 semaphore(%arg42 : memref<!tpu.dma_semaphore, #tpu.memory_space<semaphore_mem>>) src(%arg25 : memref<1024xf32, #tpu.memory_space<vmem>>) dst(%dma_wait3A_2114 : memref<1024xf32, #tpu.memory_space<hbm>>)
        %add3A_2115 = arith.addi %mul3A_0, %add3A_558 : i32
        %add3A_2116 = arith.constant 3 : i32
        %add3A_2117 = arith.addi %add3A_2115, %add3A_2116 : i32
        %dma_wait3A_2118 = tpu.memref_slice %arg4[%add3A_2117, %mul3A_4] : memref<416x16384xf32, #tpu.memory_space<hbm>> -> memref<1x1024xf32, #tpu.memory_space<hbm>>
        %dma_wait3A_2119 = tpu.memref_squeeze %dma_wait3A_2118 : memref<1x1024xf32, #tpu.memory_space<hbm>> -> memref<1024xf32, #tpu.memory_space<hbm>>
        %dma_wait3A_2120 = tpu.memref_slice %arg4[%add3A_2117, %mul3A_4] : memref<416x16384xf32, #tpu.memory_space<hbm>> -> memref<1x1024xf32, #tpu.memory_space<hbm>>
        %dma_wait3A_2121 = tpu.memref_squeeze %dma_wait3A_2120 : memref<1x1024xf32, #tpu.memory_space<hbm>> -> memref<1024xf32, #tpu.memory_space<hbm>>
        tpu.wait_dma2 semaphore(%arg42 : memref<!tpu.dma_semaphore, #tpu.memory_space<semaphore_mem>>) src(%arg26 : memref<1024xf32, #tpu.memory_space<vmem>>) dst(%dma_wait3A_2121 : memref<1024xf32, #tpu.memory_space<hbm>>)
      } else {
      }
      %dma_start3A_636 = arith.constant 0 : i32
      %dma_start3A_637 = tpu.memref_slice %arg5[%dma_start3A_636] : memref<100000xf32, #tpu.memory_space<vmem_shared>> -> memref<100000xf32, #tpu.memory_space<vmem_shared>>
      tpu.enqueue_indirect_dma source(%dma_start3A_637 : memref<100000xf32, #tpu.memory_space<vmem_shared>>) target(%arg23 : memref<1024xf32, #tpu.memory_space<vmem>>) offsets(%arg21 : memref<1024xi32, #tpu.memory_space<vmem>>) semaphore(%arg41 : memref<!tpu.dma_semaphore, #tpu.memory_space<semaphore_mem>>)
      %dma_start3A_638 = arith.constant 0 : i32
      %dma_start3A_639 = tpu.memref_slice %arg6[%dma_start3A_638] : memref<100000xf32, #tpu.memory_space<vmem_shared>> -> memref<100000xf32, #tpu.memory_space<vmem_shared>>
      tpu.enqueue_indirect_dma source(%dma_start3A_639 : memref<100000xf32, #tpu.memory_space<vmem_shared>>) target(%arg24 : memref<1024xf32, #tpu.memory_space<vmem>>) offsets(%arg21 : memref<1024xi32, #tpu.memory_space<vmem>>) semaphore(%arg41 : memref<!tpu.dma_semaphore, #tpu.memory_space<semaphore_mem>>)
      %dma_start3A_640 = arith.constant 0 : i32
      %dma_start3A_641 = tpu.memref_slice %arg7[%dma_start3A_640] : memref<100000xf32, #tpu.memory_space<vmem_shared>> -> memref<100000xf32, #tpu.memory_space<vmem_shared>>
      tpu.enqueue_indirect_dma source(%dma_start3A_641 : memref<100000xf32, #tpu.memory_space<vmem_shared>>) target(%arg25 : memref<1024xf32, #tpu.memory_space<vmem>>) offsets(%arg21 : memref<1024xi32, #tpu.memory_space<vmem>>) semaphore(%arg41 : memref<!tpu.dma_semaphore, #tpu.memory_space<semaphore_mem>>)
      %dma_start3A_642 = arith.constant 0 : i32
      %dma_start3A_643 = tpu.memref_slice %arg8[%dma_start3A_642] : memref<100000xf32, #tpu.memory_space<vmem_shared>> -> memref<100000xf32, #tpu.memory_space<vmem_shared>>
      tpu.enqueue_indirect_dma source(%dma_start3A_643 : memref<100000xf32, #tpu.memory_space<vmem_shared>>) target(%arg26 : memref<1024xf32, #tpu.memory_space<vmem>>) offsets(%arg21 : memref<1024xi32, #tpu.memory_space<vmem>>) semaphore(%arg41 : memref<!tpu.dma_semaphore, #tpu.memory_space<semaphore_mem>>)
      %dma_wait3A_644 = arith.constant 0 : i32
      %dma_wait3A_645 = tpu.memref_slice %arg5[%dma_wait3A_644] : memref<100000xf32, #tpu.memory_space<vmem_shared>> -> memref<100000xf32, #tpu.memory_space<vmem_shared>>
      tpu.wait_indirect_dma semaphore(%arg41 : memref<!tpu.dma_semaphore, #tpu.memory_space<semaphore_mem>>) src(%dma_wait3A_645 : memref<100000xf32, #tpu.memory_space<vmem_shared>>) dst(%arg23 : memref<1024xf32, #tpu.memory_space<vmem>>)
      %dma_wait3A_646 = arith.constant 0 : i32
      %dma_wait3A_647 = tpu.memref_slice %arg6[%dma_wait3A_646] : memref<100000xf32, #tpu.memory_space<vmem_shared>> -> memref<100000xf32, #tpu.memory_space<vmem_shared>>
      tpu.wait_indirect_dma semaphore(%arg41 : memref<!tpu.dma_semaphore, #tpu.memory_space<semaphore_mem>>) src(%dma_wait3A_647 : memref<100000xf32, #tpu.memory_space<vmem_shared>>) dst(%arg24 : memref<1024xf32, #tpu.memory_space<vmem>>)
      %dma_wait3A_648 = arith.constant 0 : i32
      %dma_wait3A_649 = tpu.memref_slice %arg7[%dma_wait3A_648] : memref<100000xf32, #tpu.memory_space<vmem_shared>> -> memref<100000xf32, #tpu.memory_space<vmem_shared>>
      tpu.wait_indirect_dma semaphore(%arg41 : memref<!tpu.dma_semaphore, #tpu.memory_space<semaphore_mem>>) src(%dma_wait3A_649 : memref<100000xf32, #tpu.memory_space<vmem_shared>>) dst(%arg25 : memref<1024xf32, #tpu.memory_space<vmem>>)
      %dma_wait3A_650 = arith.constant 0 : i32
      %dma_wait3A_651 = tpu.memref_slice %arg8[%dma_wait3A_650] : memref<100000xf32, #tpu.memory_space<vmem_shared>> -> memref<100000xf32, #tpu.memory_space<vmem_shared>>
      tpu.wait_indirect_dma semaphore(%arg41 : memref<!tpu.dma_semaphore, #tpu.memory_space<semaphore_mem>>) src(%dma_wait3A_651 : memref<100000xf32, #tpu.memory_space<vmem_shared>>) dst(%arg26 : memref<1024xf32, #tpu.memory_space<vmem>>)
      %add3A_652 = arith.addi %mul3A_0, %add3A_558 : i32
      %add3A_653 = arith.constant 0 : i32
      %add3A_654 = arith.addi %add3A_652, %add3A_653 : i32
      %dma_start3A_655 = tpu.memref_slice %arg4[%add3A_654, %mul3A_4] : memref<416x16384xf32, #tpu.memory_space<hbm>> -> memref<1x1024xf32, #tpu.memory_space<hbm>>
      %dma_start3A_656 = tpu.memref_squeeze %dma_start3A_655 : memref<1x1024xf32, #tpu.memory_space<hbm>> -> memref<1024xf32, #tpu.memory_space<hbm>>
      %dma_start3A_657 = tpu.memref_slice %arg4[%add3A_654, %mul3A_4] : memref<416x16384xf32, #tpu.memory_space<hbm>> -> memref<1x1024xf32, #tpu.memory_space<hbm>>
      %dma_start3A_658 = tpu.memref_squeeze %dma_start3A_657 : memref<1x1024xf32, #tpu.memory_space<hbm>> -> memref<1024xf32, #tpu.memory_space<hbm>>
      tpu.enqueue_dma source(%arg23 : memref<1024xf32, #tpu.memory_space<vmem>>) target(%dma_start3A_658 : memref<1024xf32, #tpu.memory_space<hbm>>) target_semaphore(%arg42 : memref<!tpu.dma_semaphore, #tpu.memory_space<semaphore_mem>>)
      %add3A_659 = arith.addi %mul3A_0, %add3A_558 : i32
      %add3A_660 = arith.constant 1 : i32
      %add3A_661 = arith.addi %add3A_659, %add3A_660 : i32
      %dma_start3A_662 = tpu.memref_slice %arg4[%add3A_661, %mul3A_4] : memref<416x16384xf32, #tpu.memory_space<hbm>> -> memref<1x1024xf32, #tpu.memory_space<hbm>>
      %dma_start3A_663 = tpu.memref_squeeze %dma_start3A_662 : memref<1x1024xf32, #tpu.memory_space<hbm>> -> memref<1024xf32, #tpu.memory_space<hbm>>
      %dma_start3A_664 = tpu.memref_slice %arg4[%add3A_661, %mul3A_4] : memref<416x16384xf32, #tpu.memory_space<hbm>> -> memref<1x1024xf32, #tpu.memory_space<hbm>>
      %dma_start3A_665 = tpu.memref_squeeze %dma_start3A_664 : memref<1x1024xf32, #tpu.memory_space<hbm>> -> memref<1024xf32, #tpu.memory_space<hbm>>
      tpu.enqueue_dma source(%arg24 : memref<1024xf32, #tpu.memory_space<vmem>>) target(%dma_start3A_665 : memref<1024xf32, #tpu.memory_space<hbm>>) target_semaphore(%arg42 : memref<!tpu.dma_semaphore, #tpu.memory_space<semaphore_mem>>)
      %add3A_666 = arith.addi %mul3A_0, %add3A_558 : i32
      %add3A_667 = arith.constant 2 : i32
      %add3A_668 = arith.addi %add3A_666, %add3A_667 : i32
      %dma_start3A_669 = tpu.memref_slice %arg4[%add3A_668, %mul3A_4] : memref<416x16384xf32, #tpu.memory_space<hbm>> -> memref<1x1024xf32, #tpu.memory_space<hbm>>
      %dma_start3A_670 = tpu.memref_squeeze %dma_start3A_669 : memref<1x1024xf32, #tpu.memory_space<hbm>> -> memref<1024xf32, #tpu.memory_space<hbm>>
      %dma_start3A_671 = tpu.memref_slice %arg4[%add3A_668, %mul3A_4] : memref<416x16384xf32, #tpu.memory_space<hbm>> -> memref<1x1024xf32, #tpu.memory_space<hbm>>
      %dma_start3A_672 = tpu.memref_squeeze %dma_start3A_671 : memref<1x1024xf32, #tpu.memory_space<hbm>> -> memref<1024xf32, #tpu.memory_space<hbm>>
      tpu.enqueue_dma source(%arg25 : memref<1024xf32, #tpu.memory_space<vmem>>) target(%dma_start3A_672 : memref<1024xf32, #tpu.memory_space<hbm>>) target_semaphore(%arg42 : memref<!tpu.dma_semaphore, #tpu.memory_space<semaphore_mem>>)
      %add3A_673 = arith.addi %mul3A_0, %add3A_558 : i32
      %add3A_674 = arith.constant 3 : i32
      %add3A_675 = arith.addi %add3A_673, %add3A_674 : i32
      %dma_start3A_676 = tpu.memref_slice %arg4[%add3A_675, %mul3A_4] : memref<416x16384xf32, #tpu.memory_space<hbm>> -> memref<1x1024xf32, #tpu.memory_space<hbm>>
      %dma_start3A_677 = tpu.memref_squeeze %dma_start3A_676 : memref<1x1024xf32, #tpu.memory_space<hbm>> -> memref<1024xf32, #tpu.memory_space<hbm>>
      %dma_start3A_678 = tpu.memref_slice %arg4[%add3A_675, %mul3A_4] : memref<416x16384xf32, #tpu.memory_space<hbm>> -> memref<1x1024xf32, #tpu.memory_space<hbm>>
      %dma_start3A_679 = tpu.memref_squeeze %dma_start3A_678 : memref<1x1024xf32, #tpu.memory_space<hbm>> -> memref<1024xf32, #tpu.memory_space<hbm>>
      tpu.enqueue_dma source(%arg26 : memref<1024xf32, #tpu.memory_space<vmem>>) target(%dma_start3A_679 : memref<1024xf32, #tpu.memory_space<hbm>>) target_semaphore(%arg42 : memref<!tpu.dma_semaphore, #tpu.memory_space<semaphore_mem>>)
      %add3A_680 = arith.constant 4 : i32
      %add3A_681 = arith.addi %add3A_558, %add3A_680 : i32
      %add3A_682 = arith.constant 0 : i32
      %add3A_683 = arith.addi %add3A_681, %add3A_682 : i32
      %and3A_684 = arith.constant 15 : i32
      %and3A_685 = arith.andi %add3A_683, %and3A_684 : i32
      %eq3A_686 = arith.cmpi eq, %arg1, %and3A_685 : i32
      %add3A_687 = arith.constant 4 : i32
      %add3A_688 = arith.addi %add3A_558, %add3A_687 : i32
      %add3A_689 = arith.constant 0 : i32
      %add3A_690 = arith.addi %add3A_688, %add3A_689 : i32
      %lt3A_691 = arith.constant 208 : i32
      %lt3A_692 = arith.cmpi slt, %add3A_690, %lt3A_691 : i32
      %and3A_693 = arith.andi %eq3A_686, %lt3A_692 : i1
      %convert_element_type3A_694 = arith.extui %and3A_693 : i1 to i32
      %cond3A_695 = arith.constant 0 : i32
      %cond3A_696 = arith.cmpi ne, %convert_element_type3A_694, %cond3A_695 : i32
      scf.if %cond3A_696 {
        %add3A_2094 = arith.addi %mul3A_0, %add3A_558 : i32
        %add3A_2095 = arith.constant 4 : i32
        %add3A_2096 = arith.addi %add3A_2094, %add3A_2095 : i32
        %add3A_2097 = arith.constant 0 : i32
        %add3A_2098 = arith.addi %add3A_2096, %add3A_2097 : i32
        %shift_right_arithmetic3A = arith.constant 4 : i32
        %shift_right_arithmetic3A_2099 = arith.shrsi %add3A_2098, %shift_right_arithmetic3A : i32
        %and3A_2100 = arith.constant 15 : i32
        %and3A_2101 = arith.andi %add3A_2098, %and3A_2100 : i32
        %dma_wait3A_2102 = arith.constant 0 : i32
        %dma_wait3A_2103 = tpu.memref_slice %arg2[%shift_right_arithmetic3A_2099, %and3A_2101, %dma_wait3A_2102] : memref<26x16x100000xf32, #tpu.memory_space<hbm>> -> memref<1x1x100000xf32, #tpu.memory_space<hbm>>
        %dma_wait3A_2104 = tpu.memref_squeeze %dma_wait3A_2103 : memref<1x1x100000xf32, #tpu.memory_space<hbm>> -> memref<100000xf32, #tpu.memory_space<hbm>>
        tpu.wait_dma2 semaphore(%arg39 : memref<!tpu.dma_semaphore, #tpu.memory_space<semaphore_mem>>) src(%dma_wait3A_2104 : memref<100000xf32, #tpu.memory_space<hbm>>) dst(%arg9 : memref<100000xf32, #tpu.memory_space<vmem_shared>>)
      } else {
      }
      %add3A_697 = arith.constant 4 : i32
      %add3A_698 = arith.addi %add3A_558, %add3A_697 : i32
      %add3A_699 = arith.constant 1 : i32
      %add3A_700 = arith.addi %add3A_698, %add3A_699 : i32
      %and3A_701 = arith.constant 15 : i32
      %and3A_702 = arith.andi %add3A_700, %and3A_701 : i32
      %eq3A_703 = arith.cmpi eq, %arg1, %and3A_702 : i32
      %add3A_704 = arith.constant 4 : i32
      %add3A_705 = arith.addi %add3A_558, %add3A_704 : i32
      %add3A_706 = arith.constant 1 : i32
      %add3A_707 = arith.addi %add3A_705, %add3A_706 : i32
      %lt3A_708 = arith.constant 208 : i32
      %lt3A_709 = arith.cmpi slt, %add3A_707, %lt3A_708 : i32
      %and3A_710 = arith.andi %eq3A_703, %lt3A_709 : i1
      %convert_element_type3A_711 = arith.extui %and3A_710 : i1 to i32
      %cond3A_712 = arith.constant 0 : i32
      %cond3A_713 = arith.cmpi ne, %convert_element_type3A_711, %cond3A_712 : i32
      scf.if %cond3A_713 {
        %add3A_2094 = arith.addi %mul3A_0, %add3A_558 : i32
        %add3A_2095 = arith.constant 4 : i32
        %add3A_2096 = arith.addi %add3A_2094, %add3A_2095 : i32
        %add3A_2097 = arith.constant 1 : i32
        %add3A_2098 = arith.addi %add3A_2096, %add3A_2097 : i32
        %shift_right_arithmetic3A = arith.constant 4 : i32
        %shift_right_arithmetic3A_2099 = arith.shrsi %add3A_2098, %shift_right_arithmetic3A : i32
        %and3A_2100 = arith.constant 15 : i32
        %and3A_2101 = arith.andi %add3A_2098, %and3A_2100 : i32
        %dma_wait3A_2102 = arith.constant 0 : i32
        %dma_wait3A_2103 = tpu.memref_slice %arg2[%shift_right_arithmetic3A_2099, %and3A_2101, %dma_wait3A_2102] : memref<26x16x100000xf32, #tpu.memory_space<hbm>> -> memref<1x1x100000xf32, #tpu.memory_space<hbm>>
        %dma_wait3A_2104 = tpu.memref_squeeze %dma_wait3A_2103 : memref<1x1x100000xf32, #tpu.memory_space<hbm>> -> memref<100000xf32, #tpu.memory_space<hbm>>
        tpu.wait_dma2 semaphore(%arg39 : memref<!tpu.dma_semaphore, #tpu.memory_space<semaphore_mem>>) src(%dma_wait3A_2104 : memref<100000xf32, #tpu.memory_space<hbm>>) dst(%arg10 : memref<100000xf32, #tpu.memory_space<vmem_shared>>)
      } else {
      }
      %add3A_714 = arith.constant 4 : i32
      %add3A_715 = arith.addi %add3A_558, %add3A_714 : i32
      %add3A_716 = arith.constant 2 : i32
      %add3A_717 = arith.addi %add3A_715, %add3A_716 : i32
      %and3A_718 = arith.constant 15 : i32
      %and3A_719 = arith.andi %add3A_717, %and3A_718 : i32
      %eq3A_720 = arith.cmpi eq, %arg1, %and3A_719 : i32
      %add3A_721 = arith.constant 4 : i32
      %add3A_722 = arith.addi %add3A_558, %add3A_721 : i32
      %add3A_723 = arith.constant 2 : i32
      %add3A_724 = arith.addi %add3A_722, %add3A_723 : i32
      %lt3A_725 = arith.constant 208 : i32
      %lt3A_726 = arith.cmpi slt, %add3A_724, %lt3A_725 : i32
      %and3A_727 = arith.andi %eq3A_720, %lt3A_726 : i1
      %convert_element_type3A_728 = arith.extui %and3A_727 : i1 to i32
      %cond3A_729 = arith.constant 0 : i32
      %cond3A_730 = arith.cmpi ne, %convert_element_type3A_728, %cond3A_729 : i32
      scf.if %cond3A_730 {
        %add3A_2094 = arith.addi %mul3A_0, %add3A_558 : i32
        %add3A_2095 = arith.constant 4 : i32
        %add3A_2096 = arith.addi %add3A_2094, %add3A_2095 : i32
        %add3A_2097 = arith.constant 2 : i32
        %add3A_2098 = arith.addi %add3A_2096, %add3A_2097 : i32
        %shift_right_arithmetic3A = arith.constant 4 : i32
        %shift_right_arithmetic3A_2099 = arith.shrsi %add3A_2098, %shift_right_arithmetic3A : i32
        %and3A_2100 = arith.constant 15 : i32
        %and3A_2101 = arith.andi %add3A_2098, %and3A_2100 : i32
        %dma_wait3A_2102 = arith.constant 0 : i32
        %dma_wait3A_2103 = tpu.memref_slice %arg2[%shift_right_arithmetic3A_2099, %and3A_2101, %dma_wait3A_2102] : memref<26x16x100000xf32, #tpu.memory_space<hbm>> -> memref<1x1x100000xf32, #tpu.memory_space<hbm>>
        %dma_wait3A_2104 = tpu.memref_squeeze %dma_wait3A_2103 : memref<1x1x100000xf32, #tpu.memory_space<hbm>> -> memref<100000xf32, #tpu.memory_space<hbm>>
        tpu.wait_dma2 semaphore(%arg39 : memref<!tpu.dma_semaphore, #tpu.memory_space<semaphore_mem>>) src(%dma_wait3A_2104 : memref<100000xf32, #tpu.memory_space<hbm>>) dst(%arg11 : memref<100000xf32, #tpu.memory_space<vmem_shared>>)
      } else {
      }
      %add3A_731 = arith.constant 4 : i32
      %add3A_732 = arith.addi %add3A_558, %add3A_731 : i32
      %add3A_733 = arith.constant 3 : i32
      %add3A_734 = arith.addi %add3A_732, %add3A_733 : i32
      %and3A_735 = arith.constant 15 : i32
      %and3A_736 = arith.andi %add3A_734, %and3A_735 : i32
      %eq3A_737 = arith.cmpi eq, %arg1, %and3A_736 : i32
      %add3A_738 = arith.constant 4 : i32
      %add3A_739 = arith.addi %add3A_558, %add3A_738 : i32
      %add3A_740 = arith.constant 3 : i32
      %add3A_741 = arith.addi %add3A_739, %add3A_740 : i32
      %lt3A_742 = arith.constant 208 : i32
      %lt3A_743 = arith.cmpi slt, %add3A_741, %lt3A_742 : i32
      %and3A_744 = arith.andi %eq3A_737, %lt3A_743 : i1
      %convert_element_type3A_745 = arith.extui %and3A_744 : i1 to i32
      %cond3A_746 = arith.constant 0 : i32
      %cond3A_747 = arith.cmpi ne, %convert_element_type3A_745, %cond3A_746 : i32
      scf.if %cond3A_747 {
        %add3A_2094 = arith.addi %mul3A_0, %add3A_558 : i32
        %add3A_2095 = arith.constant 4 : i32
        %add3A_2096 = arith.addi %add3A_2094, %add3A_2095 : i32
        %add3A_2097 = arith.constant 3 : i32
        %add3A_2098 = arith.addi %add3A_2096, %add3A_2097 : i32
        %shift_right_arithmetic3A = arith.constant 4 : i32
        %shift_right_arithmetic3A_2099 = arith.shrsi %add3A_2098, %shift_right_arithmetic3A : i32
        %and3A_2100 = arith.constant 15 : i32
        %and3A_2101 = arith.andi %add3A_2098, %and3A_2100 : i32
        %dma_wait3A_2102 = arith.constant 0 : i32
        %dma_wait3A_2103 = tpu.memref_slice %arg2[%shift_right_arithmetic3A_2099, %and3A_2101, %dma_wait3A_2102] : memref<26x16x100000xf32, #tpu.memory_space<hbm>> -> memref<1x1x100000xf32, #tpu.memory_space<hbm>>
        %dma_wait3A_2104 = tpu.memref_squeeze %dma_wait3A_2103 : memref<1x1x100000xf32, #tpu.memory_space<hbm>> -> memref<100000xf32, #tpu.memory_space<hbm>>
        tpu.wait_dma2 semaphore(%arg39 : memref<!tpu.dma_semaphore, #tpu.memory_space<semaphore_mem>>) src(%dma_wait3A_2104 : memref<100000xf32, #tpu.memory_space<hbm>>) dst(%arg12 : memref<100000xf32, #tpu.memory_space<vmem_shared>>)
      } else {
      }
      %barrier3A_748 = arith.constant 0 : index
      tpu.barrier barrier_id(%barrier3A_748)
      %add3A_749 = arith.constant 4 : i32
      %add3A_750 = arith.addi %mul3A_556, %add3A_749 : i32
      %add3A_751 = arith.constant 8 : i32
      %add3A_752 = arith.addi %add3A_750, %add3A_751 : i32
      %add3A_753 = arith.constant 0 : i32
      %add3A_754 = arith.addi %add3A_752, %add3A_753 : i32
      %and3A_755 = arith.constant 15 : i32
      %and3A_756 = arith.andi %add3A_754, %and3A_755 : i32
      %eq3A_757 = arith.cmpi eq, %arg1, %and3A_756 : i32
      %add3A_758 = arith.constant 8 : i32
      %add3A_759 = arith.addi %add3A_750, %add3A_758 : i32
      %add3A_760 = arith.constant 0 : i32
      %add3A_761 = arith.addi %add3A_759, %add3A_760 : i32
      %lt3A_762 = arith.constant 208 : i32
      %lt3A_763 = arith.cmpi slt, %add3A_761, %lt3A_762 : i32
      %and3A_764 = arith.andi %eq3A_757, %lt3A_763 : i1
      %convert_element_type3A_765 = arith.extui %and3A_764 : i1 to i32
      %cond3A_766 = arith.constant 0 : i32
      %cond3A_767 = arith.cmpi ne, %convert_element_type3A_765, %cond3A_766 : i32
      scf.if %cond3A_767 {
        %add3A_2094 = arith.addi %mul3A_0, %add3A_750 : i32
        %add3A_2095 = arith.constant 8 : i32
        %add3A_2096 = arith.addi %add3A_2094, %add3A_2095 : i32
        %add3A_2097 = arith.constant 0 : i32
        %add3A_2098 = arith.addi %add3A_2096, %add3A_2097 : i32
        %shift_right_arithmetic3A = arith.constant 4 : i32
        %shift_right_arithmetic3A_2099 = arith.shrsi %add3A_2098, %shift_right_arithmetic3A : i32
        %and3A_2100 = arith.constant 15 : i32
        %and3A_2101 = arith.andi %add3A_2098, %and3A_2100 : i32
        %dma_start3A_2102 = arith.constant 0 : i32
        %dma_start3A_2103 = tpu.memref_slice %arg2[%shift_right_arithmetic3A_2099, %and3A_2101, %dma_start3A_2102] : memref<26x16x100000xf32, #tpu.memory_space<hbm>> -> memref<1x1x100000xf32, #tpu.memory_space<hbm>>
        %dma_start3A_2104 = tpu.memref_squeeze %dma_start3A_2103 : memref<1x1x100000xf32, #tpu.memory_space<hbm>> -> memref<100000xf32, #tpu.memory_space<hbm>>
        tpu.enqueue_dma source(%dma_start3A_2104 : memref<100000xf32, #tpu.memory_space<hbm>>) target(%arg17 : memref<100000xf32, #tpu.memory_space<vmem_shared>>) target_semaphore(%arg39 : memref<!tpu.dma_semaphore, #tpu.memory_space<semaphore_mem>>)
      } else {
      }
      %add3A_768 = arith.constant 8 : i32
      %add3A_769 = arith.addi %add3A_750, %add3A_768 : i32
      %add3A_770 = arith.constant 1 : i32
      %add3A_771 = arith.addi %add3A_769, %add3A_770 : i32
      %and3A_772 = arith.constant 15 : i32
      %and3A_773 = arith.andi %add3A_771, %and3A_772 : i32
      %eq3A_774 = arith.cmpi eq, %arg1, %and3A_773 : i32
      %add3A_775 = arith.constant 8 : i32
      %add3A_776 = arith.addi %add3A_750, %add3A_775 : i32
      %add3A_777 = arith.constant 1 : i32
      %add3A_778 = arith.addi %add3A_776, %add3A_777 : i32
      %lt3A_779 = arith.constant 208 : i32
      %lt3A_780 = arith.cmpi slt, %add3A_778, %lt3A_779 : i32
      %and3A_781 = arith.andi %eq3A_774, %lt3A_780 : i1
      %convert_element_type3A_782 = arith.extui %and3A_781 : i1 to i32
      %cond3A_783 = arith.constant 0 : i32
      %cond3A_784 = arith.cmpi ne, %convert_element_type3A_782, %cond3A_783 : i32
      scf.if %cond3A_784 {
        %add3A_2094 = arith.addi %mul3A_0, %add3A_750 : i32
        %add3A_2095 = arith.constant 8 : i32
        %add3A_2096 = arith.addi %add3A_2094, %add3A_2095 : i32
        %add3A_2097 = arith.constant 1 : i32
        %add3A_2098 = arith.addi %add3A_2096, %add3A_2097 : i32
        %shift_right_arithmetic3A = arith.constant 4 : i32
        %shift_right_arithmetic3A_2099 = arith.shrsi %add3A_2098, %shift_right_arithmetic3A : i32
        %and3A_2100 = arith.constant 15 : i32
        %and3A_2101 = arith.andi %add3A_2098, %and3A_2100 : i32
        %dma_start3A_2102 = arith.constant 0 : i32
        %dma_start3A_2103 = tpu.memref_slice %arg2[%shift_right_arithmetic3A_2099, %and3A_2101, %dma_start3A_2102] : memref<26x16x100000xf32, #tpu.memory_space<hbm>> -> memref<1x1x100000xf32, #tpu.memory_space<hbm>>
        %dma_start3A_2104 = tpu.memref_squeeze %dma_start3A_2103 : memref<1x1x100000xf32, #tpu.memory_space<hbm>> -> memref<100000xf32, #tpu.memory_space<hbm>>
        tpu.enqueue_dma source(%dma_start3A_2104 : memref<100000xf32, #tpu.memory_space<hbm>>) target(%arg18 : memref<100000xf32, #tpu.memory_space<vmem_shared>>) target_semaphore(%arg39 : memref<!tpu.dma_semaphore, #tpu.memory_space<semaphore_mem>>)
      } else {
      }
      %add3A_785 = arith.constant 8 : i32
      %add3A_786 = arith.addi %add3A_750, %add3A_785 : i32
      %add3A_787 = arith.constant 2 : i32
      %add3A_788 = arith.addi %add3A_786, %add3A_787 : i32
      %and3A_789 = arith.constant 15 : i32
      %and3A_790 = arith.andi %add3A_788, %and3A_789 : i32
      %eq3A_791 = arith.cmpi eq, %arg1, %and3A_790 : i32
      %add3A_792 = arith.constant 8 : i32
      %add3A_793 = arith.addi %add3A_750, %add3A_792 : i32
      %add3A_794 = arith.constant 2 : i32
      %add3A_795 = arith.addi %add3A_793, %add3A_794 : i32
      %lt3A_796 = arith.constant 208 : i32
      %lt3A_797 = arith.cmpi slt, %add3A_795, %lt3A_796 : i32
      %and3A_798 = arith.andi %eq3A_791, %lt3A_797 : i1
      %convert_element_type3A_799 = arith.extui %and3A_798 : i1 to i32
      %cond3A_800 = arith.constant 0 : i32
      %cond3A_801 = arith.cmpi ne, %convert_element_type3A_799, %cond3A_800 : i32
      scf.if %cond3A_801 {
        %add3A_2094 = arith.addi %mul3A_0, %add3A_750 : i32
        %add3A_2095 = arith.constant 8 : i32
        %add3A_2096 = arith.addi %add3A_2094, %add3A_2095 : i32
        %add3A_2097 = arith.constant 2 : i32
        %add3A_2098 = arith.addi %add3A_2096, %add3A_2097 : i32
        %shift_right_arithmetic3A = arith.constant 4 : i32
        %shift_right_arithmetic3A_2099 = arith.shrsi %add3A_2098, %shift_right_arithmetic3A : i32
        %and3A_2100 = arith.constant 15 : i32
        %and3A_2101 = arith.andi %add3A_2098, %and3A_2100 : i32
        %dma_start3A_2102 = arith.constant 0 : i32
        %dma_start3A_2103 = tpu.memref_slice %arg2[%shift_right_arithmetic3A_2099, %and3A_2101, %dma_start3A_2102] : memref<26x16x100000xf32, #tpu.memory_space<hbm>> -> memref<1x1x100000xf32, #tpu.memory_space<hbm>>
        %dma_start3A_2104 = tpu.memref_squeeze %dma_start3A_2103 : memref<1x1x100000xf32, #tpu.memory_space<hbm>> -> memref<100000xf32, #tpu.memory_space<hbm>>
        tpu.enqueue_dma source(%dma_start3A_2104 : memref<100000xf32, #tpu.memory_space<hbm>>) target(%arg19 : memref<100000xf32, #tpu.memory_space<vmem_shared>>) target_semaphore(%arg39 : memref<!tpu.dma_semaphore, #tpu.memory_space<semaphore_mem>>)
      } else {
      }
      %add3A_802 = arith.constant 8 : i32
      %add3A_803 = arith.addi %add3A_750, %add3A_802 : i32
      %add3A_804 = arith.constant 3 : i32
      %add3A_805 = arith.addi %add3A_803, %add3A_804 : i32
      %and3A_806 = arith.constant 15 : i32
      %and3A_807 = arith.andi %add3A_805, %and3A_806 : i32
      %eq3A_808 = arith.cmpi eq, %arg1, %and3A_807 : i32
      %add3A_809 = arith.constant 8 : i32
      %add3A_810 = arith.addi %add3A_750, %add3A_809 : i32
      %add3A_811 = arith.constant 3 : i32
      %add3A_812 = arith.addi %add3A_810, %add3A_811 : i32
      %lt3A_813 = arith.constant 208 : i32
      %lt3A_814 = arith.cmpi slt, %add3A_812, %lt3A_813 : i32
      %and3A_815 = arith.andi %eq3A_808, %lt3A_814 : i1
      %convert_element_type3A_816 = arith.extui %and3A_815 : i1 to i32
      %cond3A_817 = arith.constant 0 : i32
      %cond3A_818 = arith.cmpi ne, %convert_element_type3A_816, %cond3A_817 : i32
      scf.if %cond3A_818 {
        %add3A_2094 = arith.addi %mul3A_0, %add3A_750 : i32
        %add3A_2095 = arith.constant 8 : i32
        %add3A_2096 = arith.addi %add3A_2094, %add3A_2095 : i32
        %add3A_2097 = arith.constant 3 : i32
        %add3A_2098 = arith.addi %add3A_2096, %add3A_2097 : i32
        %shift_right_arithmetic3A = arith.constant 4 : i32
        %shift_right_arithmetic3A_2099 = arith.shrsi %add3A_2098, %shift_right_arithmetic3A : i32
        %and3A_2100 = arith.constant 15 : i32
        %and3A_2101 = arith.andi %add3A_2098, %and3A_2100 : i32
        %dma_start3A_2102 = arith.constant 0 : i32
        %dma_start3A_2103 = tpu.memref_slice %arg2[%shift_right_arithmetic3A_2099, %and3A_2101, %dma_start3A_2102] : memref<26x16x100000xf32, #tpu.memory_space<hbm>> -> memref<1x1x100000xf32, #tpu.memory_space<hbm>>
        %dma_start3A_2104 = tpu.memref_squeeze %dma_start3A_2103 : memref<1x1x100000xf32, #tpu.memory_space<hbm>> -> memref<100000xf32, #tpu.memory_space<hbm>>
        tpu.enqueue_dma source(%dma_start3A_2104 : memref<100000xf32, #tpu.memory_space<hbm>>) target(%arg20 : memref<100000xf32, #tpu.memory_space<vmem_shared>>) target_semaphore(%arg39 : memref<!tpu.dma_semaphore, #tpu.memory_space<semaphore_mem>>)
      } else {
      }
      %ge3A_819 = arith.constant 16 : i32
      %ge3A_820 = arith.cmpi sge, %add3A_750, %ge3A_819 : i32
      %convert_element_type3A_821 = arith.extui %ge3A_820 : i1 to i32
      %cond3A_822 = arith.constant 0 : i32
      %cond3A_823 = arith.cmpi ne, %convert_element_type3A_821, %cond3A_822 : i32
      scf.if %cond3A_823 {
        %add3A_2094 = arith.addi %mul3A_0, %add3A_750 : i32
        %add3A_2095 = arith.constant 0 : i32
        %add3A_2096 = arith.addi %add3A_2094, %add3A_2095 : i32
        %dma_wait3A_2097 = tpu.memref_slice %arg4[%add3A_2096, %mul3A_4] : memref<416x16384xf32, #tpu.memory_space<hbm>> -> memref<1x1024xf32, #tpu.memory_space<hbm>>
        %dma_wait3A_2098 = tpu.memref_squeeze %dma_wait3A_2097 : memref<1x1024xf32, #tpu.memory_space<hbm>> -> memref<1024xf32, #tpu.memory_space<hbm>>
        %dma_wait3A_2099 = tpu.memref_slice %arg4[%add3A_2096, %mul3A_4] : memref<416x16384xf32, #tpu.memory_space<hbm>> -> memref<1x1024xf32, #tpu.memory_space<hbm>>
        %dma_wait3A_2100 = tpu.memref_squeeze %dma_wait3A_2099 : memref<1x1024xf32, #tpu.memory_space<hbm>> -> memref<1024xf32, #tpu.memory_space<hbm>>
        tpu.wait_dma2 semaphore(%arg42 : memref<!tpu.dma_semaphore, #tpu.memory_space<semaphore_mem>>) src(%arg27 : memref<1024xf32, #tpu.memory_space<vmem>>) dst(%dma_wait3A_2100 : memref<1024xf32, #tpu.memory_space<hbm>>)
        %add3A_2101 = arith.addi %mul3A_0, %add3A_750 : i32
        %add3A_2102 = arith.constant 1 : i32
        %add3A_2103 = arith.addi %add3A_2101, %add3A_2102 : i32
        %dma_wait3A_2104 = tpu.memref_slice %arg4[%add3A_2103, %mul3A_4] : memref<416x16384xf32, #tpu.memory_space<hbm>> -> memref<1x1024xf32, #tpu.memory_space<hbm>>
        %dma_wait3A_2105 = tpu.memref_squeeze %dma_wait3A_2104 : memref<1x1024xf32, #tpu.memory_space<hbm>> -> memref<1024xf32, #tpu.memory_space<hbm>>
        %dma_wait3A_2106 = tpu.memref_slice %arg4[%add3A_2103, %mul3A_4] : memref<416x16384xf32, #tpu.memory_space<hbm>> -> memref<1x1024xf32, #tpu.memory_space<hbm>>
        %dma_wait3A_2107 = tpu.memref_squeeze %dma_wait3A_2106 : memref<1x1024xf32, #tpu.memory_space<hbm>> -> memref<1024xf32, #tpu.memory_space<hbm>>
        tpu.wait_dma2 semaphore(%arg42 : memref<!tpu.dma_semaphore, #tpu.memory_space<semaphore_mem>>) src(%arg28 : memref<1024xf32, #tpu.memory_space<vmem>>) dst(%dma_wait3A_2107 : memref<1024xf32, #tpu.memory_space<hbm>>)
        %add3A_2108 = arith.addi %mul3A_0, %add3A_750 : i32
        %add3A_2109 = arith.constant 2 : i32
        %add3A_2110 = arith.addi %add3A_2108, %add3A_2109 : i32
        %dma_wait3A_2111 = tpu.memref_slice %arg4[%add3A_2110, %mul3A_4] : memref<416x16384xf32, #tpu.memory_space<hbm>> -> memref<1x1024xf32, #tpu.memory_space<hbm>>
        %dma_wait3A_2112 = tpu.memref_squeeze %dma_wait3A_2111 : memref<1x1024xf32, #tpu.memory_space<hbm>> -> memref<1024xf32, #tpu.memory_space<hbm>>
        %dma_wait3A_2113 = tpu.memref_slice %arg4[%add3A_2110, %mul3A_4] : memref<416x16384xf32, #tpu.memory_space<hbm>> -> memref<1x1024xf32, #tpu.memory_space<hbm>>
        %dma_wait3A_2114 = tpu.memref_squeeze %dma_wait3A_2113 : memref<1x1024xf32, #tpu.memory_space<hbm>> -> memref<1024xf32, #tpu.memory_space<hbm>>
        tpu.wait_dma2 semaphore(%arg42 : memref<!tpu.dma_semaphore, #tpu.memory_space<semaphore_mem>>) src(%arg29 : memref<1024xf32, #tpu.memory_space<vmem>>) dst(%dma_wait3A_2114 : memref<1024xf32, #tpu.memory_space<hbm>>)
        %add3A_2115 = arith.addi %mul3A_0, %add3A_750 : i32
        %add3A_2116 = arith.constant 3 : i32
        %add3A_2117 = arith.addi %add3A_2115, %add3A_2116 : i32
        %dma_wait3A_2118 = tpu.memref_slice %arg4[%add3A_2117, %mul3A_4] : memref<416x16384xf32, #tpu.memory_space<hbm>> -> memref<1x1024xf32, #tpu.memory_space<hbm>>
        %dma_wait3A_2119 = tpu.memref_squeeze %dma_wait3A_2118 : memref<1x1024xf32, #tpu.memory_space<hbm>> -> memref<1024xf32, #tpu.memory_space<hbm>>
        %dma_wait3A_2120 = tpu.memref_slice %arg4[%add3A_2117, %mul3A_4] : memref<416x16384xf32, #tpu.memory_space<hbm>> -> memref<1x1024xf32, #tpu.memory_space<hbm>>
        %dma_wait3A_2121 = tpu.memref_squeeze %dma_wait3A_2120 : memref<1x1024xf32, #tpu.memory_space<hbm>> -> memref<1024xf32, #tpu.memory_space<hbm>>
        tpu.wait_dma2 semaphore(%arg42 : memref<!tpu.dma_semaphore, #tpu.memory_space<semaphore_mem>>) src(%arg30 : memref<1024xf32, #tpu.memory_space<vmem>>) dst(%dma_wait3A_2121 : memref<1024xf32, #tpu.memory_space<hbm>>)
      } else {
      }
      %dma_start3A_824 = arith.constant 0 : i32
      %dma_start3A_825 = tpu.memref_slice %arg9[%dma_start3A_824] : memref<100000xf32, #tpu.memory_space<vmem_shared>> -> memref<100000xf32, #tpu.memory_space<vmem_shared>>
      tpu.enqueue_indirect_dma source(%dma_start3A_825 : memref<100000xf32, #tpu.memory_space<vmem_shared>>) target(%arg27 : memref<1024xf32, #tpu.memory_space<vmem>>) offsets(%arg21 : memref<1024xi32, #tpu.memory_space<vmem>>) semaphore(%arg41 : memref<!tpu.dma_semaphore, #tpu.memory_space<semaphore_mem>>)
      %dma_start3A_826 = arith.constant 0 : i32
      %dma_start3A_827 = tpu.memref_slice %arg10[%dma_start3A_826] : memref<100000xf32, #tpu.memory_space<vmem_shared>> -> memref<100000xf32, #tpu.memory_space<vmem_shared>>
      tpu.enqueue_indirect_dma source(%dma_start3A_827 : memref<100000xf32, #tpu.memory_space<vmem_shared>>) target(%arg28 : memref<1024xf32, #tpu.memory_space<vmem>>) offsets(%arg21 : memref<1024xi32, #tpu.memory_space<vmem>>) semaphore(%arg41 : memref<!tpu.dma_semaphore, #tpu.memory_space<semaphore_mem>>)
      %dma_start3A_828 = arith.constant 0 : i32
      %dma_start3A_829 = tpu.memref_slice %arg11[%dma_start3A_828] : memref<100000xf32, #tpu.memory_space<vmem_shared>> -> memref<100000xf32, #tpu.memory_space<vmem_shared>>
      tpu.enqueue_indirect_dma source(%dma_start3A_829 : memref<100000xf32, #tpu.memory_space<vmem_shared>>) target(%arg29 : memref<1024xf32, #tpu.memory_space<vmem>>) offsets(%arg21 : memref<1024xi32, #tpu.memory_space<vmem>>) semaphore(%arg41 : memref<!tpu.dma_semaphore, #tpu.memory_space<semaphore_mem>>)
      %dma_start3A_830 = arith.constant 0 : i32
      %dma_start3A_831 = tpu.memref_slice %arg12[%dma_start3A_830] : memref<100000xf32, #tpu.memory_space<vmem_shared>> -> memref<100000xf32, #tpu.memory_space<vmem_shared>>
      tpu.enqueue_indirect_dma source(%dma_start3A_831 : memref<100000xf32, #tpu.memory_space<vmem_shared>>) target(%arg30 : memref<1024xf32, #tpu.memory_space<vmem>>) offsets(%arg21 : memref<1024xi32, #tpu.memory_space<vmem>>) semaphore(%arg41 : memref<!tpu.dma_semaphore, #tpu.memory_space<semaphore_mem>>)
      %dma_wait3A_832 = arith.constant 0 : i32
      %dma_wait3A_833 = tpu.memref_slice %arg9[%dma_wait3A_832] : memref<100000xf32, #tpu.memory_space<vmem_shared>> -> memref<100000xf32, #tpu.memory_space<vmem_shared>>
      tpu.wait_indirect_dma semaphore(%arg41 : memref<!tpu.dma_semaphore, #tpu.memory_space<semaphore_mem>>) src(%dma_wait3A_833 : memref<100000xf32, #tpu.memory_space<vmem_shared>>) dst(%arg27 : memref<1024xf32, #tpu.memory_space<vmem>>)
      %dma_wait3A_834 = arith.constant 0 : i32
      %dma_wait3A_835 = tpu.memref_slice %arg10[%dma_wait3A_834] : memref<100000xf32, #tpu.memory_space<vmem_shared>> -> memref<100000xf32, #tpu.memory_space<vmem_shared>>
      tpu.wait_indirect_dma semaphore(%arg41 : memref<!tpu.dma_semaphore, #tpu.memory_space<semaphore_mem>>) src(%dma_wait3A_835 : memref<100000xf32, #tpu.memory_space<vmem_shared>>) dst(%arg28 : memref<1024xf32, #tpu.memory_space<vmem>>)
      %dma_wait3A_836 = arith.constant 0 : i32
      %dma_wait3A_837 = tpu.memref_slice %arg11[%dma_wait3A_836] : memref<100000xf32, #tpu.memory_space<vmem_shared>> -> memref<100000xf32, #tpu.memory_space<vmem_shared>>
      tpu.wait_indirect_dma semaphore(%arg41 : memref<!tpu.dma_semaphore, #tpu.memory_space<semaphore_mem>>) src(%dma_wait3A_837 : memref<100000xf32, #tpu.memory_space<vmem_shared>>) dst(%arg29 : memref<1024xf32, #tpu.memory_space<vmem>>)
      %dma_wait3A_838 = arith.constant 0 : i32
      %dma_wait3A_839 = tpu.memref_slice %arg12[%dma_wait3A_838] : memref<100000xf32, #tpu.memory_space<vmem_shared>> -> memref<100000xf32, #tpu.memory_space<vmem_shared>>
      tpu.wait_indirect_dma semaphore(%arg41 : memref<!tpu.dma_semaphore, #tpu.memory_space<semaphore_mem>>) src(%dma_wait3A_839 : memref<100000xf32, #tpu.memory_space<vmem_shared>>) dst(%arg30 : memref<1024xf32, #tpu.memory_space<vmem>>)
      %add3A_840 = arith.addi %mul3A_0, %add3A_750 : i32
      %add3A_841 = arith.constant 0 : i32
      %add3A_842 = arith.addi %add3A_840, %add3A_841 : i32
      %dma_start3A_843 = tpu.memref_slice %arg4[%add3A_842, %mul3A_4] : memref<416x16384xf32, #tpu.memory_space<hbm>> -> memref<1x1024xf32, #tpu.memory_space<hbm>>
      %dma_start3A_844 = tpu.memref_squeeze %dma_start3A_843 : memref<1x1024xf32, #tpu.memory_space<hbm>> -> memref<1024xf32, #tpu.memory_space<hbm>>
      %dma_start3A_845 = tpu.memref_slice %arg4[%add3A_842, %mul3A_4] : memref<416x16384xf32, #tpu.memory_space<hbm>> -> memref<1x1024xf32, #tpu.memory_space<hbm>>
      %dma_start3A_846 = tpu.memref_squeeze %dma_start3A_845 : memref<1x1024xf32, #tpu.memory_space<hbm>> -> memref<1024xf32, #tpu.memory_space<hbm>>
      tpu.enqueue_dma source(%arg27 : memref<1024xf32, #tpu.memory_space<vmem>>) target(%dma_start3A_846 : memref<1024xf32, #tpu.memory_space<hbm>>) target_semaphore(%arg42 : memref<!tpu.dma_semaphore, #tpu.memory_space<semaphore_mem>>)
      %add3A_847 = arith.addi %mul3A_0, %add3A_750 : i32
      %add3A_848 = arith.constant 1 : i32
      %add3A_849 = arith.addi %add3A_847, %add3A_848 : i32
      %dma_start3A_850 = tpu.memref_slice %arg4[%add3A_849, %mul3A_4] : memref<416x16384xf32, #tpu.memory_space<hbm>> -> memref<1x1024xf32, #tpu.memory_space<hbm>>
      %dma_start3A_851 = tpu.memref_squeeze %dma_start3A_850 : memref<1x1024xf32, #tpu.memory_space<hbm>> -> memref<1024xf32, #tpu.memory_space<hbm>>
      %dma_start3A_852 = tpu.memref_slice %arg4[%add3A_849, %mul3A_4] : memref<416x16384xf32, #tpu.memory_space<hbm>> -> memref<1x1024xf32, #tpu.memory_space<hbm>>
      %dma_start3A_853 = tpu.memref_squeeze %dma_start3A_852 : memref<1x1024xf32, #tpu.memory_space<hbm>> -> memref<1024xf32, #tpu.memory_space<hbm>>
      tpu.enqueue_dma source(%arg28 : memref<1024xf32, #tpu.memory_space<vmem>>) target(%dma_start3A_853 : memref<1024xf32, #tpu.memory_space<hbm>>) target_semaphore(%arg42 : memref<!tpu.dma_semaphore, #tpu.memory_space<semaphore_mem>>)
      %add3A_854 = arith.addi %mul3A_0, %add3A_750 : i32
      %add3A_855 = arith.constant 2 : i32
      %add3A_856 = arith.addi %add3A_854, %add3A_855 : i32
      %dma_start3A_857 = tpu.memref_slice %arg4[%add3A_856, %mul3A_4] : memref<416x16384xf32, #tpu.memory_space<hbm>> -> memref<1x1024xf32, #tpu.memory_space<hbm>>
      %dma_start3A_858 = tpu.memref_squeeze %dma_start3A_857 : memref<1x1024xf32, #tpu.memory_space<hbm>> -> memref<1024xf32, #tpu.memory_space<hbm>>
      %dma_start3A_859 = tpu.memref_slice %arg4[%add3A_856, %mul3A_4] : memref<416x16384xf32, #tpu.memory_space<hbm>> -> memref<1x1024xf32, #tpu.memory_space<hbm>>
      %dma_start3A_860 = tpu.memref_squeeze %dma_start3A_859 : memref<1x1024xf32, #tpu.memory_space<hbm>> -> memref<1024xf32, #tpu.memory_space<hbm>>
      tpu.enqueue_dma source(%arg29 : memref<1024xf32, #tpu.memory_space<vmem>>) target(%dma_start3A_860 : memref<1024xf32, #tpu.memory_space<hbm>>) target_semaphore(%arg42 : memref<!tpu.dma_semaphore, #tpu.memory_space<semaphore_mem>>)
      %add3A_861 = arith.addi %mul3A_0, %add3A_750 : i32
      %add3A_862 = arith.constant 3 : i32
      %add3A_863 = arith.addi %add3A_861, %add3A_862 : i32
      %dma_start3A_864 = tpu.memref_slice %arg4[%add3A_863, %mul3A_4] : memref<416x16384xf32, #tpu.memory_space<hbm>> -> memref<1x1024xf32, #tpu.memory_space<hbm>>
      %dma_start3A_865 = tpu.memref_squeeze %dma_start3A_864 : memref<1x1024xf32, #tpu.memory_space<hbm>> -> memref<1024xf32, #tpu.memory_space<hbm>>
      %dma_start3A_866 = tpu.memref_slice %arg4[%add3A_863, %mul3A_4] : memref<416x16384xf32, #tpu.memory_space<hbm>> -> memref<1x1024xf32, #tpu.memory_space<hbm>>
      %dma_start3A_867 = tpu.memref_squeeze %dma_start3A_866 : memref<1x1024xf32, #tpu.memory_space<hbm>> -> memref<1024xf32, #tpu.memory_space<hbm>>
      tpu.enqueue_dma source(%arg30 : memref<1024xf32, #tpu.memory_space<vmem>>) target(%dma_start3A_867 : memref<1024xf32, #tpu.memory_space<hbm>>) target_semaphore(%arg42 : memref<!tpu.dma_semaphore, #tpu.memory_space<semaphore_mem>>)
      %add3A_868 = arith.constant 4 : i32
      %add3A_869 = arith.addi %add3A_750, %add3A_868 : i32
      %add3A_870 = arith.constant 0 : i32
      %add3A_871 = arith.addi %add3A_869, %add3A_870 : i32
      %and3A_872 = arith.constant 15 : i32
      %and3A_873 = arith.andi %add3A_871, %and3A_872 : i32
      %eq3A_874 = arith.cmpi eq, %arg1, %and3A_873 : i32
      %add3A_875 = arith.constant 4 : i32
      %add3A_876 = arith.addi %add3A_750, %add3A_875 : i32
      %add3A_877 = arith.constant 0 : i32
      %add3A_878 = arith.addi %add3A_876, %add3A_877 : i32
      %lt3A_879 = arith.constant 208 : i32
      %lt3A_880 = arith.cmpi slt, %add3A_878, %lt3A_879 : i32
      %and3A_881 = arith.andi %eq3A_874, %lt3A_880 : i1
      %convert_element_type3A_882 = arith.extui %and3A_881 : i1 to i32
      %cond3A_883 = arith.constant 0 : i32
      %cond3A_884 = arith.cmpi ne, %convert_element_type3A_882, %cond3A_883 : i32
      scf.if %cond3A_884 {
        %add3A_2094 = arith.addi %mul3A_0, %add3A_750 : i32
        %add3A_2095 = arith.constant 4 : i32
        %add3A_2096 = arith.addi %add3A_2094, %add3A_2095 : i32
        %add3A_2097 = arith.constant 0 : i32
        %add3A_2098 = arith.addi %add3A_2096, %add3A_2097 : i32
        %shift_right_arithmetic3A = arith.constant 4 : i32
        %shift_right_arithmetic3A_2099 = arith.shrsi %add3A_2098, %shift_right_arithmetic3A : i32
        %and3A_2100 = arith.constant 15 : i32
        %and3A_2101 = arith.andi %add3A_2098, %and3A_2100 : i32
        %dma_wait3A_2102 = arith.constant 0 : i32
        %dma_wait3A_2103 = tpu.memref_slice %arg2[%shift_right_arithmetic3A_2099, %and3A_2101, %dma_wait3A_2102] : memref<26x16x100000xf32, #tpu.memory_space<hbm>> -> memref<1x1x100000xf32, #tpu.memory_space<hbm>>
        %dma_wait3A_2104 = tpu.memref_squeeze %dma_wait3A_2103 : memref<1x1x100000xf32, #tpu.memory_space<hbm>> -> memref<100000xf32, #tpu.memory_space<hbm>>
        tpu.wait_dma2 semaphore(%arg39 : memref<!tpu.dma_semaphore, #tpu.memory_space<semaphore_mem>>) src(%dma_wait3A_2104 : memref<100000xf32, #tpu.memory_space<hbm>>) dst(%arg13 : memref<100000xf32, #tpu.memory_space<vmem_shared>>)
      } else {
      }
      %add3A_885 = arith.constant 4 : i32
      %add3A_886 = arith.addi %add3A_750, %add3A_885 : i32
      %add3A_887 = arith.constant 1 : i32
      %add3A_888 = arith.addi %add3A_886, %add3A_887 : i32
      %and3A_889 = arith.constant 15 : i32
      %and3A_890 = arith.andi %add3A_888, %and3A_889 : i32
      %eq3A_891 = arith.cmpi eq, %arg1, %and3A_890 : i32
      %add3A_892 = arith.constant 4 : i32
      %add3A_893 = arith.addi %add3A_750, %add3A_892 : i32
      %add3A_894 = arith.constant 1 : i32
      %add3A_895 = arith.addi %add3A_893, %add3A_894 : i32
      %lt3A_896 = arith.constant 208 : i32
      %lt3A_897 = arith.cmpi slt, %add3A_895, %lt3A_896 : i32
      %and3A_898 = arith.andi %eq3A_891, %lt3A_897 : i1
      %convert_element_type3A_899 = arith.extui %and3A_898 : i1 to i32
      %cond3A_900 = arith.constant 0 : i32
      %cond3A_901 = arith.cmpi ne, %convert_element_type3A_899, %cond3A_900 : i32
      scf.if %cond3A_901 {
        %add3A_2094 = arith.addi %mul3A_0, %add3A_750 : i32
        %add3A_2095 = arith.constant 4 : i32
        %add3A_2096 = arith.addi %add3A_2094, %add3A_2095 : i32
        %add3A_2097 = arith.constant 1 : i32
        %add3A_2098 = arith.addi %add3A_2096, %add3A_2097 : i32
        %shift_right_arithmetic3A = arith.constant 4 : i32
        %shift_right_arithmetic3A_2099 = arith.shrsi %add3A_2098, %shift_right_arithmetic3A : i32
        %and3A_2100 = arith.constant 15 : i32
        %and3A_2101 = arith.andi %add3A_2098, %and3A_2100 : i32
        %dma_wait3A_2102 = arith.constant 0 : i32
        %dma_wait3A_2103 = tpu.memref_slice %arg2[%shift_right_arithmetic3A_2099, %and3A_2101, %dma_wait3A_2102] : memref<26x16x100000xf32, #tpu.memory_space<hbm>> -> memref<1x1x100000xf32, #tpu.memory_space<hbm>>
        %dma_wait3A_2104 = tpu.memref_squeeze %dma_wait3A_2103 : memref<1x1x100000xf32, #tpu.memory_space<hbm>> -> memref<100000xf32, #tpu.memory_space<hbm>>
        tpu.wait_dma2 semaphore(%arg39 : memref<!tpu.dma_semaphore, #tpu.memory_space<semaphore_mem>>) src(%dma_wait3A_2104 : memref<100000xf32, #tpu.memory_space<hbm>>) dst(%arg14 : memref<100000xf32, #tpu.memory_space<vmem_shared>>)
      } else {
      }
      %add3A_902 = arith.constant 4 : i32
      %add3A_903 = arith.addi %add3A_750, %add3A_902 : i32
      %add3A_904 = arith.constant 2 : i32
      %add3A_905 = arith.addi %add3A_903, %add3A_904 : i32
      %and3A_906 = arith.constant 15 : i32
      %and3A_907 = arith.andi %add3A_905, %and3A_906 : i32
      %eq3A_908 = arith.cmpi eq, %arg1, %and3A_907 : i32
      %add3A_909 = arith.constant 4 : i32
      %add3A_910 = arith.addi %add3A_750, %add3A_909 : i32
      %add3A_911 = arith.constant 2 : i32
      %add3A_912 = arith.addi %add3A_910, %add3A_911 : i32
      %lt3A_913 = arith.constant 208 : i32
      %lt3A_914 = arith.cmpi slt, %add3A_912, %lt3A_913 : i32
      %and3A_915 = arith.andi %eq3A_908, %lt3A_914 : i1
      %convert_element_type3A_916 = arith.extui %and3A_915 : i1 to i32
      %cond3A_917 = arith.constant 0 : i32
      %cond3A_918 = arith.cmpi ne, %convert_element_type3A_916, %cond3A_917 : i32
      scf.if %cond3A_918 {
        %add3A_2094 = arith.addi %mul3A_0, %add3A_750 : i32
        %add3A_2095 = arith.constant 4 : i32
        %add3A_2096 = arith.addi %add3A_2094, %add3A_2095 : i32
        %add3A_2097 = arith.constant 2 : i32
        %add3A_2098 = arith.addi %add3A_2096, %add3A_2097 : i32
        %shift_right_arithmetic3A = arith.constant 4 : i32
        %shift_right_arithmetic3A_2099 = arith.shrsi %add3A_2098, %shift_right_arithmetic3A : i32
        %and3A_2100 = arith.constant 15 : i32
        %and3A_2101 = arith.andi %add3A_2098, %and3A_2100 : i32
        %dma_wait3A_2102 = arith.constant 0 : i32
        %dma_wait3A_2103 = tpu.memref_slice %arg2[%shift_right_arithmetic3A_2099, %and3A_2101, %dma_wait3A_2102] : memref<26x16x100000xf32, #tpu.memory_space<hbm>> -> memref<1x1x100000xf32, #tpu.memory_space<hbm>>
        %dma_wait3A_2104 = tpu.memref_squeeze %dma_wait3A_2103 : memref<1x1x100000xf32, #tpu.memory_space<hbm>> -> memref<100000xf32, #tpu.memory_space<hbm>>
        tpu.wait_dma2 semaphore(%arg39 : memref<!tpu.dma_semaphore, #tpu.memory_space<semaphore_mem>>) src(%dma_wait3A_2104 : memref<100000xf32, #tpu.memory_space<hbm>>) dst(%arg15 : memref<100000xf32, #tpu.memory_space<vmem_shared>>)
      } else {
      }
      %add3A_919 = arith.constant 4 : i32
      %add3A_920 = arith.addi %add3A_750, %add3A_919 : i32
      %add3A_921 = arith.constant 3 : i32
      %add3A_922 = arith.addi %add3A_920, %add3A_921 : i32
      %and3A_923 = arith.constant 15 : i32
      %and3A_924 = arith.andi %add3A_922, %and3A_923 : i32
      %eq3A_925 = arith.cmpi eq, %arg1, %and3A_924 : i32
      %add3A_926 = arith.constant 4 : i32
      %add3A_927 = arith.addi %add3A_750, %add3A_926 : i32
      %add3A_928 = arith.constant 3 : i32
      %add3A_929 = arith.addi %add3A_927, %add3A_928 : i32
      %lt3A_930 = arith.constant 208 : i32
      %lt3A_931 = arith.cmpi slt, %add3A_929, %lt3A_930 : i32
      %and3A_932 = arith.andi %eq3A_925, %lt3A_931 : i1
      %convert_element_type3A_933 = arith.extui %and3A_932 : i1 to i32
      %cond3A_934 = arith.constant 0 : i32
      %cond3A_935 = arith.cmpi ne, %convert_element_type3A_933, %cond3A_934 : i32
      scf.if %cond3A_935 {
        %add3A_2094 = arith.addi %mul3A_0, %add3A_750 : i32
        %add3A_2095 = arith.constant 4 : i32
        %add3A_2096 = arith.addi %add3A_2094, %add3A_2095 : i32
        %add3A_2097 = arith.constant 3 : i32
        %add3A_2098 = arith.addi %add3A_2096, %add3A_2097 : i32
        %shift_right_arithmetic3A = arith.constant 4 : i32
        %shift_right_arithmetic3A_2099 = arith.shrsi %add3A_2098, %shift_right_arithmetic3A : i32
        %and3A_2100 = arith.constant 15 : i32
        %and3A_2101 = arith.andi %add3A_2098, %and3A_2100 : i32
        %dma_wait3A_2102 = arith.constant 0 : i32
        %dma_wait3A_2103 = tpu.memref_slice %arg2[%shift_right_arithmetic3A_2099, %and3A_2101, %dma_wait3A_2102] : memref<26x16x100000xf32, #tpu.memory_space<hbm>> -> memref<1x1x100000xf32, #tpu.memory_space<hbm>>
        %dma_wait3A_2104 = tpu.memref_squeeze %dma_wait3A_2103 : memref<1x1x100000xf32, #tpu.memory_space<hbm>> -> memref<100000xf32, #tpu.memory_space<hbm>>
        tpu.wait_dma2 semaphore(%arg39 : memref<!tpu.dma_semaphore, #tpu.memory_space<semaphore_mem>>) src(%dma_wait3A_2104 : memref<100000xf32, #tpu.memory_space<hbm>>) dst(%arg16 : memref<100000xf32, #tpu.memory_space<vmem_shared>>)
      } else {
      }
      %barrier3A_936 = arith.constant 0 : index
      tpu.barrier barrier_id(%barrier3A_936)
      %add3A_937 = arith.constant 8 : i32
      %add3A_938 = arith.addi %mul3A_556, %add3A_937 : i32
      %add3A_939 = arith.constant 8 : i32
      %add3A_940 = arith.addi %add3A_938, %add3A_939 : i32
      %add3A_941 = arith.constant 0 : i32
      %add3A_942 = arith.addi %add3A_940, %add3A_941 : i32
      %and3A_943 = arith.constant 15 : i32
      %and3A_944 = arith.andi %add3A_942, %and3A_943 : i32
      %eq3A_945 = arith.cmpi eq, %arg1, %and3A_944 : i32
      %add3A_946 = arith.constant 8 : i32
      %add3A_947 = arith.addi %add3A_938, %add3A_946 : i32
      %add3A_948 = arith.constant 0 : i32
      %add3A_949 = arith.addi %add3A_947, %add3A_948 : i32
      %lt3A_950 = arith.constant 208 : i32
      %lt3A_951 = arith.cmpi slt, %add3A_949, %lt3A_950 : i32
      %and3A_952 = arith.andi %eq3A_945, %lt3A_951 : i1
      %convert_element_type3A_953 = arith.extui %and3A_952 : i1 to i32
      %cond3A_954 = arith.constant 0 : i32
      %cond3A_955 = arith.cmpi ne, %convert_element_type3A_953, %cond3A_954 : i32
      scf.if %cond3A_955 {
        %add3A_2094 = arith.addi %mul3A_0, %add3A_938 : i32
        %add3A_2095 = arith.constant 8 : i32
        %add3A_2096 = arith.addi %add3A_2094, %add3A_2095 : i32
        %add3A_2097 = arith.constant 0 : i32
        %add3A_2098 = arith.addi %add3A_2096, %add3A_2097 : i32
        %shift_right_arithmetic3A = arith.constant 4 : i32
        %shift_right_arithmetic3A_2099 = arith.shrsi %add3A_2098, %shift_right_arithmetic3A : i32
        %and3A_2100 = arith.constant 15 : i32
        %and3A_2101 = arith.andi %add3A_2098, %and3A_2100 : i32
        %dma_start3A_2102 = arith.constant 0 : i32
        %dma_start3A_2103 = tpu.memref_slice %arg2[%shift_right_arithmetic3A_2099, %and3A_2101, %dma_start3A_2102] : memref<26x16x100000xf32, #tpu.memory_space<hbm>> -> memref<1x1x100000xf32, #tpu.memory_space<hbm>>
        %dma_start3A_2104 = tpu.memref_squeeze %dma_start3A_2103 : memref<1x1x100000xf32, #tpu.memory_space<hbm>> -> memref<100000xf32, #tpu.memory_space<hbm>>
        tpu.enqueue_dma source(%dma_start3A_2104 : memref<100000xf32, #tpu.memory_space<hbm>>) target(%arg5 : memref<100000xf32, #tpu.memory_space<vmem_shared>>) target_semaphore(%arg39 : memref<!tpu.dma_semaphore, #tpu.memory_space<semaphore_mem>>)
      } else {
      }
      %add3A_956 = arith.constant 8 : i32
      %add3A_957 = arith.addi %add3A_938, %add3A_956 : i32
      %add3A_958 = arith.constant 1 : i32
      %add3A_959 = arith.addi %add3A_957, %add3A_958 : i32
      %and3A_960 = arith.constant 15 : i32
      %and3A_961 = arith.andi %add3A_959, %and3A_960 : i32
      %eq3A_962 = arith.cmpi eq, %arg1, %and3A_961 : i32
      %add3A_963 = arith.constant 8 : i32
      %add3A_964 = arith.addi %add3A_938, %add3A_963 : i32
      %add3A_965 = arith.constant 1 : i32
      %add3A_966 = arith.addi %add3A_964, %add3A_965 : i32
      %lt3A_967 = arith.constant 208 : i32
      %lt3A_968 = arith.cmpi slt, %add3A_966, %lt3A_967 : i32
      %and3A_969 = arith.andi %eq3A_962, %lt3A_968 : i1
      %convert_element_type3A_970 = arith.extui %and3A_969 : i1 to i32
      %cond3A_971 = arith.constant 0 : i32
      %cond3A_972 = arith.cmpi ne, %convert_element_type3A_970, %cond3A_971 : i32
      scf.if %cond3A_972 {
        %add3A_2094 = arith.addi %mul3A_0, %add3A_938 : i32
        %add3A_2095 = arith.constant 8 : i32
        %add3A_2096 = arith.addi %add3A_2094, %add3A_2095 : i32
        %add3A_2097 = arith.constant 1 : i32
        %add3A_2098 = arith.addi %add3A_2096, %add3A_2097 : i32
        %shift_right_arithmetic3A = arith.constant 4 : i32
        %shift_right_arithmetic3A_2099 = arith.shrsi %add3A_2098, %shift_right_arithmetic3A : i32
        %and3A_2100 = arith.constant 15 : i32
        %and3A_2101 = arith.andi %add3A_2098, %and3A_2100 : i32
        %dma_start3A_2102 = arith.constant 0 : i32
        %dma_start3A_2103 = tpu.memref_slice %arg2[%shift_right_arithmetic3A_2099, %and3A_2101, %dma_start3A_2102] : memref<26x16x100000xf32, #tpu.memory_space<hbm>> -> memref<1x1x100000xf32, #tpu.memory_space<hbm>>
        %dma_start3A_2104 = tpu.memref_squeeze %dma_start3A_2103 : memref<1x1x100000xf32, #tpu.memory_space<hbm>> -> memref<100000xf32, #tpu.memory_space<hbm>>
        tpu.enqueue_dma source(%dma_start3A_2104 : memref<100000xf32, #tpu.memory_space<hbm>>) target(%arg6 : memref<100000xf32, #tpu.memory_space<vmem_shared>>) target_semaphore(%arg39 : memref<!tpu.dma_semaphore, #tpu.memory_space<semaphore_mem>>)
      } else {
      }
      %add3A_973 = arith.constant 8 : i32
      %add3A_974 = arith.addi %add3A_938, %add3A_973 : i32
      %add3A_975 = arith.constant 2 : i32
      %add3A_976 = arith.addi %add3A_974, %add3A_975 : i32
      %and3A_977 = arith.constant 15 : i32
      %and3A_978 = arith.andi %add3A_976, %and3A_977 : i32
      %eq3A_979 = arith.cmpi eq, %arg1, %and3A_978 : i32
      %add3A_980 = arith.constant 8 : i32
      %add3A_981 = arith.addi %add3A_938, %add3A_980 : i32
      %add3A_982 = arith.constant 2 : i32
      %add3A_983 = arith.addi %add3A_981, %add3A_982 : i32
      %lt3A_984 = arith.constant 208 : i32
      %lt3A_985 = arith.cmpi slt, %add3A_983, %lt3A_984 : i32
      %and3A_986 = arith.andi %eq3A_979, %lt3A_985 : i1
      %convert_element_type3A_987 = arith.extui %and3A_986 : i1 to i32
      %cond3A_988 = arith.constant 0 : i32
      %cond3A_989 = arith.cmpi ne, %convert_element_type3A_987, %cond3A_988 : i32
      scf.if %cond3A_989 {
        %add3A_2094 = arith.addi %mul3A_0, %add3A_938 : i32
        %add3A_2095 = arith.constant 8 : i32
        %add3A_2096 = arith.addi %add3A_2094, %add3A_2095 : i32
        %add3A_2097 = arith.constant 2 : i32
        %add3A_2098 = arith.addi %add3A_2096, %add3A_2097 : i32
        %shift_right_arithmetic3A = arith.constant 4 : i32
        %shift_right_arithmetic3A_2099 = arith.shrsi %add3A_2098, %shift_right_arithmetic3A : i32
        %and3A_2100 = arith.constant 15 : i32
        %and3A_2101 = arith.andi %add3A_2098, %and3A_2100 : i32
        %dma_start3A_2102 = arith.constant 0 : i32
        %dma_start3A_2103 = tpu.memref_slice %arg2[%shift_right_arithmetic3A_2099, %and3A_2101, %dma_start3A_2102] : memref<26x16x100000xf32, #tpu.memory_space<hbm>> -> memref<1x1x100000xf32, #tpu.memory_space<hbm>>
        %dma_start3A_2104 = tpu.memref_squeeze %dma_start3A_2103 : memref<1x1x100000xf32, #tpu.memory_space<hbm>> -> memref<100000xf32, #tpu.memory_space<hbm>>
        tpu.enqueue_dma source(%dma_start3A_2104 : memref<100000xf32, #tpu.memory_space<hbm>>) target(%arg7 : memref<100000xf32, #tpu.memory_space<vmem_shared>>) target_semaphore(%arg39 : memref<!tpu.dma_semaphore, #tpu.memory_space<semaphore_mem>>)
      } else {
      }
      %add3A_990 = arith.constant 8 : i32
      %add3A_991 = arith.addi %add3A_938, %add3A_990 : i32
      %add3A_992 = arith.constant 3 : i32
      %add3A_993 = arith.addi %add3A_991, %add3A_992 : i32
      %and3A_994 = arith.constant 15 : i32
      %and3A_995 = arith.andi %add3A_993, %and3A_994 : i32
      %eq3A_996 = arith.cmpi eq, %arg1, %and3A_995 : i32
      %add3A_997 = arith.constant 8 : i32
      %add3A_998 = arith.addi %add3A_938, %add3A_997 : i32
      %add3A_999 = arith.constant 3 : i32
      %add3A_1000 = arith.addi %add3A_998, %add3A_999 : i32
      %lt3A_1001 = arith.constant 208 : i32
      %lt3A_1002 = arith.cmpi slt, %add3A_1000, %lt3A_1001 : i32
      %and3A_1003 = arith.andi %eq3A_996, %lt3A_1002 : i1
      %convert_element_type3A_1004 = arith.extui %and3A_1003 : i1 to i32
      %cond3A_1005 = arith.constant 0 : i32
      %cond3A_1006 = arith.cmpi ne, %convert_element_type3A_1004, %cond3A_1005 : i32
      scf.if %cond3A_1006 {
        %add3A_2094 = arith.addi %mul3A_0, %add3A_938 : i32
        %add3A_2095 = arith.constant 8 : i32
        %add3A_2096 = arith.addi %add3A_2094, %add3A_2095 : i32
        %add3A_2097 = arith.constant 3 : i32
        %add3A_2098 = arith.addi %add3A_2096, %add3A_2097 : i32
        %shift_right_arithmetic3A = arith.constant 4 : i32
        %shift_right_arithmetic3A_2099 = arith.shrsi %add3A_2098, %shift_right_arithmetic3A : i32
        %and3A_2100 = arith.constant 15 : i32
        %and3A_2101 = arith.andi %add3A_2098, %and3A_2100 : i32
        %dma_start3A_2102 = arith.constant 0 : i32
        %dma_start3A_2103 = tpu.memref_slice %arg2[%shift_right_arithmetic3A_2099, %and3A_2101, %dma_start3A_2102] : memref<26x16x100000xf32, #tpu.memory_space<hbm>> -> memref<1x1x100000xf32, #tpu.memory_space<hbm>>
        %dma_start3A_2104 = tpu.memref_squeeze %dma_start3A_2103 : memref<1x1x100000xf32, #tpu.memory_space<hbm>> -> memref<100000xf32, #tpu.memory_space<hbm>>
        tpu.enqueue_dma source(%dma_start3A_2104 : memref<100000xf32, #tpu.memory_space<hbm>>) target(%arg8 : memref<100000xf32, #tpu.memory_space<vmem_shared>>) target_semaphore(%arg39 : memref<!tpu.dma_semaphore, #tpu.memory_space<semaphore_mem>>)
      } else {
      }
      %ge3A_1007 = arith.constant 16 : i32
      %ge3A_1008 = arith.cmpi sge, %add3A_938, %ge3A_1007 : i32
      %convert_element_type3A_1009 = arith.extui %ge3A_1008 : i1 to i32
      %cond3A_1010 = arith.constant 0 : i32
      %cond3A_1011 = arith.cmpi ne, %convert_element_type3A_1009, %cond3A_1010 : i32
      scf.if %cond3A_1011 {
        %add3A_2094 = arith.addi %mul3A_0, %add3A_938 : i32
        %add3A_2095 = arith.constant 0 : i32
        %add3A_2096 = arith.addi %add3A_2094, %add3A_2095 : i32
        %dma_wait3A_2097 = tpu.memref_slice %arg4[%add3A_2096, %mul3A_4] : memref<416x16384xf32, #tpu.memory_space<hbm>> -> memref<1x1024xf32, #tpu.memory_space<hbm>>
        %dma_wait3A_2098 = tpu.memref_squeeze %dma_wait3A_2097 : memref<1x1024xf32, #tpu.memory_space<hbm>> -> memref<1024xf32, #tpu.memory_space<hbm>>
        %dma_wait3A_2099 = tpu.memref_slice %arg4[%add3A_2096, %mul3A_4] : memref<416x16384xf32, #tpu.memory_space<hbm>> -> memref<1x1024xf32, #tpu.memory_space<hbm>>
        %dma_wait3A_2100 = tpu.memref_squeeze %dma_wait3A_2099 : memref<1x1024xf32, #tpu.memory_space<hbm>> -> memref<1024xf32, #tpu.memory_space<hbm>>
        tpu.wait_dma2 semaphore(%arg42 : memref<!tpu.dma_semaphore, #tpu.memory_space<semaphore_mem>>) src(%arg31 : memref<1024xf32, #tpu.memory_space<vmem>>) dst(%dma_wait3A_2100 : memref<1024xf32, #tpu.memory_space<hbm>>)
        %add3A_2101 = arith.addi %mul3A_0, %add3A_938 : i32
        %add3A_2102 = arith.constant 1 : i32
        %add3A_2103 = arith.addi %add3A_2101, %add3A_2102 : i32
        %dma_wait3A_2104 = tpu.memref_slice %arg4[%add3A_2103, %mul3A_4] : memref<416x16384xf32, #tpu.memory_space<hbm>> -> memref<1x1024xf32, #tpu.memory_space<hbm>>
        %dma_wait3A_2105 = tpu.memref_squeeze %dma_wait3A_2104 : memref<1x1024xf32, #tpu.memory_space<hbm>> -> memref<1024xf32, #tpu.memory_space<hbm>>
        %dma_wait3A_2106 = tpu.memref_slice %arg4[%add3A_2103, %mul3A_4] : memref<416x16384xf32, #tpu.memory_space<hbm>> -> memref<1x1024xf32, #tpu.memory_space<hbm>>
        %dma_wait3A_2107 = tpu.memref_squeeze %dma_wait3A_2106 : memref<1x1024xf32, #tpu.memory_space<hbm>> -> memref<1024xf32, #tpu.memory_space<hbm>>
        tpu.wait_dma2 semaphore(%arg42 : memref<!tpu.dma_semaphore, #tpu.memory_space<semaphore_mem>>) src(%arg32 : memref<1024xf32, #tpu.memory_space<vmem>>) dst(%dma_wait3A_2107 : memref<1024xf32, #tpu.memory_space<hbm>>)
        %add3A_2108 = arith.addi %mul3A_0, %add3A_938 : i32
        %add3A_2109 = arith.constant 2 : i32
        %add3A_2110 = arith.addi %add3A_2108, %add3A_2109 : i32
        %dma_wait3A_2111 = tpu.memref_slice %arg4[%add3A_2110, %mul3A_4] : memref<416x16384xf32, #tpu.memory_space<hbm>> -> memref<1x1024xf32, #tpu.memory_space<hbm>>
        %dma_wait3A_2112 = tpu.memref_squeeze %dma_wait3A_2111 : memref<1x1024xf32, #tpu.memory_space<hbm>> -> memref<1024xf32, #tpu.memory_space<hbm>>
        %dma_wait3A_2113 = tpu.memref_slice %arg4[%add3A_2110, %mul3A_4] : memref<416x16384xf32, #tpu.memory_space<hbm>> -> memref<1x1024xf32, #tpu.memory_space<hbm>>
        %dma_wait3A_2114 = tpu.memref_squeeze %dma_wait3A_2113 : memref<1x1024xf32, #tpu.memory_space<hbm>> -> memref<1024xf32, #tpu.memory_space<hbm>>
        tpu.wait_dma2 semaphore(%arg42 : memref<!tpu.dma_semaphore, #tpu.memory_space<semaphore_mem>>) src(%arg33 : memref<1024xf32, #tpu.memory_space<vmem>>) dst(%dma_wait3A_2114 : memref<1024xf32, #tpu.memory_space<hbm>>)
        %add3A_2115 = arith.addi %mul3A_0, %add3A_938 : i32
        %add3A_2116 = arith.constant 3 : i32
        %add3A_2117 = arith.addi %add3A_2115, %add3A_2116 : i32
        %dma_wait3A_2118 = tpu.memref_slice %arg4[%add3A_2117, %mul3A_4] : memref<416x16384xf32, #tpu.memory_space<hbm>> -> memref<1x1024xf32, #tpu.memory_space<hbm>>
        %dma_wait3A_2119 = tpu.memref_squeeze %dma_wait3A_2118 : memref<1x1024xf32, #tpu.memory_space<hbm>> -> memref<1024xf32, #tpu.memory_space<hbm>>
        %dma_wait3A_2120 = tpu.memref_slice %arg4[%add3A_2117, %mul3A_4] : memref<416x16384xf32, #tpu.memory_space<hbm>> -> memref<1x1024xf32, #tpu.memory_space<hbm>>
        %dma_wait3A_2121 = tpu.memref_squeeze %dma_wait3A_2120 : memref<1x1024xf32, #tpu.memory_space<hbm>> -> memref<1024xf32, #tpu.memory_space<hbm>>
        tpu.wait_dma2 semaphore(%arg42 : memref<!tpu.dma_semaphore, #tpu.memory_space<semaphore_mem>>) src(%arg34 : memref<1024xf32, #tpu.memory_space<vmem>>) dst(%dma_wait3A_2121 : memref<1024xf32, #tpu.memory_space<hbm>>)
      } else {
      }
      %dma_start3A_1012 = arith.constant 0 : i32
      %dma_start3A_1013 = tpu.memref_slice %arg13[%dma_start3A_1012] : memref<100000xf32, #tpu.memory_space<vmem_shared>> -> memref<100000xf32, #tpu.memory_space<vmem_shared>>
      tpu.enqueue_indirect_dma source(%dma_start3A_1013 : memref<100000xf32, #tpu.memory_space<vmem_shared>>) target(%arg31 : memref<1024xf32, #tpu.memory_space<vmem>>) offsets(%arg21 : memref<1024xi32, #tpu.memory_space<vmem>>) semaphore(%arg41 : memref<!tpu.dma_semaphore, #tpu.memory_space<semaphore_mem>>)
      %dma_start3A_1014 = arith.constant 0 : i32
      %dma_start3A_1015 = tpu.memref_slice %arg14[%dma_start3A_1014] : memref<100000xf32, #tpu.memory_space<vmem_shared>> -> memref<100000xf32, #tpu.memory_space<vmem_shared>>
      tpu.enqueue_indirect_dma source(%dma_start3A_1015 : memref<100000xf32, #tpu.memory_space<vmem_shared>>) target(%arg32 : memref<1024xf32, #tpu.memory_space<vmem>>) offsets(%arg21 : memref<1024xi32, #tpu.memory_space<vmem>>) semaphore(%arg41 : memref<!tpu.dma_semaphore, #tpu.memory_space<semaphore_mem>>)
      %dma_start3A_1016 = arith.constant 0 : i32
      %dma_start3A_1017 = tpu.memref_slice %arg15[%dma_start3A_1016] : memref<100000xf32, #tpu.memory_space<vmem_shared>> -> memref<100000xf32, #tpu.memory_space<vmem_shared>>
      tpu.enqueue_indirect_dma source(%dma_start3A_1017 : memref<100000xf32, #tpu.memory_space<vmem_shared>>) target(%arg33 : memref<1024xf32, #tpu.memory_space<vmem>>) offsets(%arg21 : memref<1024xi32, #tpu.memory_space<vmem>>) semaphore(%arg41 : memref<!tpu.dma_semaphore, #tpu.memory_space<semaphore_mem>>)
      %dma_start3A_1018 = arith.constant 0 : i32
      %dma_start3A_1019 = tpu.memref_slice %arg16[%dma_start3A_1018] : memref<100000xf32, #tpu.memory_space<vmem_shared>> -> memref<100000xf32, #tpu.memory_space<vmem_shared>>
      tpu.enqueue_indirect_dma source(%dma_start3A_1019 : memref<100000xf32, #tpu.memory_space<vmem_shared>>) target(%arg34 : memref<1024xf32, #tpu.memory_space<vmem>>) offsets(%arg21 : memref<1024xi32, #tpu.memory_space<vmem>>) semaphore(%arg41 : memref<!tpu.dma_semaphore, #tpu.memory_space<semaphore_mem>>)
      %dma_wait3A_1020 = arith.constant 0 : i32
      %dma_wait3A_1021 = tpu.memref_slice %arg13[%dma_wait3A_1020] : memref<100000xf32, #tpu.memory_space<vmem_shared>> -> memref<100000xf32, #tpu.memory_space<vmem_shared>>
      tpu.wait_indirect_dma semaphore(%arg41 : memref<!tpu.dma_semaphore, #tpu.memory_space<semaphore_mem>>) src(%dma_wait3A_1021 : memref<100000xf32, #tpu.memory_space<vmem_shared>>) dst(%arg31 : memref<1024xf32, #tpu.memory_space<vmem>>)
      %dma_wait3A_1022 = arith.constant 0 : i32
      %dma_wait3A_1023 = tpu.memref_slice %arg14[%dma_wait3A_1022] : memref<100000xf32, #tpu.memory_space<vmem_shared>> -> memref<100000xf32, #tpu.memory_space<vmem_shared>>
      tpu.wait_indirect_dma semaphore(%arg41 : memref<!tpu.dma_semaphore, #tpu.memory_space<semaphore_mem>>) src(%dma_wait3A_1023 : memref<100000xf32, #tpu.memory_space<vmem_shared>>) dst(%arg32 : memref<1024xf32, #tpu.memory_space<vmem>>)
      %dma_wait3A_1024 = arith.constant 0 : i32
      %dma_wait3A_1025 = tpu.memref_slice %arg15[%dma_wait3A_1024] : memref<100000xf32, #tpu.memory_space<vmem_shared>> -> memref<100000xf32, #tpu.memory_space<vmem_shared>>
      tpu.wait_indirect_dma semaphore(%arg41 : memref<!tpu.dma_semaphore, #tpu.memory_space<semaphore_mem>>) src(%dma_wait3A_1025 : memref<100000xf32, #tpu.memory_space<vmem_shared>>) dst(%arg33 : memref<1024xf32, #tpu.memory_space<vmem>>)
      %dma_wait3A_1026 = arith.constant 0 : i32
      %dma_wait3A_1027 = tpu.memref_slice %arg16[%dma_wait3A_1026] : memref<100000xf32, #tpu.memory_space<vmem_shared>> -> memref<100000xf32, #tpu.memory_space<vmem_shared>>
      tpu.wait_indirect_dma semaphore(%arg41 : memref<!tpu.dma_semaphore, #tpu.memory_space<semaphore_mem>>) src(%dma_wait3A_1027 : memref<100000xf32, #tpu.memory_space<vmem_shared>>) dst(%arg34 : memref<1024xf32, #tpu.memory_space<vmem>>)
      %add3A_1028 = arith.addi %mul3A_0, %add3A_938 : i32
      %add3A_1029 = arith.constant 0 : i32
      %add3A_1030 = arith.addi %add3A_1028, %add3A_1029 : i32
      %dma_start3A_1031 = tpu.memref_slice %arg4[%add3A_1030, %mul3A_4] : memref<416x16384xf32, #tpu.memory_space<hbm>> -> memref<1x1024xf32, #tpu.memory_space<hbm>>
      %dma_start3A_1032 = tpu.memref_squeeze %dma_start3A_1031 : memref<1x1024xf32, #tpu.memory_space<hbm>> -> memref<1024xf32, #tpu.memory_space<hbm>>
      %dma_start3A_1033 = tpu.memref_slice %arg4[%add3A_1030, %mul3A_4] : memref<416x16384xf32, #tpu.memory_space<hbm>> -> memref<1x1024xf32, #tpu.memory_space<hbm>>
      %dma_start3A_1034 = tpu.memref_squeeze %dma_start3A_1033 : memref<1x1024xf32, #tpu.memory_space<hbm>> -> memref<1024xf32, #tpu.memory_space<hbm>>
      tpu.enqueue_dma source(%arg31 : memref<1024xf32, #tpu.memory_space<vmem>>) target(%dma_start3A_1034 : memref<1024xf32, #tpu.memory_space<hbm>>) target_semaphore(%arg42 : memref<!tpu.dma_semaphore, #tpu.memory_space<semaphore_mem>>)
      %add3A_1035 = arith.addi %mul3A_0, %add3A_938 : i32
      %add3A_1036 = arith.constant 1 : i32
      %add3A_1037 = arith.addi %add3A_1035, %add3A_1036 : i32
      %dma_start3A_1038 = tpu.memref_slice %arg4[%add3A_1037, %mul3A_4] : memref<416x16384xf32, #tpu.memory_space<hbm>> -> memref<1x1024xf32, #tpu.memory_space<hbm>>
      %dma_start3A_1039 = tpu.memref_squeeze %dma_start3A_1038 : memref<1x1024xf32, #tpu.memory_space<hbm>> -> memref<1024xf32, #tpu.memory_space<hbm>>
      %dma_start3A_1040 = tpu.memref_slice %arg4[%add3A_1037, %mul3A_4] : memref<416x16384xf32, #tpu.memory_space<hbm>> -> memref<1x1024xf32, #tpu.memory_space<hbm>>
      %dma_start3A_1041 = tpu.memref_squeeze %dma_start3A_1040 : memref<1x1024xf32, #tpu.memory_space<hbm>> -> memref<1024xf32, #tpu.memory_space<hbm>>
      tpu.enqueue_dma source(%arg32 : memref<1024xf32, #tpu.memory_space<vmem>>) target(%dma_start3A_1041 : memref<1024xf32, #tpu.memory_space<hbm>>) target_semaphore(%arg42 : memref<!tpu.dma_semaphore, #tpu.memory_space<semaphore_mem>>)
      %add3A_1042 = arith.addi %mul3A_0, %add3A_938 : i32
      %add3A_1043 = arith.constant 2 : i32
      %add3A_1044 = arith.addi %add3A_1042, %add3A_1043 : i32
      %dma_start3A_1045 = tpu.memref_slice %arg4[%add3A_1044, %mul3A_4] : memref<416x16384xf32, #tpu.memory_space<hbm>> -> memref<1x1024xf32, #tpu.memory_space<hbm>>
      %dma_start3A_1046 = tpu.memref_squeeze %dma_start3A_1045 : memref<1x1024xf32, #tpu.memory_space<hbm>> -> memref<1024xf32, #tpu.memory_space<hbm>>
      %dma_start3A_1047 = tpu.memref_slice %arg4[%add3A_1044, %mul3A_4] : memref<416x16384xf32, #tpu.memory_space<hbm>> -> memref<1x1024xf32, #tpu.memory_space<hbm>>
      %dma_start3A_1048 = tpu.memref_squeeze %dma_start3A_1047 : memref<1x1024xf32, #tpu.memory_space<hbm>> -> memref<1024xf32, #tpu.memory_space<hbm>>
      tpu.enqueue_dma source(%arg33 : memref<1024xf32, #tpu.memory_space<vmem>>) target(%dma_start3A_1048 : memref<1024xf32, #tpu.memory_space<hbm>>) target_semaphore(%arg42 : memref<!tpu.dma_semaphore, #tpu.memory_space<semaphore_mem>>)
      %add3A_1049 = arith.addi %mul3A_0, %add3A_938 : i32
      %add3A_1050 = arith.constant 3 : i32
      %add3A_1051 = arith.addi %add3A_1049, %add3A_1050 : i32
      %dma_start3A_1052 = tpu.memref_slice %arg4[%add3A_1051, %mul3A_4] : memref<416x16384xf32, #tpu.memory_space<hbm>> -> memref<1x1024xf32, #tpu.memory_space<hbm>>
      %dma_start3A_1053 = tpu.memref_squeeze %dma_start3A_1052 : memref<1x1024xf32, #tpu.memory_space<hbm>> -> memref<1024xf32, #tpu.memory_space<hbm>>
      %dma_start3A_1054 = tpu.memref_slice %arg4[%add3A_1051, %mul3A_4] : memref<416x16384xf32, #tpu.memory_space<hbm>> -> memref<1x1024xf32, #tpu.memory_space<hbm>>
      %dma_start3A_1055 = tpu.memref_squeeze %dma_start3A_1054 : memref<1x1024xf32, #tpu.memory_space<hbm>> -> memref<1024xf32, #tpu.memory_space<hbm>>
      tpu.enqueue_dma source(%arg34 : memref<1024xf32, #tpu.memory_space<vmem>>) target(%dma_start3A_1055 : memref<1024xf32, #tpu.memory_space<hbm>>) target_semaphore(%arg42 : memref<!tpu.dma_semaphore, #tpu.memory_space<semaphore_mem>>)
      %add3A_1056 = arith.constant 4 : i32
      %add3A_1057 = arith.addi %add3A_938, %add3A_1056 : i32
      %add3A_1058 = arith.constant 0 : i32
      %add3A_1059 = arith.addi %add3A_1057, %add3A_1058 : i32
      %and3A_1060 = arith.constant 15 : i32
      %and3A_1061 = arith.andi %add3A_1059, %and3A_1060 : i32
      %eq3A_1062 = arith.cmpi eq, %arg1, %and3A_1061 : i32
      %add3A_1063 = arith.constant 4 : i32
      %add3A_1064 = arith.addi %add3A_938, %add3A_1063 : i32
      %add3A_1065 = arith.constant 0 : i32
      %add3A_1066 = arith.addi %add3A_1064, %add3A_1065 : i32
      %lt3A_1067 = arith.constant 208 : i32
      %lt3A_1068 = arith.cmpi slt, %add3A_1066, %lt3A_1067 : i32
      %and3A_1069 = arith.andi %eq3A_1062, %lt3A_1068 : i1
      %convert_element_type3A_1070 = arith.extui %and3A_1069 : i1 to i32
      %cond3A_1071 = arith.constant 0 : i32
      %cond3A_1072 = arith.cmpi ne, %convert_element_type3A_1070, %cond3A_1071 : i32
      scf.if %cond3A_1072 {
        %add3A_2094 = arith.addi %mul3A_0, %add3A_938 : i32
        %add3A_2095 = arith.constant 4 : i32
        %add3A_2096 = arith.addi %add3A_2094, %add3A_2095 : i32
        %add3A_2097 = arith.constant 0 : i32
        %add3A_2098 = arith.addi %add3A_2096, %add3A_2097 : i32
        %shift_right_arithmetic3A = arith.constant 4 : i32
        %shift_right_arithmetic3A_2099 = arith.shrsi %add3A_2098, %shift_right_arithmetic3A : i32
        %and3A_2100 = arith.constant 15 : i32
        %and3A_2101 = arith.andi %add3A_2098, %and3A_2100 : i32
        %dma_wait3A_2102 = arith.constant 0 : i32
        %dma_wait3A_2103 = tpu.memref_slice %arg2[%shift_right_arithmetic3A_2099, %and3A_2101, %dma_wait3A_2102] : memref<26x16x100000xf32, #tpu.memory_space<hbm>> -> memref<1x1x100000xf32, #tpu.memory_space<hbm>>
        %dma_wait3A_2104 = tpu.memref_squeeze %dma_wait3A_2103 : memref<1x1x100000xf32, #tpu.memory_space<hbm>> -> memref<100000xf32, #tpu.memory_space<hbm>>
        tpu.wait_dma2 semaphore(%arg39 : memref<!tpu.dma_semaphore, #tpu.memory_space<semaphore_mem>>) src(%dma_wait3A_2104 : memref<100000xf32, #tpu.memory_space<hbm>>) dst(%arg17 : memref<100000xf32, #tpu.memory_space<vmem_shared>>)
      } else {
      }
      %add3A_1073 = arith.constant 4 : i32
      %add3A_1074 = arith.addi %add3A_938, %add3A_1073 : i32
      %add3A_1075 = arith.constant 1 : i32
      %add3A_1076 = arith.addi %add3A_1074, %add3A_1075 : i32
      %and3A_1077 = arith.constant 15 : i32
      %and3A_1078 = arith.andi %add3A_1076, %and3A_1077 : i32
      %eq3A_1079 = arith.cmpi eq, %arg1, %and3A_1078 : i32
      %add3A_1080 = arith.constant 4 : i32
      %add3A_1081 = arith.addi %add3A_938, %add3A_1080 : i32
      %add3A_1082 = arith.constant 1 : i32
      %add3A_1083 = arith.addi %add3A_1081, %add3A_1082 : i32
      %lt3A_1084 = arith.constant 208 : i32
      %lt3A_1085 = arith.cmpi slt, %add3A_1083, %lt3A_1084 : i32
      %and3A_1086 = arith.andi %eq3A_1079, %lt3A_1085 : i1
      %convert_element_type3A_1087 = arith.extui %and3A_1086 : i1 to i32
      %cond3A_1088 = arith.constant 0 : i32
      %cond3A_1089 = arith.cmpi ne, %convert_element_type3A_1087, %cond3A_1088 : i32
      scf.if %cond3A_1089 {
        %add3A_2094 = arith.addi %mul3A_0, %add3A_938 : i32
        %add3A_2095 = arith.constant 4 : i32
        %add3A_2096 = arith.addi %add3A_2094, %add3A_2095 : i32
        %add3A_2097 = arith.constant 1 : i32
        %add3A_2098 = arith.addi %add3A_2096, %add3A_2097 : i32
        %shift_right_arithmetic3A = arith.constant 4 : i32
        %shift_right_arithmetic3A_2099 = arith.shrsi %add3A_2098, %shift_right_arithmetic3A : i32
        %and3A_2100 = arith.constant 15 : i32
        %and3A_2101 = arith.andi %add3A_2098, %and3A_2100 : i32
        %dma_wait3A_2102 = arith.constant 0 : i32
        %dma_wait3A_2103 = tpu.memref_slice %arg2[%shift_right_arithmetic3A_2099, %and3A_2101, %dma_wait3A_2102] : memref<26x16x100000xf32, #tpu.memory_space<hbm>> -> memref<1x1x100000xf32, #tpu.memory_space<hbm>>
        %dma_wait3A_2104 = tpu.memref_squeeze %dma_wait3A_2103 : memref<1x1x100000xf32, #tpu.memory_space<hbm>> -> memref<100000xf32, #tpu.memory_space<hbm>>
        tpu.wait_dma2 semaphore(%arg39 : memref<!tpu.dma_semaphore, #tpu.memory_space<semaphore_mem>>) src(%dma_wait3A_2104 : memref<100000xf32, #tpu.memory_space<hbm>>) dst(%arg18 : memref<100000xf32, #tpu.memory_space<vmem_shared>>)
      } else {
      }
      %add3A_1090 = arith.constant 4 : i32
      %add3A_1091 = arith.addi %add3A_938, %add3A_1090 : i32
      %add3A_1092 = arith.constant 2 : i32
      %add3A_1093 = arith.addi %add3A_1091, %add3A_1092 : i32
      %and3A_1094 = arith.constant 15 : i32
      %and3A_1095 = arith.andi %add3A_1093, %and3A_1094 : i32
      %eq3A_1096 = arith.cmpi eq, %arg1, %and3A_1095 : i32
      %add3A_1097 = arith.constant 4 : i32
      %add3A_1098 = arith.addi %add3A_938, %add3A_1097 : i32
      %add3A_1099 = arith.constant 2 : i32
      %add3A_1100 = arith.addi %add3A_1098, %add3A_1099 : i32
      %lt3A_1101 = arith.constant 208 : i32
      %lt3A_1102 = arith.cmpi slt, %add3A_1100, %lt3A_1101 : i32
      %and3A_1103 = arith.andi %eq3A_1096, %lt3A_1102 : i1
      %convert_element_type3A_1104 = arith.extui %and3A_1103 : i1 to i32
      %cond3A_1105 = arith.constant 0 : i32
      %cond3A_1106 = arith.cmpi ne, %convert_element_type3A_1104, %cond3A_1105 : i32
      scf.if %cond3A_1106 {
        %add3A_2094 = arith.addi %mul3A_0, %add3A_938 : i32
        %add3A_2095 = arith.constant 4 : i32
        %add3A_2096 = arith.addi %add3A_2094, %add3A_2095 : i32
        %add3A_2097 = arith.constant 2 : i32
        %add3A_2098 = arith.addi %add3A_2096, %add3A_2097 : i32
        %shift_right_arithmetic3A = arith.constant 4 : i32
        %shift_right_arithmetic3A_2099 = arith.shrsi %add3A_2098, %shift_right_arithmetic3A : i32
        %and3A_2100 = arith.constant 15 : i32
        %and3A_2101 = arith.andi %add3A_2098, %and3A_2100 : i32
        %dma_wait3A_2102 = arith.constant 0 : i32
        %dma_wait3A_2103 = tpu.memref_slice %arg2[%shift_right_arithmetic3A_2099, %and3A_2101, %dma_wait3A_2102] : memref<26x16x100000xf32, #tpu.memory_space<hbm>> -> memref<1x1x100000xf32, #tpu.memory_space<hbm>>
        %dma_wait3A_2104 = tpu.memref_squeeze %dma_wait3A_2103 : memref<1x1x100000xf32, #tpu.memory_space<hbm>> -> memref<100000xf32, #tpu.memory_space<hbm>>
        tpu.wait_dma2 semaphore(%arg39 : memref<!tpu.dma_semaphore, #tpu.memory_space<semaphore_mem>>) src(%dma_wait3A_2104 : memref<100000xf32, #tpu.memory_space<hbm>>) dst(%arg19 : memref<100000xf32, #tpu.memory_space<vmem_shared>>)
      } else {
      }
      %add3A_1107 = arith.constant 4 : i32
      %add3A_1108 = arith.addi %add3A_938, %add3A_1107 : i32
      %add3A_1109 = arith.constant 3 : i32
      %add3A_1110 = arith.addi %add3A_1108, %add3A_1109 : i32
      %and3A_1111 = arith.constant 15 : i32
      %and3A_1112 = arith.andi %add3A_1110, %and3A_1111 : i32
      %eq3A_1113 = arith.cmpi eq, %arg1, %and3A_1112 : i32
      %add3A_1114 = arith.constant 4 : i32
      %add3A_1115 = arith.addi %add3A_938, %add3A_1114 : i32
      %add3A_1116 = arith.constant 3 : i32
      %add3A_1117 = arith.addi %add3A_1115, %add3A_1116 : i32
      %lt3A_1118 = arith.constant 208 : i32
      %lt3A_1119 = arith.cmpi slt, %add3A_1117, %lt3A_1118 : i32
      %and3A_1120 = arith.andi %eq3A_1113, %lt3A_1119 : i1
      %convert_element_type3A_1121 = arith.extui %and3A_1120 : i1 to i32
      %cond3A_1122 = arith.constant 0 : i32
      %cond3A_1123 = arith.cmpi ne, %convert_element_type3A_1121, %cond3A_1122 : i32
      scf.if %cond3A_1123 {
        %add3A_2094 = arith.addi %mul3A_0, %add3A_938 : i32
        %add3A_2095 = arith.constant 4 : i32
        %add3A_2096 = arith.addi %add3A_2094, %add3A_2095 : i32
        %add3A_2097 = arith.constant 3 : i32
        %add3A_2098 = arith.addi %add3A_2096, %add3A_2097 : i32
        %shift_right_arithmetic3A = arith.constant 4 : i32
        %shift_right_arithmetic3A_2099 = arith.shrsi %add3A_2098, %shift_right_arithmetic3A : i32
        %and3A_2100 = arith.constant 15 : i32
        %and3A_2101 = arith.andi %add3A_2098, %and3A_2100 : i32
        %dma_wait3A_2102 = arith.constant 0 : i32
        %dma_wait3A_2103 = tpu.memref_slice %arg2[%shift_right_arithmetic3A_2099, %and3A_2101, %dma_wait3A_2102] : memref<26x16x100000xf32, #tpu.memory_space<hbm>> -> memref<1x1x100000xf32, #tpu.memory_space<hbm>>
        %dma_wait3A_2104 = tpu.memref_squeeze %dma_wait3A_2103 : memref<1x1x100000xf32, #tpu.memory_space<hbm>> -> memref<100000xf32, #tpu.memory_space<hbm>>
        tpu.wait_dma2 semaphore(%arg39 : memref<!tpu.dma_semaphore, #tpu.memory_space<semaphore_mem>>) src(%dma_wait3A_2104 : memref<100000xf32, #tpu.memory_space<hbm>>) dst(%arg20 : memref<100000xf32, #tpu.memory_space<vmem_shared>>)
      } else {
      }
      %barrier3A_1124 = arith.constant 0 : index
      tpu.barrier barrier_id(%barrier3A_1124)
      %add3A_1125 = arith.constant 12 : i32
      %add3A_1126 = arith.addi %mul3A_556, %add3A_1125 : i32
      %add3A_1127 = arith.constant 8 : i32
      %add3A_1128 = arith.addi %add3A_1126, %add3A_1127 : i32
      %add3A_1129 = arith.constant 0 : i32
      %add3A_1130 = arith.addi %add3A_1128, %add3A_1129 : i32
      %and3A_1131 = arith.constant 15 : i32
      %and3A_1132 = arith.andi %add3A_1130, %and3A_1131 : i32
      %eq3A_1133 = arith.cmpi eq, %arg1, %and3A_1132 : i32
      %add3A_1134 = arith.constant 8 : i32
      %add3A_1135 = arith.addi %add3A_1126, %add3A_1134 : i32
      %add3A_1136 = arith.constant 0 : i32
      %add3A_1137 = arith.addi %add3A_1135, %add3A_1136 : i32
      %lt3A_1138 = arith.constant 208 : i32
      %lt3A_1139 = arith.cmpi slt, %add3A_1137, %lt3A_1138 : i32
      %and3A_1140 = arith.andi %eq3A_1133, %lt3A_1139 : i1
      %convert_element_type3A_1141 = arith.extui %and3A_1140 : i1 to i32
      %cond3A_1142 = arith.constant 0 : i32
      %cond3A_1143 = arith.cmpi ne, %convert_element_type3A_1141, %cond3A_1142 : i32
      scf.if %cond3A_1143 {
        %add3A_2094 = arith.addi %mul3A_0, %add3A_1126 : i32
        %add3A_2095 = arith.constant 8 : i32
        %add3A_2096 = arith.addi %add3A_2094, %add3A_2095 : i32
        %add3A_2097 = arith.constant 0 : i32
        %add3A_2098 = arith.addi %add3A_2096, %add3A_2097 : i32
        %shift_right_arithmetic3A = arith.constant 4 : i32
        %shift_right_arithmetic3A_2099 = arith.shrsi %add3A_2098, %shift_right_arithmetic3A : i32
        %and3A_2100 = arith.constant 15 : i32
        %and3A_2101 = arith.andi %add3A_2098, %and3A_2100 : i32
        %dma_start3A_2102 = arith.constant 0 : i32
        %dma_start3A_2103 = tpu.memref_slice %arg2[%shift_right_arithmetic3A_2099, %and3A_2101, %dma_start3A_2102] : memref<26x16x100000xf32, #tpu.memory_space<hbm>> -> memref<1x1x100000xf32, #tpu.memory_space<hbm>>
        %dma_start3A_2104 = tpu.memref_squeeze %dma_start3A_2103 : memref<1x1x100000xf32, #tpu.memory_space<hbm>> -> memref<100000xf32, #tpu.memory_space<hbm>>
        tpu.enqueue_dma source(%dma_start3A_2104 : memref<100000xf32, #tpu.memory_space<hbm>>) target(%arg9 : memref<100000xf32, #tpu.memory_space<vmem_shared>>) target_semaphore(%arg39 : memref<!tpu.dma_semaphore, #tpu.memory_space<semaphore_mem>>)
      } else {
      }
      %add3A_1144 = arith.constant 8 : i32
      %add3A_1145 = arith.addi %add3A_1126, %add3A_1144 : i32
      %add3A_1146 = arith.constant 1 : i32
      %add3A_1147 = arith.addi %add3A_1145, %add3A_1146 : i32
      %and3A_1148 = arith.constant 15 : i32
      %and3A_1149 = arith.andi %add3A_1147, %and3A_1148 : i32
      %eq3A_1150 = arith.cmpi eq, %arg1, %and3A_1149 : i32
      %add3A_1151 = arith.constant 8 : i32
      %add3A_1152 = arith.addi %add3A_1126, %add3A_1151 : i32
      %add3A_1153 = arith.constant 1 : i32
      %add3A_1154 = arith.addi %add3A_1152, %add3A_1153 : i32
      %lt3A_1155 = arith.constant 208 : i32
      %lt3A_1156 = arith.cmpi slt, %add3A_1154, %lt3A_1155 : i32
      %and3A_1157 = arith.andi %eq3A_1150, %lt3A_1156 : i1
      %convert_element_type3A_1158 = arith.extui %and3A_1157 : i1 to i32
      %cond3A_1159 = arith.constant 0 : i32
      %cond3A_1160 = arith.cmpi ne, %convert_element_type3A_1158, %cond3A_1159 : i32
      scf.if %cond3A_1160 {
        %add3A_2094 = arith.addi %mul3A_0, %add3A_1126 : i32
        %add3A_2095 = arith.constant 8 : i32
        %add3A_2096 = arith.addi %add3A_2094, %add3A_2095 : i32
        %add3A_2097 = arith.constant 1 : i32
        %add3A_2098 = arith.addi %add3A_2096, %add3A_2097 : i32
        %shift_right_arithmetic3A = arith.constant 4 : i32
        %shift_right_arithmetic3A_2099 = arith.shrsi %add3A_2098, %shift_right_arithmetic3A : i32
        %and3A_2100 = arith.constant 15 : i32
        %and3A_2101 = arith.andi %add3A_2098, %and3A_2100 : i32
        %dma_start3A_2102 = arith.constant 0 : i32
        %dma_start3A_2103 = tpu.memref_slice %arg2[%shift_right_arithmetic3A_2099, %and3A_2101, %dma_start3A_2102] : memref<26x16x100000xf32, #tpu.memory_space<hbm>> -> memref<1x1x100000xf32, #tpu.memory_space<hbm>>
        %dma_start3A_2104 = tpu.memref_squeeze %dma_start3A_2103 : memref<1x1x100000xf32, #tpu.memory_space<hbm>> -> memref<100000xf32, #tpu.memory_space<hbm>>
        tpu.enqueue_dma source(%dma_start3A_2104 : memref<100000xf32, #tpu.memory_space<hbm>>) target(%arg10 : memref<100000xf32, #tpu.memory_space<vmem_shared>>) target_semaphore(%arg39 : memref<!tpu.dma_semaphore, #tpu.memory_space<semaphore_mem>>)
      } else {
      }
      %add3A_1161 = arith.constant 8 : i32
      %add3A_1162 = arith.addi %add3A_1126, %add3A_1161 : i32
      %add3A_1163 = arith.constant 2 : i32
      %add3A_1164 = arith.addi %add3A_1162, %add3A_1163 : i32
      %and3A_1165 = arith.constant 15 : i32
      %and3A_1166 = arith.andi %add3A_1164, %and3A_1165 : i32
      %eq3A_1167 = arith.cmpi eq, %arg1, %and3A_1166 : i32
      %add3A_1168 = arith.constant 8 : i32
      %add3A_1169 = arith.addi %add3A_1126, %add3A_1168 : i32
      %add3A_1170 = arith.constant 2 : i32
      %add3A_1171 = arith.addi %add3A_1169, %add3A_1170 : i32
      %lt3A_1172 = arith.constant 208 : i32
      %lt3A_1173 = arith.cmpi slt, %add3A_1171, %lt3A_1172 : i32
      %and3A_1174 = arith.andi %eq3A_1167, %lt3A_1173 : i1
      %convert_element_type3A_1175 = arith.extui %and3A_1174 : i1 to i32
      %cond3A_1176 = arith.constant 0 : i32
      %cond3A_1177 = arith.cmpi ne, %convert_element_type3A_1175, %cond3A_1176 : i32
      scf.if %cond3A_1177 {
        %add3A_2094 = arith.addi %mul3A_0, %add3A_1126 : i32
        %add3A_2095 = arith.constant 8 : i32
        %add3A_2096 = arith.addi %add3A_2094, %add3A_2095 : i32
        %add3A_2097 = arith.constant 2 : i32
        %add3A_2098 = arith.addi %add3A_2096, %add3A_2097 : i32
        %shift_right_arithmetic3A = arith.constant 4 : i32
        %shift_right_arithmetic3A_2099 = arith.shrsi %add3A_2098, %shift_right_arithmetic3A : i32
        %and3A_2100 = arith.constant 15 : i32
        %and3A_2101 = arith.andi %add3A_2098, %and3A_2100 : i32
        %dma_start3A_2102 = arith.constant 0 : i32
        %dma_start3A_2103 = tpu.memref_slice %arg2[%shift_right_arithmetic3A_2099, %and3A_2101, %dma_start3A_2102] : memref<26x16x100000xf32, #tpu.memory_space<hbm>> -> memref<1x1x100000xf32, #tpu.memory_space<hbm>>
        %dma_start3A_2104 = tpu.memref_squeeze %dma_start3A_2103 : memref<1x1x100000xf32, #tpu.memory_space<hbm>> -> memref<100000xf32, #tpu.memory_space<hbm>>
        tpu.enqueue_dma source(%dma_start3A_2104 : memref<100000xf32, #tpu.memory_space<hbm>>) target(%arg11 : memref<100000xf32, #tpu.memory_space<vmem_shared>>) target_semaphore(%arg39 : memref<!tpu.dma_semaphore, #tpu.memory_space<semaphore_mem>>)
      } else {
      }
      %add3A_1178 = arith.constant 8 : i32
      %add3A_1179 = arith.addi %add3A_1126, %add3A_1178 : i32
      %add3A_1180 = arith.constant 3 : i32
      %add3A_1181 = arith.addi %add3A_1179, %add3A_1180 : i32
      %and3A_1182 = arith.constant 15 : i32
      %and3A_1183 = arith.andi %add3A_1181, %and3A_1182 : i32
      %eq3A_1184 = arith.cmpi eq, %arg1, %and3A_1183 : i32
      %add3A_1185 = arith.constant 8 : i32
      %add3A_1186 = arith.addi %add3A_1126, %add3A_1185 : i32
      %add3A_1187 = arith.constant 3 : i32
      %add3A_1188 = arith.addi %add3A_1186, %add3A_1187 : i32
      %lt3A_1189 = arith.constant 208 : i32
      %lt3A_1190 = arith.cmpi slt, %add3A_1188, %lt3A_1189 : i32
      %and3A_1191 = arith.andi %eq3A_1184, %lt3A_1190 : i1
      %convert_element_type3A_1192 = arith.extui %and3A_1191 : i1 to i32
      %cond3A_1193 = arith.constant 0 : i32
      %cond3A_1194 = arith.cmpi ne, %convert_element_type3A_1192, %cond3A_1193 : i32
      scf.if %cond3A_1194 {
        %add3A_2094 = arith.addi %mul3A_0, %add3A_1126 : i32
        %add3A_2095 = arith.constant 8 : i32
        %add3A_2096 = arith.addi %add3A_2094, %add3A_2095 : i32
        %add3A_2097 = arith.constant 3 : i32
        %add3A_2098 = arith.addi %add3A_2096, %add3A_2097 : i32
        %shift_right_arithmetic3A = arith.constant 4 : i32
        %shift_right_arithmetic3A_2099 = arith.shrsi %add3A_2098, %shift_right_arithmetic3A : i32
        %and3A_2100 = arith.constant 15 : i32
        %and3A_2101 = arith.andi %add3A_2098, %and3A_2100 : i32
        %dma_start3A_2102 = arith.constant 0 : i32
        %dma_start3A_2103 = tpu.memref_slice %arg2[%shift_right_arithmetic3A_2099, %and3A_2101, %dma_start3A_2102] : memref<26x16x100000xf32, #tpu.memory_space<hbm>> -> memref<1x1x100000xf32, #tpu.memory_space<hbm>>
        %dma_start3A_2104 = tpu.memref_squeeze %dma_start3A_2103 : memref<1x1x100000xf32, #tpu.memory_space<hbm>> -> memref<100000xf32, #tpu.memory_space<hbm>>
        tpu.enqueue_dma source(%dma_start3A_2104 : memref<100000xf32, #tpu.memory_space<hbm>>) target(%arg12 : memref<100000xf32, #tpu.memory_space<vmem_shared>>) target_semaphore(%arg39 : memref<!tpu.dma_semaphore, #tpu.memory_space<semaphore_mem>>)
      } else {
      }
      %ge3A_1195 = arith.constant 16 : i32
      %ge3A_1196 = arith.cmpi sge, %add3A_1126, %ge3A_1195 : i32
      %convert_element_type3A_1197 = arith.extui %ge3A_1196 : i1 to i32
      %cond3A_1198 = arith.constant 0 : i32
      %cond3A_1199 = arith.cmpi ne, %convert_element_type3A_1197, %cond3A_1198 : i32
      scf.if %cond3A_1199 {
        %add3A_2094 = arith.addi %mul3A_0, %add3A_1126 : i32
        %add3A_2095 = arith.constant 0 : i32
        %add3A_2096 = arith.addi %add3A_2094, %add3A_2095 : i32
        %dma_wait3A_2097 = tpu.memref_slice %arg4[%add3A_2096, %mul3A_4] : memref<416x16384xf32, #tpu.memory_space<hbm>> -> memref<1x1024xf32, #tpu.memory_space<hbm>>
        %dma_wait3A_2098 = tpu.memref_squeeze %dma_wait3A_2097 : memref<1x1024xf32, #tpu.memory_space<hbm>> -> memref<1024xf32, #tpu.memory_space<hbm>>
        %dma_wait3A_2099 = tpu.memref_slice %arg4[%add3A_2096, %mul3A_4] : memref<416x16384xf32, #tpu.memory_space<hbm>> -> memref<1x1024xf32, #tpu.memory_space<hbm>>
        %dma_wait3A_2100 = tpu.memref_squeeze %dma_wait3A_2099 : memref<1x1024xf32, #tpu.memory_space<hbm>> -> memref<1024xf32, #tpu.memory_space<hbm>>
        tpu.wait_dma2 semaphore(%arg42 : memref<!tpu.dma_semaphore, #tpu.memory_space<semaphore_mem>>) src(%arg35 : memref<1024xf32, #tpu.memory_space<vmem>>) dst(%dma_wait3A_2100 : memref<1024xf32, #tpu.memory_space<hbm>>)
        %add3A_2101 = arith.addi %mul3A_0, %add3A_1126 : i32
        %add3A_2102 = arith.constant 1 : i32
        %add3A_2103 = arith.addi %add3A_2101, %add3A_2102 : i32
        %dma_wait3A_2104 = tpu.memref_slice %arg4[%add3A_2103, %mul3A_4] : memref<416x16384xf32, #tpu.memory_space<hbm>> -> memref<1x1024xf32, #tpu.memory_space<hbm>>
        %dma_wait3A_2105 = tpu.memref_squeeze %dma_wait3A_2104 : memref<1x1024xf32, #tpu.memory_space<hbm>> -> memref<1024xf32, #tpu.memory_space<hbm>>
        %dma_wait3A_2106 = tpu.memref_slice %arg4[%add3A_2103, %mul3A_4] : memref<416x16384xf32, #tpu.memory_space<hbm>> -> memref<1x1024xf32, #tpu.memory_space<hbm>>
        %dma_wait3A_2107 = tpu.memref_squeeze %dma_wait3A_2106 : memref<1x1024xf32, #tpu.memory_space<hbm>> -> memref<1024xf32, #tpu.memory_space<hbm>>
        tpu.wait_dma2 semaphore(%arg42 : memref<!tpu.dma_semaphore, #tpu.memory_space<semaphore_mem>>) src(%arg36 : memref<1024xf32, #tpu.memory_space<vmem>>) dst(%dma_wait3A_2107 : memref<1024xf32, #tpu.memory_space<hbm>>)
        %add3A_2108 = arith.addi %mul3A_0, %add3A_1126 : i32
        %add3A_2109 = arith.constant 2 : i32
        %add3A_2110 = arith.addi %add3A_2108, %add3A_2109 : i32
        %dma_wait3A_2111 = tpu.memref_slice %arg4[%add3A_2110, %mul3A_4] : memref<416x16384xf32, #tpu.memory_space<hbm>> -> memref<1x1024xf32, #tpu.memory_space<hbm>>
        %dma_wait3A_2112 = tpu.memref_squeeze %dma_wait3A_2111 : memref<1x1024xf32, #tpu.memory_space<hbm>> -> memref<1024xf32, #tpu.memory_space<hbm>>
        %dma_wait3A_2113 = tpu.memref_slice %arg4[%add3A_2110, %mul3A_4] : memref<416x16384xf32, #tpu.memory_space<hbm>> -> memref<1x1024xf32, #tpu.memory_space<hbm>>
        %dma_wait3A_2114 = tpu.memref_squeeze %dma_wait3A_2113 : memref<1x1024xf32, #tpu.memory_space<hbm>> -> memref<1024xf32, #tpu.memory_space<hbm>>
        tpu.wait_dma2 semaphore(%arg42 : memref<!tpu.dma_semaphore, #tpu.memory_space<semaphore_mem>>) src(%arg37 : memref<1024xf32, #tpu.memory_space<vmem>>) dst(%dma_wait3A_2114 : memref<1024xf32, #tpu.memory_space<hbm>>)
        %add3A_2115 = arith.addi %mul3A_0, %add3A_1126 : i32
        %add3A_2116 = arith.constant 3 : i32
        %add3A_2117 = arith.addi %add3A_2115, %add3A_2116 : i32
        %dma_wait3A_2118 = tpu.memref_slice %arg4[%add3A_2117, %mul3A_4] : memref<416x16384xf32, #tpu.memory_space<hbm>> -> memref<1x1024xf32, #tpu.memory_space<hbm>>
        %dma_wait3A_2119 = tpu.memref_squeeze %dma_wait3A_2118 : memref<1x1024xf32, #tpu.memory_space<hbm>> -> memref<1024xf32, #tpu.memory_space<hbm>>
        %dma_wait3A_2120 = tpu.memref_slice %arg4[%add3A_2117, %mul3A_4] : memref<416x16384xf32, #tpu.memory_space<hbm>> -> memref<1x1024xf32, #tpu.memory_space<hbm>>
        %dma_wait3A_2121 = tpu.memref_squeeze %dma_wait3A_2120 : memref<1x1024xf32, #tpu.memory_space<hbm>> -> memref<1024xf32, #tpu.memory_space<hbm>>
        tpu.wait_dma2 semaphore(%arg42 : memref<!tpu.dma_semaphore, #tpu.memory_space<semaphore_mem>>) src(%arg38 : memref<1024xf32, #tpu.memory_space<vmem>>) dst(%dma_wait3A_2121 : memref<1024xf32, #tpu.memory_space<hbm>>)
      } else {
      }
      %dma_start3A_1200 = arith.constant 0 : i32
      %dma_start3A_1201 = tpu.memref_slice %arg17[%dma_start3A_1200] : memref<100000xf32, #tpu.memory_space<vmem_shared>> -> memref<100000xf32, #tpu.memory_space<vmem_shared>>
      tpu.enqueue_indirect_dma source(%dma_start3A_1201 : memref<100000xf32, #tpu.memory_space<vmem_shared>>) target(%arg35 : memref<1024xf32, #tpu.memory_space<vmem>>) offsets(%arg21 : memref<1024xi32, #tpu.memory_space<vmem>>) semaphore(%arg41 : memref<!tpu.dma_semaphore, #tpu.memory_space<semaphore_mem>>)
      %dma_start3A_1202 = arith.constant 0 : i32
      %dma_start3A_1203 = tpu.memref_slice %arg18[%dma_start3A_1202] : memref<100000xf32, #tpu.memory_space<vmem_shared>> -> memref<100000xf32, #tpu.memory_space<vmem_shared>>
      tpu.enqueue_indirect_dma source(%dma_start3A_1203 : memref<100000xf32, #tpu.memory_space<vmem_shared>>) target(%arg36 : memref<1024xf32, #tpu.memory_space<vmem>>) offsets(%arg21 : memref<1024xi32, #tpu.memory_space<vmem>>) semaphore(%arg41 : memref<!tpu.dma_semaphore, #tpu.memory_space<semaphore_mem>>)
      %dma_start3A_1204 = arith.constant 0 : i32
      %dma_start3A_1205 = tpu.memref_slice %arg19[%dma_start3A_1204] : memref<100000xf32, #tpu.memory_space<vmem_shared>> -> memref<100000xf32, #tpu.memory_space<vmem_shared>>
      tpu.enqueue_indirect_dma source(%dma_start3A_1205 : memref<100000xf32, #tpu.memory_space<vmem_shared>>) target(%arg37 : memref<1024xf32, #tpu.memory_space<vmem>>) offsets(%arg21 : memref<1024xi32, #tpu.memory_space<vmem>>) semaphore(%arg41 : memref<!tpu.dma_semaphore, #tpu.memory_space<semaphore_mem>>)
      %dma_start3A_1206 = arith.constant 0 : i32
      %dma_start3A_1207 = tpu.memref_slice %arg20[%dma_start3A_1206] : memref<100000xf32, #tpu.memory_space<vmem_shared>> -> memref<100000xf32, #tpu.memory_space<vmem_shared>>
      tpu.enqueue_indirect_dma source(%dma_start3A_1207 : memref<100000xf32, #tpu.memory_space<vmem_shared>>) target(%arg38 : memref<1024xf32, #tpu.memory_space<vmem>>) offsets(%arg21 : memref<1024xi32, #tpu.memory_space<vmem>>) semaphore(%arg41 : memref<!tpu.dma_semaphore, #tpu.memory_space<semaphore_mem>>)
      %dma_wait3A_1208 = arith.constant 0 : i32
      %dma_wait3A_1209 = tpu.memref_slice %arg17[%dma_wait3A_1208] : memref<100000xf32, #tpu.memory_space<vmem_shared>> -> memref<100000xf32, #tpu.memory_space<vmem_shared>>
      tpu.wait_indirect_dma semaphore(%arg41 : memref<!tpu.dma_semaphore, #tpu.memory_space<semaphore_mem>>) src(%dma_wait3A_1209 : memref<100000xf32, #tpu.memory_space<vmem_shared>>) dst(%arg35 : memref<1024xf32, #tpu.memory_space<vmem>>)
      %dma_wait3A_1210 = arith.constant 0 : i32
      %dma_wait3A_1211 = tpu.memref_slice %arg18[%dma_wait3A_1210] : memref<100000xf32, #tpu.memory_space<vmem_shared>> -> memref<100000xf32, #tpu.memory_space<vmem_shared>>
      tpu.wait_indirect_dma semaphore(%arg41 : memref<!tpu.dma_semaphore, #tpu.memory_space<semaphore_mem>>) src(%dma_wait3A_1211 : memref<100000xf32, #tpu.memory_space<vmem_shared>>) dst(%arg36 : memref<1024xf32, #tpu.memory_space<vmem>>)
      %dma_wait3A_1212 = arith.constant 0 : i32
      %dma_wait3A_1213 = tpu.memref_slice %arg19[%dma_wait3A_1212] : memref<100000xf32, #tpu.memory_space<vmem_shared>> -> memref<100000xf32, #tpu.memory_space<vmem_shared>>
      tpu.wait_indirect_dma semaphore(%arg41 : memref<!tpu.dma_semaphore, #tpu.memory_space<semaphore_mem>>) src(%dma_wait3A_1213 : memref<100000xf32, #tpu.memory_space<vmem_shared>>) dst(%arg37 : memref<1024xf32, #tpu.memory_space<vmem>>)
      %dma_wait3A_1214 = arith.constant 0 : i32
      %dma_wait3A_1215 = tpu.memref_slice %arg20[%dma_wait3A_1214] : memref<100000xf32, #tpu.memory_space<vmem_shared>> -> memref<100000xf32, #tpu.memory_space<vmem_shared>>
      tpu.wait_indirect_dma semaphore(%arg41 : memref<!tpu.dma_semaphore, #tpu.memory_space<semaphore_mem>>) src(%dma_wait3A_1215 : memref<100000xf32, #tpu.memory_space<vmem_shared>>) dst(%arg38 : memref<1024xf32, #tpu.memory_space<vmem>>)
      %add3A_1216 = arith.addi %mul3A_0, %add3A_1126 : i32
      %add3A_1217 = arith.constant 0 : i32
      %add3A_1218 = arith.addi %add3A_1216, %add3A_1217 : i32
      %dma_start3A_1219 = tpu.memref_slice %arg4[%add3A_1218, %mul3A_4] : memref<416x16384xf32, #tpu.memory_space<hbm>> -> memref<1x1024xf32, #tpu.memory_space<hbm>>
      %dma_start3A_1220 = tpu.memref_squeeze %dma_start3A_1219 : memref<1x1024xf32, #tpu.memory_space<hbm>> -> memref<1024xf32, #tpu.memory_space<hbm>>
      %dma_start3A_1221 = tpu.memref_slice %arg4[%add3A_1218, %mul3A_4] : memref<416x16384xf32, #tpu.memory_space<hbm>> -> memref<1x1024xf32, #tpu.memory_space<hbm>>
      %dma_start3A_1222 = tpu.memref_squeeze %dma_start3A_1221 : memref<1x1024xf32, #tpu.memory_space<hbm>> -> memref<1024xf32, #tpu.memory_space<hbm>>
      tpu.enqueue_dma source(%arg35 : memref<1024xf32, #tpu.memory_space<vmem>>) target(%dma_start3A_1222 : memref<1024xf32, #tpu.memory_space<hbm>>) target_semaphore(%arg42 : memref<!tpu.dma_semaphore, #tpu.memory_space<semaphore_mem>>)
      %add3A_1223 = arith.addi %mul3A_0, %add3A_1126 : i32
      %add3A_1224 = arith.constant 1 : i32
      %add3A_1225 = arith.addi %add3A_1223, %add3A_1224 : i32
      %dma_start3A_1226 = tpu.memref_slice %arg4[%add3A_1225, %mul3A_4] : memref<416x16384xf32, #tpu.memory_space<hbm>> -> memref<1x1024xf32, #tpu.memory_space<hbm>>
      %dma_start3A_1227 = tpu.memref_squeeze %dma_start3A_1226 : memref<1x1024xf32, #tpu.memory_space<hbm>> -> memref<1024xf32, #tpu.memory_space<hbm>>
      %dma_start3A_1228 = tpu.memref_slice %arg4[%add3A_1225, %mul3A_4] : memref<416x16384xf32, #tpu.memory_space<hbm>> -> memref<1x1024xf32, #tpu.memory_space<hbm>>
      %dma_start3A_1229 = tpu.memref_squeeze %dma_start3A_1228 : memref<1x1024xf32, #tpu.memory_space<hbm>> -> memref<1024xf32, #tpu.memory_space<hbm>>
      tpu.enqueue_dma source(%arg36 : memref<1024xf32, #tpu.memory_space<vmem>>) target(%dma_start3A_1229 : memref<1024xf32, #tpu.memory_space<hbm>>) target_semaphore(%arg42 : memref<!tpu.dma_semaphore, #tpu.memory_space<semaphore_mem>>)
      %add3A_1230 = arith.addi %mul3A_0, %add3A_1126 : i32
      %add3A_1231 = arith.constant 2 : i32
      %add3A_1232 = arith.addi %add3A_1230, %add3A_1231 : i32
      %dma_start3A_1233 = tpu.memref_slice %arg4[%add3A_1232, %mul3A_4] : memref<416x16384xf32, #tpu.memory_space<hbm>> -> memref<1x1024xf32, #tpu.memory_space<hbm>>
      %dma_start3A_1234 = tpu.memref_squeeze %dma_start3A_1233 : memref<1x1024xf32, #tpu.memory_space<hbm>> -> memref<1024xf32, #tpu.memory_space<hbm>>
      %dma_start3A_1235 = tpu.memref_slice %arg4[%add3A_1232, %mul3A_4] : memref<416x16384xf32, #tpu.memory_space<hbm>> -> memref<1x1024xf32, #tpu.memory_space<hbm>>
      %dma_start3A_1236 = tpu.memref_squeeze %dma_start3A_1235 : memref<1x1024xf32, #tpu.memory_space<hbm>> -> memref<1024xf32, #tpu.memory_space<hbm>>
      tpu.enqueue_dma source(%arg37 : memref<1024xf32, #tpu.memory_space<vmem>>) target(%dma_start3A_1236 : memref<1024xf32, #tpu.memory_space<hbm>>) target_semaphore(%arg42 : memref<!tpu.dma_semaphore, #tpu.memory_space<semaphore_mem>>)
      %add3A_1237 = arith.addi %mul3A_0, %add3A_1126 : i32
      %add3A_1238 = arith.constant 3 : i32
      %add3A_1239 = arith.addi %add3A_1237, %add3A_1238 : i32
      %dma_start3A_1240 = tpu.memref_slice %arg4[%add3A_1239, %mul3A_4] : memref<416x16384xf32, #tpu.memory_space<hbm>> -> memref<1x1024xf32, #tpu.memory_space<hbm>>
      %dma_start3A_1241 = tpu.memref_squeeze %dma_start3A_1240 : memref<1x1024xf32, #tpu.memory_space<hbm>> -> memref<1024xf32, #tpu.memory_space<hbm>>
      %dma_start3A_1242 = tpu.memref_slice %arg4[%add3A_1239, %mul3A_4] : memref<416x16384xf32, #tpu.memory_space<hbm>> -> memref<1x1024xf32, #tpu.memory_space<hbm>>
      %dma_start3A_1243 = tpu.memref_squeeze %dma_start3A_1242 : memref<1x1024xf32, #tpu.memory_space<hbm>> -> memref<1024xf32, #tpu.memory_space<hbm>>
      tpu.enqueue_dma source(%arg38 : memref<1024xf32, #tpu.memory_space<vmem>>) target(%dma_start3A_1243 : memref<1024xf32, #tpu.memory_space<hbm>>) target_semaphore(%arg42 : memref<!tpu.dma_semaphore, #tpu.memory_space<semaphore_mem>>)
      %add3A_1244 = arith.constant 1 : i32
      %add3A_1245 = arith.addi %mul3A_554, %add3A_1244 : i32
      %lt3A_1246 = arith.constant 13 : i32
      %lt3A_1247 = arith.cmpi slt, %add3A_1245, %lt3A_1246 : i32
      %convert_element_type3A_1248 = arith.extui %lt3A_1247 : i1 to i32
      %cond3A_1249 = arith.constant 0 : i32
      %cond3A_1250 = arith.cmpi ne, %convert_element_type3A_1248, %cond3A_1249 : i32
      scf.if %cond3A_1250 {
        %add3A_2094 = arith.addi %mul3A_2, %mul3A_554 : i32
        %add3A_2095 = arith.constant 1 : i32
        %add3A_2096 = arith.addi %add3A_2094, %add3A_2095 : i32
        %dma_wait3A_2097 = tpu.memref_slice %arg3[%add3A_2096, %mul3A_4] : memref<26x16384xi32, #tpu.memory_space<hbm>> -> memref<1x1024xi32, #tpu.memory_space<hbm>>
        %dma_wait3A_2098 = tpu.memref_squeeze %dma_wait3A_2097 : memref<1x1024xi32, #tpu.memory_space<hbm>> -> memref<1024xi32, #tpu.memory_space<hbm>>
        %dma_wait3A_2099 = tpu.memref_slice %arg3[%add3A_2096, %mul3A_4] : memref<26x16384xi32, #tpu.memory_space<hbm>> -> memref<1x1024xi32, #tpu.memory_space<hbm>>
        %dma_wait3A_2100 = tpu.memref_squeeze %dma_wait3A_2099 : memref<1x1024xi32, #tpu.memory_space<hbm>> -> memref<1024xi32, #tpu.memory_space<hbm>>
        tpu.wait_dma2 semaphore(%arg40 : memref<!tpu.dma_semaphore, #tpu.memory_space<semaphore_mem>>) src(%dma_wait3A_2100 : memref<1024xi32, #tpu.memory_space<hbm>>) dst(%arg22 : memref<1024xi32, #tpu.memory_space<vmem>>)
      } else {
      }
      %add3A_1251 = arith.constant 4 : i32
      %add3A_1252 = arith.addi %add3A_1126, %add3A_1251 : i32
      %add3A_1253 = arith.constant 0 : i32
      %add3A_1254 = arith.addi %add3A_1252, %add3A_1253 : i32
      %and3A_1255 = arith.constant 15 : i32
      %and3A_1256 = arith.andi %add3A_1254, %and3A_1255 : i32
      %eq3A_1257 = arith.cmpi eq, %arg1, %and3A_1256 : i32
      %add3A_1258 = arith.constant 4 : i32
      %add3A_1259 = arith.addi %add3A_1126, %add3A_1258 : i32
      %add3A_1260 = arith.constant 0 : i32
      %add3A_1261 = arith.addi %add3A_1259, %add3A_1260 : i32
      %lt3A_1262 = arith.constant 208 : i32
      %lt3A_1263 = arith.cmpi slt, %add3A_1261, %lt3A_1262 : i32
      %and3A_1264 = arith.andi %eq3A_1257, %lt3A_1263 : i1
      %convert_element_type3A_1265 = arith.extui %and3A_1264 : i1 to i32
      %cond3A_1266 = arith.constant 0 : i32
      %cond3A_1267 = arith.cmpi ne, %convert_element_type3A_1265, %cond3A_1266 : i32
      scf.if %cond3A_1267 {
        %add3A_2094 = arith.addi %mul3A_0, %add3A_1126 : i32
        %add3A_2095 = arith.constant 4 : i32
        %add3A_2096 = arith.addi %add3A_2094, %add3A_2095 : i32
        %add3A_2097 = arith.constant 0 : i32
        %add3A_2098 = arith.addi %add3A_2096, %add3A_2097 : i32
        %shift_right_arithmetic3A = arith.constant 4 : i32
        %shift_right_arithmetic3A_2099 = arith.shrsi %add3A_2098, %shift_right_arithmetic3A : i32
        %and3A_2100 = arith.constant 15 : i32
        %and3A_2101 = arith.andi %add3A_2098, %and3A_2100 : i32
        %dma_wait3A_2102 = arith.constant 0 : i32
        %dma_wait3A_2103 = tpu.memref_slice %arg2[%shift_right_arithmetic3A_2099, %and3A_2101, %dma_wait3A_2102] : memref<26x16x100000xf32, #tpu.memory_space<hbm>> -> memref<1x1x100000xf32, #tpu.memory_space<hbm>>
        %dma_wait3A_2104 = tpu.memref_squeeze %dma_wait3A_2103 : memref<1x1x100000xf32, #tpu.memory_space<hbm>> -> memref<100000xf32, #tpu.memory_space<hbm>>
        tpu.wait_dma2 semaphore(%arg39 : memref<!tpu.dma_semaphore, #tpu.memory_space<semaphore_mem>>) src(%dma_wait3A_2104 : memref<100000xf32, #tpu.memory_space<hbm>>) dst(%arg5 : memref<100000xf32, #tpu.memory_space<vmem_shared>>)
      } else {
      }
      %add3A_1268 = arith.constant 4 : i32
      %add3A_1269 = arith.addi %add3A_1126, %add3A_1268 : i32
      %add3A_1270 = arith.constant 1 : i32
      %add3A_1271 = arith.addi %add3A_1269, %add3A_1270 : i32
      %and3A_1272 = arith.constant 15 : i32
      %and3A_1273 = arith.andi %add3A_1271, %and3A_1272 : i32
      %eq3A_1274 = arith.cmpi eq, %arg1, %and3A_1273 : i32
      %add3A_1275 = arith.constant 4 : i32
      %add3A_1276 = arith.addi %add3A_1126, %add3A_1275 : i32
      %add3A_1277 = arith.constant 1 : i32
      %add3A_1278 = arith.addi %add3A_1276, %add3A_1277 : i32
      %lt3A_1279 = arith.constant 208 : i32
      %lt3A_1280 = arith.cmpi slt, %add3A_1278, %lt3A_1279 : i32
      %and3A_1281 = arith.andi %eq3A_1274, %lt3A_1280 : i1
      %convert_element_type3A_1282 = arith.extui %and3A_1281 : i1 to i32
      %cond3A_1283 = arith.constant 0 : i32
      %cond3A_1284 = arith.cmpi ne, %convert_element_type3A_1282, %cond3A_1283 : i32
      scf.if %cond3A_1284 {
        %add3A_2094 = arith.addi %mul3A_0, %add3A_1126 : i32
        %add3A_2095 = arith.constant 4 : i32
        %add3A_2096 = arith.addi %add3A_2094, %add3A_2095 : i32
        %add3A_2097 = arith.constant 1 : i32
        %add3A_2098 = arith.addi %add3A_2096, %add3A_2097 : i32
        %shift_right_arithmetic3A = arith.constant 4 : i32
        %shift_right_arithmetic3A_2099 = arith.shrsi %add3A_2098, %shift_right_arithmetic3A : i32
        %and3A_2100 = arith.constant 15 : i32
        %and3A_2101 = arith.andi %add3A_2098, %and3A_2100 : i32
        %dma_wait3A_2102 = arith.constant 0 : i32
        %dma_wait3A_2103 = tpu.memref_slice %arg2[%shift_right_arithmetic3A_2099, %and3A_2101, %dma_wait3A_2102] : memref<26x16x100000xf32, #tpu.memory_space<hbm>> -> memref<1x1x100000xf32, #tpu.memory_space<hbm>>
        %dma_wait3A_2104 = tpu.memref_squeeze %dma_wait3A_2103 : memref<1x1x100000xf32, #tpu.memory_space<hbm>> -> memref<100000xf32, #tpu.memory_space<hbm>>
        tpu.wait_dma2 semaphore(%arg39 : memref<!tpu.dma_semaphore, #tpu.memory_space<semaphore_mem>>) src(%dma_wait3A_2104 : memref<100000xf32, #tpu.memory_space<hbm>>) dst(%arg6 : memref<100000xf32, #tpu.memory_space<vmem_shared>>)
      } else {
      }
      %add3A_1285 = arith.constant 4 : i32
      %add3A_1286 = arith.addi %add3A_1126, %add3A_1285 : i32
      %add3A_1287 = arith.constant 2 : i32
      %add3A_1288 = arith.addi %add3A_1286, %add3A_1287 : i32
      %and3A_1289 = arith.constant 15 : i32
      %and3A_1290 = arith.andi %add3A_1288, %and3A_1289 : i32
      %eq3A_1291 = arith.cmpi eq, %arg1, %and3A_1290 : i32
      %add3A_1292 = arith.constant 4 : i32
      %add3A_1293 = arith.addi %add3A_1126, %add3A_1292 : i32
      %add3A_1294 = arith.constant 2 : i32
      %add3A_1295 = arith.addi %add3A_1293, %add3A_1294 : i32
      %lt3A_1296 = arith.constant 208 : i32
      %lt3A_1297 = arith.cmpi slt, %add3A_1295, %lt3A_1296 : i32
      %and3A_1298 = arith.andi %eq3A_1291, %lt3A_1297 : i1
      %convert_element_type3A_1299 = arith.extui %and3A_1298 : i1 to i32
      %cond3A_1300 = arith.constant 0 : i32
      %cond3A_1301 = arith.cmpi ne, %convert_element_type3A_1299, %cond3A_1300 : i32
      scf.if %cond3A_1301 {
        %add3A_2094 = arith.addi %mul3A_0, %add3A_1126 : i32
        %add3A_2095 = arith.constant 4 : i32
        %add3A_2096 = arith.addi %add3A_2094, %add3A_2095 : i32
        %add3A_2097 = arith.constant 2 : i32
        %add3A_2098 = arith.addi %add3A_2096, %add3A_2097 : i32
        %shift_right_arithmetic3A = arith.constant 4 : i32
        %shift_right_arithmetic3A_2099 = arith.shrsi %add3A_2098, %shift_right_arithmetic3A : i32
        %and3A_2100 = arith.constant 15 : i32
        %and3A_2101 = arith.andi %add3A_2098, %and3A_2100 : i32
        %dma_wait3A_2102 = arith.constant 0 : i32
        %dma_wait3A_2103 = tpu.memref_slice %arg2[%shift_right_arithmetic3A_2099, %and3A_2101, %dma_wait3A_2102] : memref<26x16x100000xf32, #tpu.memory_space<hbm>> -> memref<1x1x100000xf32, #tpu.memory_space<hbm>>
        %dma_wait3A_2104 = tpu.memref_squeeze %dma_wait3A_2103 : memref<1x1x100000xf32, #tpu.memory_space<hbm>> -> memref<100000xf32, #tpu.memory_space<hbm>>
        tpu.wait_dma2 semaphore(%arg39 : memref<!tpu.dma_semaphore, #tpu.memory_space<semaphore_mem>>) src(%dma_wait3A_2104 : memref<100000xf32, #tpu.memory_space<hbm>>) dst(%arg7 : memref<100000xf32, #tpu.memory_space<vmem_shared>>)
      } else {
      }
      %add3A_1302 = arith.constant 4 : i32
      %add3A_1303 = arith.addi %add3A_1126, %add3A_1302 : i32
      %add3A_1304 = arith.constant 3 : i32
      %add3A_1305 = arith.addi %add3A_1303, %add3A_1304 : i32
      %and3A_1306 = arith.constant 15 : i32
      %and3A_1307 = arith.andi %add3A_1305, %and3A_1306 : i32
      %eq3A_1308 = arith.cmpi eq, %arg1, %and3A_1307 : i32
      %add3A_1309 = arith.constant 4 : i32
      %add3A_1310 = arith.addi %add3A_1126, %add3A_1309 : i32
      %add3A_1311 = arith.constant 3 : i32
      %add3A_1312 = arith.addi %add3A_1310, %add3A_1311 : i32
      %lt3A_1313 = arith.constant 208 : i32
      %lt3A_1314 = arith.cmpi slt, %add3A_1312, %lt3A_1313 : i32
      %and3A_1315 = arith.andi %eq3A_1308, %lt3A_1314 : i1
      %convert_element_type3A_1316 = arith.extui %and3A_1315 : i1 to i32
      %cond3A_1317 = arith.constant 0 : i32
      %cond3A_1318 = arith.cmpi ne, %convert_element_type3A_1316, %cond3A_1317 : i32
      scf.if %cond3A_1318 {
        %add3A_2094 = arith.addi %mul3A_0, %add3A_1126 : i32
        %add3A_2095 = arith.constant 4 : i32
        %add3A_2096 = arith.addi %add3A_2094, %add3A_2095 : i32
        %add3A_2097 = arith.constant 3 : i32
        %add3A_2098 = arith.addi %add3A_2096, %add3A_2097 : i32
        %shift_right_arithmetic3A = arith.constant 4 : i32
        %shift_right_arithmetic3A_2099 = arith.shrsi %add3A_2098, %shift_right_arithmetic3A : i32
        %and3A_2100 = arith.constant 15 : i32
        %and3A_2101 = arith.andi %add3A_2098, %and3A_2100 : i32
        %dma_wait3A_2102 = arith.constant 0 : i32
        %dma_wait3A_2103 = tpu.memref_slice %arg2[%shift_right_arithmetic3A_2099, %and3A_2101, %dma_wait3A_2102] : memref<26x16x100000xf32, #tpu.memory_space<hbm>> -> memref<1x1x100000xf32, #tpu.memory_space<hbm>>
        %dma_wait3A_2104 = tpu.memref_squeeze %dma_wait3A_2103 : memref<1x1x100000xf32, #tpu.memory_space<hbm>> -> memref<100000xf32, #tpu.memory_space<hbm>>
        tpu.wait_dma2 semaphore(%arg39 : memref<!tpu.dma_semaphore, #tpu.memory_space<semaphore_mem>>) src(%dma_wait3A_2104 : memref<100000xf32, #tpu.memory_space<hbm>>) dst(%arg8 : memref<100000xf32, #tpu.memory_space<vmem_shared>>)
      } else {
      }
      %barrier3A_1319 = arith.constant 0 : index
      tpu.barrier barrier_id(%barrier3A_1319)
      %mul3A_1320 = arith.constant 2 : i32
      %mul3A_1321 = arith.muli %mul3A_1320, %scan3A_552 : i32
      %add3A_1322 = arith.constant 1 : i32
      %add3A_1323 = arith.addi %mul3A_1321, %add3A_1322 : i32
      %mul3A_1324 = arith.constant 32 : i32
      %mul3A_1325 = arith.muli %mul3A_1324, %scan3A_552 : i32
      %add3A_1326 = arith.constant 16 : i32
      %add3A_1327 = arith.addi %mul3A_1325, %add3A_1326 : i32
      %add3A_1328 = arith.constant 0 : i32
      %add3A_1329 = arith.addi %add3A_1327, %add3A_1328 : i32
      %add3A_1330 = arith.constant 8 : i32
      %add3A_1331 = arith.addi %add3A_1329, %add3A_1330 : i32
      %add3A_1332 = arith.constant 0 : i32
      %add3A_1333 = arith.addi %add3A_1331, %add3A_1332 : i32
      %and3A_1334 = arith.constant 15 : i32
      %and3A_1335 = arith.andi %add3A_1333, %and3A_1334 : i32
      %eq3A_1336 = arith.cmpi eq, %arg1, %and3A_1335 : i32
      %add3A_1337 = arith.constant 8 : i32
      %add3A_1338 = arith.addi %add3A_1329, %add3A_1337 : i32
      %add3A_1339 = arith.constant 0 : i32
      %add3A_1340 = arith.addi %add3A_1338, %add3A_1339 : i32
      %lt3A_1341 = arith.constant 208 : i32
      %lt3A_1342 = arith.cmpi slt, %add3A_1340, %lt3A_1341 : i32
      %and3A_1343 = arith.andi %eq3A_1336, %lt3A_1342 : i1
      %convert_element_type3A_1344 = arith.extui %and3A_1343 : i1 to i32
      %cond3A_1345 = arith.constant 0 : i32
      %cond3A_1346 = arith.cmpi ne, %convert_element_type3A_1344, %cond3A_1345 : i32
      scf.if %cond3A_1346 {
        %add3A_2094 = arith.addi %mul3A_0, %add3A_1329 : i32
        %add3A_2095 = arith.constant 8 : i32
        %add3A_2096 = arith.addi %add3A_2094, %add3A_2095 : i32
        %add3A_2097 = arith.constant 0 : i32
        %add3A_2098 = arith.addi %add3A_2096, %add3A_2097 : i32
        %shift_right_arithmetic3A = arith.constant 4 : i32
        %shift_right_arithmetic3A_2099 = arith.shrsi %add3A_2098, %shift_right_arithmetic3A : i32
        %and3A_2100 = arith.constant 15 : i32
        %and3A_2101 = arith.andi %add3A_2098, %and3A_2100 : i32
        %dma_start3A_2102 = arith.constant 0 : i32
        %dma_start3A_2103 = tpu.memref_slice %arg2[%shift_right_arithmetic3A_2099, %and3A_2101, %dma_start3A_2102] : memref<26x16x100000xf32, #tpu.memory_space<hbm>> -> memref<1x1x100000xf32, #tpu.memory_space<hbm>>
        %dma_start3A_2104 = tpu.memref_squeeze %dma_start3A_2103 : memref<1x1x100000xf32, #tpu.memory_space<hbm>> -> memref<100000xf32, #tpu.memory_space<hbm>>
        tpu.enqueue_dma source(%dma_start3A_2104 : memref<100000xf32, #tpu.memory_space<hbm>>) target(%arg13 : memref<100000xf32, #tpu.memory_space<vmem_shared>>) target_semaphore(%arg39 : memref<!tpu.dma_semaphore, #tpu.memory_space<semaphore_mem>>)
      } else {
      }
      %add3A_1347 = arith.constant 8 : i32
      %add3A_1348 = arith.addi %add3A_1329, %add3A_1347 : i32
      %add3A_1349 = arith.constant 1 : i32
      %add3A_1350 = arith.addi %add3A_1348, %add3A_1349 : i32
      %and3A_1351 = arith.constant 15 : i32
      %and3A_1352 = arith.andi %add3A_1350, %and3A_1351 : i32
      %eq3A_1353 = arith.cmpi eq, %arg1, %and3A_1352 : i32
      %add3A_1354 = arith.constant 8 : i32
      %add3A_1355 = arith.addi %add3A_1329, %add3A_1354 : i32
      %add3A_1356 = arith.constant 1 : i32
      %add3A_1357 = arith.addi %add3A_1355, %add3A_1356 : i32
      %lt3A_1358 = arith.constant 208 : i32
      %lt3A_1359 = arith.cmpi slt, %add3A_1357, %lt3A_1358 : i32
      %and3A_1360 = arith.andi %eq3A_1353, %lt3A_1359 : i1
      %convert_element_type3A_1361 = arith.extui %and3A_1360 : i1 to i32
      %cond3A_1362 = arith.constant 0 : i32
      %cond3A_1363 = arith.cmpi ne, %convert_element_type3A_1361, %cond3A_1362 : i32
      scf.if %cond3A_1363 {
        %add3A_2094 = arith.addi %mul3A_0, %add3A_1329 : i32
        %add3A_2095 = arith.constant 8 : i32
        %add3A_2096 = arith.addi %add3A_2094, %add3A_2095 : i32
        %add3A_2097 = arith.constant 1 : i32
        %add3A_2098 = arith.addi %add3A_2096, %add3A_2097 : i32
        %shift_right_arithmetic3A = arith.constant 4 : i32
        %shift_right_arithmetic3A_2099 = arith.shrsi %add3A_2098, %shift_right_arithmetic3A : i32
        %and3A_2100 = arith.constant 15 : i32
        %and3A_2101 = arith.andi %add3A_2098, %and3A_2100 : i32
        %dma_start3A_2102 = arith.constant 0 : i32
        %dma_start3A_2103 = tpu.memref_slice %arg2[%shift_right_arithmetic3A_2099, %and3A_2101, %dma_start3A_2102] : memref<26x16x100000xf32, #tpu.memory_space<hbm>> -> memref<1x1x100000xf32, #tpu.memory_space<hbm>>
        %dma_start3A_2104 = tpu.memref_squeeze %dma_start3A_2103 : memref<1x1x100000xf32, #tpu.memory_space<hbm>> -> memref<100000xf32, #tpu.memory_space<hbm>>
        tpu.enqueue_dma source(%dma_start3A_2104 : memref<100000xf32, #tpu.memory_space<hbm>>) target(%arg14 : memref<100000xf32, #tpu.memory_space<vmem_shared>>) target_semaphore(%arg39 : memref<!tpu.dma_semaphore, #tpu.memory_space<semaphore_mem>>)
      } else {
      }
      %add3A_1364 = arith.constant 8 : i32
      %add3A_1365 = arith.addi %add3A_1329, %add3A_1364 : i32
      %add3A_1366 = arith.constant 2 : i32
      %add3A_1367 = arith.addi %add3A_1365, %add3A_1366 : i32
      %and3A_1368 = arith.constant 15 : i32
      %and3A_1369 = arith.andi %add3A_1367, %and3A_1368 : i32
      %eq3A_1370 = arith.cmpi eq, %arg1, %and3A_1369 : i32
      %add3A_1371 = arith.constant 8 : i32
      %add3A_1372 = arith.addi %add3A_1329, %add3A_1371 : i32
      %add3A_1373 = arith.constant 2 : i32
      %add3A_1374 = arith.addi %add3A_1372, %add3A_1373 : i32
      %lt3A_1375 = arith.constant 208 : i32
      %lt3A_1376 = arith.cmpi slt, %add3A_1374, %lt3A_1375 : i32
      %and3A_1377 = arith.andi %eq3A_1370, %lt3A_1376 : i1
      %convert_element_type3A_1378 = arith.extui %and3A_1377 : i1 to i32
      %cond3A_1379 = arith.constant 0 : i32
      %cond3A_1380 = arith.cmpi ne, %convert_element_type3A_1378, %cond3A_1379 : i32
      scf.if %cond3A_1380 {
        %add3A_2094 = arith.addi %mul3A_0, %add3A_1329 : i32
        %add3A_2095 = arith.constant 8 : i32
        %add3A_2096 = arith.addi %add3A_2094, %add3A_2095 : i32
        %add3A_2097 = arith.constant 2 : i32
        %add3A_2098 = arith.addi %add3A_2096, %add3A_2097 : i32
        %shift_right_arithmetic3A = arith.constant 4 : i32
        %shift_right_arithmetic3A_2099 = arith.shrsi %add3A_2098, %shift_right_arithmetic3A : i32
        %and3A_2100 = arith.constant 15 : i32
        %and3A_2101 = arith.andi %add3A_2098, %and3A_2100 : i32
        %dma_start3A_2102 = arith.constant 0 : i32
        %dma_start3A_2103 = tpu.memref_slice %arg2[%shift_right_arithmetic3A_2099, %and3A_2101, %dma_start3A_2102] : memref<26x16x100000xf32, #tpu.memory_space<hbm>> -> memref<1x1x100000xf32, #tpu.memory_space<hbm>>
        %dma_start3A_2104 = tpu.memref_squeeze %dma_start3A_2103 : memref<1x1x100000xf32, #tpu.memory_space<hbm>> -> memref<100000xf32, #tpu.memory_space<hbm>>
        tpu.enqueue_dma source(%dma_start3A_2104 : memref<100000xf32, #tpu.memory_space<hbm>>) target(%arg15 : memref<100000xf32, #tpu.memory_space<vmem_shared>>) target_semaphore(%arg39 : memref<!tpu.dma_semaphore, #tpu.memory_space<semaphore_mem>>)
      } else {
      }
      %add3A_1381 = arith.constant 8 : i32
      %add3A_1382 = arith.addi %add3A_1329, %add3A_1381 : i32
      %add3A_1383 = arith.constant 3 : i32
      %add3A_1384 = arith.addi %add3A_1382, %add3A_1383 : i32
      %and3A_1385 = arith.constant 15 : i32
      %and3A_1386 = arith.andi %add3A_1384, %and3A_1385 : i32
      %eq3A_1387 = arith.cmpi eq, %arg1, %and3A_1386 : i32
      %add3A_1388 = arith.constant 8 : i32
      %add3A_1389 = arith.addi %add3A_1329, %add3A_1388 : i32
      %add3A_1390 = arith.constant 3 : i32
      %add3A_1391 = arith.addi %add3A_1389, %add3A_1390 : i32
      %lt3A_1392 = arith.constant 208 : i32
      %lt3A_1393 = arith.cmpi slt, %add3A_1391, %lt3A_1392 : i32
      %and3A_1394 = arith.andi %eq3A_1387, %lt3A_1393 : i1
      %convert_element_type3A_1395 = arith.extui %and3A_1394 : i1 to i32
      %cond3A_1396 = arith.constant 0 : i32
      %cond3A_1397 = arith.cmpi ne, %convert_element_type3A_1395, %cond3A_1396 : i32
      scf.if %cond3A_1397 {
        %add3A_2094 = arith.addi %mul3A_0, %add3A_1329 : i32
        %add3A_2095 = arith.constant 8 : i32
        %add3A_2096 = arith.addi %add3A_2094, %add3A_2095 : i32
        %add3A_2097 = arith.constant 3 : i32
        %add3A_2098 = arith.addi %add3A_2096, %add3A_2097 : i32
        %shift_right_arithmetic3A = arith.constant 4 : i32
        %shift_right_arithmetic3A_2099 = arith.shrsi %add3A_2098, %shift_right_arithmetic3A : i32
        %and3A_2100 = arith.constant 15 : i32
        %and3A_2101 = arith.andi %add3A_2098, %and3A_2100 : i32
        %dma_start3A_2102 = arith.constant 0 : i32
        %dma_start3A_2103 = tpu.memref_slice %arg2[%shift_right_arithmetic3A_2099, %and3A_2101, %dma_start3A_2102] : memref<26x16x100000xf32, #tpu.memory_space<hbm>> -> memref<1x1x100000xf32, #tpu.memory_space<hbm>>
        %dma_start3A_2104 = tpu.memref_squeeze %dma_start3A_2103 : memref<1x1x100000xf32, #tpu.memory_space<hbm>> -> memref<100000xf32, #tpu.memory_space<hbm>>
        tpu.enqueue_dma source(%dma_start3A_2104 : memref<100000xf32, #tpu.memory_space<hbm>>) target(%arg16 : memref<100000xf32, #tpu.memory_space<vmem_shared>>) target_semaphore(%arg39 : memref<!tpu.dma_semaphore, #tpu.memory_space<semaphore_mem>>)
      } else {
      }
      %add3A_1398 = arith.constant 1 : i32
      %add3A_1399 = arith.addi %add3A_1323, %add3A_1398 : i32
      %lt3A_1400 = arith.constant 13 : i32
      %lt3A_1401 = arith.cmpi slt, %add3A_1399, %lt3A_1400 : i32
      %convert_element_type3A_1402 = arith.extui %lt3A_1401 : i1 to i32
      %cond3A_1403 = arith.constant 0 : i32
      %cond3A_1404 = arith.cmpi ne, %convert_element_type3A_1402, %cond3A_1403 : i32
      scf.if %cond3A_1404 {
        %add3A_2094 = arith.addi %mul3A_2, %add3A_1323 : i32
        %add3A_2095 = arith.constant 1 : i32
        %add3A_2096 = arith.addi %add3A_2094, %add3A_2095 : i32
        %dma_start3A_2097 = tpu.memref_slice %arg3[%add3A_2096, %mul3A_4] : memref<26x16384xi32, #tpu.memory_space<hbm>> -> memref<1x1024xi32, #tpu.memory_space<hbm>>
        %dma_start3A_2098 = tpu.memref_squeeze %dma_start3A_2097 : memref<1x1024xi32, #tpu.memory_space<hbm>> -> memref<1024xi32, #tpu.memory_space<hbm>>
        %dma_start3A_2099 = tpu.memref_slice %arg3[%add3A_2096, %mul3A_4] : memref<26x16384xi32, #tpu.memory_space<hbm>> -> memref<1x1024xi32, #tpu.memory_space<hbm>>
        %dma_start3A_2100 = tpu.memref_squeeze %dma_start3A_2099 : memref<1x1024xi32, #tpu.memory_space<hbm>> -> memref<1024xi32, #tpu.memory_space<hbm>>
        tpu.enqueue_dma source(%dma_start3A_2100 : memref<1024xi32, #tpu.memory_space<hbm>>) target(%arg21 : memref<1024xi32, #tpu.memory_space<vmem>>) target_semaphore(%arg40 : memref<!tpu.dma_semaphore, #tpu.memory_space<semaphore_mem>>)
      } else {
      }
      %ge3A_1405 = arith.constant 16 : i32
      %ge3A_1406 = arith.cmpi sge, %add3A_1329, %ge3A_1405 : i32
      %convert_element_type3A_1407 = arith.extui %ge3A_1406 : i1 to i32
      %cond3A_1408 = arith.constant 0 : i32
      %cond3A_1409 = arith.cmpi ne, %convert_element_type3A_1407, %cond3A_1408 : i32
      scf.if %cond3A_1409 {
        %add3A_2094 = arith.addi %mul3A_0, %add3A_1329 : i32
        %add3A_2095 = arith.constant 0 : i32
        %add3A_2096 = arith.addi %add3A_2094, %add3A_2095 : i32
        %dma_wait3A_2097 = tpu.memref_slice %arg4[%add3A_2096, %mul3A_4] : memref<416x16384xf32, #tpu.memory_space<hbm>> -> memref<1x1024xf32, #tpu.memory_space<hbm>>
        %dma_wait3A_2098 = tpu.memref_squeeze %dma_wait3A_2097 : memref<1x1024xf32, #tpu.memory_space<hbm>> -> memref<1024xf32, #tpu.memory_space<hbm>>
        %dma_wait3A_2099 = tpu.memref_slice %arg4[%add3A_2096, %mul3A_4] : memref<416x16384xf32, #tpu.memory_space<hbm>> -> memref<1x1024xf32, #tpu.memory_space<hbm>>
        %dma_wait3A_2100 = tpu.memref_squeeze %dma_wait3A_2099 : memref<1x1024xf32, #tpu.memory_space<hbm>> -> memref<1024xf32, #tpu.memory_space<hbm>>
        tpu.wait_dma2 semaphore(%arg42 : memref<!tpu.dma_semaphore, #tpu.memory_space<semaphore_mem>>) src(%arg23 : memref<1024xf32, #tpu.memory_space<vmem>>) dst(%dma_wait3A_2100 : memref<1024xf32, #tpu.memory_space<hbm>>)
        %add3A_2101 = arith.addi %mul3A_0, %add3A_1329 : i32
        %add3A_2102 = arith.constant 1 : i32
        %add3A_2103 = arith.addi %add3A_2101, %add3A_2102 : i32
        %dma_wait3A_2104 = tpu.memref_slice %arg4[%add3A_2103, %mul3A_4] : memref<416x16384xf32, #tpu.memory_space<hbm>> -> memref<1x1024xf32, #tpu.memory_space<hbm>>
        %dma_wait3A_2105 = tpu.memref_squeeze %dma_wait3A_2104 : memref<1x1024xf32, #tpu.memory_space<hbm>> -> memref<1024xf32, #tpu.memory_space<hbm>>
        %dma_wait3A_2106 = tpu.memref_slice %arg4[%add3A_2103, %mul3A_4] : memref<416x16384xf32, #tpu.memory_space<hbm>> -> memref<1x1024xf32, #tpu.memory_space<hbm>>
        %dma_wait3A_2107 = tpu.memref_squeeze %dma_wait3A_2106 : memref<1x1024xf32, #tpu.memory_space<hbm>> -> memref<1024xf32, #tpu.memory_space<hbm>>
        tpu.wait_dma2 semaphore(%arg42 : memref<!tpu.dma_semaphore, #tpu.memory_space<semaphore_mem>>) src(%arg24 : memref<1024xf32, #tpu.memory_space<vmem>>) dst(%dma_wait3A_2107 : memref<1024xf32, #tpu.memory_space<hbm>>)
        %add3A_2108 = arith.addi %mul3A_0, %add3A_1329 : i32
        %add3A_2109 = arith.constant 2 : i32
        %add3A_2110 = arith.addi %add3A_2108, %add3A_2109 : i32
        %dma_wait3A_2111 = tpu.memref_slice %arg4[%add3A_2110, %mul3A_4] : memref<416x16384xf32, #tpu.memory_space<hbm>> -> memref<1x1024xf32, #tpu.memory_space<hbm>>
        %dma_wait3A_2112 = tpu.memref_squeeze %dma_wait3A_2111 : memref<1x1024xf32, #tpu.memory_space<hbm>> -> memref<1024xf32, #tpu.memory_space<hbm>>
        %dma_wait3A_2113 = tpu.memref_slice %arg4[%add3A_2110, %mul3A_4] : memref<416x16384xf32, #tpu.memory_space<hbm>> -> memref<1x1024xf32, #tpu.memory_space<hbm>>
        %dma_wait3A_2114 = tpu.memref_squeeze %dma_wait3A_2113 : memref<1x1024xf32, #tpu.memory_space<hbm>> -> memref<1024xf32, #tpu.memory_space<hbm>>
        tpu.wait_dma2 semaphore(%arg42 : memref<!tpu.dma_semaphore, #tpu.memory_space<semaphore_mem>>) src(%arg25 : memref<1024xf32, #tpu.memory_space<vmem>>) dst(%dma_wait3A_2114 : memref<1024xf32, #tpu.memory_space<hbm>>)
        %add3A_2115 = arith.addi %mul3A_0, %add3A_1329 : i32
        %add3A_2116 = arith.constant 3 : i32
        %add3A_2117 = arith.addi %add3A_2115, %add3A_2116 : i32
        %dma_wait3A_2118 = tpu.memref_slice %arg4[%add3A_2117, %mul3A_4] : memref<416x16384xf32, #tpu.memory_space<hbm>> -> memref<1x1024xf32, #tpu.memory_space<hbm>>
        %dma_wait3A_2119 = tpu.memref_squeeze %dma_wait3A_2118 : memref<1x1024xf32, #tpu.memory_space<hbm>> -> memref<1024xf32, #tpu.memory_space<hbm>>
        %dma_wait3A_2120 = tpu.memref_slice %arg4[%add3A_2117, %mul3A_4] : memref<416x16384xf32, #tpu.memory_space<hbm>> -> memref<1x1024xf32, #tpu.memory_space<hbm>>
        %dma_wait3A_2121 = tpu.memref_squeeze %dma_wait3A_2120 : memref<1x1024xf32, #tpu.memory_space<hbm>> -> memref<1024xf32, #tpu.memory_space<hbm>>
        tpu.wait_dma2 semaphore(%arg42 : memref<!tpu.dma_semaphore, #tpu.memory_space<semaphore_mem>>) src(%arg26 : memref<1024xf32, #tpu.memory_space<vmem>>) dst(%dma_wait3A_2121 : memref<1024xf32, #tpu.memory_space<hbm>>)
      } else {
      }
      %dma_start3A_1410 = arith.constant 0 : i32
      %dma_start3A_1411 = tpu.memref_slice %arg5[%dma_start3A_1410] : memref<100000xf32, #tpu.memory_space<vmem_shared>> -> memref<100000xf32, #tpu.memory_space<vmem_shared>>
      tpu.enqueue_indirect_dma source(%dma_start3A_1411 : memref<100000xf32, #tpu.memory_space<vmem_shared>>) target(%arg23 : memref<1024xf32, #tpu.memory_space<vmem>>) offsets(%arg22 : memref<1024xi32, #tpu.memory_space<vmem>>) semaphore(%arg41 : memref<!tpu.dma_semaphore, #tpu.memory_space<semaphore_mem>>)
      %dma_start3A_1412 = arith.constant 0 : i32
      %dma_start3A_1413 = tpu.memref_slice %arg6[%dma_start3A_1412] : memref<100000xf32, #tpu.memory_space<vmem_shared>> -> memref<100000xf32, #tpu.memory_space<vmem_shared>>
      tpu.enqueue_indirect_dma source(%dma_start3A_1413 : memref<100000xf32, #tpu.memory_space<vmem_shared>>) target(%arg24 : memref<1024xf32, #tpu.memory_space<vmem>>) offsets(%arg22 : memref<1024xi32, #tpu.memory_space<vmem>>) semaphore(%arg41 : memref<!tpu.dma_semaphore, #tpu.memory_space<semaphore_mem>>)
      %dma_start3A_1414 = arith.constant 0 : i32
      %dma_start3A_1415 = tpu.memref_slice %arg7[%dma_start3A_1414] : memref<100000xf32, #tpu.memory_space<vmem_shared>> -> memref<100000xf32, #tpu.memory_space<vmem_shared>>
      tpu.enqueue_indirect_dma source(%dma_start3A_1415 : memref<100000xf32, #tpu.memory_space<vmem_shared>>) target(%arg25 : memref<1024xf32, #tpu.memory_space<vmem>>) offsets(%arg22 : memref<1024xi32, #tpu.memory_space<vmem>>) semaphore(%arg41 : memref<!tpu.dma_semaphore, #tpu.memory_space<semaphore_mem>>)
      %dma_start3A_1416 = arith.constant 0 : i32
      %dma_start3A_1417 = tpu.memref_slice %arg8[%dma_start3A_1416] : memref<100000xf32, #tpu.memory_space<vmem_shared>> -> memref<100000xf32, #tpu.memory_space<vmem_shared>>
      tpu.enqueue_indirect_dma source(%dma_start3A_1417 : memref<100000xf32, #tpu.memory_space<vmem_shared>>) target(%arg26 : memref<1024xf32, #tpu.memory_space<vmem>>) offsets(%arg22 : memref<1024xi32, #tpu.memory_space<vmem>>) semaphore(%arg41 : memref<!tpu.dma_semaphore, #tpu.memory_space<semaphore_mem>>)
      %dma_wait3A_1418 = arith.constant 0 : i32
      %dma_wait3A_1419 = tpu.memref_slice %arg5[%dma_wait3A_1418] : memref<100000xf32, #tpu.memory_space<vmem_shared>> -> memref<100000xf32, #tpu.memory_space<vmem_shared>>
      tpu.wait_indirect_dma semaphore(%arg41 : memref<!tpu.dma_semaphore, #tpu.memory_space<semaphore_mem>>) src(%dma_wait3A_1419 : memref<100000xf32, #tpu.memory_space<vmem_shared>>) dst(%arg23 : memref<1024xf32, #tpu.memory_space<vmem>>)
      %dma_wait3A_1420 = arith.constant 0 : i32
      %dma_wait3A_1421 = tpu.memref_slice %arg6[%dma_wait3A_1420] : memref<100000xf32, #tpu.memory_space<vmem_shared>> -> memref<100000xf32, #tpu.memory_space<vmem_shared>>
      tpu.wait_indirect_dma semaphore(%arg41 : memref<!tpu.dma_semaphore, #tpu.memory_space<semaphore_mem>>) src(%dma_wait3A_1421 : memref<100000xf32, #tpu.memory_space<vmem_shared>>) dst(%arg24 : memref<1024xf32, #tpu.memory_space<vmem>>)
      %dma_wait3A_1422 = arith.constant 0 : i32
      %dma_wait3A_1423 = tpu.memref_slice %arg7[%dma_wait3A_1422] : memref<100000xf32, #tpu.memory_space<vmem_shared>> -> memref<100000xf32, #tpu.memory_space<vmem_shared>>
      tpu.wait_indirect_dma semaphore(%arg41 : memref<!tpu.dma_semaphore, #tpu.memory_space<semaphore_mem>>) src(%dma_wait3A_1423 : memref<100000xf32, #tpu.memory_space<vmem_shared>>) dst(%arg25 : memref<1024xf32, #tpu.memory_space<vmem>>)
      %dma_wait3A_1424 = arith.constant 0 : i32
      %dma_wait3A_1425 = tpu.memref_slice %arg8[%dma_wait3A_1424] : memref<100000xf32, #tpu.memory_space<vmem_shared>> -> memref<100000xf32, #tpu.memory_space<vmem_shared>>
      tpu.wait_indirect_dma semaphore(%arg41 : memref<!tpu.dma_semaphore, #tpu.memory_space<semaphore_mem>>) src(%dma_wait3A_1425 : memref<100000xf32, #tpu.memory_space<vmem_shared>>) dst(%arg26 : memref<1024xf32, #tpu.memory_space<vmem>>)
      %add3A_1426 = arith.addi %mul3A_0, %add3A_1329 : i32
      %add3A_1427 = arith.constant 0 : i32
      %add3A_1428 = arith.addi %add3A_1426, %add3A_1427 : i32
      %dma_start3A_1429 = tpu.memref_slice %arg4[%add3A_1428, %mul3A_4] : memref<416x16384xf32, #tpu.memory_space<hbm>> -> memref<1x1024xf32, #tpu.memory_space<hbm>>
      %dma_start3A_1430 = tpu.memref_squeeze %dma_start3A_1429 : memref<1x1024xf32, #tpu.memory_space<hbm>> -> memref<1024xf32, #tpu.memory_space<hbm>>
      %dma_start3A_1431 = tpu.memref_slice %arg4[%add3A_1428, %mul3A_4] : memref<416x16384xf32, #tpu.memory_space<hbm>> -> memref<1x1024xf32, #tpu.memory_space<hbm>>
      %dma_start3A_1432 = tpu.memref_squeeze %dma_start3A_1431 : memref<1x1024xf32, #tpu.memory_space<hbm>> -> memref<1024xf32, #tpu.memory_space<hbm>>
      tpu.enqueue_dma source(%arg23 : memref<1024xf32, #tpu.memory_space<vmem>>) target(%dma_start3A_1432 : memref<1024xf32, #tpu.memory_space<hbm>>) target_semaphore(%arg42 : memref<!tpu.dma_semaphore, #tpu.memory_space<semaphore_mem>>)
      %add3A_1433 = arith.addi %mul3A_0, %add3A_1329 : i32
      %add3A_1434 = arith.constant 1 : i32
      %add3A_1435 = arith.addi %add3A_1433, %add3A_1434 : i32
      %dma_start3A_1436 = tpu.memref_slice %arg4[%add3A_1435, %mul3A_4] : memref<416x16384xf32, #tpu.memory_space<hbm>> -> memref<1x1024xf32, #tpu.memory_space<hbm>>
      %dma_start3A_1437 = tpu.memref_squeeze %dma_start3A_1436 : memref<1x1024xf32, #tpu.memory_space<hbm>> -> memref<1024xf32, #tpu.memory_space<hbm>>
      %dma_start3A_1438 = tpu.memref_slice %arg4[%add3A_1435, %mul3A_4] : memref<416x16384xf32, #tpu.memory_space<hbm>> -> memref<1x1024xf32, #tpu.memory_space<hbm>>
      %dma_start3A_1439 = tpu.memref_squeeze %dma_start3A_1438 : memref<1x1024xf32, #tpu.memory_space<hbm>> -> memref<1024xf32, #tpu.memory_space<hbm>>
      tpu.enqueue_dma source(%arg24 : memref<1024xf32, #tpu.memory_space<vmem>>) target(%dma_start3A_1439 : memref<1024xf32, #tpu.memory_space<hbm>>) target_semaphore(%arg42 : memref<!tpu.dma_semaphore, #tpu.memory_space<semaphore_mem>>)
      %add3A_1440 = arith.addi %mul3A_0, %add3A_1329 : i32
      %add3A_1441 = arith.constant 2 : i32
      %add3A_1442 = arith.addi %add3A_1440, %add3A_1441 : i32
      %dma_start3A_1443 = tpu.memref_slice %arg4[%add3A_1442, %mul3A_4] : memref<416x16384xf32, #tpu.memory_space<hbm>> -> memref<1x1024xf32, #tpu.memory_space<hbm>>
      %dma_start3A_1444 = tpu.memref_squeeze %dma_start3A_1443 : memref<1x1024xf32, #tpu.memory_space<hbm>> -> memref<1024xf32, #tpu.memory_space<hbm>>
      %dma_start3A_1445 = tpu.memref_slice %arg4[%add3A_1442, %mul3A_4] : memref<416x16384xf32, #tpu.memory_space<hbm>> -> memref<1x1024xf32, #tpu.memory_space<hbm>>
      %dma_start3A_1446 = tpu.memref_squeeze %dma_start3A_1445 : memref<1x1024xf32, #tpu.memory_space<hbm>> -> memref<1024xf32, #tpu.memory_space<hbm>>
      tpu.enqueue_dma source(%arg25 : memref<1024xf32, #tpu.memory_space<vmem>>) target(%dma_start3A_1446 : memref<1024xf32, #tpu.memory_space<hbm>>) target_semaphore(%arg42 : memref<!tpu.dma_semaphore, #tpu.memory_space<semaphore_mem>>)
      %add3A_1447 = arith.addi %mul3A_0, %add3A_1329 : i32
      %add3A_1448 = arith.constant 3 : i32
      %add3A_1449 = arith.addi %add3A_1447, %add3A_1448 : i32
      %dma_start3A_1450 = tpu.memref_slice %arg4[%add3A_1449, %mul3A_4] : memref<416x16384xf32, #tpu.memory_space<hbm>> -> memref<1x1024xf32, #tpu.memory_space<hbm>>
      %dma_start3A_1451 = tpu.memref_squeeze %dma_start3A_1450 : memref<1x1024xf32, #tpu.memory_space<hbm>> -> memref<1024xf32, #tpu.memory_space<hbm>>
      %dma_start3A_1452 = tpu.memref_slice %arg4[%add3A_1449, %mul3A_4] : memref<416x16384xf32, #tpu.memory_space<hbm>> -> memref<1x1024xf32, #tpu.memory_space<hbm>>
      %dma_start3A_1453 = tpu.memref_squeeze %dma_start3A_1452 : memref<1x1024xf32, #tpu.memory_space<hbm>> -> memref<1024xf32, #tpu.memory_space<hbm>>
      tpu.enqueue_dma source(%arg26 : memref<1024xf32, #tpu.memory_space<vmem>>) target(%dma_start3A_1453 : memref<1024xf32, #tpu.memory_space<hbm>>) target_semaphore(%arg42 : memref<!tpu.dma_semaphore, #tpu.memory_space<semaphore_mem>>)
      %add3A_1454 = arith.constant 4 : i32
      %add3A_1455 = arith.addi %add3A_1329, %add3A_1454 : i32
      %add3A_1456 = arith.constant 0 : i32
      %add3A_1457 = arith.addi %add3A_1455, %add3A_1456 : i32
      %and3A_1458 = arith.constant 15 : i32
      %and3A_1459 = arith.andi %add3A_1457, %and3A_1458 : i32
      %eq3A_1460 = arith.cmpi eq, %arg1, %and3A_1459 : i32
      %add3A_1461 = arith.constant 4 : i32
      %add3A_1462 = arith.addi %add3A_1329, %add3A_1461 : i32
      %add3A_1463 = arith.constant 0 : i32
      %add3A_1464 = arith.addi %add3A_1462, %add3A_1463 : i32
      %lt3A_1465 = arith.constant 208 : i32
      %lt3A_1466 = arith.cmpi slt, %add3A_1464, %lt3A_1465 : i32
      %and3A_1467 = arith.andi %eq3A_1460, %lt3A_1466 : i1
      %convert_element_type3A_1468 = arith.extui %and3A_1467 : i1 to i32
      %cond3A_1469 = arith.constant 0 : i32
      %cond3A_1470 = arith.cmpi ne, %convert_element_type3A_1468, %cond3A_1469 : i32
      scf.if %cond3A_1470 {
        %add3A_2094 = arith.addi %mul3A_0, %add3A_1329 : i32
        %add3A_2095 = arith.constant 4 : i32
        %add3A_2096 = arith.addi %add3A_2094, %add3A_2095 : i32
        %add3A_2097 = arith.constant 0 : i32
        %add3A_2098 = arith.addi %add3A_2096, %add3A_2097 : i32
        %shift_right_arithmetic3A = arith.constant 4 : i32
        %shift_right_arithmetic3A_2099 = arith.shrsi %add3A_2098, %shift_right_arithmetic3A : i32
        %and3A_2100 = arith.constant 15 : i32
        %and3A_2101 = arith.andi %add3A_2098, %and3A_2100 : i32
        %dma_wait3A_2102 = arith.constant 0 : i32
        %dma_wait3A_2103 = tpu.memref_slice %arg2[%shift_right_arithmetic3A_2099, %and3A_2101, %dma_wait3A_2102] : memref<26x16x100000xf32, #tpu.memory_space<hbm>> -> memref<1x1x100000xf32, #tpu.memory_space<hbm>>
        %dma_wait3A_2104 = tpu.memref_squeeze %dma_wait3A_2103 : memref<1x1x100000xf32, #tpu.memory_space<hbm>> -> memref<100000xf32, #tpu.memory_space<hbm>>
        tpu.wait_dma2 semaphore(%arg39 : memref<!tpu.dma_semaphore, #tpu.memory_space<semaphore_mem>>) src(%dma_wait3A_2104 : memref<100000xf32, #tpu.memory_space<hbm>>) dst(%arg9 : memref<100000xf32, #tpu.memory_space<vmem_shared>>)
      } else {
      }
      %add3A_1471 = arith.constant 4 : i32
      %add3A_1472 = arith.addi %add3A_1329, %add3A_1471 : i32
      %add3A_1473 = arith.constant 1 : i32
      %add3A_1474 = arith.addi %add3A_1472, %add3A_1473 : i32
      %and3A_1475 = arith.constant 15 : i32
      %and3A_1476 = arith.andi %add3A_1474, %and3A_1475 : i32
      %eq3A_1477 = arith.cmpi eq, %arg1, %and3A_1476 : i32
      %add3A_1478 = arith.constant 4 : i32
      %add3A_1479 = arith.addi %add3A_1329, %add3A_1478 : i32
      %add3A_1480 = arith.constant 1 : i32
      %add3A_1481 = arith.addi %add3A_1479, %add3A_1480 : i32
      %lt3A_1482 = arith.constant 208 : i32
      %lt3A_1483 = arith.cmpi slt, %add3A_1481, %lt3A_1482 : i32
      %and3A_1484 = arith.andi %eq3A_1477, %lt3A_1483 : i1
      %convert_element_type3A_1485 = arith.extui %and3A_1484 : i1 to i32
      %cond3A_1486 = arith.constant 0 : i32
      %cond3A_1487 = arith.cmpi ne, %convert_element_type3A_1485, %cond3A_1486 : i32
      scf.if %cond3A_1487 {
        %add3A_2094 = arith.addi %mul3A_0, %add3A_1329 : i32
        %add3A_2095 = arith.constant 4 : i32
        %add3A_2096 = arith.addi %add3A_2094, %add3A_2095 : i32
        %add3A_2097 = arith.constant 1 : i32
        %add3A_2098 = arith.addi %add3A_2096, %add3A_2097 : i32
        %shift_right_arithmetic3A = arith.constant 4 : i32
        %shift_right_arithmetic3A_2099 = arith.shrsi %add3A_2098, %shift_right_arithmetic3A : i32
        %and3A_2100 = arith.constant 15 : i32
        %and3A_2101 = arith.andi %add3A_2098, %and3A_2100 : i32
        %dma_wait3A_2102 = arith.constant 0 : i32
        %dma_wait3A_2103 = tpu.memref_slice %arg2[%shift_right_arithmetic3A_2099, %and3A_2101, %dma_wait3A_2102] : memref<26x16x100000xf32, #tpu.memory_space<hbm>> -> memref<1x1x100000xf32, #tpu.memory_space<hbm>>
        %dma_wait3A_2104 = tpu.memref_squeeze %dma_wait3A_2103 : memref<1x1x100000xf32, #tpu.memory_space<hbm>> -> memref<100000xf32, #tpu.memory_space<hbm>>
        tpu.wait_dma2 semaphore(%arg39 : memref<!tpu.dma_semaphore, #tpu.memory_space<semaphore_mem>>) src(%dma_wait3A_2104 : memref<100000xf32, #tpu.memory_space<hbm>>) dst(%arg10 : memref<100000xf32, #tpu.memory_space<vmem_shared>>)
      } else {
      }
      %add3A_1488 = arith.constant 4 : i32
      %add3A_1489 = arith.addi %add3A_1329, %add3A_1488 : i32
      %add3A_1490 = arith.constant 2 : i32
      %add3A_1491 = arith.addi %add3A_1489, %add3A_1490 : i32
      %and3A_1492 = arith.constant 15 : i32
      %and3A_1493 = arith.andi %add3A_1491, %and3A_1492 : i32
      %eq3A_1494 = arith.cmpi eq, %arg1, %and3A_1493 : i32
      %add3A_1495 = arith.constant 4 : i32
      %add3A_1496 = arith.addi %add3A_1329, %add3A_1495 : i32
      %add3A_1497 = arith.constant 2 : i32
      %add3A_1498 = arith.addi %add3A_1496, %add3A_1497 : i32
      %lt3A_1499 = arith.constant 208 : i32
      %lt3A_1500 = arith.cmpi slt, %add3A_1498, %lt3A_1499 : i32
      %and3A_1501 = arith.andi %eq3A_1494, %lt3A_1500 : i1
      %convert_element_type3A_1502 = arith.extui %and3A_1501 : i1 to i32
      %cond3A_1503 = arith.constant 0 : i32
      %cond3A_1504 = arith.cmpi ne, %convert_element_type3A_1502, %cond3A_1503 : i32
      scf.if %cond3A_1504 {
        %add3A_2094 = arith.addi %mul3A_0, %add3A_1329 : i32
        %add3A_2095 = arith.constant 4 : i32
        %add3A_2096 = arith.addi %add3A_2094, %add3A_2095 : i32
        %add3A_2097 = arith.constant 2 : i32
        %add3A_2098 = arith.addi %add3A_2096, %add3A_2097 : i32
        %shift_right_arithmetic3A = arith.constant 4 : i32
        %shift_right_arithmetic3A_2099 = arith.shrsi %add3A_2098, %shift_right_arithmetic3A : i32
        %and3A_2100 = arith.constant 15 : i32
        %and3A_2101 = arith.andi %add3A_2098, %and3A_2100 : i32
        %dma_wait3A_2102 = arith.constant 0 : i32
        %dma_wait3A_2103 = tpu.memref_slice %arg2[%shift_right_arithmetic3A_2099, %and3A_2101, %dma_wait3A_2102] : memref<26x16x100000xf32, #tpu.memory_space<hbm>> -> memref<1x1x100000xf32, #tpu.memory_space<hbm>>
        %dma_wait3A_2104 = tpu.memref_squeeze %dma_wait3A_2103 : memref<1x1x100000xf32, #tpu.memory_space<hbm>> -> memref<100000xf32, #tpu.memory_space<hbm>>
        tpu.wait_dma2 semaphore(%arg39 : memref<!tpu.dma_semaphore, #tpu.memory_space<semaphore_mem>>) src(%dma_wait3A_2104 : memref<100000xf32, #tpu.memory_space<hbm>>) dst(%arg11 : memref<100000xf32, #tpu.memory_space<vmem_shared>>)
      } else {
      }
      %add3A_1505 = arith.constant 4 : i32
      %add3A_1506 = arith.addi %add3A_1329, %add3A_1505 : i32
      %add3A_1507 = arith.constant 3 : i32
      %add3A_1508 = arith.addi %add3A_1506, %add3A_1507 : i32
      %and3A_1509 = arith.constant 15 : i32
      %and3A_1510 = arith.andi %add3A_1508, %and3A_1509 : i32
      %eq3A_1511 = arith.cmpi eq, %arg1, %and3A_1510 : i32
      %add3A_1512 = arith.constant 4 : i32
      %add3A_1513 = arith.addi %add3A_1329, %add3A_1512 : i32
      %add3A_1514 = arith.constant 3 : i32
      %add3A_1515 = arith.addi %add3A_1513, %add3A_1514 : i32
      %lt3A_1516 = arith.constant 208 : i32
      %lt3A_1517 = arith.cmpi slt, %add3A_1515, %lt3A_1516 : i32
      %and3A_1518 = arith.andi %eq3A_1511, %lt3A_1517 : i1
      %convert_element_type3A_1519 = arith.extui %and3A_1518 : i1 to i32
      %cond3A_1520 = arith.constant 0 : i32
      %cond3A_1521 = arith.cmpi ne, %convert_element_type3A_1519, %cond3A_1520 : i32
      scf.if %cond3A_1521 {
        %add3A_2094 = arith.addi %mul3A_0, %add3A_1329 : i32
        %add3A_2095 = arith.constant 4 : i32
        %add3A_2096 = arith.addi %add3A_2094, %add3A_2095 : i32
        %add3A_2097 = arith.constant 3 : i32
        %add3A_2098 = arith.addi %add3A_2096, %add3A_2097 : i32
        %shift_right_arithmetic3A = arith.constant 4 : i32
        %shift_right_arithmetic3A_2099 = arith.shrsi %add3A_2098, %shift_right_arithmetic3A : i32
        %and3A_2100 = arith.constant 15 : i32
        %and3A_2101 = arith.andi %add3A_2098, %and3A_2100 : i32
        %dma_wait3A_2102 = arith.constant 0 : i32
        %dma_wait3A_2103 = tpu.memref_slice %arg2[%shift_right_arithmetic3A_2099, %and3A_2101, %dma_wait3A_2102] : memref<26x16x100000xf32, #tpu.memory_space<hbm>> -> memref<1x1x100000xf32, #tpu.memory_space<hbm>>
        %dma_wait3A_2104 = tpu.memref_squeeze %dma_wait3A_2103 : memref<1x1x100000xf32, #tpu.memory_space<hbm>> -> memref<100000xf32, #tpu.memory_space<hbm>>
        tpu.wait_dma2 semaphore(%arg39 : memref<!tpu.dma_semaphore, #tpu.memory_space<semaphore_mem>>) src(%dma_wait3A_2104 : memref<100000xf32, #tpu.memory_space<hbm>>) dst(%arg12 : memref<100000xf32, #tpu.memory_space<vmem_shared>>)
      } else {
      }
      %barrier3A_1522 = arith.constant 0 : index
      tpu.barrier barrier_id(%barrier3A_1522)
      %add3A_1523 = arith.constant 4 : i32
      %add3A_1524 = arith.addi %add3A_1327, %add3A_1523 : i32
      %add3A_1525 = arith.constant 8 : i32
      %add3A_1526 = arith.addi %add3A_1524, %add3A_1525 : i32
      %add3A_1527 = arith.constant 0 : i32
      %add3A_1528 = arith.addi %add3A_1526, %add3A_1527 : i32
      %and3A_1529 = arith.constant 15 : i32
      %and3A_1530 = arith.andi %add3A_1528, %and3A_1529 : i32
      %eq3A_1531 = arith.cmpi eq, %arg1, %and3A_1530 : i32
      %add3A_1532 = arith.constant 8 : i32
      %add3A_1533 = arith.addi %add3A_1524, %add3A_1532 : i32
      %add3A_1534 = arith.constant 0 : i32
      %add3A_1535 = arith.addi %add3A_1533, %add3A_1534 : i32
      %lt3A_1536 = arith.constant 208 : i32
      %lt3A_1537 = arith.cmpi slt, %add3A_1535, %lt3A_1536 : i32
      %and3A_1538 = arith.andi %eq3A_1531, %lt3A_1537 : i1
      %convert_element_type3A_1539 = arith.extui %and3A_1538 : i1 to i32
      %cond3A_1540 = arith.constant 0 : i32
      %cond3A_1541 = arith.cmpi ne, %convert_element_type3A_1539, %cond3A_1540 : i32
      scf.if %cond3A_1541 {
        %add3A_2094 = arith.addi %mul3A_0, %add3A_1524 : i32
        %add3A_2095 = arith.constant 8 : i32
        %add3A_2096 = arith.addi %add3A_2094, %add3A_2095 : i32
        %add3A_2097 = arith.constant 0 : i32
        %add3A_2098 = arith.addi %add3A_2096, %add3A_2097 : i32
        %shift_right_arithmetic3A = arith.constant 4 : i32
        %shift_right_arithmetic3A_2099 = arith.shrsi %add3A_2098, %shift_right_arithmetic3A : i32
        %and3A_2100 = arith.constant 15 : i32
        %and3A_2101 = arith.andi %add3A_2098, %and3A_2100 : i32
        %dma_start3A_2102 = arith.constant 0 : i32
        %dma_start3A_2103 = tpu.memref_slice %arg2[%shift_right_arithmetic3A_2099, %and3A_2101, %dma_start3A_2102] : memref<26x16x100000xf32, #tpu.memory_space<hbm>> -> memref<1x1x100000xf32, #tpu.memory_space<hbm>>
        %dma_start3A_2104 = tpu.memref_squeeze %dma_start3A_2103 : memref<1x1x100000xf32, #tpu.memory_space<hbm>> -> memref<100000xf32, #tpu.memory_space<hbm>>
        tpu.enqueue_dma source(%dma_start3A_2104 : memref<100000xf32, #tpu.memory_space<hbm>>) target(%arg17 : memref<100000xf32, #tpu.memory_space<vmem_shared>>) target_semaphore(%arg39 : memref<!tpu.dma_semaphore, #tpu.memory_space<semaphore_mem>>)
      } else {
      }
      %add3A_1542 = arith.constant 8 : i32
      %add3A_1543 = arith.addi %add3A_1524, %add3A_1542 : i32
      %add3A_1544 = arith.constant 1 : i32
      %add3A_1545 = arith.addi %add3A_1543, %add3A_1544 : i32
      %and3A_1546 = arith.constant 15 : i32
      %and3A_1547 = arith.andi %add3A_1545, %and3A_1546 : i32
      %eq3A_1548 = arith.cmpi eq, %arg1, %and3A_1547 : i32
      %add3A_1549 = arith.constant 8 : i32
      %add3A_1550 = arith.addi %add3A_1524, %add3A_1549 : i32
      %add3A_1551 = arith.constant 1 : i32
      %add3A_1552 = arith.addi %add3A_1550, %add3A_1551 : i32
      %lt3A_1553 = arith.constant 208 : i32
      %lt3A_1554 = arith.cmpi slt, %add3A_1552, %lt3A_1553 : i32
      %and3A_1555 = arith.andi %eq3A_1548, %lt3A_1554 : i1
      %convert_element_type3A_1556 = arith.extui %and3A_1555 : i1 to i32
      %cond3A_1557 = arith.constant 0 : i32
      %cond3A_1558 = arith.cmpi ne, %convert_element_type3A_1556, %cond3A_1557 : i32
      scf.if %cond3A_1558 {
        %add3A_2094 = arith.addi %mul3A_0, %add3A_1524 : i32
        %add3A_2095 = arith.constant 8 : i32
        %add3A_2096 = arith.addi %add3A_2094, %add3A_2095 : i32
        %add3A_2097 = arith.constant 1 : i32
        %add3A_2098 = arith.addi %add3A_2096, %add3A_2097 : i32
        %shift_right_arithmetic3A = arith.constant 4 : i32
        %shift_right_arithmetic3A_2099 = arith.shrsi %add3A_2098, %shift_right_arithmetic3A : i32
        %and3A_2100 = arith.constant 15 : i32
        %and3A_2101 = arith.andi %add3A_2098, %and3A_2100 : i32
        %dma_start3A_2102 = arith.constant 0 : i32
        %dma_start3A_2103 = tpu.memref_slice %arg2[%shift_right_arithmetic3A_2099, %and3A_2101, %dma_start3A_2102] : memref<26x16x100000xf32, #tpu.memory_space<hbm>> -> memref<1x1x100000xf32, #tpu.memory_space<hbm>>
        %dma_start3A_2104 = tpu.memref_squeeze %dma_start3A_2103 : memref<1x1x100000xf32, #tpu.memory_space<hbm>> -> memref<100000xf32, #tpu.memory_space<hbm>>
        tpu.enqueue_dma source(%dma_start3A_2104 : memref<100000xf32, #tpu.memory_space<hbm>>) target(%arg18 : memref<100000xf32, #tpu.memory_space<vmem_shared>>) target_semaphore(%arg39 : memref<!tpu.dma_semaphore, #tpu.memory_space<semaphore_mem>>)
      } else {
      }
      %add3A_1559 = arith.constant 8 : i32
      %add3A_1560 = arith.addi %add3A_1524, %add3A_1559 : i32
      %add3A_1561 = arith.constant 2 : i32
      %add3A_1562 = arith.addi %add3A_1560, %add3A_1561 : i32
      %and3A_1563 = arith.constant 15 : i32
      %and3A_1564 = arith.andi %add3A_1562, %and3A_1563 : i32
      %eq3A_1565 = arith.cmpi eq, %arg1, %and3A_1564 : i32
      %add3A_1566 = arith.constant 8 : i32
      %add3A_1567 = arith.addi %add3A_1524, %add3A_1566 : i32
      %add3A_1568 = arith.constant 2 : i32
      %add3A_1569 = arith.addi %add3A_1567, %add3A_1568 : i32
      %lt3A_1570 = arith.constant 208 : i32
      %lt3A_1571 = arith.cmpi slt, %add3A_1569, %lt3A_1570 : i32
      %and3A_1572 = arith.andi %eq3A_1565, %lt3A_1571 : i1
      %convert_element_type3A_1573 = arith.extui %and3A_1572 : i1 to i32
      %cond3A_1574 = arith.constant 0 : i32
      %cond3A_1575 = arith.cmpi ne, %convert_element_type3A_1573, %cond3A_1574 : i32
      scf.if %cond3A_1575 {
        %add3A_2094 = arith.addi %mul3A_0, %add3A_1524 : i32
        %add3A_2095 = arith.constant 8 : i32
        %add3A_2096 = arith.addi %add3A_2094, %add3A_2095 : i32
        %add3A_2097 = arith.constant 2 : i32
        %add3A_2098 = arith.addi %add3A_2096, %add3A_2097 : i32
        %shift_right_arithmetic3A = arith.constant 4 : i32
        %shift_right_arithmetic3A_2099 = arith.shrsi %add3A_2098, %shift_right_arithmetic3A : i32
        %and3A_2100 = arith.constant 15 : i32
        %and3A_2101 = arith.andi %add3A_2098, %and3A_2100 : i32
        %dma_start3A_2102 = arith.constant 0 : i32
        %dma_start3A_2103 = tpu.memref_slice %arg2[%shift_right_arithmetic3A_2099, %and3A_2101, %dma_start3A_2102] : memref<26x16x100000xf32, #tpu.memory_space<hbm>> -> memref<1x1x100000xf32, #tpu.memory_space<hbm>>
        %dma_start3A_2104 = tpu.memref_squeeze %dma_start3A_2103 : memref<1x1x100000xf32, #tpu.memory_space<hbm>> -> memref<100000xf32, #tpu.memory_space<hbm>>
        tpu.enqueue_dma source(%dma_start3A_2104 : memref<100000xf32, #tpu.memory_space<hbm>>) target(%arg19 : memref<100000xf32, #tpu.memory_space<vmem_shared>>) target_semaphore(%arg39 : memref<!tpu.dma_semaphore, #tpu.memory_space<semaphore_mem>>)
      } else {
      }
      %add3A_1576 = arith.constant 8 : i32
      %add3A_1577 = arith.addi %add3A_1524, %add3A_1576 : i32
      %add3A_1578 = arith.constant 3 : i32
      %add3A_1579 = arith.addi %add3A_1577, %add3A_1578 : i32
      %and3A_1580 = arith.constant 15 : i32
      %and3A_1581 = arith.andi %add3A_1579, %and3A_1580 : i32
      %eq3A_1582 = arith.cmpi eq, %arg1, %and3A_1581 : i32
      %add3A_1583 = arith.constant 8 : i32
      %add3A_1584 = arith.addi %add3A_1524, %add3A_1583 : i32
      %add3A_1585 = arith.constant 3 : i32
      %add3A_1586 = arith.addi %add3A_1584, %add3A_1585 : i32
      %lt3A_1587 = arith.constant 208 : i32
      %lt3A_1588 = arith.cmpi slt, %add3A_1586, %lt3A_1587 : i32
      %and3A_1589 = arith.andi %eq3A_1582, %lt3A_1588 : i1
      %convert_element_type3A_1590 = arith.extui %and3A_1589 : i1 to i32
      %cond3A_1591 = arith.constant 0 : i32
      %cond3A_1592 = arith.cmpi ne, %convert_element_type3A_1590, %cond3A_1591 : i32
      scf.if %cond3A_1592 {
        %add3A_2094 = arith.addi %mul3A_0, %add3A_1524 : i32
        %add3A_2095 = arith.constant 8 : i32
        %add3A_2096 = arith.addi %add3A_2094, %add3A_2095 : i32
        %add3A_2097 = arith.constant 3 : i32
        %add3A_2098 = arith.addi %add3A_2096, %add3A_2097 : i32
        %shift_right_arithmetic3A = arith.constant 4 : i32
        %shift_right_arithmetic3A_2099 = arith.shrsi %add3A_2098, %shift_right_arithmetic3A : i32
        %and3A_2100 = arith.constant 15 : i32
        %and3A_2101 = arith.andi %add3A_2098, %and3A_2100 : i32
        %dma_start3A_2102 = arith.constant 0 : i32
        %dma_start3A_2103 = tpu.memref_slice %arg2[%shift_right_arithmetic3A_2099, %and3A_2101, %dma_start3A_2102] : memref<26x16x100000xf32, #tpu.memory_space<hbm>> -> memref<1x1x100000xf32, #tpu.memory_space<hbm>>
        %dma_start3A_2104 = tpu.memref_squeeze %dma_start3A_2103 : memref<1x1x100000xf32, #tpu.memory_space<hbm>> -> memref<100000xf32, #tpu.memory_space<hbm>>
        tpu.enqueue_dma source(%dma_start3A_2104 : memref<100000xf32, #tpu.memory_space<hbm>>) target(%arg20 : memref<100000xf32, #tpu.memory_space<vmem_shared>>) target_semaphore(%arg39 : memref<!tpu.dma_semaphore, #tpu.memory_space<semaphore_mem>>)
      } else {
      }
      %ge3A_1593 = arith.constant 16 : i32
      %ge3A_1594 = arith.cmpi sge, %add3A_1524, %ge3A_1593 : i32
      %convert_element_type3A_1595 = arith.extui %ge3A_1594 : i1 to i32
      %cond3A_1596 = arith.constant 0 : i32
      %cond3A_1597 = arith.cmpi ne, %convert_element_type3A_1595, %cond3A_1596 : i32
      scf.if %cond3A_1597 {
        %add3A_2094 = arith.addi %mul3A_0, %add3A_1524 : i32
        %add3A_2095 = arith.constant 0 : i32
        %add3A_2096 = arith.addi %add3A_2094, %add3A_2095 : i32
        %dma_wait3A_2097 = tpu.memref_slice %arg4[%add3A_2096, %mul3A_4] : memref<416x16384xf32, #tpu.memory_space<hbm>> -> memref<1x1024xf32, #tpu.memory_space<hbm>>
        %dma_wait3A_2098 = tpu.memref_squeeze %dma_wait3A_2097 : memref<1x1024xf32, #tpu.memory_space<hbm>> -> memref<1024xf32, #tpu.memory_space<hbm>>
        %dma_wait3A_2099 = tpu.memref_slice %arg4[%add3A_2096, %mul3A_4] : memref<416x16384xf32, #tpu.memory_space<hbm>> -> memref<1x1024xf32, #tpu.memory_space<hbm>>
        %dma_wait3A_2100 = tpu.memref_squeeze %dma_wait3A_2099 : memref<1x1024xf32, #tpu.memory_space<hbm>> -> memref<1024xf32, #tpu.memory_space<hbm>>
        tpu.wait_dma2 semaphore(%arg42 : memref<!tpu.dma_semaphore, #tpu.memory_space<semaphore_mem>>) src(%arg27 : memref<1024xf32, #tpu.memory_space<vmem>>) dst(%dma_wait3A_2100 : memref<1024xf32, #tpu.memory_space<hbm>>)
        %add3A_2101 = arith.addi %mul3A_0, %add3A_1524 : i32
        %add3A_2102 = arith.constant 1 : i32
        %add3A_2103 = arith.addi %add3A_2101, %add3A_2102 : i32
        %dma_wait3A_2104 = tpu.memref_slice %arg4[%add3A_2103, %mul3A_4] : memref<416x16384xf32, #tpu.memory_space<hbm>> -> memref<1x1024xf32, #tpu.memory_space<hbm>>
        %dma_wait3A_2105 = tpu.memref_squeeze %dma_wait3A_2104 : memref<1x1024xf32, #tpu.memory_space<hbm>> -> memref<1024xf32, #tpu.memory_space<hbm>>
        %dma_wait3A_2106 = tpu.memref_slice %arg4[%add3A_2103, %mul3A_4] : memref<416x16384xf32, #tpu.memory_space<hbm>> -> memref<1x1024xf32, #tpu.memory_space<hbm>>
        %dma_wait3A_2107 = tpu.memref_squeeze %dma_wait3A_2106 : memref<1x1024xf32, #tpu.memory_space<hbm>> -> memref<1024xf32, #tpu.memory_space<hbm>>
        tpu.wait_dma2 semaphore(%arg42 : memref<!tpu.dma_semaphore, #tpu.memory_space<semaphore_mem>>) src(%arg28 : memref<1024xf32, #tpu.memory_space<vmem>>) dst(%dma_wait3A_2107 : memref<1024xf32, #tpu.memory_space<hbm>>)
        %add3A_2108 = arith.addi %mul3A_0, %add3A_1524 : i32
        %add3A_2109 = arith.constant 2 : i32
        %add3A_2110 = arith.addi %add3A_2108, %add3A_2109 : i32
        %dma_wait3A_2111 = tpu.memref_slice %arg4[%add3A_2110, %mul3A_4] : memref<416x16384xf32, #tpu.memory_space<hbm>> -> memref<1x1024xf32, #tpu.memory_space<hbm>>
        %dma_wait3A_2112 = tpu.memref_squeeze %dma_wait3A_2111 : memref<1x1024xf32, #tpu.memory_space<hbm>> -> memref<1024xf32, #tpu.memory_space<hbm>>
        %dma_wait3A_2113 = tpu.memref_slice %arg4[%add3A_2110, %mul3A_4] : memref<416x16384xf32, #tpu.memory_space<hbm>> -> memref<1x1024xf32, #tpu.memory_space<hbm>>
        %dma_wait3A_2114 = tpu.memref_squeeze %dma_wait3A_2113 : memref<1x1024xf32, #tpu.memory_space<hbm>> -> memref<1024xf32, #tpu.memory_space<hbm>>
        tpu.wait_dma2 semaphore(%arg42 : memref<!tpu.dma_semaphore, #tpu.memory_space<semaphore_mem>>) src(%arg29 : memref<1024xf32, #tpu.memory_space<vmem>>) dst(%dma_wait3A_2114 : memref<1024xf32, #tpu.memory_space<hbm>>)
        %add3A_2115 = arith.addi %mul3A_0, %add3A_1524 : i32
        %add3A_2116 = arith.constant 3 : i32
        %add3A_2117 = arith.addi %add3A_2115, %add3A_2116 : i32
        %dma_wait3A_2118 = tpu.memref_slice %arg4[%add3A_2117, %mul3A_4] : memref<416x16384xf32, #tpu.memory_space<hbm>> -> memref<1x1024xf32, #tpu.memory_space<hbm>>
        %dma_wait3A_2119 = tpu.memref_squeeze %dma_wait3A_2118 : memref<1x1024xf32, #tpu.memory_space<hbm>> -> memref<1024xf32, #tpu.memory_space<hbm>>
        %dma_wait3A_2120 = tpu.memref_slice %arg4[%add3A_2117, %mul3A_4] : memref<416x16384xf32, #tpu.memory_space<hbm>> -> memref<1x1024xf32, #tpu.memory_space<hbm>>
        %dma_wait3A_2121 = tpu.memref_squeeze %dma_wait3A_2120 : memref<1x1024xf32, #tpu.memory_space<hbm>> -> memref<1024xf32, #tpu.memory_space<hbm>>
        tpu.wait_dma2 semaphore(%arg42 : memref<!tpu.dma_semaphore, #tpu.memory_space<semaphore_mem>>) src(%arg30 : memref<1024xf32, #tpu.memory_space<vmem>>) dst(%dma_wait3A_2121 : memref<1024xf32, #tpu.memory_space<hbm>>)
      } else {
      }
      %dma_start3A_1598 = arith.constant 0 : i32
      %dma_start3A_1599 = tpu.memref_slice %arg9[%dma_start3A_1598] : memref<100000xf32, #tpu.memory_space<vmem_shared>> -> memref<100000xf32, #tpu.memory_space<vmem_shared>>
      tpu.enqueue_indirect_dma source(%dma_start3A_1599 : memref<100000xf32, #tpu.memory_space<vmem_shared>>) target(%arg27 : memref<1024xf32, #tpu.memory_space<vmem>>) offsets(%arg22 : memref<1024xi32, #tpu.memory_space<vmem>>) semaphore(%arg41 : memref<!tpu.dma_semaphore, #tpu.memory_space<semaphore_mem>>)
      %dma_start3A_1600 = arith.constant 0 : i32
      %dma_start3A_1601 = tpu.memref_slice %arg10[%dma_start3A_1600] : memref<100000xf32, #tpu.memory_space<vmem_shared>> -> memref<100000xf32, #tpu.memory_space<vmem_shared>>
      tpu.enqueue_indirect_dma source(%dma_start3A_1601 : memref<100000xf32, #tpu.memory_space<vmem_shared>>) target(%arg28 : memref<1024xf32, #tpu.memory_space<vmem>>) offsets(%arg22 : memref<1024xi32, #tpu.memory_space<vmem>>) semaphore(%arg41 : memref<!tpu.dma_semaphore, #tpu.memory_space<semaphore_mem>>)
      %dma_start3A_1602 = arith.constant 0 : i32
      %dma_start3A_1603 = tpu.memref_slice %arg11[%dma_start3A_1602] : memref<100000xf32, #tpu.memory_space<vmem_shared>> -> memref<100000xf32, #tpu.memory_space<vmem_shared>>
      tpu.enqueue_indirect_dma source(%dma_start3A_1603 : memref<100000xf32, #tpu.memory_space<vmem_shared>>) target(%arg29 : memref<1024xf32, #tpu.memory_space<vmem>>) offsets(%arg22 : memref<1024xi32, #tpu.memory_space<vmem>>) semaphore(%arg41 : memref<!tpu.dma_semaphore, #tpu.memory_space<semaphore_mem>>)
      %dma_start3A_1604 = arith.constant 0 : i32
      %dma_start3A_1605 = tpu.memref_slice %arg12[%dma_start3A_1604] : memref<100000xf32, #tpu.memory_space<vmem_shared>> -> memref<100000xf32, #tpu.memory_space<vmem_shared>>
      tpu.enqueue_indirect_dma source(%dma_start3A_1605 : memref<100000xf32, #tpu.memory_space<vmem_shared>>) target(%arg30 : memref<1024xf32, #tpu.memory_space<vmem>>) offsets(%arg22 : memref<1024xi32, #tpu.memory_space<vmem>>) semaphore(%arg41 : memref<!tpu.dma_semaphore, #tpu.memory_space<semaphore_mem>>)
      %dma_wait3A_1606 = arith.constant 0 : i32
      %dma_wait3A_1607 = tpu.memref_slice %arg9[%dma_wait3A_1606] : memref<100000xf32, #tpu.memory_space<vmem_shared>> -> memref<100000xf32, #tpu.memory_space<vmem_shared>>
      tpu.wait_indirect_dma semaphore(%arg41 : memref<!tpu.dma_semaphore, #tpu.memory_space<semaphore_mem>>) src(%dma_wait3A_1607 : memref<100000xf32, #tpu.memory_space<vmem_shared>>) dst(%arg27 : memref<1024xf32, #tpu.memory_space<vmem>>)
      %dma_wait3A_1608 = arith.constant 0 : i32
      %dma_wait3A_1609 = tpu.memref_slice %arg10[%dma_wait3A_1608] : memref<100000xf32, #tpu.memory_space<vmem_shared>> -> memref<100000xf32, #tpu.memory_space<vmem_shared>>
      tpu.wait_indirect_dma semaphore(%arg41 : memref<!tpu.dma_semaphore, #tpu.memory_space<semaphore_mem>>) src(%dma_wait3A_1609 : memref<100000xf32, #tpu.memory_space<vmem_shared>>) dst(%arg28 : memref<1024xf32, #tpu.memory_space<vmem>>)
      %dma_wait3A_1610 = arith.constant 0 : i32
      %dma_wait3A_1611 = tpu.memref_slice %arg11[%dma_wait3A_1610] : memref<100000xf32, #tpu.memory_space<vmem_shared>> -> memref<100000xf32, #tpu.memory_space<vmem_shared>>
      tpu.wait_indirect_dma semaphore(%arg41 : memref<!tpu.dma_semaphore, #tpu.memory_space<semaphore_mem>>) src(%dma_wait3A_1611 : memref<100000xf32, #tpu.memory_space<vmem_shared>>) dst(%arg29 : memref<1024xf32, #tpu.memory_space<vmem>>)
      %dma_wait3A_1612 = arith.constant 0 : i32
      %dma_wait3A_1613 = tpu.memref_slice %arg12[%dma_wait3A_1612] : memref<100000xf32, #tpu.memory_space<vmem_shared>> -> memref<100000xf32, #tpu.memory_space<vmem_shared>>
      tpu.wait_indirect_dma semaphore(%arg41 : memref<!tpu.dma_semaphore, #tpu.memory_space<semaphore_mem>>) src(%dma_wait3A_1613 : memref<100000xf32, #tpu.memory_space<vmem_shared>>) dst(%arg30 : memref<1024xf32, #tpu.memory_space<vmem>>)
      %add3A_1614 = arith.addi %mul3A_0, %add3A_1524 : i32
      %add3A_1615 = arith.constant 0 : i32
      %add3A_1616 = arith.addi %add3A_1614, %add3A_1615 : i32
      %dma_start3A_1617 = tpu.memref_slice %arg4[%add3A_1616, %mul3A_4] : memref<416x16384xf32, #tpu.memory_space<hbm>> -> memref<1x1024xf32, #tpu.memory_space<hbm>>
      %dma_start3A_1618 = tpu.memref_squeeze %dma_start3A_1617 : memref<1x1024xf32, #tpu.memory_space<hbm>> -> memref<1024xf32, #tpu.memory_space<hbm>>
      %dma_start3A_1619 = tpu.memref_slice %arg4[%add3A_1616, %mul3A_4] : memref<416x16384xf32, #tpu.memory_space<hbm>> -> memref<1x1024xf32, #tpu.memory_space<hbm>>
      %dma_start3A_1620 = tpu.memref_squeeze %dma_start3A_1619 : memref<1x1024xf32, #tpu.memory_space<hbm>> -> memref<1024xf32, #tpu.memory_space<hbm>>
      tpu.enqueue_dma source(%arg27 : memref<1024xf32, #tpu.memory_space<vmem>>) target(%dma_start3A_1620 : memref<1024xf32, #tpu.memory_space<hbm>>) target_semaphore(%arg42 : memref<!tpu.dma_semaphore, #tpu.memory_space<semaphore_mem>>)
      %add3A_1621 = arith.addi %mul3A_0, %add3A_1524 : i32
      %add3A_1622 = arith.constant 1 : i32
      %add3A_1623 = arith.addi %add3A_1621, %add3A_1622 : i32
      %dma_start3A_1624 = tpu.memref_slice %arg4[%add3A_1623, %mul3A_4] : memref<416x16384xf32, #tpu.memory_space<hbm>> -> memref<1x1024xf32, #tpu.memory_space<hbm>>
      %dma_start3A_1625 = tpu.memref_squeeze %dma_start3A_1624 : memref<1x1024xf32, #tpu.memory_space<hbm>> -> memref<1024xf32, #tpu.memory_space<hbm>>
      %dma_start3A_1626 = tpu.memref_slice %arg4[%add3A_1623, %mul3A_4] : memref<416x16384xf32, #tpu.memory_space<hbm>> -> memref<1x1024xf32, #tpu.memory_space<hbm>>
      %dma_start3A_1627 = tpu.memref_squeeze %dma_start3A_1626 : memref<1x1024xf32, #tpu.memory_space<hbm>> -> memref<1024xf32, #tpu.memory_space<hbm>>
      tpu.enqueue_dma source(%arg28 : memref<1024xf32, #tpu.memory_space<vmem>>) target(%dma_start3A_1627 : memref<1024xf32, #tpu.memory_space<hbm>>) target_semaphore(%arg42 : memref<!tpu.dma_semaphore, #tpu.memory_space<semaphore_mem>>)
      %add3A_1628 = arith.addi %mul3A_0, %add3A_1524 : i32
      %add3A_1629 = arith.constant 2 : i32
      %add3A_1630 = arith.addi %add3A_1628, %add3A_1629 : i32
      %dma_start3A_1631 = tpu.memref_slice %arg4[%add3A_1630, %mul3A_4] : memref<416x16384xf32, #tpu.memory_space<hbm>> -> memref<1x1024xf32, #tpu.memory_space<hbm>>
      %dma_start3A_1632 = tpu.memref_squeeze %dma_start3A_1631 : memref<1x1024xf32, #tpu.memory_space<hbm>> -> memref<1024xf32, #tpu.memory_space<hbm>>
      %dma_start3A_1633 = tpu.memref_slice %arg4[%add3A_1630, %mul3A_4] : memref<416x16384xf32, #tpu.memory_space<hbm>> -> memref<1x1024xf32, #tpu.memory_space<hbm>>
      %dma_start3A_1634 = tpu.memref_squeeze %dma_start3A_1633 : memref<1x1024xf32, #tpu.memory_space<hbm>> -> memref<1024xf32, #tpu.memory_space<hbm>>
      tpu.enqueue_dma source(%arg29 : memref<1024xf32, #tpu.memory_space<vmem>>) target(%dma_start3A_1634 : memref<1024xf32, #tpu.memory_space<hbm>>) target_semaphore(%arg42 : memref<!tpu.dma_semaphore, #tpu.memory_space<semaphore_mem>>)
      %add3A_1635 = arith.addi %mul3A_0, %add3A_1524 : i32
      %add3A_1636 = arith.constant 3 : i32
      %add3A_1637 = arith.addi %add3A_1635, %add3A_1636 : i32
      %dma_start3A_1638 = tpu.memref_slice %arg4[%add3A_1637, %mul3A_4] : memref<416x16384xf32, #tpu.memory_space<hbm>> -> memref<1x1024xf32, #tpu.memory_space<hbm>>
      %dma_start3A_1639 = tpu.memref_squeeze %dma_start3A_1638 : memref<1x1024xf32, #tpu.memory_space<hbm>> -> memref<1024xf32, #tpu.memory_space<hbm>>
      %dma_start3A_1640 = tpu.memref_slice %arg4[%add3A_1637, %mul3A_4] : memref<416x16384xf32, #tpu.memory_space<hbm>> -> memref<1x1024xf32, #tpu.memory_space<hbm>>
      %dma_start3A_1641 = tpu.memref_squeeze %dma_start3A_1640 : memref<1x1024xf32, #tpu.memory_space<hbm>> -> memref<1024xf32, #tpu.memory_space<hbm>>
      tpu.enqueue_dma source(%arg30 : memref<1024xf32, #tpu.memory_space<vmem>>) target(%dma_start3A_1641 : memref<1024xf32, #tpu.memory_space<hbm>>) target_semaphore(%arg42 : memref<!tpu.dma_semaphore, #tpu.memory_space<semaphore_mem>>)
      %add3A_1642 = arith.constant 4 : i32
      %add3A_1643 = arith.addi %add3A_1524, %add3A_1642 : i32
      %add3A_1644 = arith.constant 0 : i32
      %add3A_1645 = arith.addi %add3A_1643, %add3A_1644 : i32
      %and3A_1646 = arith.constant 15 : i32
      %and3A_1647 = arith.andi %add3A_1645, %and3A_1646 : i32
      %eq3A_1648 = arith.cmpi eq, %arg1, %and3A_1647 : i32
      %add3A_1649 = arith.constant 4 : i32
      %add3A_1650 = arith.addi %add3A_1524, %add3A_1649 : i32
      %add3A_1651 = arith.constant 0 : i32
      %add3A_1652 = arith.addi %add3A_1650, %add3A_1651 : i32
      %lt3A_1653 = arith.constant 208 : i32
      %lt3A_1654 = arith.cmpi slt, %add3A_1652, %lt3A_1653 : i32
      %and3A_1655 = arith.andi %eq3A_1648, %lt3A_1654 : i1
      %convert_element_type3A_1656 = arith.extui %and3A_1655 : i1 to i32
      %cond3A_1657 = arith.constant 0 : i32
      %cond3A_1658 = arith.cmpi ne, %convert_element_type3A_1656, %cond3A_1657 : i32
      scf.if %cond3A_1658 {
        %add3A_2094 = arith.addi %mul3A_0, %add3A_1524 : i32
        %add3A_2095 = arith.constant 4 : i32
        %add3A_2096 = arith.addi %add3A_2094, %add3A_2095 : i32
        %add3A_2097 = arith.constant 0 : i32
        %add3A_2098 = arith.addi %add3A_2096, %add3A_2097 : i32
        %shift_right_arithmetic3A = arith.constant 4 : i32
        %shift_right_arithmetic3A_2099 = arith.shrsi %add3A_2098, %shift_right_arithmetic3A : i32
        %and3A_2100 = arith.constant 15 : i32
        %and3A_2101 = arith.andi %add3A_2098, %and3A_2100 : i32
        %dma_wait3A_2102 = arith.constant 0 : i32
        %dma_wait3A_2103 = tpu.memref_slice %arg2[%shift_right_arithmetic3A_2099, %and3A_2101, %dma_wait3A_2102] : memref<26x16x100000xf32, #tpu.memory_space<hbm>> -> memref<1x1x100000xf32, #tpu.memory_space<hbm>>
        %dma_wait3A_2104 = tpu.memref_squeeze %dma_wait3A_2103 : memref<1x1x100000xf32, #tpu.memory_space<hbm>> -> memref<100000xf32, #tpu.memory_space<hbm>>
        tpu.wait_dma2 semaphore(%arg39 : memref<!tpu.dma_semaphore, #tpu.memory_space<semaphore_mem>>) src(%dma_wait3A_2104 : memref<100000xf32, #tpu.memory_space<hbm>>) dst(%arg13 : memref<100000xf32, #tpu.memory_space<vmem_shared>>)
      } else {
      }
      %add3A_1659 = arith.constant 4 : i32
      %add3A_1660 = arith.addi %add3A_1524, %add3A_1659 : i32
      %add3A_1661 = arith.constant 1 : i32
      %add3A_1662 = arith.addi %add3A_1660, %add3A_1661 : i32
      %and3A_1663 = arith.constant 15 : i32
      %and3A_1664 = arith.andi %add3A_1662, %and3A_1663 : i32
      %eq3A_1665 = arith.cmpi eq, %arg1, %and3A_1664 : i32
      %add3A_1666 = arith.constant 4 : i32
      %add3A_1667 = arith.addi %add3A_1524, %add3A_1666 : i32
      %add3A_1668 = arith.constant 1 : i32
      %add3A_1669 = arith.addi %add3A_1667, %add3A_1668 : i32
      %lt3A_1670 = arith.constant 208 : i32
      %lt3A_1671 = arith.cmpi slt, %add3A_1669, %lt3A_1670 : i32
      %and3A_1672 = arith.andi %eq3A_1665, %lt3A_1671 : i1
      %convert_element_type3A_1673 = arith.extui %and3A_1672 : i1 to i32
      %cond3A_1674 = arith.constant 0 : i32
      %cond3A_1675 = arith.cmpi ne, %convert_element_type3A_1673, %cond3A_1674 : i32
      scf.if %cond3A_1675 {
        %add3A_2094 = arith.addi %mul3A_0, %add3A_1524 : i32
        %add3A_2095 = arith.constant 4 : i32
        %add3A_2096 = arith.addi %add3A_2094, %add3A_2095 : i32
        %add3A_2097 = arith.constant 1 : i32
        %add3A_2098 = arith.addi %add3A_2096, %add3A_2097 : i32
        %shift_right_arithmetic3A = arith.constant 4 : i32
        %shift_right_arithmetic3A_2099 = arith.shrsi %add3A_2098, %shift_right_arithmetic3A : i32
        %and3A_2100 = arith.constant 15 : i32
        %and3A_2101 = arith.andi %add3A_2098, %and3A_2100 : i32
        %dma_wait3A_2102 = arith.constant 0 : i32
        %dma_wait3A_2103 = tpu.memref_slice %arg2[%shift_right_arithmetic3A_2099, %and3A_2101, %dma_wait3A_2102] : memref<26x16x100000xf32, #tpu.memory_space<hbm>> -> memref<1x1x100000xf32, #tpu.memory_space<hbm>>
        %dma_wait3A_2104 = tpu.memref_squeeze %dma_wait3A_2103 : memref<1x1x100000xf32, #tpu.memory_space<hbm>> -> memref<100000xf32, #tpu.memory_space<hbm>>
        tpu.wait_dma2 semaphore(%arg39 : memref<!tpu.dma_semaphore, #tpu.memory_space<semaphore_mem>>) src(%dma_wait3A_2104 : memref<100000xf32, #tpu.memory_space<hbm>>) dst(%arg14 : memref<100000xf32, #tpu.memory_space<vmem_shared>>)
      } else {
      }
      %add3A_1676 = arith.constant 4 : i32
      %add3A_1677 = arith.addi %add3A_1524, %add3A_1676 : i32
      %add3A_1678 = arith.constant 2 : i32
      %add3A_1679 = arith.addi %add3A_1677, %add3A_1678 : i32
      %and3A_1680 = arith.constant 15 : i32
      %and3A_1681 = arith.andi %add3A_1679, %and3A_1680 : i32
      %eq3A_1682 = arith.cmpi eq, %arg1, %and3A_1681 : i32
      %add3A_1683 = arith.constant 4 : i32
      %add3A_1684 = arith.addi %add3A_1524, %add3A_1683 : i32
      %add3A_1685 = arith.constant 2 : i32
      %add3A_1686 = arith.addi %add3A_1684, %add3A_1685 : i32
      %lt3A_1687 = arith.constant 208 : i32
      %lt3A_1688 = arith.cmpi slt, %add3A_1686, %lt3A_1687 : i32
      %and3A_1689 = arith.andi %eq3A_1682, %lt3A_1688 : i1
      %convert_element_type3A_1690 = arith.extui %and3A_1689 : i1 to i32
      %cond3A_1691 = arith.constant 0 : i32
      %cond3A_1692 = arith.cmpi ne, %convert_element_type3A_1690, %cond3A_1691 : i32
      scf.if %cond3A_1692 {
        %add3A_2094 = arith.addi %mul3A_0, %add3A_1524 : i32
        %add3A_2095 = arith.constant 4 : i32
        %add3A_2096 = arith.addi %add3A_2094, %add3A_2095 : i32
        %add3A_2097 = arith.constant 2 : i32
        %add3A_2098 = arith.addi %add3A_2096, %add3A_2097 : i32
        %shift_right_arithmetic3A = arith.constant 4 : i32
        %shift_right_arithmetic3A_2099 = arith.shrsi %add3A_2098, %shift_right_arithmetic3A : i32
        %and3A_2100 = arith.constant 15 : i32
        %and3A_2101 = arith.andi %add3A_2098, %and3A_2100 : i32
        %dma_wait3A_2102 = arith.constant 0 : i32
        %dma_wait3A_2103 = tpu.memref_slice %arg2[%shift_right_arithmetic3A_2099, %and3A_2101, %dma_wait3A_2102] : memref<26x16x100000xf32, #tpu.memory_space<hbm>> -> memref<1x1x100000xf32, #tpu.memory_space<hbm>>
        %dma_wait3A_2104 = tpu.memref_squeeze %dma_wait3A_2103 : memref<1x1x100000xf32, #tpu.memory_space<hbm>> -> memref<100000xf32, #tpu.memory_space<hbm>>
        tpu.wait_dma2 semaphore(%arg39 : memref<!tpu.dma_semaphore, #tpu.memory_space<semaphore_mem>>) src(%dma_wait3A_2104 : memref<100000xf32, #tpu.memory_space<hbm>>) dst(%arg15 : memref<100000xf32, #tpu.memory_space<vmem_shared>>)
      } else {
      }
      %add3A_1693 = arith.constant 4 : i32
      %add3A_1694 = arith.addi %add3A_1524, %add3A_1693 : i32
      %add3A_1695 = arith.constant 3 : i32
      %add3A_1696 = arith.addi %add3A_1694, %add3A_1695 : i32
      %and3A_1697 = arith.constant 15 : i32
      %and3A_1698 = arith.andi %add3A_1696, %and3A_1697 : i32
      %eq3A_1699 = arith.cmpi eq, %arg1, %and3A_1698 : i32
      %add3A_1700 = arith.constant 4 : i32
      %add3A_1701 = arith.addi %add3A_1524, %add3A_1700 : i32
      %add3A_1702 = arith.constant 3 : i32
      %add3A_1703 = arith.addi %add3A_1701, %add3A_1702 : i32
      %lt3A_1704 = arith.constant 208 : i32
      %lt3A_1705 = arith.cmpi slt, %add3A_1703, %lt3A_1704 : i32
      %and3A_1706 = arith.andi %eq3A_1699, %lt3A_1705 : i1
      %convert_element_type3A_1707 = arith.extui %and3A_1706 : i1 to i32
      %cond3A_1708 = arith.constant 0 : i32
      %cond3A_1709 = arith.cmpi ne, %convert_element_type3A_1707, %cond3A_1708 : i32
      scf.if %cond3A_1709 {
        %add3A_2094 = arith.addi %mul3A_0, %add3A_1524 : i32
        %add3A_2095 = arith.constant 4 : i32
        %add3A_2096 = arith.addi %add3A_2094, %add3A_2095 : i32
        %add3A_2097 = arith.constant 3 : i32
        %add3A_2098 = arith.addi %add3A_2096, %add3A_2097 : i32
        %shift_right_arithmetic3A = arith.constant 4 : i32
        %shift_right_arithmetic3A_2099 = arith.shrsi %add3A_2098, %shift_right_arithmetic3A : i32
        %and3A_2100 = arith.constant 15 : i32
        %and3A_2101 = arith.andi %add3A_2098, %and3A_2100 : i32
        %dma_wait3A_2102 = arith.constant 0 : i32
        %dma_wait3A_2103 = tpu.memref_slice %arg2[%shift_right_arithmetic3A_2099, %and3A_2101, %dma_wait3A_2102] : memref<26x16x100000xf32, #tpu.memory_space<hbm>> -> memref<1x1x100000xf32, #tpu.memory_space<hbm>>
        %dma_wait3A_2104 = tpu.memref_squeeze %dma_wait3A_2103 : memref<1x1x100000xf32, #tpu.memory_space<hbm>> -> memref<100000xf32, #tpu.memory_space<hbm>>
        tpu.wait_dma2 semaphore(%arg39 : memref<!tpu.dma_semaphore, #tpu.memory_space<semaphore_mem>>) src(%dma_wait3A_2104 : memref<100000xf32, #tpu.memory_space<hbm>>) dst(%arg16 : memref<100000xf32, #tpu.memory_space<vmem_shared>>)
      } else {
      }
      %barrier3A_1710 = arith.constant 0 : index
      tpu.barrier barrier_id(%barrier3A_1710)
      %add3A_1711 = arith.constant 8 : i32
      %add3A_1712 = arith.addi %add3A_1327, %add3A_1711 : i32
      %add3A_1713 = arith.constant 8 : i32
      %add3A_1714 = arith.addi %add3A_1712, %add3A_1713 : i32
      %add3A_1715 = arith.constant 0 : i32
      %add3A_1716 = arith.addi %add3A_1714, %add3A_1715 : i32
      %and3A_1717 = arith.constant 15 : i32
      %and3A_1718 = arith.andi %add3A_1716, %and3A_1717 : i32
      %eq3A_1719 = arith.cmpi eq, %arg1, %and3A_1718 : i32
      %add3A_1720 = arith.constant 8 : i32
      %add3A_1721 = arith.addi %add3A_1712, %add3A_1720 : i32
      %add3A_1722 = arith.constant 0 : i32
      %add3A_1723 = arith.addi %add3A_1721, %add3A_1722 : i32
      %lt3A_1724 = arith.constant 208 : i32
      %lt3A_1725 = arith.cmpi slt, %add3A_1723, %lt3A_1724 : i32
      %and3A_1726 = arith.andi %eq3A_1719, %lt3A_1725 : i1
      %convert_element_type3A_1727 = arith.extui %and3A_1726 : i1 to i32
      %cond3A_1728 = arith.constant 0 : i32
      %cond3A_1729 = arith.cmpi ne, %convert_element_type3A_1727, %cond3A_1728 : i32
      scf.if %cond3A_1729 {
        %add3A_2094 = arith.addi %mul3A_0, %add3A_1712 : i32
        %add3A_2095 = arith.constant 8 : i32
        %add3A_2096 = arith.addi %add3A_2094, %add3A_2095 : i32
        %add3A_2097 = arith.constant 0 : i32
        %add3A_2098 = arith.addi %add3A_2096, %add3A_2097 : i32
        %shift_right_arithmetic3A = arith.constant 4 : i32
        %shift_right_arithmetic3A_2099 = arith.shrsi %add3A_2098, %shift_right_arithmetic3A : i32
        %and3A_2100 = arith.constant 15 : i32
        %and3A_2101 = arith.andi %add3A_2098, %and3A_2100 : i32
        %dma_start3A_2102 = arith.constant 0 : i32
        %dma_start3A_2103 = tpu.memref_slice %arg2[%shift_right_arithmetic3A_2099, %and3A_2101, %dma_start3A_2102] : memref<26x16x100000xf32, #tpu.memory_space<hbm>> -> memref<1x1x100000xf32, #tpu.memory_space<hbm>>
        %dma_start3A_2104 = tpu.memref_squeeze %dma_start3A_2103 : memref<1x1x100000xf32, #tpu.memory_space<hbm>> -> memref<100000xf32, #tpu.memory_space<hbm>>
        tpu.enqueue_dma source(%dma_start3A_2104 : memref<100000xf32, #tpu.memory_space<hbm>>) target(%arg5 : memref<100000xf32, #tpu.memory_space<vmem_shared>>) target_semaphore(%arg39 : memref<!tpu.dma_semaphore, #tpu.memory_space<semaphore_mem>>)
      } else {
      }
      %add3A_1730 = arith.constant 8 : i32
      %add3A_1731 = arith.addi %add3A_1712, %add3A_1730 : i32
      %add3A_1732 = arith.constant 1 : i32
      %add3A_1733 = arith.addi %add3A_1731, %add3A_1732 : i32
      %and3A_1734 = arith.constant 15 : i32
      %and3A_1735 = arith.andi %add3A_1733, %and3A_1734 : i32
      %eq3A_1736 = arith.cmpi eq, %arg1, %and3A_1735 : i32
      %add3A_1737 = arith.constant 8 : i32
      %add3A_1738 = arith.addi %add3A_1712, %add3A_1737 : i32
      %add3A_1739 = arith.constant 1 : i32
      %add3A_1740 = arith.addi %add3A_1738, %add3A_1739 : i32
      %lt3A_1741 = arith.constant 208 : i32
      %lt3A_1742 = arith.cmpi slt, %add3A_1740, %lt3A_1741 : i32
      %and3A_1743 = arith.andi %eq3A_1736, %lt3A_1742 : i1
      %convert_element_type3A_1744 = arith.extui %and3A_1743 : i1 to i32
      %cond3A_1745 = arith.constant 0 : i32
      %cond3A_1746 = arith.cmpi ne, %convert_element_type3A_1744, %cond3A_1745 : i32
      scf.if %cond3A_1746 {
        %add3A_2094 = arith.addi %mul3A_0, %add3A_1712 : i32
        %add3A_2095 = arith.constant 8 : i32
        %add3A_2096 = arith.addi %add3A_2094, %add3A_2095 : i32
        %add3A_2097 = arith.constant 1 : i32
        %add3A_2098 = arith.addi %add3A_2096, %add3A_2097 : i32
        %shift_right_arithmetic3A = arith.constant 4 : i32
        %shift_right_arithmetic3A_2099 = arith.shrsi %add3A_2098, %shift_right_arithmetic3A : i32
        %and3A_2100 = arith.constant 15 : i32
        %and3A_2101 = arith.andi %add3A_2098, %and3A_2100 : i32
        %dma_start3A_2102 = arith.constant 0 : i32
        %dma_start3A_2103 = tpu.memref_slice %arg2[%shift_right_arithmetic3A_2099, %and3A_2101, %dma_start3A_2102] : memref<26x16x100000xf32, #tpu.memory_space<hbm>> -> memref<1x1x100000xf32, #tpu.memory_space<hbm>>
        %dma_start3A_2104 = tpu.memref_squeeze %dma_start3A_2103 : memref<1x1x100000xf32, #tpu.memory_space<hbm>> -> memref<100000xf32, #tpu.memory_space<hbm>>
        tpu.enqueue_dma source(%dma_start3A_2104 : memref<100000xf32, #tpu.memory_space<hbm>>) target(%arg6 : memref<100000xf32, #tpu.memory_space<vmem_shared>>) target_semaphore(%arg39 : memref<!tpu.dma_semaphore, #tpu.memory_space<semaphore_mem>>)
      } else {
      }
      %add3A_1747 = arith.constant 8 : i32
      %add3A_1748 = arith.addi %add3A_1712, %add3A_1747 : i32
      %add3A_1749 = arith.constant 2 : i32
      %add3A_1750 = arith.addi %add3A_1748, %add3A_1749 : i32
      %and3A_1751 = arith.constant 15 : i32
      %and3A_1752 = arith.andi %add3A_1750, %and3A_1751 : i32
      %eq3A_1753 = arith.cmpi eq, %arg1, %and3A_1752 : i32
      %add3A_1754 = arith.constant 8 : i32
      %add3A_1755 = arith.addi %add3A_1712, %add3A_1754 : i32
      %add3A_1756 = arith.constant 2 : i32
      %add3A_1757 = arith.addi %add3A_1755, %add3A_1756 : i32
      %lt3A_1758 = arith.constant 208 : i32
      %lt3A_1759 = arith.cmpi slt, %add3A_1757, %lt3A_1758 : i32
      %and3A_1760 = arith.andi %eq3A_1753, %lt3A_1759 : i1
      %convert_element_type3A_1761 = arith.extui %and3A_1760 : i1 to i32
      %cond3A_1762 = arith.constant 0 : i32
      %cond3A_1763 = arith.cmpi ne, %convert_element_type3A_1761, %cond3A_1762 : i32
      scf.if %cond3A_1763 {
        %add3A_2094 = arith.addi %mul3A_0, %add3A_1712 : i32
        %add3A_2095 = arith.constant 8 : i32
        %add3A_2096 = arith.addi %add3A_2094, %add3A_2095 : i32
        %add3A_2097 = arith.constant 2 : i32
        %add3A_2098 = arith.addi %add3A_2096, %add3A_2097 : i32
        %shift_right_arithmetic3A = arith.constant 4 : i32
        %shift_right_arithmetic3A_2099 = arith.shrsi %add3A_2098, %shift_right_arithmetic3A : i32
        %and3A_2100 = arith.constant 15 : i32
        %and3A_2101 = arith.andi %add3A_2098, %and3A_2100 : i32
        %dma_start3A_2102 = arith.constant 0 : i32
        %dma_start3A_2103 = tpu.memref_slice %arg2[%shift_right_arithmetic3A_2099, %and3A_2101, %dma_start3A_2102] : memref<26x16x100000xf32, #tpu.memory_space<hbm>> -> memref<1x1x100000xf32, #tpu.memory_space<hbm>>
        %dma_start3A_2104 = tpu.memref_squeeze %dma_start3A_2103 : memref<1x1x100000xf32, #tpu.memory_space<hbm>> -> memref<100000xf32, #tpu.memory_space<hbm>>
        tpu.enqueue_dma source(%dma_start3A_2104 : memref<100000xf32, #tpu.memory_space<hbm>>) target(%arg7 : memref<100000xf32, #tpu.memory_space<vmem_shared>>) target_semaphore(%arg39 : memref<!tpu.dma_semaphore, #tpu.memory_space<semaphore_mem>>)
      } else {
      }
      %add3A_1764 = arith.constant 8 : i32
      %add3A_1765 = arith.addi %add3A_1712, %add3A_1764 : i32
      %add3A_1766 = arith.constant 3 : i32
      %add3A_1767 = arith.addi %add3A_1765, %add3A_1766 : i32
      %and3A_1768 = arith.constant 15 : i32
      %and3A_1769 = arith.andi %add3A_1767, %and3A_1768 : i32
      %eq3A_1770 = arith.cmpi eq, %arg1, %and3A_1769 : i32
      %add3A_1771 = arith.constant 8 : i32
      %add3A_1772 = arith.addi %add3A_1712, %add3A_1771 : i32
      %add3A_1773 = arith.constant 3 : i32
      %add3A_1774 = arith.addi %add3A_1772, %add3A_1773 : i32
      %lt3A_1775 = arith.constant 208 : i32
      %lt3A_1776 = arith.cmpi slt, %add3A_1774, %lt3A_1775 : i32
      %and3A_1777 = arith.andi %eq3A_1770, %lt3A_1776 : i1
      %convert_element_type3A_1778 = arith.extui %and3A_1777 : i1 to i32
      %cond3A_1779 = arith.constant 0 : i32
      %cond3A_1780 = arith.cmpi ne, %convert_element_type3A_1778, %cond3A_1779 : i32
      scf.if %cond3A_1780 {
        %add3A_2094 = arith.addi %mul3A_0, %add3A_1712 : i32
        %add3A_2095 = arith.constant 8 : i32
        %add3A_2096 = arith.addi %add3A_2094, %add3A_2095 : i32
        %add3A_2097 = arith.constant 3 : i32
        %add3A_2098 = arith.addi %add3A_2096, %add3A_2097 : i32
        %shift_right_arithmetic3A = arith.constant 4 : i32
        %shift_right_arithmetic3A_2099 = arith.shrsi %add3A_2098, %shift_right_arithmetic3A : i32
        %and3A_2100 = arith.constant 15 : i32
        %and3A_2101 = arith.andi %add3A_2098, %and3A_2100 : i32
        %dma_start3A_2102 = arith.constant 0 : i32
        %dma_start3A_2103 = tpu.memref_slice %arg2[%shift_right_arithmetic3A_2099, %and3A_2101, %dma_start3A_2102] : memref<26x16x100000xf32, #tpu.memory_space<hbm>> -> memref<1x1x100000xf32, #tpu.memory_space<hbm>>
        %dma_start3A_2104 = tpu.memref_squeeze %dma_start3A_2103 : memref<1x1x100000xf32, #tpu.memory_space<hbm>> -> memref<100000xf32, #tpu.memory_space<hbm>>
        tpu.enqueue_dma source(%dma_start3A_2104 : memref<100000xf32, #tpu.memory_space<hbm>>) target(%arg8 : memref<100000xf32, #tpu.memory_space<vmem_shared>>) target_semaphore(%arg39 : memref<!tpu.dma_semaphore, #tpu.memory_space<semaphore_mem>>)
      } else {
      }
      %ge3A_1781 = arith.constant 16 : i32
      %ge3A_1782 = arith.cmpi sge, %add3A_1712, %ge3A_1781 : i32
      %convert_element_type3A_1783 = arith.extui %ge3A_1782 : i1 to i32
      %cond3A_1784 = arith.constant 0 : i32
      %cond3A_1785 = arith.cmpi ne, %convert_element_type3A_1783, %cond3A_1784 : i32
      scf.if %cond3A_1785 {
        %add3A_2094 = arith.addi %mul3A_0, %add3A_1712 : i32
        %add3A_2095 = arith.constant 0 : i32
        %add3A_2096 = arith.addi %add3A_2094, %add3A_2095 : i32
        %dma_wait3A_2097 = tpu.memref_slice %arg4[%add3A_2096, %mul3A_4] : memref<416x16384xf32, #tpu.memory_space<hbm>> -> memref<1x1024xf32, #tpu.memory_space<hbm>>
        %dma_wait3A_2098 = tpu.memref_squeeze %dma_wait3A_2097 : memref<1x1024xf32, #tpu.memory_space<hbm>> -> memref<1024xf32, #tpu.memory_space<hbm>>
        %dma_wait3A_2099 = tpu.memref_slice %arg4[%add3A_2096, %mul3A_4] : memref<416x16384xf32, #tpu.memory_space<hbm>> -> memref<1x1024xf32, #tpu.memory_space<hbm>>
        %dma_wait3A_2100 = tpu.memref_squeeze %dma_wait3A_2099 : memref<1x1024xf32, #tpu.memory_space<hbm>> -> memref<1024xf32, #tpu.memory_space<hbm>>
        tpu.wait_dma2 semaphore(%arg42 : memref<!tpu.dma_semaphore, #tpu.memory_space<semaphore_mem>>) src(%arg31 : memref<1024xf32, #tpu.memory_space<vmem>>) dst(%dma_wait3A_2100 : memref<1024xf32, #tpu.memory_space<hbm>>)
        %add3A_2101 = arith.addi %mul3A_0, %add3A_1712 : i32
        %add3A_2102 = arith.constant 1 : i32
        %add3A_2103 = arith.addi %add3A_2101, %add3A_2102 : i32
        %dma_wait3A_2104 = tpu.memref_slice %arg4[%add3A_2103, %mul3A_4] : memref<416x16384xf32, #tpu.memory_space<hbm>> -> memref<1x1024xf32, #tpu.memory_space<hbm>>
        %dma_wait3A_2105 = tpu.memref_squeeze %dma_wait3A_2104 : memref<1x1024xf32, #tpu.memory_space<hbm>> -> memref<1024xf32, #tpu.memory_space<hbm>>
        %dma_wait3A_2106 = tpu.memref_slice %arg4[%add3A_2103, %mul3A_4] : memref<416x16384xf32, #tpu.memory_space<hbm>> -> memref<1x1024xf32, #tpu.memory_space<hbm>>
        %dma_wait3A_2107 = tpu.memref_squeeze %dma_wait3A_2106 : memref<1x1024xf32, #tpu.memory_space<hbm>> -> memref<1024xf32, #tpu.memory_space<hbm>>
        tpu.wait_dma2 semaphore(%arg42 : memref<!tpu.dma_semaphore, #tpu.memory_space<semaphore_mem>>) src(%arg32 : memref<1024xf32, #tpu.memory_space<vmem>>) dst(%dma_wait3A_2107 : memref<1024xf32, #tpu.memory_space<hbm>>)
        %add3A_2108 = arith.addi %mul3A_0, %add3A_1712 : i32
        %add3A_2109 = arith.constant 2 : i32
        %add3A_2110 = arith.addi %add3A_2108, %add3A_2109 : i32
        %dma_wait3A_2111 = tpu.memref_slice %arg4[%add3A_2110, %mul3A_4] : memref<416x16384xf32, #tpu.memory_space<hbm>> -> memref<1x1024xf32, #tpu.memory_space<hbm>>
        %dma_wait3A_2112 = tpu.memref_squeeze %dma_wait3A_2111 : memref<1x1024xf32, #tpu.memory_space<hbm>> -> memref<1024xf32, #tpu.memory_space<hbm>>
        %dma_wait3A_2113 = tpu.memref_slice %arg4[%add3A_2110, %mul3A_4] : memref<416x16384xf32, #tpu.memory_space<hbm>> -> memref<1x1024xf32, #tpu.memory_space<hbm>>
        %dma_wait3A_2114 = tpu.memref_squeeze %dma_wait3A_2113 : memref<1x1024xf32, #tpu.memory_space<hbm>> -> memref<1024xf32, #tpu.memory_space<hbm>>
        tpu.wait_dma2 semaphore(%arg42 : memref<!tpu.dma_semaphore, #tpu.memory_space<semaphore_mem>>) src(%arg33 : memref<1024xf32, #tpu.memory_space<vmem>>) dst(%dma_wait3A_2114 : memref<1024xf32, #tpu.memory_space<hbm>>)
        %add3A_2115 = arith.addi %mul3A_0, %add3A_1712 : i32
        %add3A_2116 = arith.constant 3 : i32
        %add3A_2117 = arith.addi %add3A_2115, %add3A_2116 : i32
        %dma_wait3A_2118 = tpu.memref_slice %arg4[%add3A_2117, %mul3A_4] : memref<416x16384xf32, #tpu.memory_space<hbm>> -> memref<1x1024xf32, #tpu.memory_space<hbm>>
        %dma_wait3A_2119 = tpu.memref_squeeze %dma_wait3A_2118 : memref<1x1024xf32, #tpu.memory_space<hbm>> -> memref<1024xf32, #tpu.memory_space<hbm>>
        %dma_wait3A_2120 = tpu.memref_slice %arg4[%add3A_2117, %mul3A_4] : memref<416x16384xf32, #tpu.memory_space<hbm>> -> memref<1x1024xf32, #tpu.memory_space<hbm>>
        %dma_wait3A_2121 = tpu.memref_squeeze %dma_wait3A_2120 : memref<1x1024xf32, #tpu.memory_space<hbm>> -> memref<1024xf32, #tpu.memory_space<hbm>>
        tpu.wait_dma2 semaphore(%arg42 : memref<!tpu.dma_semaphore, #tpu.memory_space<semaphore_mem>>) src(%arg34 : memref<1024xf32, #tpu.memory_space<vmem>>) dst(%dma_wait3A_2121 : memref<1024xf32, #tpu.memory_space<hbm>>)
      } else {
      }
      %dma_start3A_1786 = arith.constant 0 : i32
      %dma_start3A_1787 = tpu.memref_slice %arg13[%dma_start3A_1786] : memref<100000xf32, #tpu.memory_space<vmem_shared>> -> memref<100000xf32, #tpu.memory_space<vmem_shared>>
      tpu.enqueue_indirect_dma source(%dma_start3A_1787 : memref<100000xf32, #tpu.memory_space<vmem_shared>>) target(%arg31 : memref<1024xf32, #tpu.memory_space<vmem>>) offsets(%arg22 : memref<1024xi32, #tpu.memory_space<vmem>>) semaphore(%arg41 : memref<!tpu.dma_semaphore, #tpu.memory_space<semaphore_mem>>)
      %dma_start3A_1788 = arith.constant 0 : i32
      %dma_start3A_1789 = tpu.memref_slice %arg14[%dma_start3A_1788] : memref<100000xf32, #tpu.memory_space<vmem_shared>> -> memref<100000xf32, #tpu.memory_space<vmem_shared>>
      tpu.enqueue_indirect_dma source(%dma_start3A_1789 : memref<100000xf32, #tpu.memory_space<vmem_shared>>) target(%arg32 : memref<1024xf32, #tpu.memory_space<vmem>>) offsets(%arg22 : memref<1024xi32, #tpu.memory_space<vmem>>) semaphore(%arg41 : memref<!tpu.dma_semaphore, #tpu.memory_space<semaphore_mem>>)
      %dma_start3A_1790 = arith.constant 0 : i32
      %dma_start3A_1791 = tpu.memref_slice %arg15[%dma_start3A_1790] : memref<100000xf32, #tpu.memory_space<vmem_shared>> -> memref<100000xf32, #tpu.memory_space<vmem_shared>>
      tpu.enqueue_indirect_dma source(%dma_start3A_1791 : memref<100000xf32, #tpu.memory_space<vmem_shared>>) target(%arg33 : memref<1024xf32, #tpu.memory_space<vmem>>) offsets(%arg22 : memref<1024xi32, #tpu.memory_space<vmem>>) semaphore(%arg41 : memref<!tpu.dma_semaphore, #tpu.memory_space<semaphore_mem>>)
      %dma_start3A_1792 = arith.constant 0 : i32
      %dma_start3A_1793 = tpu.memref_slice %arg16[%dma_start3A_1792] : memref<100000xf32, #tpu.memory_space<vmem_shared>> -> memref<100000xf32, #tpu.memory_space<vmem_shared>>
      tpu.enqueue_indirect_dma source(%dma_start3A_1793 : memref<100000xf32, #tpu.memory_space<vmem_shared>>) target(%arg34 : memref<1024xf32, #tpu.memory_space<vmem>>) offsets(%arg22 : memref<1024xi32, #tpu.memory_space<vmem>>) semaphore(%arg41 : memref<!tpu.dma_semaphore, #tpu.memory_space<semaphore_mem>>)
      %dma_wait3A_1794 = arith.constant 0 : i32
      %dma_wait3A_1795 = tpu.memref_slice %arg13[%dma_wait3A_1794] : memref<100000xf32, #tpu.memory_space<vmem_shared>> -> memref<100000xf32, #tpu.memory_space<vmem_shared>>
      tpu.wait_indirect_dma semaphore(%arg41 : memref<!tpu.dma_semaphore, #tpu.memory_space<semaphore_mem>>) src(%dma_wait3A_1795 : memref<100000xf32, #tpu.memory_space<vmem_shared>>) dst(%arg31 : memref<1024xf32, #tpu.memory_space<vmem>>)
      %dma_wait3A_1796 = arith.constant 0 : i32
      %dma_wait3A_1797 = tpu.memref_slice %arg14[%dma_wait3A_1796] : memref<100000xf32, #tpu.memory_space<vmem_shared>> -> memref<100000xf32, #tpu.memory_space<vmem_shared>>
      tpu.wait_indirect_dma semaphore(%arg41 : memref<!tpu.dma_semaphore, #tpu.memory_space<semaphore_mem>>) src(%dma_wait3A_1797 : memref<100000xf32, #tpu.memory_space<vmem_shared>>) dst(%arg32 : memref<1024xf32, #tpu.memory_space<vmem>>)
      %dma_wait3A_1798 = arith.constant 0 : i32
      %dma_wait3A_1799 = tpu.memref_slice %arg15[%dma_wait3A_1798] : memref<100000xf32, #tpu.memory_space<vmem_shared>> -> memref<100000xf32, #tpu.memory_space<vmem_shared>>
      tpu.wait_indirect_dma semaphore(%arg41 : memref<!tpu.dma_semaphore, #tpu.memory_space<semaphore_mem>>) src(%dma_wait3A_1799 : memref<100000xf32, #tpu.memory_space<vmem_shared>>) dst(%arg33 : memref<1024xf32, #tpu.memory_space<vmem>>)
      %dma_wait3A_1800 = arith.constant 0 : i32
      %dma_wait3A_1801 = tpu.memref_slice %arg16[%dma_wait3A_1800] : memref<100000xf32, #tpu.memory_space<vmem_shared>> -> memref<100000xf32, #tpu.memory_space<vmem_shared>>
      tpu.wait_indirect_dma semaphore(%arg41 : memref<!tpu.dma_semaphore, #tpu.memory_space<semaphore_mem>>) src(%dma_wait3A_1801 : memref<100000xf32, #tpu.memory_space<vmem_shared>>) dst(%arg34 : memref<1024xf32, #tpu.memory_space<vmem>>)
      %add3A_1802 = arith.addi %mul3A_0, %add3A_1712 : i32
      %add3A_1803 = arith.constant 0 : i32
      %add3A_1804 = arith.addi %add3A_1802, %add3A_1803 : i32
      %dma_start3A_1805 = tpu.memref_slice %arg4[%add3A_1804, %mul3A_4] : memref<416x16384xf32, #tpu.memory_space<hbm>> -> memref<1x1024xf32, #tpu.memory_space<hbm>>
      %dma_start3A_1806 = tpu.memref_squeeze %dma_start3A_1805 : memref<1x1024xf32, #tpu.memory_space<hbm>> -> memref<1024xf32, #tpu.memory_space<hbm>>
      %dma_start3A_1807 = tpu.memref_slice %arg4[%add3A_1804, %mul3A_4] : memref<416x16384xf32, #tpu.memory_space<hbm>> -> memref<1x1024xf32, #tpu.memory_space<hbm>>
      %dma_start3A_1808 = tpu.memref_squeeze %dma_start3A_1807 : memref<1x1024xf32, #tpu.memory_space<hbm>> -> memref<1024xf32, #tpu.memory_space<hbm>>
      tpu.enqueue_dma source(%arg31 : memref<1024xf32, #tpu.memory_space<vmem>>) target(%dma_start3A_1808 : memref<1024xf32, #tpu.memory_space<hbm>>) target_semaphore(%arg42 : memref<!tpu.dma_semaphore, #tpu.memory_space<semaphore_mem>>)
      %add3A_1809 = arith.addi %mul3A_0, %add3A_1712 : i32
      %add3A_1810 = arith.constant 1 : i32
      %add3A_1811 = arith.addi %add3A_1809, %add3A_1810 : i32
      %dma_start3A_1812 = tpu.memref_slice %arg4[%add3A_1811, %mul3A_4] : memref<416x16384xf32, #tpu.memory_space<hbm>> -> memref<1x1024xf32, #tpu.memory_space<hbm>>
      %dma_start3A_1813 = tpu.memref_squeeze %dma_start3A_1812 : memref<1x1024xf32, #tpu.memory_space<hbm>> -> memref<1024xf32, #tpu.memory_space<hbm>>
      %dma_start3A_1814 = tpu.memref_slice %arg4[%add3A_1811, %mul3A_4] : memref<416x16384xf32, #tpu.memory_space<hbm>> -> memref<1x1024xf32, #tpu.memory_space<hbm>>
      %dma_start3A_1815 = tpu.memref_squeeze %dma_start3A_1814 : memref<1x1024xf32, #tpu.memory_space<hbm>> -> memref<1024xf32, #tpu.memory_space<hbm>>
      tpu.enqueue_dma source(%arg32 : memref<1024xf32, #tpu.memory_space<vmem>>) target(%dma_start3A_1815 : memref<1024xf32, #tpu.memory_space<hbm>>) target_semaphore(%arg42 : memref<!tpu.dma_semaphore, #tpu.memory_space<semaphore_mem>>)
      %add3A_1816 = arith.addi %mul3A_0, %add3A_1712 : i32
      %add3A_1817 = arith.constant 2 : i32
      %add3A_1818 = arith.addi %add3A_1816, %add3A_1817 : i32
      %dma_start3A_1819 = tpu.memref_slice %arg4[%add3A_1818, %mul3A_4] : memref<416x16384xf32, #tpu.memory_space<hbm>> -> memref<1x1024xf32, #tpu.memory_space<hbm>>
      %dma_start3A_1820 = tpu.memref_squeeze %dma_start3A_1819 : memref<1x1024xf32, #tpu.memory_space<hbm>> -> memref<1024xf32, #tpu.memory_space<hbm>>
      %dma_start3A_1821 = tpu.memref_slice %arg4[%add3A_1818, %mul3A_4] : memref<416x16384xf32, #tpu.memory_space<hbm>> -> memref<1x1024xf32, #tpu.memory_space<hbm>>
      %dma_start3A_1822 = tpu.memref_squeeze %dma_start3A_1821 : memref<1x1024xf32, #tpu.memory_space<hbm>> -> memref<1024xf32, #tpu.memory_space<hbm>>
      tpu.enqueue_dma source(%arg33 : memref<1024xf32, #tpu.memory_space<vmem>>) target(%dma_start3A_1822 : memref<1024xf32, #tpu.memory_space<hbm>>) target_semaphore(%arg42 : memref<!tpu.dma_semaphore, #tpu.memory_space<semaphore_mem>>)
      %add3A_1823 = arith.addi %mul3A_0, %add3A_1712 : i32
      %add3A_1824 = arith.constant 3 : i32
      %add3A_1825 = arith.addi %add3A_1823, %add3A_1824 : i32
      %dma_start3A_1826 = tpu.memref_slice %arg4[%add3A_1825, %mul3A_4] : memref<416x16384xf32, #tpu.memory_space<hbm>> -> memref<1x1024xf32, #tpu.memory_space<hbm>>
      %dma_start3A_1827 = tpu.memref_squeeze %dma_start3A_1826 : memref<1x1024xf32, #tpu.memory_space<hbm>> -> memref<1024xf32, #tpu.memory_space<hbm>>
      %dma_start3A_1828 = tpu.memref_slice %arg4[%add3A_1825, %mul3A_4] : memref<416x16384xf32, #tpu.memory_space<hbm>> -> memref<1x1024xf32, #tpu.memory_space<hbm>>
      %dma_start3A_1829 = tpu.memref_squeeze %dma_start3A_1828 : memref<1x1024xf32, #tpu.memory_space<hbm>> -> memref<1024xf32, #tpu.memory_space<hbm>>
      tpu.enqueue_dma source(%arg34 : memref<1024xf32, #tpu.memory_space<vmem>>) target(%dma_start3A_1829 : memref<1024xf32, #tpu.memory_space<hbm>>) target_semaphore(%arg42 : memref<!tpu.dma_semaphore, #tpu.memory_space<semaphore_mem>>)
      %add3A_1830 = arith.constant 4 : i32
      %add3A_1831 = arith.addi %add3A_1712, %add3A_1830 : i32
      %add3A_1832 = arith.constant 0 : i32
      %add3A_1833 = arith.addi %add3A_1831, %add3A_1832 : i32
      %and3A_1834 = arith.constant 15 : i32
      %and3A_1835 = arith.andi %add3A_1833, %and3A_1834 : i32
      %eq3A_1836 = arith.cmpi eq, %arg1, %and3A_1835 : i32
      %add3A_1837 = arith.constant 4 : i32
      %add3A_1838 = arith.addi %add3A_1712, %add3A_1837 : i32
      %add3A_1839 = arith.constant 0 : i32
      %add3A_1840 = arith.addi %add3A_1838, %add3A_1839 : i32
      %lt3A_1841 = arith.constant 208 : i32
      %lt3A_1842 = arith.cmpi slt, %add3A_1840, %lt3A_1841 : i32
      %and3A_1843 = arith.andi %eq3A_1836, %lt3A_1842 : i1
      %convert_element_type3A_1844 = arith.extui %and3A_1843 : i1 to i32
      %cond3A_1845 = arith.constant 0 : i32
      %cond3A_1846 = arith.cmpi ne, %convert_element_type3A_1844, %cond3A_1845 : i32
      scf.if %cond3A_1846 {
        %add3A_2094 = arith.addi %mul3A_0, %add3A_1712 : i32
        %add3A_2095 = arith.constant 4 : i32
        %add3A_2096 = arith.addi %add3A_2094, %add3A_2095 : i32
        %add3A_2097 = arith.constant 0 : i32
        %add3A_2098 = arith.addi %add3A_2096, %add3A_2097 : i32
        %shift_right_arithmetic3A = arith.constant 4 : i32
        %shift_right_arithmetic3A_2099 = arith.shrsi %add3A_2098, %shift_right_arithmetic3A : i32
        %and3A_2100 = arith.constant 15 : i32
        %and3A_2101 = arith.andi %add3A_2098, %and3A_2100 : i32
        %dma_wait3A_2102 = arith.constant 0 : i32
        %dma_wait3A_2103 = tpu.memref_slice %arg2[%shift_right_arithmetic3A_2099, %and3A_2101, %dma_wait3A_2102] : memref<26x16x100000xf32, #tpu.memory_space<hbm>> -> memref<1x1x100000xf32, #tpu.memory_space<hbm>>
        %dma_wait3A_2104 = tpu.memref_squeeze %dma_wait3A_2103 : memref<1x1x100000xf32, #tpu.memory_space<hbm>> -> memref<100000xf32, #tpu.memory_space<hbm>>
        tpu.wait_dma2 semaphore(%arg39 : memref<!tpu.dma_semaphore, #tpu.memory_space<semaphore_mem>>) src(%dma_wait3A_2104 : memref<100000xf32, #tpu.memory_space<hbm>>) dst(%arg17 : memref<100000xf32, #tpu.memory_space<vmem_shared>>)
      } else {
      }
      %add3A_1847 = arith.constant 4 : i32
      %add3A_1848 = arith.addi %add3A_1712, %add3A_1847 : i32
      %add3A_1849 = arith.constant 1 : i32
      %add3A_1850 = arith.addi %add3A_1848, %add3A_1849 : i32
      %and3A_1851 = arith.constant 15 : i32
      %and3A_1852 = arith.andi %add3A_1850, %and3A_1851 : i32
      %eq3A_1853 = arith.cmpi eq, %arg1, %and3A_1852 : i32
      %add3A_1854 = arith.constant 4 : i32
      %add3A_1855 = arith.addi %add3A_1712, %add3A_1854 : i32
      %add3A_1856 = arith.constant 1 : i32
      %add3A_1857 = arith.addi %add3A_1855, %add3A_1856 : i32
      %lt3A_1858 = arith.constant 208 : i32
      %lt3A_1859 = arith.cmpi slt, %add3A_1857, %lt3A_1858 : i32
      %and3A_1860 = arith.andi %eq3A_1853, %lt3A_1859 : i1
      %convert_element_type3A_1861 = arith.extui %and3A_1860 : i1 to i32
      %cond3A_1862 = arith.constant 0 : i32
      %cond3A_1863 = arith.cmpi ne, %convert_element_type3A_1861, %cond3A_1862 : i32
      scf.if %cond3A_1863 {
        %add3A_2094 = arith.addi %mul3A_0, %add3A_1712 : i32
        %add3A_2095 = arith.constant 4 : i32
        %add3A_2096 = arith.addi %add3A_2094, %add3A_2095 : i32
        %add3A_2097 = arith.constant 1 : i32
        %add3A_2098 = arith.addi %add3A_2096, %add3A_2097 : i32
        %shift_right_arithmetic3A = arith.constant 4 : i32
        %shift_right_arithmetic3A_2099 = arith.shrsi %add3A_2098, %shift_right_arithmetic3A : i32
        %and3A_2100 = arith.constant 15 : i32
        %and3A_2101 = arith.andi %add3A_2098, %and3A_2100 : i32
        %dma_wait3A_2102 = arith.constant 0 : i32
        %dma_wait3A_2103 = tpu.memref_slice %arg2[%shift_right_arithmetic3A_2099, %and3A_2101, %dma_wait3A_2102] : memref<26x16x100000xf32, #tpu.memory_space<hbm>> -> memref<1x1x100000xf32, #tpu.memory_space<hbm>>
        %dma_wait3A_2104 = tpu.memref_squeeze %dma_wait3A_2103 : memref<1x1x100000xf32, #tpu.memory_space<hbm>> -> memref<100000xf32, #tpu.memory_space<hbm>>
        tpu.wait_dma2 semaphore(%arg39 : memref<!tpu.dma_semaphore, #tpu.memory_space<semaphore_mem>>) src(%dma_wait3A_2104 : memref<100000xf32, #tpu.memory_space<hbm>>) dst(%arg18 : memref<100000xf32, #tpu.memory_space<vmem_shared>>)
      } else {
      }
      %add3A_1864 = arith.constant 4 : i32
      %add3A_1865 = arith.addi %add3A_1712, %add3A_1864 : i32
      %add3A_1866 = arith.constant 2 : i32
      %add3A_1867 = arith.addi %add3A_1865, %add3A_1866 : i32
      %and3A_1868 = arith.constant 15 : i32
      %and3A_1869 = arith.andi %add3A_1867, %and3A_1868 : i32
      %eq3A_1870 = arith.cmpi eq, %arg1, %and3A_1869 : i32
      %add3A_1871 = arith.constant 4 : i32
      %add3A_1872 = arith.addi %add3A_1712, %add3A_1871 : i32
      %add3A_1873 = arith.constant 2 : i32
      %add3A_1874 = arith.addi %add3A_1872, %add3A_1873 : i32
      %lt3A_1875 = arith.constant 208 : i32
      %lt3A_1876 = arith.cmpi slt, %add3A_1874, %lt3A_1875 : i32
      %and3A_1877 = arith.andi %eq3A_1870, %lt3A_1876 : i1
      %convert_element_type3A_1878 = arith.extui %and3A_1877 : i1 to i32
      %cond3A_1879 = arith.constant 0 : i32
      %cond3A_1880 = arith.cmpi ne, %convert_element_type3A_1878, %cond3A_1879 : i32
      scf.if %cond3A_1880 {
        %add3A_2094 = arith.addi %mul3A_0, %add3A_1712 : i32
        %add3A_2095 = arith.constant 4 : i32
        %add3A_2096 = arith.addi %add3A_2094, %add3A_2095 : i32
        %add3A_2097 = arith.constant 2 : i32
        %add3A_2098 = arith.addi %add3A_2096, %add3A_2097 : i32
        %shift_right_arithmetic3A = arith.constant 4 : i32
        %shift_right_arithmetic3A_2099 = arith.shrsi %add3A_2098, %shift_right_arithmetic3A : i32
        %and3A_2100 = arith.constant 15 : i32
        %and3A_2101 = arith.andi %add3A_2098, %and3A_2100 : i32
        %dma_wait3A_2102 = arith.constant 0 : i32
        %dma_wait3A_2103 = tpu.memref_slice %arg2[%shift_right_arithmetic3A_2099, %and3A_2101, %dma_wait3A_2102] : memref<26x16x100000xf32, #tpu.memory_space<hbm>> -> memref<1x1x100000xf32, #tpu.memory_space<hbm>>
        %dma_wait3A_2104 = tpu.memref_squeeze %dma_wait3A_2103 : memref<1x1x100000xf32, #tpu.memory_space<hbm>> -> memref<100000xf32, #tpu.memory_space<hbm>>
        tpu.wait_dma2 semaphore(%arg39 : memref<!tpu.dma_semaphore, #tpu.memory_space<semaphore_mem>>) src(%dma_wait3A_2104 : memref<100000xf32, #tpu.memory_space<hbm>>) dst(%arg19 : memref<100000xf32, #tpu.memory_space<vmem_shared>>)
      } else {
      }
      %add3A_1881 = arith.constant 4 : i32
      %add3A_1882 = arith.addi %add3A_1712, %add3A_1881 : i32
      %add3A_1883 = arith.constant 3 : i32
      %add3A_1884 = arith.addi %add3A_1882, %add3A_1883 : i32
      %and3A_1885 = arith.constant 15 : i32
      %and3A_1886 = arith.andi %add3A_1884, %and3A_1885 : i32
      %eq3A_1887 = arith.cmpi eq, %arg1, %and3A_1886 : i32
      %add3A_1888 = arith.constant 4 : i32
      %add3A_1889 = arith.addi %add3A_1712, %add3A_1888 : i32
      %add3A_1890 = arith.constant 3 : i32
      %add3A_1891 = arith.addi %add3A_1889, %add3A_1890 : i32
      %lt3A_1892 = arith.constant 208 : i32
      %lt3A_1893 = arith.cmpi slt, %add3A_1891, %lt3A_1892 : i32
      %and3A_1894 = arith.andi %eq3A_1887, %lt3A_1893 : i1
      %convert_element_type3A_1895 = arith.extui %and3A_1894 : i1 to i32
      %cond3A_1896 = arith.constant 0 : i32
      %cond3A_1897 = arith.cmpi ne, %convert_element_type3A_1895, %cond3A_1896 : i32
      scf.if %cond3A_1897 {
        %add3A_2094 = arith.addi %mul3A_0, %add3A_1712 : i32
        %add3A_2095 = arith.constant 4 : i32
        %add3A_2096 = arith.addi %add3A_2094, %add3A_2095 : i32
        %add3A_2097 = arith.constant 3 : i32
        %add3A_2098 = arith.addi %add3A_2096, %add3A_2097 : i32
        %shift_right_arithmetic3A = arith.constant 4 : i32
        %shift_right_arithmetic3A_2099 = arith.shrsi %add3A_2098, %shift_right_arithmetic3A : i32
        %and3A_2100 = arith.constant 15 : i32
        %and3A_2101 = arith.andi %add3A_2098, %and3A_2100 : i32
        %dma_wait3A_2102 = arith.constant 0 : i32
        %dma_wait3A_2103 = tpu.memref_slice %arg2[%shift_right_arithmetic3A_2099, %and3A_2101, %dma_wait3A_2102] : memref<26x16x100000xf32, #tpu.memory_space<hbm>> -> memref<1x1x100000xf32, #tpu.memory_space<hbm>>
        %dma_wait3A_2104 = tpu.memref_squeeze %dma_wait3A_2103 : memref<1x1x100000xf32, #tpu.memory_space<hbm>> -> memref<100000xf32, #tpu.memory_space<hbm>>
        tpu.wait_dma2 semaphore(%arg39 : memref<!tpu.dma_semaphore, #tpu.memory_space<semaphore_mem>>) src(%dma_wait3A_2104 : memref<100000xf32, #tpu.memory_space<hbm>>) dst(%arg20 : memref<100000xf32, #tpu.memory_space<vmem_shared>>)
      } else {
      }
      %barrier3A_1898 = arith.constant 0 : index
      tpu.barrier barrier_id(%barrier3A_1898)
      %add3A_1899 = arith.constant 12 : i32
      %add3A_1900 = arith.addi %add3A_1327, %add3A_1899 : i32
      %add3A_1901 = arith.constant 8 : i32
      %add3A_1902 = arith.addi %add3A_1900, %add3A_1901 : i32
      %add3A_1903 = arith.constant 0 : i32
      %add3A_1904 = arith.addi %add3A_1902, %add3A_1903 : i32
      %and3A_1905 = arith.constant 15 : i32
      %and3A_1906 = arith.andi %add3A_1904, %and3A_1905 : i32
      %eq3A_1907 = arith.cmpi eq, %arg1, %and3A_1906 : i32
      %add3A_1908 = arith.constant 8 : i32
      %add3A_1909 = arith.addi %add3A_1900, %add3A_1908 : i32
      %add3A_1910 = arith.constant 0 : i32
      %add3A_1911 = arith.addi %add3A_1909, %add3A_1910 : i32
      %lt3A_1912 = arith.constant 208 : i32
      %lt3A_1913 = arith.cmpi slt, %add3A_1911, %lt3A_1912 : i32
      %and3A_1914 = arith.andi %eq3A_1907, %lt3A_1913 : i1
      %convert_element_type3A_1915 = arith.extui %and3A_1914 : i1 to i32
      %cond3A_1916 = arith.constant 0 : i32
      %cond3A_1917 = arith.cmpi ne, %convert_element_type3A_1915, %cond3A_1916 : i32
      scf.if %cond3A_1917 {
        %add3A_2094 = arith.addi %mul3A_0, %add3A_1900 : i32
        %add3A_2095 = arith.constant 8 : i32
        %add3A_2096 = arith.addi %add3A_2094, %add3A_2095 : i32
        %add3A_2097 = arith.constant 0 : i32
        %add3A_2098 = arith.addi %add3A_2096, %add3A_2097 : i32
        %shift_right_arithmetic3A = arith.constant 4 : i32
        %shift_right_arithmetic3A_2099 = arith.shrsi %add3A_2098, %shift_right_arithmetic3A : i32
        %and3A_2100 = arith.constant 15 : i32
        %and3A_2101 = arith.andi %add3A_2098, %and3A_2100 : i32
        %dma_start3A_2102 = arith.constant 0 : i32
        %dma_start3A_2103 = tpu.memref_slice %arg2[%shift_right_arithmetic3A_2099, %and3A_2101, %dma_start3A_2102] : memref<26x16x100000xf32, #tpu.memory_space<hbm>> -> memref<1x1x100000xf32, #tpu.memory_space<hbm>>
        %dma_start3A_2104 = tpu.memref_squeeze %dma_start3A_2103 : memref<1x1x100000xf32, #tpu.memory_space<hbm>> -> memref<100000xf32, #tpu.memory_space<hbm>>
        tpu.enqueue_dma source(%dma_start3A_2104 : memref<100000xf32, #tpu.memory_space<hbm>>) target(%arg9 : memref<100000xf32, #tpu.memory_space<vmem_shared>>) target_semaphore(%arg39 : memref<!tpu.dma_semaphore, #tpu.memory_space<semaphore_mem>>)
      } else {
      }
      %add3A_1918 = arith.constant 8 : i32
      %add3A_1919 = arith.addi %add3A_1900, %add3A_1918 : i32
      %add3A_1920 = arith.constant 1 : i32
      %add3A_1921 = arith.addi %add3A_1919, %add3A_1920 : i32
      %and3A_1922 = arith.constant 15 : i32
      %and3A_1923 = arith.andi %add3A_1921, %and3A_1922 : i32
      %eq3A_1924 = arith.cmpi eq, %arg1, %and3A_1923 : i32
      %add3A_1925 = arith.constant 8 : i32
      %add3A_1926 = arith.addi %add3A_1900, %add3A_1925 : i32
      %add3A_1927 = arith.constant 1 : i32
      %add3A_1928 = arith.addi %add3A_1926, %add3A_1927 : i32
      %lt3A_1929 = arith.constant 208 : i32
      %lt3A_1930 = arith.cmpi slt, %add3A_1928, %lt3A_1929 : i32
      %and3A_1931 = arith.andi %eq3A_1924, %lt3A_1930 : i1
      %convert_element_type3A_1932 = arith.extui %and3A_1931 : i1 to i32
      %cond3A_1933 = arith.constant 0 : i32
      %cond3A_1934 = arith.cmpi ne, %convert_element_type3A_1932, %cond3A_1933 : i32
      scf.if %cond3A_1934 {
        %add3A_2094 = arith.addi %mul3A_0, %add3A_1900 : i32
        %add3A_2095 = arith.constant 8 : i32
        %add3A_2096 = arith.addi %add3A_2094, %add3A_2095 : i32
        %add3A_2097 = arith.constant 1 : i32
        %add3A_2098 = arith.addi %add3A_2096, %add3A_2097 : i32
        %shift_right_arithmetic3A = arith.constant 4 : i32
        %shift_right_arithmetic3A_2099 = arith.shrsi %add3A_2098, %shift_right_arithmetic3A : i32
        %and3A_2100 = arith.constant 15 : i32
        %and3A_2101 = arith.andi %add3A_2098, %and3A_2100 : i32
        %dma_start3A_2102 = arith.constant 0 : i32
        %dma_start3A_2103 = tpu.memref_slice %arg2[%shift_right_arithmetic3A_2099, %and3A_2101, %dma_start3A_2102] : memref<26x16x100000xf32, #tpu.memory_space<hbm>> -> memref<1x1x100000xf32, #tpu.memory_space<hbm>>
        %dma_start3A_2104 = tpu.memref_squeeze %dma_start3A_2103 : memref<1x1x100000xf32, #tpu.memory_space<hbm>> -> memref<100000xf32, #tpu.memory_space<hbm>>
        tpu.enqueue_dma source(%dma_start3A_2104 : memref<100000xf32, #tpu.memory_space<hbm>>) target(%arg10 : memref<100000xf32, #tpu.memory_space<vmem_shared>>) target_semaphore(%arg39 : memref<!tpu.dma_semaphore, #tpu.memory_space<semaphore_mem>>)
      } else {
      }
      %add3A_1935 = arith.constant 8 : i32
      %add3A_1936 = arith.addi %add3A_1900, %add3A_1935 : i32
      %add3A_1937 = arith.constant 2 : i32
      %add3A_1938 = arith.addi %add3A_1936, %add3A_1937 : i32
      %and3A_1939 = arith.constant 15 : i32
      %and3A_1940 = arith.andi %add3A_1938, %and3A_1939 : i32
      %eq3A_1941 = arith.cmpi eq, %arg1, %and3A_1940 : i32
      %add3A_1942 = arith.constant 8 : i32
      %add3A_1943 = arith.addi %add3A_1900, %add3A_1942 : i32
      %add3A_1944 = arith.constant 2 : i32
      %add3A_1945 = arith.addi %add3A_1943, %add3A_1944 : i32
      %lt3A_1946 = arith.constant 208 : i32
      %lt3A_1947 = arith.cmpi slt, %add3A_1945, %lt3A_1946 : i32
      %and3A_1948 = arith.andi %eq3A_1941, %lt3A_1947 : i1
      %convert_element_type3A_1949 = arith.extui %and3A_1948 : i1 to i32
      %cond3A_1950 = arith.constant 0 : i32
      %cond3A_1951 = arith.cmpi ne, %convert_element_type3A_1949, %cond3A_1950 : i32
      scf.if %cond3A_1951 {
        %add3A_2094 = arith.addi %mul3A_0, %add3A_1900 : i32
        %add3A_2095 = arith.constant 8 : i32
        %add3A_2096 = arith.addi %add3A_2094, %add3A_2095 : i32
        %add3A_2097 = arith.constant 2 : i32
        %add3A_2098 = arith.addi %add3A_2096, %add3A_2097 : i32
        %shift_right_arithmetic3A = arith.constant 4 : i32
        %shift_right_arithmetic3A_2099 = arith.shrsi %add3A_2098, %shift_right_arithmetic3A : i32
        %and3A_2100 = arith.constant 15 : i32
        %and3A_2101 = arith.andi %add3A_2098, %and3A_2100 : i32
        %dma_start3A_2102 = arith.constant 0 : i32
        %dma_start3A_2103 = tpu.memref_slice %arg2[%shift_right_arithmetic3A_2099, %and3A_2101, %dma_start3A_2102] : memref<26x16x100000xf32, #tpu.memory_space<hbm>> -> memref<1x1x100000xf32, #tpu.memory_space<hbm>>
        %dma_start3A_2104 = tpu.memref_squeeze %dma_start3A_2103 : memref<1x1x100000xf32, #tpu.memory_space<hbm>> -> memref<100000xf32, #tpu.memory_space<hbm>>
        tpu.enqueue_dma source(%dma_start3A_2104 : memref<100000xf32, #tpu.memory_space<hbm>>) target(%arg11 : memref<100000xf32, #tpu.memory_space<vmem_shared>>) target_semaphore(%arg39 : memref<!tpu.dma_semaphore, #tpu.memory_space<semaphore_mem>>)
      } else {
      }
      %add3A_1952 = arith.constant 8 : i32
      %add3A_1953 = arith.addi %add3A_1900, %add3A_1952 : i32
      %add3A_1954 = arith.constant 3 : i32
      %add3A_1955 = arith.addi %add3A_1953, %add3A_1954 : i32
      %and3A_1956 = arith.constant 15 : i32
      %and3A_1957 = arith.andi %add3A_1955, %and3A_1956 : i32
      %eq3A_1958 = arith.cmpi eq, %arg1, %and3A_1957 : i32
      %add3A_1959 = arith.constant 8 : i32
      %add3A_1960 = arith.addi %add3A_1900, %add3A_1959 : i32
      %add3A_1961 = arith.constant 3 : i32
      %add3A_1962 = arith.addi %add3A_1960, %add3A_1961 : i32
      %lt3A_1963 = arith.constant 208 : i32
      %lt3A_1964 = arith.cmpi slt, %add3A_1962, %lt3A_1963 : i32
      %and3A_1965 = arith.andi %eq3A_1958, %lt3A_1964 : i1
      %convert_element_type3A_1966 = arith.extui %and3A_1965 : i1 to i32
      %cond3A_1967 = arith.constant 0 : i32
      %cond3A_1968 = arith.cmpi ne, %convert_element_type3A_1966, %cond3A_1967 : i32
      scf.if %cond3A_1968 {
        %add3A_2094 = arith.addi %mul3A_0, %add3A_1900 : i32
        %add3A_2095 = arith.constant 8 : i32
        %add3A_2096 = arith.addi %add3A_2094, %add3A_2095 : i32
        %add3A_2097 = arith.constant 3 : i32
        %add3A_2098 = arith.addi %add3A_2096, %add3A_2097 : i32
        %shift_right_arithmetic3A = arith.constant 4 : i32
        %shift_right_arithmetic3A_2099 = arith.shrsi %add3A_2098, %shift_right_arithmetic3A : i32
        %and3A_2100 = arith.constant 15 : i32
        %and3A_2101 = arith.andi %add3A_2098, %and3A_2100 : i32
        %dma_start3A_2102 = arith.constant 0 : i32
        %dma_start3A_2103 = tpu.memref_slice %arg2[%shift_right_arithmetic3A_2099, %and3A_2101, %dma_start3A_2102] : memref<26x16x100000xf32, #tpu.memory_space<hbm>> -> memref<1x1x100000xf32, #tpu.memory_space<hbm>>
        %dma_start3A_2104 = tpu.memref_squeeze %dma_start3A_2103 : memref<1x1x100000xf32, #tpu.memory_space<hbm>> -> memref<100000xf32, #tpu.memory_space<hbm>>
        tpu.enqueue_dma source(%dma_start3A_2104 : memref<100000xf32, #tpu.memory_space<hbm>>) target(%arg12 : memref<100000xf32, #tpu.memory_space<vmem_shared>>) target_semaphore(%arg39 : memref<!tpu.dma_semaphore, #tpu.memory_space<semaphore_mem>>)
      } else {
      }
      %ge3A_1969 = arith.constant 16 : i32
      %ge3A_1970 = arith.cmpi sge, %add3A_1900, %ge3A_1969 : i32
      %convert_element_type3A_1971 = arith.extui %ge3A_1970 : i1 to i32
      %cond3A_1972 = arith.constant 0 : i32
      %cond3A_1973 = arith.cmpi ne, %convert_element_type3A_1971, %cond3A_1972 : i32
      scf.if %cond3A_1973 {
        %add3A_2094 = arith.addi %mul3A_0, %add3A_1900 : i32
        %add3A_2095 = arith.constant 0 : i32
        %add3A_2096 = arith.addi %add3A_2094, %add3A_2095 : i32
        %dma_wait3A_2097 = tpu.memref_slice %arg4[%add3A_2096, %mul3A_4] : memref<416x16384xf32, #tpu.memory_space<hbm>> -> memref<1x1024xf32, #tpu.memory_space<hbm>>
        %dma_wait3A_2098 = tpu.memref_squeeze %dma_wait3A_2097 : memref<1x1024xf32, #tpu.memory_space<hbm>> -> memref<1024xf32, #tpu.memory_space<hbm>>
        %dma_wait3A_2099 = tpu.memref_slice %arg4[%add3A_2096, %mul3A_4] : memref<416x16384xf32, #tpu.memory_space<hbm>> -> memref<1x1024xf32, #tpu.memory_space<hbm>>
        %dma_wait3A_2100 = tpu.memref_squeeze %dma_wait3A_2099 : memref<1x1024xf32, #tpu.memory_space<hbm>> -> memref<1024xf32, #tpu.memory_space<hbm>>
        tpu.wait_dma2 semaphore(%arg42 : memref<!tpu.dma_semaphore, #tpu.memory_space<semaphore_mem>>) src(%arg35 : memref<1024xf32, #tpu.memory_space<vmem>>) dst(%dma_wait3A_2100 : memref<1024xf32, #tpu.memory_space<hbm>>)
        %add3A_2101 = arith.addi %mul3A_0, %add3A_1900 : i32
        %add3A_2102 = arith.constant 1 : i32
        %add3A_2103 = arith.addi %add3A_2101, %add3A_2102 : i32
        %dma_wait3A_2104 = tpu.memref_slice %arg4[%add3A_2103, %mul3A_4] : memref<416x16384xf32, #tpu.memory_space<hbm>> -> memref<1x1024xf32, #tpu.memory_space<hbm>>
        %dma_wait3A_2105 = tpu.memref_squeeze %dma_wait3A_2104 : memref<1x1024xf32, #tpu.memory_space<hbm>> -> memref<1024xf32, #tpu.memory_space<hbm>>
        %dma_wait3A_2106 = tpu.memref_slice %arg4[%add3A_2103, %mul3A_4] : memref<416x16384xf32, #tpu.memory_space<hbm>> -> memref<1x1024xf32, #tpu.memory_space<hbm>>
        %dma_wait3A_2107 = tpu.memref_squeeze %dma_wait3A_2106 : memref<1x1024xf32, #tpu.memory_space<hbm>> -> memref<1024xf32, #tpu.memory_space<hbm>>
        tpu.wait_dma2 semaphore(%arg42 : memref<!tpu.dma_semaphore, #tpu.memory_space<semaphore_mem>>) src(%arg36 : memref<1024xf32, #tpu.memory_space<vmem>>) dst(%dma_wait3A_2107 : memref<1024xf32, #tpu.memory_space<hbm>>)
        %add3A_2108 = arith.addi %mul3A_0, %add3A_1900 : i32
        %add3A_2109 = arith.constant 2 : i32
        %add3A_2110 = arith.addi %add3A_2108, %add3A_2109 : i32
        %dma_wait3A_2111 = tpu.memref_slice %arg4[%add3A_2110, %mul3A_4] : memref<416x16384xf32, #tpu.memory_space<hbm>> -> memref<1x1024xf32, #tpu.memory_space<hbm>>
        %dma_wait3A_2112 = tpu.memref_squeeze %dma_wait3A_2111 : memref<1x1024xf32, #tpu.memory_space<hbm>> -> memref<1024xf32, #tpu.memory_space<hbm>>
        %dma_wait3A_2113 = tpu.memref_slice %arg4[%add3A_2110, %mul3A_4] : memref<416x16384xf32, #tpu.memory_space<hbm>> -> memref<1x1024xf32, #tpu.memory_space<hbm>>
        %dma_wait3A_2114 = tpu.memref_squeeze %dma_wait3A_2113 : memref<1x1024xf32, #tpu.memory_space<hbm>> -> memref<1024xf32, #tpu.memory_space<hbm>>
        tpu.wait_dma2 semaphore(%arg42 : memref<!tpu.dma_semaphore, #tpu.memory_space<semaphore_mem>>) src(%arg37 : memref<1024xf32, #tpu.memory_space<vmem>>) dst(%dma_wait3A_2114 : memref<1024xf32, #tpu.memory_space<hbm>>)
        %add3A_2115 = arith.addi %mul3A_0, %add3A_1900 : i32
        %add3A_2116 = arith.constant 3 : i32
        %add3A_2117 = arith.addi %add3A_2115, %add3A_2116 : i32
        %dma_wait3A_2118 = tpu.memref_slice %arg4[%add3A_2117, %mul3A_4] : memref<416x16384xf32, #tpu.memory_space<hbm>> -> memref<1x1024xf32, #tpu.memory_space<hbm>>
        %dma_wait3A_2119 = tpu.memref_squeeze %dma_wait3A_2118 : memref<1x1024xf32, #tpu.memory_space<hbm>> -> memref<1024xf32, #tpu.memory_space<hbm>>
        %dma_wait3A_2120 = tpu.memref_slice %arg4[%add3A_2117, %mul3A_4] : memref<416x16384xf32, #tpu.memory_space<hbm>> -> memref<1x1024xf32, #tpu.memory_space<hbm>>
        %dma_wait3A_2121 = tpu.memref_squeeze %dma_wait3A_2120 : memref<1x1024xf32, #tpu.memory_space<hbm>> -> memref<1024xf32, #tpu.memory_space<hbm>>
        tpu.wait_dma2 semaphore(%arg42 : memref<!tpu.dma_semaphore, #tpu.memory_space<semaphore_mem>>) src(%arg38 : memref<1024xf32, #tpu.memory_space<vmem>>) dst(%dma_wait3A_2121 : memref<1024xf32, #tpu.memory_space<hbm>>)
      } else {
      }
      %dma_start3A_1974 = arith.constant 0 : i32
      %dma_start3A_1975 = tpu.memref_slice %arg17[%dma_start3A_1974] : memref<100000xf32, #tpu.memory_space<vmem_shared>> -> memref<100000xf32, #tpu.memory_space<vmem_shared>>
      tpu.enqueue_indirect_dma source(%dma_start3A_1975 : memref<100000xf32, #tpu.memory_space<vmem_shared>>) target(%arg35 : memref<1024xf32, #tpu.memory_space<vmem>>) offsets(%arg22 : memref<1024xi32, #tpu.memory_space<vmem>>) semaphore(%arg41 : memref<!tpu.dma_semaphore, #tpu.memory_space<semaphore_mem>>)
      %dma_start3A_1976 = arith.constant 0 : i32
      %dma_start3A_1977 = tpu.memref_slice %arg18[%dma_start3A_1976] : memref<100000xf32, #tpu.memory_space<vmem_shared>> -> memref<100000xf32, #tpu.memory_space<vmem_shared>>
      tpu.enqueue_indirect_dma source(%dma_start3A_1977 : memref<100000xf32, #tpu.memory_space<vmem_shared>>) target(%arg36 : memref<1024xf32, #tpu.memory_space<vmem>>) offsets(%arg22 : memref<1024xi32, #tpu.memory_space<vmem>>) semaphore(%arg41 : memref<!tpu.dma_semaphore, #tpu.memory_space<semaphore_mem>>)
      %dma_start3A_1978 = arith.constant 0 : i32
      %dma_start3A_1979 = tpu.memref_slice %arg19[%dma_start3A_1978] : memref<100000xf32, #tpu.memory_space<vmem_shared>> -> memref<100000xf32, #tpu.memory_space<vmem_shared>>
      tpu.enqueue_indirect_dma source(%dma_start3A_1979 : memref<100000xf32, #tpu.memory_space<vmem_shared>>) target(%arg37 : memref<1024xf32, #tpu.memory_space<vmem>>) offsets(%arg22 : memref<1024xi32, #tpu.memory_space<vmem>>) semaphore(%arg41 : memref<!tpu.dma_semaphore, #tpu.memory_space<semaphore_mem>>)
      %dma_start3A_1980 = arith.constant 0 : i32
      %dma_start3A_1981 = tpu.memref_slice %arg20[%dma_start3A_1980] : memref<100000xf32, #tpu.memory_space<vmem_shared>> -> memref<100000xf32, #tpu.memory_space<vmem_shared>>
      tpu.enqueue_indirect_dma source(%dma_start3A_1981 : memref<100000xf32, #tpu.memory_space<vmem_shared>>) target(%arg38 : memref<1024xf32, #tpu.memory_space<vmem>>) offsets(%arg22 : memref<1024xi32, #tpu.memory_space<vmem>>) semaphore(%arg41 : memref<!tpu.dma_semaphore, #tpu.memory_space<semaphore_mem>>)
      %dma_wait3A_1982 = arith.constant 0 : i32
      %dma_wait3A_1983 = tpu.memref_slice %arg17[%dma_wait3A_1982] : memref<100000xf32, #tpu.memory_space<vmem_shared>> -> memref<100000xf32, #tpu.memory_space<vmem_shared>>
      tpu.wait_indirect_dma semaphore(%arg41 : memref<!tpu.dma_semaphore, #tpu.memory_space<semaphore_mem>>) src(%dma_wait3A_1983 : memref<100000xf32, #tpu.memory_space<vmem_shared>>) dst(%arg35 : memref<1024xf32, #tpu.memory_space<vmem>>)
      %dma_wait3A_1984 = arith.constant 0 : i32
      %dma_wait3A_1985 = tpu.memref_slice %arg18[%dma_wait3A_1984] : memref<100000xf32, #tpu.memory_space<vmem_shared>> -> memref<100000xf32, #tpu.memory_space<vmem_shared>>
      tpu.wait_indirect_dma semaphore(%arg41 : memref<!tpu.dma_semaphore, #tpu.memory_space<semaphore_mem>>) src(%dma_wait3A_1985 : memref<100000xf32, #tpu.memory_space<vmem_shared>>) dst(%arg36 : memref<1024xf32, #tpu.memory_space<vmem>>)
      %dma_wait3A_1986 = arith.constant 0 : i32
      %dma_wait3A_1987 = tpu.memref_slice %arg19[%dma_wait3A_1986] : memref<100000xf32, #tpu.memory_space<vmem_shared>> -> memref<100000xf32, #tpu.memory_space<vmem_shared>>
      tpu.wait_indirect_dma semaphore(%arg41 : memref<!tpu.dma_semaphore, #tpu.memory_space<semaphore_mem>>) src(%dma_wait3A_1987 : memref<100000xf32, #tpu.memory_space<vmem_shared>>) dst(%arg37 : memref<1024xf32, #tpu.memory_space<vmem>>)
      %dma_wait3A_1988 = arith.constant 0 : i32
      %dma_wait3A_1989 = tpu.memref_slice %arg20[%dma_wait3A_1988] : memref<100000xf32, #tpu.memory_space<vmem_shared>> -> memref<100000xf32, #tpu.memory_space<vmem_shared>>
      tpu.wait_indirect_dma semaphore(%arg41 : memref<!tpu.dma_semaphore, #tpu.memory_space<semaphore_mem>>) src(%dma_wait3A_1989 : memref<100000xf32, #tpu.memory_space<vmem_shared>>) dst(%arg38 : memref<1024xf32, #tpu.memory_space<vmem>>)
      %add3A_1990 = arith.addi %mul3A_0, %add3A_1900 : i32
      %add3A_1991 = arith.constant 0 : i32
      %add3A_1992 = arith.addi %add3A_1990, %add3A_1991 : i32
      %dma_start3A_1993 = tpu.memref_slice %arg4[%add3A_1992, %mul3A_4] : memref<416x16384xf32, #tpu.memory_space<hbm>> -> memref<1x1024xf32, #tpu.memory_space<hbm>>
      %dma_start3A_1994 = tpu.memref_squeeze %dma_start3A_1993 : memref<1x1024xf32, #tpu.memory_space<hbm>> -> memref<1024xf32, #tpu.memory_space<hbm>>
      %dma_start3A_1995 = tpu.memref_slice %arg4[%add3A_1992, %mul3A_4] : memref<416x16384xf32, #tpu.memory_space<hbm>> -> memref<1x1024xf32, #tpu.memory_space<hbm>>
      %dma_start3A_1996 = tpu.memref_squeeze %dma_start3A_1995 : memref<1x1024xf32, #tpu.memory_space<hbm>> -> memref<1024xf32, #tpu.memory_space<hbm>>
      tpu.enqueue_dma source(%arg35 : memref<1024xf32, #tpu.memory_space<vmem>>) target(%dma_start3A_1996 : memref<1024xf32, #tpu.memory_space<hbm>>) target_semaphore(%arg42 : memref<!tpu.dma_semaphore, #tpu.memory_space<semaphore_mem>>)
      %add3A_1997 = arith.addi %mul3A_0, %add3A_1900 : i32
      %add3A_1998 = arith.constant 1 : i32
      %add3A_1999 = arith.addi %add3A_1997, %add3A_1998 : i32
      %dma_start3A_2000 = tpu.memref_slice %arg4[%add3A_1999, %mul3A_4] : memref<416x16384xf32, #tpu.memory_space<hbm>> -> memref<1x1024xf32, #tpu.memory_space<hbm>>
      %dma_start3A_2001 = tpu.memref_squeeze %dma_start3A_2000 : memref<1x1024xf32, #tpu.memory_space<hbm>> -> memref<1024xf32, #tpu.memory_space<hbm>>
      %dma_start3A_2002 = tpu.memref_slice %arg4[%add3A_1999, %mul3A_4] : memref<416x16384xf32, #tpu.memory_space<hbm>> -> memref<1x1024xf32, #tpu.memory_space<hbm>>
      %dma_start3A_2003 = tpu.memref_squeeze %dma_start3A_2002 : memref<1x1024xf32, #tpu.memory_space<hbm>> -> memref<1024xf32, #tpu.memory_space<hbm>>
      tpu.enqueue_dma source(%arg36 : memref<1024xf32, #tpu.memory_space<vmem>>) target(%dma_start3A_2003 : memref<1024xf32, #tpu.memory_space<hbm>>) target_semaphore(%arg42 : memref<!tpu.dma_semaphore, #tpu.memory_space<semaphore_mem>>)
      %add3A_2004 = arith.addi %mul3A_0, %add3A_1900 : i32
      %add3A_2005 = arith.constant 2 : i32
      %add3A_2006 = arith.addi %add3A_2004, %add3A_2005 : i32
      %dma_start3A_2007 = tpu.memref_slice %arg4[%add3A_2006, %mul3A_4] : memref<416x16384xf32, #tpu.memory_space<hbm>> -> memref<1x1024xf32, #tpu.memory_space<hbm>>
      %dma_start3A_2008 = tpu.memref_squeeze %dma_start3A_2007 : memref<1x1024xf32, #tpu.memory_space<hbm>> -> memref<1024xf32, #tpu.memory_space<hbm>>
      %dma_start3A_2009 = tpu.memref_slice %arg4[%add3A_2006, %mul3A_4] : memref<416x16384xf32, #tpu.memory_space<hbm>> -> memref<1x1024xf32, #tpu.memory_space<hbm>>
      %dma_start3A_2010 = tpu.memref_squeeze %dma_start3A_2009 : memref<1x1024xf32, #tpu.memory_space<hbm>> -> memref<1024xf32, #tpu.memory_space<hbm>>
      tpu.enqueue_dma source(%arg37 : memref<1024xf32, #tpu.memory_space<vmem>>) target(%dma_start3A_2010 : memref<1024xf32, #tpu.memory_space<hbm>>) target_semaphore(%arg42 : memref<!tpu.dma_semaphore, #tpu.memory_space<semaphore_mem>>)
      %add3A_2011 = arith.addi %mul3A_0, %add3A_1900 : i32
      %add3A_2012 = arith.constant 3 : i32
      %add3A_2013 = arith.addi %add3A_2011, %add3A_2012 : i32
      %dma_start3A_2014 = tpu.memref_slice %arg4[%add3A_2013, %mul3A_4] : memref<416x16384xf32, #tpu.memory_space<hbm>> -> memref<1x1024xf32, #tpu.memory_space<hbm>>
      %dma_start3A_2015 = tpu.memref_squeeze %dma_start3A_2014 : memref<1x1024xf32, #tpu.memory_space<hbm>> -> memref<1024xf32, #tpu.memory_space<hbm>>
      %dma_start3A_2016 = tpu.memref_slice %arg4[%add3A_2013, %mul3A_4] : memref<416x16384xf32, #tpu.memory_space<hbm>> -> memref<1x1024xf32, #tpu.memory_space<hbm>>
      %dma_start3A_2017 = tpu.memref_squeeze %dma_start3A_2016 : memref<1x1024xf32, #tpu.memory_space<hbm>> -> memref<1024xf32, #tpu.memory_space<hbm>>
      tpu.enqueue_dma source(%arg38 : memref<1024xf32, #tpu.memory_space<vmem>>) target(%dma_start3A_2017 : memref<1024xf32, #tpu.memory_space<hbm>>) target_semaphore(%arg42 : memref<!tpu.dma_semaphore, #tpu.memory_space<semaphore_mem>>)
      %add3A_2018 = arith.constant 1 : i32
      %add3A_2019 = arith.addi %add3A_1323, %add3A_2018 : i32
      %lt3A_2020 = arith.constant 13 : i32
      %lt3A_2021 = arith.cmpi slt, %add3A_2019, %lt3A_2020 : i32
      %convert_element_type3A_2022 = arith.extui %lt3A_2021 : i1 to i32
      %cond3A_2023 = arith.constant 0 : i32
      %cond3A_2024 = arith.cmpi ne, %convert_element_type3A_2022, %cond3A_2023 : i32
      scf.if %cond3A_2024 {
        %add3A_2094 = arith.addi %mul3A_2, %add3A_1323 : i32
        %add3A_2095 = arith.constant 1 : i32
        %add3A_2096 = arith.addi %add3A_2094, %add3A_2095 : i32
        %dma_wait3A_2097 = tpu.memref_slice %arg3[%add3A_2096, %mul3A_4] : memref<26x16384xi32, #tpu.memory_space<hbm>> -> memref<1x1024xi32, #tpu.memory_space<hbm>>
        %dma_wait3A_2098 = tpu.memref_squeeze %dma_wait3A_2097 : memref<1x1024xi32, #tpu.memory_space<hbm>> -> memref<1024xi32, #tpu.memory_space<hbm>>
        %dma_wait3A_2099 = tpu.memref_slice %arg3[%add3A_2096, %mul3A_4] : memref<26x16384xi32, #tpu.memory_space<hbm>> -> memref<1x1024xi32, #tpu.memory_space<hbm>>
        %dma_wait3A_2100 = tpu.memref_squeeze %dma_wait3A_2099 : memref<1x1024xi32, #tpu.memory_space<hbm>> -> memref<1024xi32, #tpu.memory_space<hbm>>
        tpu.wait_dma2 semaphore(%arg40 : memref<!tpu.dma_semaphore, #tpu.memory_space<semaphore_mem>>) src(%dma_wait3A_2100 : memref<1024xi32, #tpu.memory_space<hbm>>) dst(%arg21 : memref<1024xi32, #tpu.memory_space<vmem>>)
      } else {
      }
      %add3A_2025 = arith.constant 4 : i32
      %add3A_2026 = arith.addi %add3A_1900, %add3A_2025 : i32
      %add3A_2027 = arith.constant 0 : i32
      %add3A_2028 = arith.addi %add3A_2026, %add3A_2027 : i32
      %and3A_2029 = arith.constant 15 : i32
      %and3A_2030 = arith.andi %add3A_2028, %and3A_2029 : i32
      %eq3A_2031 = arith.cmpi eq, %arg1, %and3A_2030 : i32
      %add3A_2032 = arith.constant 4 : i32
      %add3A_2033 = arith.addi %add3A_1900, %add3A_2032 : i32
      %add3A_2034 = arith.constant 0 : i32
      %add3A_2035 = arith.addi %add3A_2033, %add3A_2034 : i32
      %lt3A_2036 = arith.constant 208 : i32
      %lt3A_2037 = arith.cmpi slt, %add3A_2035, %lt3A_2036 : i32
      %and3A_2038 = arith.andi %eq3A_2031, %lt3A_2037 : i1
      %convert_element_type3A_2039 = arith.extui %and3A_2038 : i1 to i32
      %cond3A_2040 = arith.constant 0 : i32
      %cond3A_2041 = arith.cmpi ne, %convert_element_type3A_2039, %cond3A_2040 : i32
      scf.if %cond3A_2041 {
        %add3A_2094 = arith.addi %mul3A_0, %add3A_1900 : i32
        %add3A_2095 = arith.constant 4 : i32
        %add3A_2096 = arith.addi %add3A_2094, %add3A_2095 : i32
        %add3A_2097 = arith.constant 0 : i32
        %add3A_2098 = arith.addi %add3A_2096, %add3A_2097 : i32
        %shift_right_arithmetic3A = arith.constant 4 : i32
        %shift_right_arithmetic3A_2099 = arith.shrsi %add3A_2098, %shift_right_arithmetic3A : i32
        %and3A_2100 = arith.constant 15 : i32
        %and3A_2101 = arith.andi %add3A_2098, %and3A_2100 : i32
        %dma_wait3A_2102 = arith.constant 0 : i32
        %dma_wait3A_2103 = tpu.memref_slice %arg2[%shift_right_arithmetic3A_2099, %and3A_2101, %dma_wait3A_2102] : memref<26x16x100000xf32, #tpu.memory_space<hbm>> -> memref<1x1x100000xf32, #tpu.memory_space<hbm>>
        %dma_wait3A_2104 = tpu.memref_squeeze %dma_wait3A_2103 : memref<1x1x100000xf32, #tpu.memory_space<hbm>> -> memref<100000xf32, #tpu.memory_space<hbm>>
        tpu.wait_dma2 semaphore(%arg39 : memref<!tpu.dma_semaphore, #tpu.memory_space<semaphore_mem>>) src(%dma_wait3A_2104 : memref<100000xf32, #tpu.memory_space<hbm>>) dst(%arg5 : memref<100000xf32, #tpu.memory_space<vmem_shared>>)
      } else {
      }
      %add3A_2042 = arith.constant 4 : i32
      %add3A_2043 = arith.addi %add3A_1900, %add3A_2042 : i32
      %add3A_2044 = arith.constant 1 : i32
      %add3A_2045 = arith.addi %add3A_2043, %add3A_2044 : i32
      %and3A_2046 = arith.constant 15 : i32
      %and3A_2047 = arith.andi %add3A_2045, %and3A_2046 : i32
      %eq3A_2048 = arith.cmpi eq, %arg1, %and3A_2047 : i32
      %add3A_2049 = arith.constant 4 : i32
      %add3A_2050 = arith.addi %add3A_1900, %add3A_2049 : i32
      %add3A_2051 = arith.constant 1 : i32
      %add3A_2052 = arith.addi %add3A_2050, %add3A_2051 : i32
      %lt3A_2053 = arith.constant 208 : i32
      %lt3A_2054 = arith.cmpi slt, %add3A_2052, %lt3A_2053 : i32
      %and3A_2055 = arith.andi %eq3A_2048, %lt3A_2054 : i1
      %convert_element_type3A_2056 = arith.extui %and3A_2055 : i1 to i32
      %cond3A_2057 = arith.constant 0 : i32
      %cond3A_2058 = arith.cmpi ne, %convert_element_type3A_2056, %cond3A_2057 : i32
      scf.if %cond3A_2058 {
        %add3A_2094 = arith.addi %mul3A_0, %add3A_1900 : i32
        %add3A_2095 = arith.constant 4 : i32
        %add3A_2096 = arith.addi %add3A_2094, %add3A_2095 : i32
        %add3A_2097 = arith.constant 1 : i32
        %add3A_2098 = arith.addi %add3A_2096, %add3A_2097 : i32
        %shift_right_arithmetic3A = arith.constant 4 : i32
        %shift_right_arithmetic3A_2099 = arith.shrsi %add3A_2098, %shift_right_arithmetic3A : i32
        %and3A_2100 = arith.constant 15 : i32
        %and3A_2101 = arith.andi %add3A_2098, %and3A_2100 : i32
        %dma_wait3A_2102 = arith.constant 0 : i32
        %dma_wait3A_2103 = tpu.memref_slice %arg2[%shift_right_arithmetic3A_2099, %and3A_2101, %dma_wait3A_2102] : memref<26x16x100000xf32, #tpu.memory_space<hbm>> -> memref<1x1x100000xf32, #tpu.memory_space<hbm>>
        %dma_wait3A_2104 = tpu.memref_squeeze %dma_wait3A_2103 : memref<1x1x100000xf32, #tpu.memory_space<hbm>> -> memref<100000xf32, #tpu.memory_space<hbm>>
        tpu.wait_dma2 semaphore(%arg39 : memref<!tpu.dma_semaphore, #tpu.memory_space<semaphore_mem>>) src(%dma_wait3A_2104 : memref<100000xf32, #tpu.memory_space<hbm>>) dst(%arg6 : memref<100000xf32, #tpu.memory_space<vmem_shared>>)
      } else {
      }
      %add3A_2059 = arith.constant 4 : i32
      %add3A_2060 = arith.addi %add3A_1900, %add3A_2059 : i32
      %add3A_2061 = arith.constant 2 : i32
      %add3A_2062 = arith.addi %add3A_2060, %add3A_2061 : i32
      %and3A_2063 = arith.constant 15 : i32
      %and3A_2064 = arith.andi %add3A_2062, %and3A_2063 : i32
      %eq3A_2065 = arith.cmpi eq, %arg1, %and3A_2064 : i32
      %add3A_2066 = arith.constant 4 : i32
      %add3A_2067 = arith.addi %add3A_1900, %add3A_2066 : i32
      %add3A_2068 = arith.constant 2 : i32
      %add3A_2069 = arith.addi %add3A_2067, %add3A_2068 : i32
      %lt3A_2070 = arith.constant 208 : i32
      %lt3A_2071 = arith.cmpi slt, %add3A_2069, %lt3A_2070 : i32
      %and3A_2072 = arith.andi %eq3A_2065, %lt3A_2071 : i1
      %convert_element_type3A_2073 = arith.extui %and3A_2072 : i1 to i32
      %cond3A_2074 = arith.constant 0 : i32
      %cond3A_2075 = arith.cmpi ne, %convert_element_type3A_2073, %cond3A_2074 : i32
      scf.if %cond3A_2075 {
        %add3A_2094 = arith.addi %mul3A_0, %add3A_1900 : i32
        %add3A_2095 = arith.constant 4 : i32
        %add3A_2096 = arith.addi %add3A_2094, %add3A_2095 : i32
        %add3A_2097 = arith.constant 2 : i32
        %add3A_2098 = arith.addi %add3A_2096, %add3A_2097 : i32
        %shift_right_arithmetic3A = arith.constant 4 : i32
        %shift_right_arithmetic3A_2099 = arith.shrsi %add3A_2098, %shift_right_arithmetic3A : i32
        %and3A_2100 = arith.constant 15 : i32
        %and3A_2101 = arith.andi %add3A_2098, %and3A_2100 : i32
        %dma_wait3A_2102 = arith.constant 0 : i32
        %dma_wait3A_2103 = tpu.memref_slice %arg2[%shift_right_arithmetic3A_2099, %and3A_2101, %dma_wait3A_2102] : memref<26x16x100000xf32, #tpu.memory_space<hbm>> -> memref<1x1x100000xf32, #tpu.memory_space<hbm>>
        %dma_wait3A_2104 = tpu.memref_squeeze %dma_wait3A_2103 : memref<1x1x100000xf32, #tpu.memory_space<hbm>> -> memref<100000xf32, #tpu.memory_space<hbm>>
        tpu.wait_dma2 semaphore(%arg39 : memref<!tpu.dma_semaphore, #tpu.memory_space<semaphore_mem>>) src(%dma_wait3A_2104 : memref<100000xf32, #tpu.memory_space<hbm>>) dst(%arg7 : memref<100000xf32, #tpu.memory_space<vmem_shared>>)
      } else {
      }
      %add3A_2076 = arith.constant 4 : i32
      %add3A_2077 = arith.addi %add3A_1900, %add3A_2076 : i32
      %add3A_2078 = arith.constant 3 : i32
      %add3A_2079 = arith.addi %add3A_2077, %add3A_2078 : i32
      %and3A_2080 = arith.constant 15 : i32
      %and3A_2081 = arith.andi %add3A_2079, %and3A_2080 : i32
      %eq3A_2082 = arith.cmpi eq, %arg1, %and3A_2081 : i32
      %add3A_2083 = arith.constant 4 : i32
      %add3A_2084 = arith.addi %add3A_1900, %add3A_2083 : i32
      %add3A_2085 = arith.constant 3 : i32
      %add3A_2086 = arith.addi %add3A_2084, %add3A_2085 : i32
      %lt3A_2087 = arith.constant 208 : i32
      %lt3A_2088 = arith.cmpi slt, %add3A_2086, %lt3A_2087 : i32
      %and3A_2089 = arith.andi %eq3A_2082, %lt3A_2088 : i1
      %convert_element_type3A_2090 = arith.extui %and3A_2089 : i1 to i32
      %cond3A_2091 = arith.constant 0 : i32
      %cond3A_2092 = arith.cmpi ne, %convert_element_type3A_2090, %cond3A_2091 : i32
      scf.if %cond3A_2092 {
        %add3A_2094 = arith.addi %mul3A_0, %add3A_1900 : i32
        %add3A_2095 = arith.constant 4 : i32
        %add3A_2096 = arith.addi %add3A_2094, %add3A_2095 : i32
        %add3A_2097 = arith.constant 3 : i32
        %add3A_2098 = arith.addi %add3A_2096, %add3A_2097 : i32
        %shift_right_arithmetic3A = arith.constant 4 : i32
        %shift_right_arithmetic3A_2099 = arith.shrsi %add3A_2098, %shift_right_arithmetic3A : i32
        %and3A_2100 = arith.constant 15 : i32
        %and3A_2101 = arith.andi %add3A_2098, %and3A_2100 : i32
        %dma_wait3A_2102 = arith.constant 0 : i32
        %dma_wait3A_2103 = tpu.memref_slice %arg2[%shift_right_arithmetic3A_2099, %and3A_2101, %dma_wait3A_2102] : memref<26x16x100000xf32, #tpu.memory_space<hbm>> -> memref<1x1x100000xf32, #tpu.memory_space<hbm>>
        %dma_wait3A_2104 = tpu.memref_squeeze %dma_wait3A_2103 : memref<1x1x100000xf32, #tpu.memory_space<hbm>> -> memref<100000xf32, #tpu.memory_space<hbm>>
        tpu.wait_dma2 semaphore(%arg39 : memref<!tpu.dma_semaphore, #tpu.memory_space<semaphore_mem>>) src(%dma_wait3A_2104 : memref<100000xf32, #tpu.memory_space<hbm>>) dst(%arg8 : memref<100000xf32, #tpu.memory_space<vmem_shared>>)
      } else {
      }
      %barrier3A_2093 = arith.constant 0 : index
      tpu.barrier barrier_id(%barrier3A_2093)
    }
    %scan3A_66 = arith.constant 6 : i32
    %eq3A_67 = arith.constant 8 : i32
    %eq3A_68 = arith.cmpi eq, %arg1, %eq3A_67 : i32
    %convert_element_type3A_69 = arith.extui %eq3A_68 : i1 to i32
    %cond3A_70 = arith.constant 0 : i32
    %cond3A_71 = arith.cmpi ne, %convert_element_type3A_69, %cond3A_70 : i32
    scf.if %cond3A_71 {
      %add3A_552 = arith.constant 192 : i32
      %add3A_553 = arith.addi %mul3A_0, %add3A_552 : i32
      %add3A_554 = arith.constant 8 : i32
      %add3A_555 = arith.addi %add3A_553, %add3A_554 : i32
      %add3A_556 = arith.constant 0 : i32
      %add3A_557 = arith.addi %add3A_555, %add3A_556 : i32
      %shift_right_arithmetic3A = arith.constant 4 : i32
      %shift_right_arithmetic3A_558 = arith.shrsi %add3A_557, %shift_right_arithmetic3A : i32
      %and3A = arith.constant 15 : i32
      %and3A_559 = arith.andi %add3A_557, %and3A : i32
      %dma_start3A_560 = arith.constant 0 : i32
      %dma_start3A_561 = tpu.memref_slice %arg2[%shift_right_arithmetic3A_558, %and3A_559, %dma_start3A_560] : memref<26x16x100000xf32, #tpu.memory_space<hbm>> -> memref<1x1x100000xf32, #tpu.memory_space<hbm>>
      %dma_start3A_562 = tpu.memref_squeeze %dma_start3A_561 : memref<1x1x100000xf32, #tpu.memory_space<hbm>> -> memref<100000xf32, #tpu.memory_space<hbm>>
      tpu.enqueue_dma source(%dma_start3A_562 : memref<100000xf32, #tpu.memory_space<hbm>>) target(%arg13 : memref<100000xf32, #tpu.memory_space<vmem_shared>>) target_semaphore(%arg39 : memref<!tpu.dma_semaphore, #tpu.memory_space<semaphore_mem>>)
    } else {
    }
    %eq3A_72 = arith.constant 9 : i32
    %eq3A_73 = arith.cmpi eq, %arg1, %eq3A_72 : i32
    %convert_element_type3A_74 = arith.extui %eq3A_73 : i1 to i32
    %cond3A_75 = arith.constant 0 : i32
    %cond3A_76 = arith.cmpi ne, %convert_element_type3A_74, %cond3A_75 : i32
    scf.if %cond3A_76 {
      %add3A_552 = arith.constant 192 : i32
      %add3A_553 = arith.addi %mul3A_0, %add3A_552 : i32
      %add3A_554 = arith.constant 8 : i32
      %add3A_555 = arith.addi %add3A_553, %add3A_554 : i32
      %add3A_556 = arith.constant 1 : i32
      %add3A_557 = arith.addi %add3A_555, %add3A_556 : i32
      %shift_right_arithmetic3A = arith.constant 4 : i32
      %shift_right_arithmetic3A_558 = arith.shrsi %add3A_557, %shift_right_arithmetic3A : i32
      %and3A = arith.constant 15 : i32
      %and3A_559 = arith.andi %add3A_557, %and3A : i32
      %dma_start3A_560 = arith.constant 0 : i32
      %dma_start3A_561 = tpu.memref_slice %arg2[%shift_right_arithmetic3A_558, %and3A_559, %dma_start3A_560] : memref<26x16x100000xf32, #tpu.memory_space<hbm>> -> memref<1x1x100000xf32, #tpu.memory_space<hbm>>
      %dma_start3A_562 = tpu.memref_squeeze %dma_start3A_561 : memref<1x1x100000xf32, #tpu.memory_space<hbm>> -> memref<100000xf32, #tpu.memory_space<hbm>>
      tpu.enqueue_dma source(%dma_start3A_562 : memref<100000xf32, #tpu.memory_space<hbm>>) target(%arg14 : memref<100000xf32, #tpu.memory_space<vmem_shared>>) target_semaphore(%arg39 : memref<!tpu.dma_semaphore, #tpu.memory_space<semaphore_mem>>)
    } else {
    }
    %eq3A_77 = arith.constant 10 : i32
    %eq3A_78 = arith.cmpi eq, %arg1, %eq3A_77 : i32
    %convert_element_type3A_79 = arith.extui %eq3A_78 : i1 to i32
    %cond3A_80 = arith.constant 0 : i32
    %cond3A_81 = arith.cmpi ne, %convert_element_type3A_79, %cond3A_80 : i32
    scf.if %cond3A_81 {
      %add3A_552 = arith.constant 192 : i32
      %add3A_553 = arith.addi %mul3A_0, %add3A_552 : i32
      %add3A_554 = arith.constant 8 : i32
      %add3A_555 = arith.addi %add3A_553, %add3A_554 : i32
      %add3A_556 = arith.constant 2 : i32
      %add3A_557 = arith.addi %add3A_555, %add3A_556 : i32
      %shift_right_arithmetic3A = arith.constant 4 : i32
      %shift_right_arithmetic3A_558 = arith.shrsi %add3A_557, %shift_right_arithmetic3A : i32
      %and3A = arith.constant 15 : i32
      %and3A_559 = arith.andi %add3A_557, %and3A : i32
      %dma_start3A_560 = arith.constant 0 : i32
      %dma_start3A_561 = tpu.memref_slice %arg2[%shift_right_arithmetic3A_558, %and3A_559, %dma_start3A_560] : memref<26x16x100000xf32, #tpu.memory_space<hbm>> -> memref<1x1x100000xf32, #tpu.memory_space<hbm>>
      %dma_start3A_562 = tpu.memref_squeeze %dma_start3A_561 : memref<1x1x100000xf32, #tpu.memory_space<hbm>> -> memref<100000xf32, #tpu.memory_space<hbm>>
      tpu.enqueue_dma source(%dma_start3A_562 : memref<100000xf32, #tpu.memory_space<hbm>>) target(%arg15 : memref<100000xf32, #tpu.memory_space<vmem_shared>>) target_semaphore(%arg39 : memref<!tpu.dma_semaphore, #tpu.memory_space<semaphore_mem>>)
    } else {
    }
    %eq3A_82 = arith.constant 11 : i32
    %eq3A_83 = arith.cmpi eq, %arg1, %eq3A_82 : i32
    %convert_element_type3A_84 = arith.extui %eq3A_83 : i1 to i32
    %cond3A_85 = arith.constant 0 : i32
    %cond3A_86 = arith.cmpi ne, %convert_element_type3A_84, %cond3A_85 : i32
    scf.if %cond3A_86 {
      %add3A_552 = arith.constant 192 : i32
      %add3A_553 = arith.addi %mul3A_0, %add3A_552 : i32
      %add3A_554 = arith.constant 8 : i32
      %add3A_555 = arith.addi %add3A_553, %add3A_554 : i32
      %add3A_556 = arith.constant 3 : i32
      %add3A_557 = arith.addi %add3A_555, %add3A_556 : i32
      %shift_right_arithmetic3A = arith.constant 4 : i32
      %shift_right_arithmetic3A_558 = arith.shrsi %add3A_557, %shift_right_arithmetic3A : i32
      %and3A = arith.constant 15 : i32
      %and3A_559 = arith.andi %add3A_557, %and3A : i32
      %dma_start3A_560 = arith.constant 0 : i32
      %dma_start3A_561 = tpu.memref_slice %arg2[%shift_right_arithmetic3A_558, %and3A_559, %dma_start3A_560] : memref<26x16x100000xf32, #tpu.memory_space<hbm>> -> memref<1x1x100000xf32, #tpu.memory_space<hbm>>
      %dma_start3A_562 = tpu.memref_squeeze %dma_start3A_561 : memref<1x1x100000xf32, #tpu.memory_space<hbm>> -> memref<100000xf32, #tpu.memory_space<hbm>>
      tpu.enqueue_dma source(%dma_start3A_562 : memref<100000xf32, #tpu.memory_space<hbm>>) target(%arg16 : memref<100000xf32, #tpu.memory_space<vmem_shared>>) target_semaphore(%arg39 : memref<!tpu.dma_semaphore, #tpu.memory_space<semaphore_mem>>)
    } else {
    }
    %add3A = arith.constant 192 : i32
    %add3A_87 = arith.addi %mul3A_0, %add3A : i32
    %add3A_88 = arith.constant 0 : i32
    %add3A_89 = arith.addi %add3A_87, %add3A_88 : i32
    %dma_wait3A = tpu.memref_slice %arg4[%add3A_89, %mul3A_4] : memref<416x16384xf32, #tpu.memory_space<hbm>> -> memref<1x1024xf32, #tpu.memory_space<hbm>>
    %dma_wait3A_90 = tpu.memref_squeeze %dma_wait3A : memref<1x1024xf32, #tpu.memory_space<hbm>> -> memref<1024xf32, #tpu.memory_space<hbm>>
    %dma_wait3A_91 = tpu.memref_slice %arg4[%add3A_89, %mul3A_4] : memref<416x16384xf32, #tpu.memory_space<hbm>> -> memref<1x1024xf32, #tpu.memory_space<hbm>>
    %dma_wait3A_92 = tpu.memref_squeeze %dma_wait3A_91 : memref<1x1024xf32, #tpu.memory_space<hbm>> -> memref<1024xf32, #tpu.memory_space<hbm>>
    tpu.wait_dma2 semaphore(%arg42 : memref<!tpu.dma_semaphore, #tpu.memory_space<semaphore_mem>>) src(%arg23 : memref<1024xf32, #tpu.memory_space<vmem>>) dst(%dma_wait3A_92 : memref<1024xf32, #tpu.memory_space<hbm>>)
    %add3A_93 = arith.constant 192 : i32
    %add3A_94 = arith.addi %mul3A_0, %add3A_93 : i32
    %add3A_95 = arith.constant 1 : i32
    %add3A_96 = arith.addi %add3A_94, %add3A_95 : i32
    %dma_wait3A_97 = tpu.memref_slice %arg4[%add3A_96, %mul3A_4] : memref<416x16384xf32, #tpu.memory_space<hbm>> -> memref<1x1024xf32, #tpu.memory_space<hbm>>
    %dma_wait3A_98 = tpu.memref_squeeze %dma_wait3A_97 : memref<1x1024xf32, #tpu.memory_space<hbm>> -> memref<1024xf32, #tpu.memory_space<hbm>>
    %dma_wait3A_99 = tpu.memref_slice %arg4[%add3A_96, %mul3A_4] : memref<416x16384xf32, #tpu.memory_space<hbm>> -> memref<1x1024xf32, #tpu.memory_space<hbm>>
    %dma_wait3A_100 = tpu.memref_squeeze %dma_wait3A_99 : memref<1x1024xf32, #tpu.memory_space<hbm>> -> memref<1024xf32, #tpu.memory_space<hbm>>
    tpu.wait_dma2 semaphore(%arg42 : memref<!tpu.dma_semaphore, #tpu.memory_space<semaphore_mem>>) src(%arg24 : memref<1024xf32, #tpu.memory_space<vmem>>) dst(%dma_wait3A_100 : memref<1024xf32, #tpu.memory_space<hbm>>)
    %add3A_101 = arith.constant 192 : i32
    %add3A_102 = arith.addi %mul3A_0, %add3A_101 : i32
    %add3A_103 = arith.constant 2 : i32
    %add3A_104 = arith.addi %add3A_102, %add3A_103 : i32
    %dma_wait3A_105 = tpu.memref_slice %arg4[%add3A_104, %mul3A_4] : memref<416x16384xf32, #tpu.memory_space<hbm>> -> memref<1x1024xf32, #tpu.memory_space<hbm>>
    %dma_wait3A_106 = tpu.memref_squeeze %dma_wait3A_105 : memref<1x1024xf32, #tpu.memory_space<hbm>> -> memref<1024xf32, #tpu.memory_space<hbm>>
    %dma_wait3A_107 = tpu.memref_slice %arg4[%add3A_104, %mul3A_4] : memref<416x16384xf32, #tpu.memory_space<hbm>> -> memref<1x1024xf32, #tpu.memory_space<hbm>>
    %dma_wait3A_108 = tpu.memref_squeeze %dma_wait3A_107 : memref<1x1024xf32, #tpu.memory_space<hbm>> -> memref<1024xf32, #tpu.memory_space<hbm>>
    tpu.wait_dma2 semaphore(%arg42 : memref<!tpu.dma_semaphore, #tpu.memory_space<semaphore_mem>>) src(%arg25 : memref<1024xf32, #tpu.memory_space<vmem>>) dst(%dma_wait3A_108 : memref<1024xf32, #tpu.memory_space<hbm>>)
    %add3A_109 = arith.constant 192 : i32
    %add3A_110 = arith.addi %mul3A_0, %add3A_109 : i32
    %add3A_111 = arith.constant 3 : i32
    %add3A_112 = arith.addi %add3A_110, %add3A_111 : i32
    %dma_wait3A_113 = tpu.memref_slice %arg4[%add3A_112, %mul3A_4] : memref<416x16384xf32, #tpu.memory_space<hbm>> -> memref<1x1024xf32, #tpu.memory_space<hbm>>
    %dma_wait3A_114 = tpu.memref_squeeze %dma_wait3A_113 : memref<1x1024xf32, #tpu.memory_space<hbm>> -> memref<1024xf32, #tpu.memory_space<hbm>>
    %dma_wait3A_115 = tpu.memref_slice %arg4[%add3A_112, %mul3A_4] : memref<416x16384xf32, #tpu.memory_space<hbm>> -> memref<1x1024xf32, #tpu.memory_space<hbm>>
    %dma_wait3A_116 = tpu.memref_squeeze %dma_wait3A_115 : memref<1x1024xf32, #tpu.memory_space<hbm>> -> memref<1024xf32, #tpu.memory_space<hbm>>
    tpu.wait_dma2 semaphore(%arg42 : memref<!tpu.dma_semaphore, #tpu.memory_space<semaphore_mem>>) src(%arg26 : memref<1024xf32, #tpu.memory_space<vmem>>) dst(%dma_wait3A_116 : memref<1024xf32, #tpu.memory_space<hbm>>)
    %dma_start3A = arith.constant 0 : i32
    %dma_start3A_117 = tpu.memref_slice %arg5[%dma_start3A] : memref<100000xf32, #tpu.memory_space<vmem_shared>> -> memref<100000xf32, #tpu.memory_space<vmem_shared>>
    tpu.enqueue_indirect_dma source(%dma_start3A_117 : memref<100000xf32, #tpu.memory_space<vmem_shared>>) target(%arg23 : memref<1024xf32, #tpu.memory_space<vmem>>) offsets(%arg21 : memref<1024xi32, #tpu.memory_space<vmem>>) semaphore(%arg41 : memref<!tpu.dma_semaphore, #tpu.memory_space<semaphore_mem>>)
    %dma_start3A_118 = arith.constant 0 : i32
    %dma_start3A_119 = tpu.memref_slice %arg6[%dma_start3A_118] : memref<100000xf32, #tpu.memory_space<vmem_shared>> -> memref<100000xf32, #tpu.memory_space<vmem_shared>>
    tpu.enqueue_indirect_dma source(%dma_start3A_119 : memref<100000xf32, #tpu.memory_space<vmem_shared>>) target(%arg24 : memref<1024xf32, #tpu.memory_space<vmem>>) offsets(%arg21 : memref<1024xi32, #tpu.memory_space<vmem>>) semaphore(%arg41 : memref<!tpu.dma_semaphore, #tpu.memory_space<semaphore_mem>>)
    %dma_start3A_120 = arith.constant 0 : i32
    %dma_start3A_121 = tpu.memref_slice %arg7[%dma_start3A_120] : memref<100000xf32, #tpu.memory_space<vmem_shared>> -> memref<100000xf32, #tpu.memory_space<vmem_shared>>
    tpu.enqueue_indirect_dma source(%dma_start3A_121 : memref<100000xf32, #tpu.memory_space<vmem_shared>>) target(%arg25 : memref<1024xf32, #tpu.memory_space<vmem>>) offsets(%arg21 : memref<1024xi32, #tpu.memory_space<vmem>>) semaphore(%arg41 : memref<!tpu.dma_semaphore, #tpu.memory_space<semaphore_mem>>)
    %dma_start3A_122 = arith.constant 0 : i32
    %dma_start3A_123 = tpu.memref_slice %arg8[%dma_start3A_122] : memref<100000xf32, #tpu.memory_space<vmem_shared>> -> memref<100000xf32, #tpu.memory_space<vmem_shared>>
    tpu.enqueue_indirect_dma source(%dma_start3A_123 : memref<100000xf32, #tpu.memory_space<vmem_shared>>) target(%arg26 : memref<1024xf32, #tpu.memory_space<vmem>>) offsets(%arg21 : memref<1024xi32, #tpu.memory_space<vmem>>) semaphore(%arg41 : memref<!tpu.dma_semaphore, #tpu.memory_space<semaphore_mem>>)
    %dma_wait3A_124 = arith.constant 0 : i32
    %dma_wait3A_125 = tpu.memref_slice %arg5[%dma_wait3A_124] : memref<100000xf32, #tpu.memory_space<vmem_shared>> -> memref<100000xf32, #tpu.memory_space<vmem_shared>>
    tpu.wait_indirect_dma semaphore(%arg41 : memref<!tpu.dma_semaphore, #tpu.memory_space<semaphore_mem>>) src(%dma_wait3A_125 : memref<100000xf32, #tpu.memory_space<vmem_shared>>) dst(%arg23 : memref<1024xf32, #tpu.memory_space<vmem>>)
    %dma_wait3A_126 = arith.constant 0 : i32
    %dma_wait3A_127 = tpu.memref_slice %arg6[%dma_wait3A_126] : memref<100000xf32, #tpu.memory_space<vmem_shared>> -> memref<100000xf32, #tpu.memory_space<vmem_shared>>
    tpu.wait_indirect_dma semaphore(%arg41 : memref<!tpu.dma_semaphore, #tpu.memory_space<semaphore_mem>>) src(%dma_wait3A_127 : memref<100000xf32, #tpu.memory_space<vmem_shared>>) dst(%arg24 : memref<1024xf32, #tpu.memory_space<vmem>>)
    %dma_wait3A_128 = arith.constant 0 : i32
    %dma_wait3A_129 = tpu.memref_slice %arg7[%dma_wait3A_128] : memref<100000xf32, #tpu.memory_space<vmem_shared>> -> memref<100000xf32, #tpu.memory_space<vmem_shared>>
    tpu.wait_indirect_dma semaphore(%arg41 : memref<!tpu.dma_semaphore, #tpu.memory_space<semaphore_mem>>) src(%dma_wait3A_129 : memref<100000xf32, #tpu.memory_space<vmem_shared>>) dst(%arg25 : memref<1024xf32, #tpu.memory_space<vmem>>)
    %dma_wait3A_130 = arith.constant 0 : i32
    %dma_wait3A_131 = tpu.memref_slice %arg8[%dma_wait3A_130] : memref<100000xf32, #tpu.memory_space<vmem_shared>> -> memref<100000xf32, #tpu.memory_space<vmem_shared>>
    tpu.wait_indirect_dma semaphore(%arg41 : memref<!tpu.dma_semaphore, #tpu.memory_space<semaphore_mem>>) src(%dma_wait3A_131 : memref<100000xf32, #tpu.memory_space<vmem_shared>>) dst(%arg26 : memref<1024xf32, #tpu.memory_space<vmem>>)
    %add3A_132 = arith.constant 192 : i32
    %add3A_133 = arith.addi %mul3A_0, %add3A_132 : i32
    %add3A_134 = arith.constant 0 : i32
    %add3A_135 = arith.addi %add3A_133, %add3A_134 : i32
    %dma_start3A_136 = tpu.memref_slice %arg4[%add3A_135, %mul3A_4] : memref<416x16384xf32, #tpu.memory_space<hbm>> -> memref<1x1024xf32, #tpu.memory_space<hbm>>
    %dma_start3A_137 = tpu.memref_squeeze %dma_start3A_136 : memref<1x1024xf32, #tpu.memory_space<hbm>> -> memref<1024xf32, #tpu.memory_space<hbm>>
    %dma_start3A_138 = tpu.memref_slice %arg4[%add3A_135, %mul3A_4] : memref<416x16384xf32, #tpu.memory_space<hbm>> -> memref<1x1024xf32, #tpu.memory_space<hbm>>
    %dma_start3A_139 = tpu.memref_squeeze %dma_start3A_138 : memref<1x1024xf32, #tpu.memory_space<hbm>> -> memref<1024xf32, #tpu.memory_space<hbm>>
    tpu.enqueue_dma source(%arg23 : memref<1024xf32, #tpu.memory_space<vmem>>) target(%dma_start3A_139 : memref<1024xf32, #tpu.memory_space<hbm>>) target_semaphore(%arg42 : memref<!tpu.dma_semaphore, #tpu.memory_space<semaphore_mem>>)
    %add3A_140 = arith.constant 192 : i32
    %add3A_141 = arith.addi %mul3A_0, %add3A_140 : i32
    %add3A_142 = arith.constant 1 : i32
    %add3A_143 = arith.addi %add3A_141, %add3A_142 : i32
    %dma_start3A_144 = tpu.memref_slice %arg4[%add3A_143, %mul3A_4] : memref<416x16384xf32, #tpu.memory_space<hbm>> -> memref<1x1024xf32, #tpu.memory_space<hbm>>
    %dma_start3A_145 = tpu.memref_squeeze %dma_start3A_144 : memref<1x1024xf32, #tpu.memory_space<hbm>> -> memref<1024xf32, #tpu.memory_space<hbm>>
    %dma_start3A_146 = tpu.memref_slice %arg4[%add3A_143, %mul3A_4] : memref<416x16384xf32, #tpu.memory_space<hbm>> -> memref<1x1024xf32, #tpu.memory_space<hbm>>
    %dma_start3A_147 = tpu.memref_squeeze %dma_start3A_146 : memref<1x1024xf32, #tpu.memory_space<hbm>> -> memref<1024xf32, #tpu.memory_space<hbm>>
    tpu.enqueue_dma source(%arg24 : memref<1024xf32, #tpu.memory_space<vmem>>) target(%dma_start3A_147 : memref<1024xf32, #tpu.memory_space<hbm>>) target_semaphore(%arg42 : memref<!tpu.dma_semaphore, #tpu.memory_space<semaphore_mem>>)
    %add3A_148 = arith.constant 192 : i32
    %add3A_149 = arith.addi %mul3A_0, %add3A_148 : i32
    %add3A_150 = arith.constant 2 : i32
    %add3A_151 = arith.addi %add3A_149, %add3A_150 : i32
    %dma_start3A_152 = tpu.memref_slice %arg4[%add3A_151, %mul3A_4] : memref<416x16384xf32, #tpu.memory_space<hbm>> -> memref<1x1024xf32, #tpu.memory_space<hbm>>
    %dma_start3A_153 = tpu.memref_squeeze %dma_start3A_152 : memref<1x1024xf32, #tpu.memory_space<hbm>> -> memref<1024xf32, #tpu.memory_space<hbm>>
    %dma_start3A_154 = tpu.memref_slice %arg4[%add3A_151, %mul3A_4] : memref<416x16384xf32, #tpu.memory_space<hbm>> -> memref<1x1024xf32, #tpu.memory_space<hbm>>
    %dma_start3A_155 = tpu.memref_squeeze %dma_start3A_154 : memref<1x1024xf32, #tpu.memory_space<hbm>> -> memref<1024xf32, #tpu.memory_space<hbm>>
    tpu.enqueue_dma source(%arg25 : memref<1024xf32, #tpu.memory_space<vmem>>) target(%dma_start3A_155 : memref<1024xf32, #tpu.memory_space<hbm>>) target_semaphore(%arg42 : memref<!tpu.dma_semaphore, #tpu.memory_space<semaphore_mem>>)
    %add3A_156 = arith.constant 192 : i32
    %add3A_157 = arith.addi %mul3A_0, %add3A_156 : i32
    %add3A_158 = arith.constant 3 : i32
    %add3A_159 = arith.addi %add3A_157, %add3A_158 : i32
    %dma_start3A_160 = tpu.memref_slice %arg4[%add3A_159, %mul3A_4] : memref<416x16384xf32, #tpu.memory_space<hbm>> -> memref<1x1024xf32, #tpu.memory_space<hbm>>
    %dma_start3A_161 = tpu.memref_squeeze %dma_start3A_160 : memref<1x1024xf32, #tpu.memory_space<hbm>> -> memref<1024xf32, #tpu.memory_space<hbm>>
    %dma_start3A_162 = tpu.memref_slice %arg4[%add3A_159, %mul3A_4] : memref<416x16384xf32, #tpu.memory_space<hbm>> -> memref<1x1024xf32, #tpu.memory_space<hbm>>
    %dma_start3A_163 = tpu.memref_squeeze %dma_start3A_162 : memref<1x1024xf32, #tpu.memory_space<hbm>> -> memref<1024xf32, #tpu.memory_space<hbm>>
    tpu.enqueue_dma source(%arg26 : memref<1024xf32, #tpu.memory_space<vmem>>) target(%dma_start3A_163 : memref<1024xf32, #tpu.memory_space<hbm>>) target_semaphore(%arg42 : memref<!tpu.dma_semaphore, #tpu.memory_space<semaphore_mem>>)
    %eq3A_164 = arith.constant 4 : i32
    %eq3A_165 = arith.cmpi eq, %arg1, %eq3A_164 : i32
    %convert_element_type3A_166 = arith.extui %eq3A_165 : i1 to i32
    %cond3A_167 = arith.constant 0 : i32
    %cond3A_168 = arith.cmpi ne, %convert_element_type3A_166, %cond3A_167 : i32
    scf.if %cond3A_168 {
      %add3A_552 = arith.constant 192 : i32
      %add3A_553 = arith.addi %mul3A_0, %add3A_552 : i32
      %add3A_554 = arith.constant 4 : i32
      %add3A_555 = arith.addi %add3A_553, %add3A_554 : i32
      %add3A_556 = arith.constant 0 : i32
      %add3A_557 = arith.addi %add3A_555, %add3A_556 : i32
      %shift_right_arithmetic3A = arith.constant 4 : i32
      %shift_right_arithmetic3A_558 = arith.shrsi %add3A_557, %shift_right_arithmetic3A : i32
      %and3A = arith.constant 15 : i32
      %and3A_559 = arith.andi %add3A_557, %and3A : i32
      %dma_wait3A_560 = arith.constant 0 : i32
      %dma_wait3A_561 = tpu.memref_slice %arg2[%shift_right_arithmetic3A_558, %and3A_559, %dma_wait3A_560] : memref<26x16x100000xf32, #tpu.memory_space<hbm>> -> memref<1x1x100000xf32, #tpu.memory_space<hbm>>
      %dma_wait3A_562 = tpu.memref_squeeze %dma_wait3A_561 : memref<1x1x100000xf32, #tpu.memory_space<hbm>> -> memref<100000xf32, #tpu.memory_space<hbm>>
      tpu.wait_dma2 semaphore(%arg39 : memref<!tpu.dma_semaphore, #tpu.memory_space<semaphore_mem>>) src(%dma_wait3A_562 : memref<100000xf32, #tpu.memory_space<hbm>>) dst(%arg9 : memref<100000xf32, #tpu.memory_space<vmem_shared>>)
    } else {
    }
    %eq3A_169 = arith.constant 5 : i32
    %eq3A_170 = arith.cmpi eq, %arg1, %eq3A_169 : i32
    %convert_element_type3A_171 = arith.extui %eq3A_170 : i1 to i32
    %cond3A_172 = arith.constant 0 : i32
    %cond3A_173 = arith.cmpi ne, %convert_element_type3A_171, %cond3A_172 : i32
    scf.if %cond3A_173 {
      %add3A_552 = arith.constant 192 : i32
      %add3A_553 = arith.addi %mul3A_0, %add3A_552 : i32
      %add3A_554 = arith.constant 4 : i32
      %add3A_555 = arith.addi %add3A_553, %add3A_554 : i32
      %add3A_556 = arith.constant 1 : i32
      %add3A_557 = arith.addi %add3A_555, %add3A_556 : i32
      %shift_right_arithmetic3A = arith.constant 4 : i32
      %shift_right_arithmetic3A_558 = arith.shrsi %add3A_557, %shift_right_arithmetic3A : i32
      %and3A = arith.constant 15 : i32
      %and3A_559 = arith.andi %add3A_557, %and3A : i32
      %dma_wait3A_560 = arith.constant 0 : i32
      %dma_wait3A_561 = tpu.memref_slice %arg2[%shift_right_arithmetic3A_558, %and3A_559, %dma_wait3A_560] : memref<26x16x100000xf32, #tpu.memory_space<hbm>> -> memref<1x1x100000xf32, #tpu.memory_space<hbm>>
      %dma_wait3A_562 = tpu.memref_squeeze %dma_wait3A_561 : memref<1x1x100000xf32, #tpu.memory_space<hbm>> -> memref<100000xf32, #tpu.memory_space<hbm>>
      tpu.wait_dma2 semaphore(%arg39 : memref<!tpu.dma_semaphore, #tpu.memory_space<semaphore_mem>>) src(%dma_wait3A_562 : memref<100000xf32, #tpu.memory_space<hbm>>) dst(%arg10 : memref<100000xf32, #tpu.memory_space<vmem_shared>>)
    } else {
    }
    %eq3A_174 = arith.constant 6 : i32
    %eq3A_175 = arith.cmpi eq, %arg1, %eq3A_174 : i32
    %convert_element_type3A_176 = arith.extui %eq3A_175 : i1 to i32
    %cond3A_177 = arith.constant 0 : i32
    %cond3A_178 = arith.cmpi ne, %convert_element_type3A_176, %cond3A_177 : i32
    scf.if %cond3A_178 {
      %add3A_552 = arith.constant 192 : i32
      %add3A_553 = arith.addi %mul3A_0, %add3A_552 : i32
      %add3A_554 = arith.constant 4 : i32
      %add3A_555 = arith.addi %add3A_553, %add3A_554 : i32
      %add3A_556 = arith.constant 2 : i32
      %add3A_557 = arith.addi %add3A_555, %add3A_556 : i32
      %shift_right_arithmetic3A = arith.constant 4 : i32
      %shift_right_arithmetic3A_558 = arith.shrsi %add3A_557, %shift_right_arithmetic3A : i32
      %and3A = arith.constant 15 : i32
      %and3A_559 = arith.andi %add3A_557, %and3A : i32
      %dma_wait3A_560 = arith.constant 0 : i32
      %dma_wait3A_561 = tpu.memref_slice %arg2[%shift_right_arithmetic3A_558, %and3A_559, %dma_wait3A_560] : memref<26x16x100000xf32, #tpu.memory_space<hbm>> -> memref<1x1x100000xf32, #tpu.memory_space<hbm>>
      %dma_wait3A_562 = tpu.memref_squeeze %dma_wait3A_561 : memref<1x1x100000xf32, #tpu.memory_space<hbm>> -> memref<100000xf32, #tpu.memory_space<hbm>>
      tpu.wait_dma2 semaphore(%arg39 : memref<!tpu.dma_semaphore, #tpu.memory_space<semaphore_mem>>) src(%dma_wait3A_562 : memref<100000xf32, #tpu.memory_space<hbm>>) dst(%arg11 : memref<100000xf32, #tpu.memory_space<vmem_shared>>)
    } else {
    }
    %eq3A_179 = arith.constant 7 : i32
    %eq3A_180 = arith.cmpi eq, %arg1, %eq3A_179 : i32
    %convert_element_type3A_181 = arith.extui %eq3A_180 : i1 to i32
    %cond3A_182 = arith.constant 0 : i32
    %cond3A_183 = arith.cmpi ne, %convert_element_type3A_181, %cond3A_182 : i32
    scf.if %cond3A_183 {
      %add3A_552 = arith.constant 192 : i32
      %add3A_553 = arith.addi %mul3A_0, %add3A_552 : i32
      %add3A_554 = arith.constant 4 : i32
      %add3A_555 = arith.addi %add3A_553, %add3A_554 : i32
      %add3A_556 = arith.constant 3 : i32
      %add3A_557 = arith.addi %add3A_555, %add3A_556 : i32
      %shift_right_arithmetic3A = arith.constant 4 : i32
      %shift_right_arithmetic3A_558 = arith.shrsi %add3A_557, %shift_right_arithmetic3A : i32
      %and3A = arith.constant 15 : i32
      %and3A_559 = arith.andi %add3A_557, %and3A : i32
      %dma_wait3A_560 = arith.constant 0 : i32
      %dma_wait3A_561 = tpu.memref_slice %arg2[%shift_right_arithmetic3A_558, %and3A_559, %dma_wait3A_560] : memref<26x16x100000xf32, #tpu.memory_space<hbm>> -> memref<1x1x100000xf32, #tpu.memory_space<hbm>>
      %dma_wait3A_562 = tpu.memref_squeeze %dma_wait3A_561 : memref<1x1x100000xf32, #tpu.memory_space<hbm>> -> memref<100000xf32, #tpu.memory_space<hbm>>
      tpu.wait_dma2 semaphore(%arg39 : memref<!tpu.dma_semaphore, #tpu.memory_space<semaphore_mem>>) src(%dma_wait3A_562 : memref<100000xf32, #tpu.memory_space<hbm>>) dst(%arg12 : memref<100000xf32, #tpu.memory_space<vmem_shared>>)
    } else {
    }
    %barrier3A_184 = arith.constant 0 : index
    tpu.barrier barrier_id(%barrier3A_184)
    %eq3A_185 = arith.constant 12 : i32
    %eq3A_186 = arith.cmpi eq, %arg1, %eq3A_185 : i32
    %convert_element_type3A_187 = arith.extui %eq3A_186 : i1 to i32
    %cond3A_188 = arith.constant 0 : i32
    %cond3A_189 = arith.cmpi ne, %convert_element_type3A_187, %cond3A_188 : i32
    scf.if %cond3A_189 {
      %add3A_552 = arith.constant 196 : i32
      %add3A_553 = arith.addi %mul3A_0, %add3A_552 : i32
      %add3A_554 = arith.constant 8 : i32
      %add3A_555 = arith.addi %add3A_553, %add3A_554 : i32
      %add3A_556 = arith.constant 0 : i32
      %add3A_557 = arith.addi %add3A_555, %add3A_556 : i32
      %shift_right_arithmetic3A = arith.constant 4 : i32
      %shift_right_arithmetic3A_558 = arith.shrsi %add3A_557, %shift_right_arithmetic3A : i32
      %and3A = arith.constant 15 : i32
      %and3A_559 = arith.andi %add3A_557, %and3A : i32
      %dma_start3A_560 = arith.constant 0 : i32
      %dma_start3A_561 = tpu.memref_slice %arg2[%shift_right_arithmetic3A_558, %and3A_559, %dma_start3A_560] : memref<26x16x100000xf32, #tpu.memory_space<hbm>> -> memref<1x1x100000xf32, #tpu.memory_space<hbm>>
      %dma_start3A_562 = tpu.memref_squeeze %dma_start3A_561 : memref<1x1x100000xf32, #tpu.memory_space<hbm>> -> memref<100000xf32, #tpu.memory_space<hbm>>
      tpu.enqueue_dma source(%dma_start3A_562 : memref<100000xf32, #tpu.memory_space<hbm>>) target(%arg17 : memref<100000xf32, #tpu.memory_space<vmem_shared>>) target_semaphore(%arg39 : memref<!tpu.dma_semaphore, #tpu.memory_space<semaphore_mem>>)
    } else {
    }
    %eq3A_190 = arith.constant 13 : i32
    %eq3A_191 = arith.cmpi eq, %arg1, %eq3A_190 : i32
    %convert_element_type3A_192 = arith.extui %eq3A_191 : i1 to i32
    %cond3A_193 = arith.constant 0 : i32
    %cond3A_194 = arith.cmpi ne, %convert_element_type3A_192, %cond3A_193 : i32
    scf.if %cond3A_194 {
      %add3A_552 = arith.constant 196 : i32
      %add3A_553 = arith.addi %mul3A_0, %add3A_552 : i32
      %add3A_554 = arith.constant 8 : i32
      %add3A_555 = arith.addi %add3A_553, %add3A_554 : i32
      %add3A_556 = arith.constant 1 : i32
      %add3A_557 = arith.addi %add3A_555, %add3A_556 : i32
      %shift_right_arithmetic3A = arith.constant 4 : i32
      %shift_right_arithmetic3A_558 = arith.shrsi %add3A_557, %shift_right_arithmetic3A : i32
      %and3A = arith.constant 15 : i32
      %and3A_559 = arith.andi %add3A_557, %and3A : i32
      %dma_start3A_560 = arith.constant 0 : i32
      %dma_start3A_561 = tpu.memref_slice %arg2[%shift_right_arithmetic3A_558, %and3A_559, %dma_start3A_560] : memref<26x16x100000xf32, #tpu.memory_space<hbm>> -> memref<1x1x100000xf32, #tpu.memory_space<hbm>>
      %dma_start3A_562 = tpu.memref_squeeze %dma_start3A_561 : memref<1x1x100000xf32, #tpu.memory_space<hbm>> -> memref<100000xf32, #tpu.memory_space<hbm>>
      tpu.enqueue_dma source(%dma_start3A_562 : memref<100000xf32, #tpu.memory_space<hbm>>) target(%arg18 : memref<100000xf32, #tpu.memory_space<vmem_shared>>) target_semaphore(%arg39 : memref<!tpu.dma_semaphore, #tpu.memory_space<semaphore_mem>>)
    } else {
    }
    %eq3A_195 = arith.constant 14 : i32
    %eq3A_196 = arith.cmpi eq, %arg1, %eq3A_195 : i32
    %convert_element_type3A_197 = arith.extui %eq3A_196 : i1 to i32
    %cond3A_198 = arith.constant 0 : i32
    %cond3A_199 = arith.cmpi ne, %convert_element_type3A_197, %cond3A_198 : i32
    scf.if %cond3A_199 {
      %add3A_552 = arith.constant 196 : i32
      %add3A_553 = arith.addi %mul3A_0, %add3A_552 : i32
      %add3A_554 = arith.constant 8 : i32
      %add3A_555 = arith.addi %add3A_553, %add3A_554 : i32
      %add3A_556 = arith.constant 2 : i32
      %add3A_557 = arith.addi %add3A_555, %add3A_556 : i32
      %shift_right_arithmetic3A = arith.constant 4 : i32
      %shift_right_arithmetic3A_558 = arith.shrsi %add3A_557, %shift_right_arithmetic3A : i32
      %and3A = arith.constant 15 : i32
      %and3A_559 = arith.andi %add3A_557, %and3A : i32
      %dma_start3A_560 = arith.constant 0 : i32
      %dma_start3A_561 = tpu.memref_slice %arg2[%shift_right_arithmetic3A_558, %and3A_559, %dma_start3A_560] : memref<26x16x100000xf32, #tpu.memory_space<hbm>> -> memref<1x1x100000xf32, #tpu.memory_space<hbm>>
      %dma_start3A_562 = tpu.memref_squeeze %dma_start3A_561 : memref<1x1x100000xf32, #tpu.memory_space<hbm>> -> memref<100000xf32, #tpu.memory_space<hbm>>
      tpu.enqueue_dma source(%dma_start3A_562 : memref<100000xf32, #tpu.memory_space<hbm>>) target(%arg19 : memref<100000xf32, #tpu.memory_space<vmem_shared>>) target_semaphore(%arg39 : memref<!tpu.dma_semaphore, #tpu.memory_space<semaphore_mem>>)
    } else {
    }
    %eq3A_200 = arith.constant 15 : i32
    %eq3A_201 = arith.cmpi eq, %arg1, %eq3A_200 : i32
    %convert_element_type3A_202 = arith.extui %eq3A_201 : i1 to i32
    %cond3A_203 = arith.constant 0 : i32
    %cond3A_204 = arith.cmpi ne, %convert_element_type3A_202, %cond3A_203 : i32
    scf.if %cond3A_204 {
      %add3A_552 = arith.constant 196 : i32
      %add3A_553 = arith.addi %mul3A_0, %add3A_552 : i32
      %add3A_554 = arith.constant 8 : i32
      %add3A_555 = arith.addi %add3A_553, %add3A_554 : i32
      %add3A_556 = arith.constant 3 : i32
      %add3A_557 = arith.addi %add3A_555, %add3A_556 : i32
      %shift_right_arithmetic3A = arith.constant 4 : i32
      %shift_right_arithmetic3A_558 = arith.shrsi %add3A_557, %shift_right_arithmetic3A : i32
      %and3A = arith.constant 15 : i32
      %and3A_559 = arith.andi %add3A_557, %and3A : i32
      %dma_start3A_560 = arith.constant 0 : i32
      %dma_start3A_561 = tpu.memref_slice %arg2[%shift_right_arithmetic3A_558, %and3A_559, %dma_start3A_560] : memref<26x16x100000xf32, #tpu.memory_space<hbm>> -> memref<1x1x100000xf32, #tpu.memory_space<hbm>>
      %dma_start3A_562 = tpu.memref_squeeze %dma_start3A_561 : memref<1x1x100000xf32, #tpu.memory_space<hbm>> -> memref<100000xf32, #tpu.memory_space<hbm>>
      tpu.enqueue_dma source(%dma_start3A_562 : memref<100000xf32, #tpu.memory_space<hbm>>) target(%arg20 : memref<100000xf32, #tpu.memory_space<vmem_shared>>) target_semaphore(%arg39 : memref<!tpu.dma_semaphore, #tpu.memory_space<semaphore_mem>>)
    } else {
    }
    %add3A_205 = arith.constant 196 : i32
    %add3A_206 = arith.addi %mul3A_0, %add3A_205 : i32
    %add3A_207 = arith.constant 0 : i32
    %add3A_208 = arith.addi %add3A_206, %add3A_207 : i32
    %dma_wait3A_209 = tpu.memref_slice %arg4[%add3A_208, %mul3A_4] : memref<416x16384xf32, #tpu.memory_space<hbm>> -> memref<1x1024xf32, #tpu.memory_space<hbm>>
    %dma_wait3A_210 = tpu.memref_squeeze %dma_wait3A_209 : memref<1x1024xf32, #tpu.memory_space<hbm>> -> memref<1024xf32, #tpu.memory_space<hbm>>
    %dma_wait3A_211 = tpu.memref_slice %arg4[%add3A_208, %mul3A_4] : memref<416x16384xf32, #tpu.memory_space<hbm>> -> memref<1x1024xf32, #tpu.memory_space<hbm>>
    %dma_wait3A_212 = tpu.memref_squeeze %dma_wait3A_211 : memref<1x1024xf32, #tpu.memory_space<hbm>> -> memref<1024xf32, #tpu.memory_space<hbm>>
    tpu.wait_dma2 semaphore(%arg42 : memref<!tpu.dma_semaphore, #tpu.memory_space<semaphore_mem>>) src(%arg27 : memref<1024xf32, #tpu.memory_space<vmem>>) dst(%dma_wait3A_212 : memref<1024xf32, #tpu.memory_space<hbm>>)
    %add3A_213 = arith.constant 196 : i32
    %add3A_214 = arith.addi %mul3A_0, %add3A_213 : i32
    %add3A_215 = arith.constant 1 : i32
    %add3A_216 = arith.addi %add3A_214, %add3A_215 : i32
    %dma_wait3A_217 = tpu.memref_slice %arg4[%add3A_216, %mul3A_4] : memref<416x16384xf32, #tpu.memory_space<hbm>> -> memref<1x1024xf32, #tpu.memory_space<hbm>>
    %dma_wait3A_218 = tpu.memref_squeeze %dma_wait3A_217 : memref<1x1024xf32, #tpu.memory_space<hbm>> -> memref<1024xf32, #tpu.memory_space<hbm>>
    %dma_wait3A_219 = tpu.memref_slice %arg4[%add3A_216, %mul3A_4] : memref<416x16384xf32, #tpu.memory_space<hbm>> -> memref<1x1024xf32, #tpu.memory_space<hbm>>
    %dma_wait3A_220 = tpu.memref_squeeze %dma_wait3A_219 : memref<1x1024xf32, #tpu.memory_space<hbm>> -> memref<1024xf32, #tpu.memory_space<hbm>>
    tpu.wait_dma2 semaphore(%arg42 : memref<!tpu.dma_semaphore, #tpu.memory_space<semaphore_mem>>) src(%arg28 : memref<1024xf32, #tpu.memory_space<vmem>>) dst(%dma_wait3A_220 : memref<1024xf32, #tpu.memory_space<hbm>>)
    %add3A_221 = arith.constant 196 : i32
    %add3A_222 = arith.addi %mul3A_0, %add3A_221 : i32
    %add3A_223 = arith.constant 2 : i32
    %add3A_224 = arith.addi %add3A_222, %add3A_223 : i32
    %dma_wait3A_225 = tpu.memref_slice %arg4[%add3A_224, %mul3A_4] : memref<416x16384xf32, #tpu.memory_space<hbm>> -> memref<1x1024xf32, #tpu.memory_space<hbm>>
    %dma_wait3A_226 = tpu.memref_squeeze %dma_wait3A_225 : memref<1x1024xf32, #tpu.memory_space<hbm>> -> memref<1024xf32, #tpu.memory_space<hbm>>
    %dma_wait3A_227 = tpu.memref_slice %arg4[%add3A_224, %mul3A_4] : memref<416x16384xf32, #tpu.memory_space<hbm>> -> memref<1x1024xf32, #tpu.memory_space<hbm>>
    %dma_wait3A_228 = tpu.memref_squeeze %dma_wait3A_227 : memref<1x1024xf32, #tpu.memory_space<hbm>> -> memref<1024xf32, #tpu.memory_space<hbm>>
    tpu.wait_dma2 semaphore(%arg42 : memref<!tpu.dma_semaphore, #tpu.memory_space<semaphore_mem>>) src(%arg29 : memref<1024xf32, #tpu.memory_space<vmem>>) dst(%dma_wait3A_228 : memref<1024xf32, #tpu.memory_space<hbm>>)
    %add3A_229 = arith.constant 196 : i32
    %add3A_230 = arith.addi %mul3A_0, %add3A_229 : i32
    %add3A_231 = arith.constant 3 : i32
    %add3A_232 = arith.addi %add3A_230, %add3A_231 : i32
    %dma_wait3A_233 = tpu.memref_slice %arg4[%add3A_232, %mul3A_4] : memref<416x16384xf32, #tpu.memory_space<hbm>> -> memref<1x1024xf32, #tpu.memory_space<hbm>>
    %dma_wait3A_234 = tpu.memref_squeeze %dma_wait3A_233 : memref<1x1024xf32, #tpu.memory_space<hbm>> -> memref<1024xf32, #tpu.memory_space<hbm>>
    %dma_wait3A_235 = tpu.memref_slice %arg4[%add3A_232, %mul3A_4] : memref<416x16384xf32, #tpu.memory_space<hbm>> -> memref<1x1024xf32, #tpu.memory_space<hbm>>
    %dma_wait3A_236 = tpu.memref_squeeze %dma_wait3A_235 : memref<1x1024xf32, #tpu.memory_space<hbm>> -> memref<1024xf32, #tpu.memory_space<hbm>>
    tpu.wait_dma2 semaphore(%arg42 : memref<!tpu.dma_semaphore, #tpu.memory_space<semaphore_mem>>) src(%arg30 : memref<1024xf32, #tpu.memory_space<vmem>>) dst(%dma_wait3A_236 : memref<1024xf32, #tpu.memory_space<hbm>>)
    %dma_start3A_237 = arith.constant 0 : i32
    %dma_start3A_238 = tpu.memref_slice %arg9[%dma_start3A_237] : memref<100000xf32, #tpu.memory_space<vmem_shared>> -> memref<100000xf32, #tpu.memory_space<vmem_shared>>
    tpu.enqueue_indirect_dma source(%dma_start3A_238 : memref<100000xf32, #tpu.memory_space<vmem_shared>>) target(%arg27 : memref<1024xf32, #tpu.memory_space<vmem>>) offsets(%arg21 : memref<1024xi32, #tpu.memory_space<vmem>>) semaphore(%arg41 : memref<!tpu.dma_semaphore, #tpu.memory_space<semaphore_mem>>)
    %dma_start3A_239 = arith.constant 0 : i32
    %dma_start3A_240 = tpu.memref_slice %arg10[%dma_start3A_239] : memref<100000xf32, #tpu.memory_space<vmem_shared>> -> memref<100000xf32, #tpu.memory_space<vmem_shared>>
    tpu.enqueue_indirect_dma source(%dma_start3A_240 : memref<100000xf32, #tpu.memory_space<vmem_shared>>) target(%arg28 : memref<1024xf32, #tpu.memory_space<vmem>>) offsets(%arg21 : memref<1024xi32, #tpu.memory_space<vmem>>) semaphore(%arg41 : memref<!tpu.dma_semaphore, #tpu.memory_space<semaphore_mem>>)
    %dma_start3A_241 = arith.constant 0 : i32
    %dma_start3A_242 = tpu.memref_slice %arg11[%dma_start3A_241] : memref<100000xf32, #tpu.memory_space<vmem_shared>> -> memref<100000xf32, #tpu.memory_space<vmem_shared>>
    tpu.enqueue_indirect_dma source(%dma_start3A_242 : memref<100000xf32, #tpu.memory_space<vmem_shared>>) target(%arg29 : memref<1024xf32, #tpu.memory_space<vmem>>) offsets(%arg21 : memref<1024xi32, #tpu.memory_space<vmem>>) semaphore(%arg41 : memref<!tpu.dma_semaphore, #tpu.memory_space<semaphore_mem>>)
    %dma_start3A_243 = arith.constant 0 : i32
    %dma_start3A_244 = tpu.memref_slice %arg12[%dma_start3A_243] : memref<100000xf32, #tpu.memory_space<vmem_shared>> -> memref<100000xf32, #tpu.memory_space<vmem_shared>>
    tpu.enqueue_indirect_dma source(%dma_start3A_244 : memref<100000xf32, #tpu.memory_space<vmem_shared>>) target(%arg30 : memref<1024xf32, #tpu.memory_space<vmem>>) offsets(%arg21 : memref<1024xi32, #tpu.memory_space<vmem>>) semaphore(%arg41 : memref<!tpu.dma_semaphore, #tpu.memory_space<semaphore_mem>>)
    %dma_wait3A_245 = arith.constant 0 : i32
    %dma_wait3A_246 = tpu.memref_slice %arg9[%dma_wait3A_245] : memref<100000xf32, #tpu.memory_space<vmem_shared>> -> memref<100000xf32, #tpu.memory_space<vmem_shared>>
    tpu.wait_indirect_dma semaphore(%arg41 : memref<!tpu.dma_semaphore, #tpu.memory_space<semaphore_mem>>) src(%dma_wait3A_246 : memref<100000xf32, #tpu.memory_space<vmem_shared>>) dst(%arg27 : memref<1024xf32, #tpu.memory_space<vmem>>)
    %dma_wait3A_247 = arith.constant 0 : i32
    %dma_wait3A_248 = tpu.memref_slice %arg10[%dma_wait3A_247] : memref<100000xf32, #tpu.memory_space<vmem_shared>> -> memref<100000xf32, #tpu.memory_space<vmem_shared>>
    tpu.wait_indirect_dma semaphore(%arg41 : memref<!tpu.dma_semaphore, #tpu.memory_space<semaphore_mem>>) src(%dma_wait3A_248 : memref<100000xf32, #tpu.memory_space<vmem_shared>>) dst(%arg28 : memref<1024xf32, #tpu.memory_space<vmem>>)
    %dma_wait3A_249 = arith.constant 0 : i32
    %dma_wait3A_250 = tpu.memref_slice %arg11[%dma_wait3A_249] : memref<100000xf32, #tpu.memory_space<vmem_shared>> -> memref<100000xf32, #tpu.memory_space<vmem_shared>>
    tpu.wait_indirect_dma semaphore(%arg41 : memref<!tpu.dma_semaphore, #tpu.memory_space<semaphore_mem>>) src(%dma_wait3A_250 : memref<100000xf32, #tpu.memory_space<vmem_shared>>) dst(%arg29 : memref<1024xf32, #tpu.memory_space<vmem>>)
    %dma_wait3A_251 = arith.constant 0 : i32
    %dma_wait3A_252 = tpu.memref_slice %arg12[%dma_wait3A_251] : memref<100000xf32, #tpu.memory_space<vmem_shared>> -> memref<100000xf32, #tpu.memory_space<vmem_shared>>
    tpu.wait_indirect_dma semaphore(%arg41 : memref<!tpu.dma_semaphore, #tpu.memory_space<semaphore_mem>>) src(%dma_wait3A_252 : memref<100000xf32, #tpu.memory_space<vmem_shared>>) dst(%arg30 : memref<1024xf32, #tpu.memory_space<vmem>>)
    %add3A_253 = arith.constant 196 : i32
    %add3A_254 = arith.addi %mul3A_0, %add3A_253 : i32
    %add3A_255 = arith.constant 0 : i32
    %add3A_256 = arith.addi %add3A_254, %add3A_255 : i32
    %dma_start3A_257 = tpu.memref_slice %arg4[%add3A_256, %mul3A_4] : memref<416x16384xf32, #tpu.memory_space<hbm>> -> memref<1x1024xf32, #tpu.memory_space<hbm>>
    %dma_start3A_258 = tpu.memref_squeeze %dma_start3A_257 : memref<1x1024xf32, #tpu.memory_space<hbm>> -> memref<1024xf32, #tpu.memory_space<hbm>>
    %dma_start3A_259 = tpu.memref_slice %arg4[%add3A_256, %mul3A_4] : memref<416x16384xf32, #tpu.memory_space<hbm>> -> memref<1x1024xf32, #tpu.memory_space<hbm>>
    %dma_start3A_260 = tpu.memref_squeeze %dma_start3A_259 : memref<1x1024xf32, #tpu.memory_space<hbm>> -> memref<1024xf32, #tpu.memory_space<hbm>>
    tpu.enqueue_dma source(%arg27 : memref<1024xf32, #tpu.memory_space<vmem>>) target(%dma_start3A_260 : memref<1024xf32, #tpu.memory_space<hbm>>) target_semaphore(%arg42 : memref<!tpu.dma_semaphore, #tpu.memory_space<semaphore_mem>>)
    %add3A_261 = arith.constant 196 : i32
    %add3A_262 = arith.addi %mul3A_0, %add3A_261 : i32
    %add3A_263 = arith.constant 1 : i32
    %add3A_264 = arith.addi %add3A_262, %add3A_263 : i32
    %dma_start3A_265 = tpu.memref_slice %arg4[%add3A_264, %mul3A_4] : memref<416x16384xf32, #tpu.memory_space<hbm>> -> memref<1x1024xf32, #tpu.memory_space<hbm>>
    %dma_start3A_266 = tpu.memref_squeeze %dma_start3A_265 : memref<1x1024xf32, #tpu.memory_space<hbm>> -> memref<1024xf32, #tpu.memory_space<hbm>>
    %dma_start3A_267 = tpu.memref_slice %arg4[%add3A_264, %mul3A_4] : memref<416x16384xf32, #tpu.memory_space<hbm>> -> memref<1x1024xf32, #tpu.memory_space<hbm>>
    %dma_start3A_268 = tpu.memref_squeeze %dma_start3A_267 : memref<1x1024xf32, #tpu.memory_space<hbm>> -> memref<1024xf32, #tpu.memory_space<hbm>>
    tpu.enqueue_dma source(%arg28 : memref<1024xf32, #tpu.memory_space<vmem>>) target(%dma_start3A_268 : memref<1024xf32, #tpu.memory_space<hbm>>) target_semaphore(%arg42 : memref<!tpu.dma_semaphore, #tpu.memory_space<semaphore_mem>>)
    %add3A_269 = arith.constant 196 : i32
    %add3A_270 = arith.addi %mul3A_0, %add3A_269 : i32
    %add3A_271 = arith.constant 2 : i32
    %add3A_272 = arith.addi %add3A_270, %add3A_271 : i32
    %dma_start3A_273 = tpu.memref_slice %arg4[%add3A_272, %mul3A_4] : memref<416x16384xf32, #tpu.memory_space<hbm>> -> memref<1x1024xf32, #tpu.memory_space<hbm>>
    %dma_start3A_274 = tpu.memref_squeeze %dma_start3A_273 : memref<1x1024xf32, #tpu.memory_space<hbm>> -> memref<1024xf32, #tpu.memory_space<hbm>>
    %dma_start3A_275 = tpu.memref_slice %arg4[%add3A_272, %mul3A_4] : memref<416x16384xf32, #tpu.memory_space<hbm>> -> memref<1x1024xf32, #tpu.memory_space<hbm>>
    %dma_start3A_276 = tpu.memref_squeeze %dma_start3A_275 : memref<1x1024xf32, #tpu.memory_space<hbm>> -> memref<1024xf32, #tpu.memory_space<hbm>>
    tpu.enqueue_dma source(%arg29 : memref<1024xf32, #tpu.memory_space<vmem>>) target(%dma_start3A_276 : memref<1024xf32, #tpu.memory_space<hbm>>) target_semaphore(%arg42 : memref<!tpu.dma_semaphore, #tpu.memory_space<semaphore_mem>>)
    %add3A_277 = arith.constant 196 : i32
    %add3A_278 = arith.addi %mul3A_0, %add3A_277 : i32
    %add3A_279 = arith.constant 3 : i32
    %add3A_280 = arith.addi %add3A_278, %add3A_279 : i32
    %dma_start3A_281 = tpu.memref_slice %arg4[%add3A_280, %mul3A_4] : memref<416x16384xf32, #tpu.memory_space<hbm>> -> memref<1x1024xf32, #tpu.memory_space<hbm>>
    %dma_start3A_282 = tpu.memref_squeeze %dma_start3A_281 : memref<1x1024xf32, #tpu.memory_space<hbm>> -> memref<1024xf32, #tpu.memory_space<hbm>>
    %dma_start3A_283 = tpu.memref_slice %arg4[%add3A_280, %mul3A_4] : memref<416x16384xf32, #tpu.memory_space<hbm>> -> memref<1x1024xf32, #tpu.memory_space<hbm>>
    %dma_start3A_284 = tpu.memref_squeeze %dma_start3A_283 : memref<1x1024xf32, #tpu.memory_space<hbm>> -> memref<1024xf32, #tpu.memory_space<hbm>>
    tpu.enqueue_dma source(%arg30 : memref<1024xf32, #tpu.memory_space<vmem>>) target(%dma_start3A_284 : memref<1024xf32, #tpu.memory_space<hbm>>) target_semaphore(%arg42 : memref<!tpu.dma_semaphore, #tpu.memory_space<semaphore_mem>>)
    %eq3A_285 = arith.constant 8 : i32
    %eq3A_286 = arith.cmpi eq, %arg1, %eq3A_285 : i32
    %convert_element_type3A_287 = arith.extui %eq3A_286 : i1 to i32
    %cond3A_288 = arith.constant 0 : i32
    %cond3A_289 = arith.cmpi ne, %convert_element_type3A_287, %cond3A_288 : i32
    scf.if %cond3A_289 {
      %add3A_552 = arith.constant 196 : i32
      %add3A_553 = arith.addi %mul3A_0, %add3A_552 : i32
      %add3A_554 = arith.constant 4 : i32
      %add3A_555 = arith.addi %add3A_553, %add3A_554 : i32
      %add3A_556 = arith.constant 0 : i32
      %add3A_557 = arith.addi %add3A_555, %add3A_556 : i32
      %shift_right_arithmetic3A = arith.constant 4 : i32
      %shift_right_arithmetic3A_558 = arith.shrsi %add3A_557, %shift_right_arithmetic3A : i32
      %and3A = arith.constant 15 : i32
      %and3A_559 = arith.andi %add3A_557, %and3A : i32
      %dma_wait3A_560 = arith.constant 0 : i32
      %dma_wait3A_561 = tpu.memref_slice %arg2[%shift_right_arithmetic3A_558, %and3A_559, %dma_wait3A_560] : memref<26x16x100000xf32, #tpu.memory_space<hbm>> -> memref<1x1x100000xf32, #tpu.memory_space<hbm>>
      %dma_wait3A_562 = tpu.memref_squeeze %dma_wait3A_561 : memref<1x1x100000xf32, #tpu.memory_space<hbm>> -> memref<100000xf32, #tpu.memory_space<hbm>>
      tpu.wait_dma2 semaphore(%arg39 : memref<!tpu.dma_semaphore, #tpu.memory_space<semaphore_mem>>) src(%dma_wait3A_562 : memref<100000xf32, #tpu.memory_space<hbm>>) dst(%arg13 : memref<100000xf32, #tpu.memory_space<vmem_shared>>)
    } else {
    }
    %eq3A_290 = arith.constant 9 : i32
    %eq3A_291 = arith.cmpi eq, %arg1, %eq3A_290 : i32
    %convert_element_type3A_292 = arith.extui %eq3A_291 : i1 to i32
    %cond3A_293 = arith.constant 0 : i32
    %cond3A_294 = arith.cmpi ne, %convert_element_type3A_292, %cond3A_293 : i32
    scf.if %cond3A_294 {
      %add3A_552 = arith.constant 196 : i32
      %add3A_553 = arith.addi %mul3A_0, %add3A_552 : i32
      %add3A_554 = arith.constant 4 : i32
      %add3A_555 = arith.addi %add3A_553, %add3A_554 : i32
      %add3A_556 = arith.constant 1 : i32
      %add3A_557 = arith.addi %add3A_555, %add3A_556 : i32
      %shift_right_arithmetic3A = arith.constant 4 : i32
      %shift_right_arithmetic3A_558 = arith.shrsi %add3A_557, %shift_right_arithmetic3A : i32
      %and3A = arith.constant 15 : i32
      %and3A_559 = arith.andi %add3A_557, %and3A : i32
      %dma_wait3A_560 = arith.constant 0 : i32
      %dma_wait3A_561 = tpu.memref_slice %arg2[%shift_right_arithmetic3A_558, %and3A_559, %dma_wait3A_560] : memref<26x16x100000xf32, #tpu.memory_space<hbm>> -> memref<1x1x100000xf32, #tpu.memory_space<hbm>>
      %dma_wait3A_562 = tpu.memref_squeeze %dma_wait3A_561 : memref<1x1x100000xf32, #tpu.memory_space<hbm>> -> memref<100000xf32, #tpu.memory_space<hbm>>
      tpu.wait_dma2 semaphore(%arg39 : memref<!tpu.dma_semaphore, #tpu.memory_space<semaphore_mem>>) src(%dma_wait3A_562 : memref<100000xf32, #tpu.memory_space<hbm>>) dst(%arg14 : memref<100000xf32, #tpu.memory_space<vmem_shared>>)
    } else {
    }
    %eq3A_295 = arith.constant 10 : i32
    %eq3A_296 = arith.cmpi eq, %arg1, %eq3A_295 : i32
    %convert_element_type3A_297 = arith.extui %eq3A_296 : i1 to i32
    %cond3A_298 = arith.constant 0 : i32
    %cond3A_299 = arith.cmpi ne, %convert_element_type3A_297, %cond3A_298 : i32
    scf.if %cond3A_299 {
      %add3A_552 = arith.constant 196 : i32
      %add3A_553 = arith.addi %mul3A_0, %add3A_552 : i32
      %add3A_554 = arith.constant 4 : i32
      %add3A_555 = arith.addi %add3A_553, %add3A_554 : i32
      %add3A_556 = arith.constant 2 : i32
      %add3A_557 = arith.addi %add3A_555, %add3A_556 : i32
      %shift_right_arithmetic3A = arith.constant 4 : i32
      %shift_right_arithmetic3A_558 = arith.shrsi %add3A_557, %shift_right_arithmetic3A : i32
      %and3A = arith.constant 15 : i32
      %and3A_559 = arith.andi %add3A_557, %and3A : i32
      %dma_wait3A_560 = arith.constant 0 : i32
      %dma_wait3A_561 = tpu.memref_slice %arg2[%shift_right_arithmetic3A_558, %and3A_559, %dma_wait3A_560] : memref<26x16x100000xf32, #tpu.memory_space<hbm>> -> memref<1x1x100000xf32, #tpu.memory_space<hbm>>
      %dma_wait3A_562 = tpu.memref_squeeze %dma_wait3A_561 : memref<1x1x100000xf32, #tpu.memory_space<hbm>> -> memref<100000xf32, #tpu.memory_space<hbm>>
      tpu.wait_dma2 semaphore(%arg39 : memref<!tpu.dma_semaphore, #tpu.memory_space<semaphore_mem>>) src(%dma_wait3A_562 : memref<100000xf32, #tpu.memory_space<hbm>>) dst(%arg15 : memref<100000xf32, #tpu.memory_space<vmem_shared>>)
    } else {
    }
    %eq3A_300 = arith.constant 11 : i32
    %eq3A_301 = arith.cmpi eq, %arg1, %eq3A_300 : i32
    %convert_element_type3A_302 = arith.extui %eq3A_301 : i1 to i32
    %cond3A_303 = arith.constant 0 : i32
    %cond3A_304 = arith.cmpi ne, %convert_element_type3A_302, %cond3A_303 : i32
    scf.if %cond3A_304 {
      %add3A_552 = arith.constant 196 : i32
      %add3A_553 = arith.addi %mul3A_0, %add3A_552 : i32
      %add3A_554 = arith.constant 4 : i32
      %add3A_555 = arith.addi %add3A_553, %add3A_554 : i32
      %add3A_556 = arith.constant 3 : i32
      %add3A_557 = arith.addi %add3A_555, %add3A_556 : i32
      %shift_right_arithmetic3A = arith.constant 4 : i32
      %shift_right_arithmetic3A_558 = arith.shrsi %add3A_557, %shift_right_arithmetic3A : i32
      %and3A = arith.constant 15 : i32
      %and3A_559 = arith.andi %add3A_557, %and3A : i32
      %dma_wait3A_560 = arith.constant 0 : i32
      %dma_wait3A_561 = tpu.memref_slice %arg2[%shift_right_arithmetic3A_558, %and3A_559, %dma_wait3A_560] : memref<26x16x100000xf32, #tpu.memory_space<hbm>> -> memref<1x1x100000xf32, #tpu.memory_space<hbm>>
      %dma_wait3A_562 = tpu.memref_squeeze %dma_wait3A_561 : memref<1x1x100000xf32, #tpu.memory_space<hbm>> -> memref<100000xf32, #tpu.memory_space<hbm>>
      tpu.wait_dma2 semaphore(%arg39 : memref<!tpu.dma_semaphore, #tpu.memory_space<semaphore_mem>>) src(%dma_wait3A_562 : memref<100000xf32, #tpu.memory_space<hbm>>) dst(%arg16 : memref<100000xf32, #tpu.memory_space<vmem_shared>>)
    } else {
    }
    %barrier3A_305 = arith.constant 0 : index
    tpu.barrier barrier_id(%barrier3A_305)
    %add3A_306 = arith.constant 200 : i32
    %add3A_307 = arith.addi %mul3A_0, %add3A_306 : i32
    %add3A_308 = arith.constant 0 : i32
    %add3A_309 = arith.addi %add3A_307, %add3A_308 : i32
    %dma_wait3A_310 = tpu.memref_slice %arg4[%add3A_309, %mul3A_4] : memref<416x16384xf32, #tpu.memory_space<hbm>> -> memref<1x1024xf32, #tpu.memory_space<hbm>>
    %dma_wait3A_311 = tpu.memref_squeeze %dma_wait3A_310 : memref<1x1024xf32, #tpu.memory_space<hbm>> -> memref<1024xf32, #tpu.memory_space<hbm>>
    %dma_wait3A_312 = tpu.memref_slice %arg4[%add3A_309, %mul3A_4] : memref<416x16384xf32, #tpu.memory_space<hbm>> -> memref<1x1024xf32, #tpu.memory_space<hbm>>
    %dma_wait3A_313 = tpu.memref_squeeze %dma_wait3A_312 : memref<1x1024xf32, #tpu.memory_space<hbm>> -> memref<1024xf32, #tpu.memory_space<hbm>>
    tpu.wait_dma2 semaphore(%arg42 : memref<!tpu.dma_semaphore, #tpu.memory_space<semaphore_mem>>) src(%arg31 : memref<1024xf32, #tpu.memory_space<vmem>>) dst(%dma_wait3A_313 : memref<1024xf32, #tpu.memory_space<hbm>>)
    %add3A_314 = arith.constant 200 : i32
    %add3A_315 = arith.addi %mul3A_0, %add3A_314 : i32
    %add3A_316 = arith.constant 1 : i32
    %add3A_317 = arith.addi %add3A_315, %add3A_316 : i32
    %dma_wait3A_318 = tpu.memref_slice %arg4[%add3A_317, %mul3A_4] : memref<416x16384xf32, #tpu.memory_space<hbm>> -> memref<1x1024xf32, #tpu.memory_space<hbm>>
    %dma_wait3A_319 = tpu.memref_squeeze %dma_wait3A_318 : memref<1x1024xf32, #tpu.memory_space<hbm>> -> memref<1024xf32, #tpu.memory_space<hbm>>
    %dma_wait3A_320 = tpu.memref_slice %arg4[%add3A_317, %mul3A_4] : memref<416x16384xf32, #tpu.memory_space<hbm>> -> memref<1x1024xf32, #tpu.memory_space<hbm>>
    %dma_wait3A_321 = tpu.memref_squeeze %dma_wait3A_320 : memref<1x1024xf32, #tpu.memory_space<hbm>> -> memref<1024xf32, #tpu.memory_space<hbm>>
    tpu.wait_dma2 semaphore(%arg42 : memref<!tpu.dma_semaphore, #tpu.memory_space<semaphore_mem>>) src(%arg32 : memref<1024xf32, #tpu.memory_space<vmem>>) dst(%dma_wait3A_321 : memref<1024xf32, #tpu.memory_space<hbm>>)
    %add3A_322 = arith.constant 200 : i32
    %add3A_323 = arith.addi %mul3A_0, %add3A_322 : i32
    %add3A_324 = arith.constant 2 : i32
    %add3A_325 = arith.addi %add3A_323, %add3A_324 : i32
    %dma_wait3A_326 = tpu.memref_slice %arg4[%add3A_325, %mul3A_4] : memref<416x16384xf32, #tpu.memory_space<hbm>> -> memref<1x1024xf32, #tpu.memory_space<hbm>>
    %dma_wait3A_327 = tpu.memref_squeeze %dma_wait3A_326 : memref<1x1024xf32, #tpu.memory_space<hbm>> -> memref<1024xf32, #tpu.memory_space<hbm>>
    %dma_wait3A_328 = tpu.memref_slice %arg4[%add3A_325, %mul3A_4] : memref<416x16384xf32, #tpu.memory_space<hbm>> -> memref<1x1024xf32, #tpu.memory_space<hbm>>
    %dma_wait3A_329 = tpu.memref_squeeze %dma_wait3A_328 : memref<1x1024xf32, #tpu.memory_space<hbm>> -> memref<1024xf32, #tpu.memory_space<hbm>>
    tpu.wait_dma2 semaphore(%arg42 : memref<!tpu.dma_semaphore, #tpu.memory_space<semaphore_mem>>) src(%arg33 : memref<1024xf32, #tpu.memory_space<vmem>>) dst(%dma_wait3A_329 : memref<1024xf32, #tpu.memory_space<hbm>>)
    %add3A_330 = arith.constant 200 : i32
    %add3A_331 = arith.addi %mul3A_0, %add3A_330 : i32
    %add3A_332 = arith.constant 3 : i32
    %add3A_333 = arith.addi %add3A_331, %add3A_332 : i32
    %dma_wait3A_334 = tpu.memref_slice %arg4[%add3A_333, %mul3A_4] : memref<416x16384xf32, #tpu.memory_space<hbm>> -> memref<1x1024xf32, #tpu.memory_space<hbm>>
    %dma_wait3A_335 = tpu.memref_squeeze %dma_wait3A_334 : memref<1x1024xf32, #tpu.memory_space<hbm>> -> memref<1024xf32, #tpu.memory_space<hbm>>
    %dma_wait3A_336 = tpu.memref_slice %arg4[%add3A_333, %mul3A_4] : memref<416x16384xf32, #tpu.memory_space<hbm>> -> memref<1x1024xf32, #tpu.memory_space<hbm>>
    %dma_wait3A_337 = tpu.memref_squeeze %dma_wait3A_336 : memref<1x1024xf32, #tpu.memory_space<hbm>> -> memref<1024xf32, #tpu.memory_space<hbm>>
    tpu.wait_dma2 semaphore(%arg42 : memref<!tpu.dma_semaphore, #tpu.memory_space<semaphore_mem>>) src(%arg34 : memref<1024xf32, #tpu.memory_space<vmem>>) dst(%dma_wait3A_337 : memref<1024xf32, #tpu.memory_space<hbm>>)
    %dma_start3A_338 = arith.constant 0 : i32
    %dma_start3A_339 = tpu.memref_slice %arg13[%dma_start3A_338] : memref<100000xf32, #tpu.memory_space<vmem_shared>> -> memref<100000xf32, #tpu.memory_space<vmem_shared>>
    tpu.enqueue_indirect_dma source(%dma_start3A_339 : memref<100000xf32, #tpu.memory_space<vmem_shared>>) target(%arg31 : memref<1024xf32, #tpu.memory_space<vmem>>) offsets(%arg21 : memref<1024xi32, #tpu.memory_space<vmem>>) semaphore(%arg41 : memref<!tpu.dma_semaphore, #tpu.memory_space<semaphore_mem>>)
    %dma_start3A_340 = arith.constant 0 : i32
    %dma_start3A_341 = tpu.memref_slice %arg14[%dma_start3A_340] : memref<100000xf32, #tpu.memory_space<vmem_shared>> -> memref<100000xf32, #tpu.memory_space<vmem_shared>>
    tpu.enqueue_indirect_dma source(%dma_start3A_341 : memref<100000xf32, #tpu.memory_space<vmem_shared>>) target(%arg32 : memref<1024xf32, #tpu.memory_space<vmem>>) offsets(%arg21 : memref<1024xi32, #tpu.memory_space<vmem>>) semaphore(%arg41 : memref<!tpu.dma_semaphore, #tpu.memory_space<semaphore_mem>>)
    %dma_start3A_342 = arith.constant 0 : i32
    %dma_start3A_343 = tpu.memref_slice %arg15[%dma_start3A_342] : memref<100000xf32, #tpu.memory_space<vmem_shared>> -> memref<100000xf32, #tpu.memory_space<vmem_shared>>
    tpu.enqueue_indirect_dma source(%dma_start3A_343 : memref<100000xf32, #tpu.memory_space<vmem_shared>>) target(%arg33 : memref<1024xf32, #tpu.memory_space<vmem>>) offsets(%arg21 : memref<1024xi32, #tpu.memory_space<vmem>>) semaphore(%arg41 : memref<!tpu.dma_semaphore, #tpu.memory_space<semaphore_mem>>)
    %dma_start3A_344 = arith.constant 0 : i32
    %dma_start3A_345 = tpu.memref_slice %arg16[%dma_start3A_344] : memref<100000xf32, #tpu.memory_space<vmem_shared>> -> memref<100000xf32, #tpu.memory_space<vmem_shared>>
    tpu.enqueue_indirect_dma source(%dma_start3A_345 : memref<100000xf32, #tpu.memory_space<vmem_shared>>) target(%arg34 : memref<1024xf32, #tpu.memory_space<vmem>>) offsets(%arg21 : memref<1024xi32, #tpu.memory_space<vmem>>) semaphore(%arg41 : memref<!tpu.dma_semaphore, #tpu.memory_space<semaphore_mem>>)
    %dma_wait3A_346 = arith.constant 0 : i32
    %dma_wait3A_347 = tpu.memref_slice %arg13[%dma_wait3A_346] : memref<100000xf32, #tpu.memory_space<vmem_shared>> -> memref<100000xf32, #tpu.memory_space<vmem_shared>>
    tpu.wait_indirect_dma semaphore(%arg41 : memref<!tpu.dma_semaphore, #tpu.memory_space<semaphore_mem>>) src(%dma_wait3A_347 : memref<100000xf32, #tpu.memory_space<vmem_shared>>) dst(%arg31 : memref<1024xf32, #tpu.memory_space<vmem>>)
    %dma_wait3A_348 = arith.constant 0 : i32
    %dma_wait3A_349 = tpu.memref_slice %arg14[%dma_wait3A_348] : memref<100000xf32, #tpu.memory_space<vmem_shared>> -> memref<100000xf32, #tpu.memory_space<vmem_shared>>
    tpu.wait_indirect_dma semaphore(%arg41 : memref<!tpu.dma_semaphore, #tpu.memory_space<semaphore_mem>>) src(%dma_wait3A_349 : memref<100000xf32, #tpu.memory_space<vmem_shared>>) dst(%arg32 : memref<1024xf32, #tpu.memory_space<vmem>>)
    %dma_wait3A_350 = arith.constant 0 : i32
    %dma_wait3A_351 = tpu.memref_slice %arg15[%dma_wait3A_350] : memref<100000xf32, #tpu.memory_space<vmem_shared>> -> memref<100000xf32, #tpu.memory_space<vmem_shared>>
    tpu.wait_indirect_dma semaphore(%arg41 : memref<!tpu.dma_semaphore, #tpu.memory_space<semaphore_mem>>) src(%dma_wait3A_351 : memref<100000xf32, #tpu.memory_space<vmem_shared>>) dst(%arg33 : memref<1024xf32, #tpu.memory_space<vmem>>)
    %dma_wait3A_352 = arith.constant 0 : i32
    %dma_wait3A_353 = tpu.memref_slice %arg16[%dma_wait3A_352] : memref<100000xf32, #tpu.memory_space<vmem_shared>> -> memref<100000xf32, #tpu.memory_space<vmem_shared>>
    tpu.wait_indirect_dma semaphore(%arg41 : memref<!tpu.dma_semaphore, #tpu.memory_space<semaphore_mem>>) src(%dma_wait3A_353 : memref<100000xf32, #tpu.memory_space<vmem_shared>>) dst(%arg34 : memref<1024xf32, #tpu.memory_space<vmem>>)
    %add3A_354 = arith.constant 200 : i32
    %add3A_355 = arith.addi %mul3A_0, %add3A_354 : i32
    %add3A_356 = arith.constant 0 : i32
    %add3A_357 = arith.addi %add3A_355, %add3A_356 : i32
    %dma_start3A_358 = tpu.memref_slice %arg4[%add3A_357, %mul3A_4] : memref<416x16384xf32, #tpu.memory_space<hbm>> -> memref<1x1024xf32, #tpu.memory_space<hbm>>
    %dma_start3A_359 = tpu.memref_squeeze %dma_start3A_358 : memref<1x1024xf32, #tpu.memory_space<hbm>> -> memref<1024xf32, #tpu.memory_space<hbm>>
    %dma_start3A_360 = tpu.memref_slice %arg4[%add3A_357, %mul3A_4] : memref<416x16384xf32, #tpu.memory_space<hbm>> -> memref<1x1024xf32, #tpu.memory_space<hbm>>
    %dma_start3A_361 = tpu.memref_squeeze %dma_start3A_360 : memref<1x1024xf32, #tpu.memory_space<hbm>> -> memref<1024xf32, #tpu.memory_space<hbm>>
    tpu.enqueue_dma source(%arg31 : memref<1024xf32, #tpu.memory_space<vmem>>) target(%dma_start3A_361 : memref<1024xf32, #tpu.memory_space<hbm>>) target_semaphore(%arg42 : memref<!tpu.dma_semaphore, #tpu.memory_space<semaphore_mem>>)
    %add3A_362 = arith.constant 200 : i32
    %add3A_363 = arith.addi %mul3A_0, %add3A_362 : i32
    %add3A_364 = arith.constant 1 : i32
    %add3A_365 = arith.addi %add3A_363, %add3A_364 : i32
    %dma_start3A_366 = tpu.memref_slice %arg4[%add3A_365, %mul3A_4] : memref<416x16384xf32, #tpu.memory_space<hbm>> -> memref<1x1024xf32, #tpu.memory_space<hbm>>
    %dma_start3A_367 = tpu.memref_squeeze %dma_start3A_366 : memref<1x1024xf32, #tpu.memory_space<hbm>> -> memref<1024xf32, #tpu.memory_space<hbm>>
    %dma_start3A_368 = tpu.memref_slice %arg4[%add3A_365, %mul3A_4] : memref<416x16384xf32, #tpu.memory_space<hbm>> -> memref<1x1024xf32, #tpu.memory_space<hbm>>
    %dma_start3A_369 = tpu.memref_squeeze %dma_start3A_368 : memref<1x1024xf32, #tpu.memory_space<hbm>> -> memref<1024xf32, #tpu.memory_space<hbm>>
    tpu.enqueue_dma source(%arg32 : memref<1024xf32, #tpu.memory_space<vmem>>) target(%dma_start3A_369 : memref<1024xf32, #tpu.memory_space<hbm>>) target_semaphore(%arg42 : memref<!tpu.dma_semaphore, #tpu.memory_space<semaphore_mem>>)
    %add3A_370 = arith.constant 200 : i32
    %add3A_371 = arith.addi %mul3A_0, %add3A_370 : i32
    %add3A_372 = arith.constant 2 : i32
    %add3A_373 = arith.addi %add3A_371, %add3A_372 : i32
    %dma_start3A_374 = tpu.memref_slice %arg4[%add3A_373, %mul3A_4] : memref<416x16384xf32, #tpu.memory_space<hbm>> -> memref<1x1024xf32, #tpu.memory_space<hbm>>
    %dma_start3A_375 = tpu.memref_squeeze %dma_start3A_374 : memref<1x1024xf32, #tpu.memory_space<hbm>> -> memref<1024xf32, #tpu.memory_space<hbm>>
    %dma_start3A_376 = tpu.memref_slice %arg4[%add3A_373, %mul3A_4] : memref<416x16384xf32, #tpu.memory_space<hbm>> -> memref<1x1024xf32, #tpu.memory_space<hbm>>
    %dma_start3A_377 = tpu.memref_squeeze %dma_start3A_376 : memref<1x1024xf32, #tpu.memory_space<hbm>> -> memref<1024xf32, #tpu.memory_space<hbm>>
    tpu.enqueue_dma source(%arg33 : memref<1024xf32, #tpu.memory_space<vmem>>) target(%dma_start3A_377 : memref<1024xf32, #tpu.memory_space<hbm>>) target_semaphore(%arg42 : memref<!tpu.dma_semaphore, #tpu.memory_space<semaphore_mem>>)
    %add3A_378 = arith.constant 200 : i32
    %add3A_379 = arith.addi %mul3A_0, %add3A_378 : i32
    %add3A_380 = arith.constant 3 : i32
    %add3A_381 = arith.addi %add3A_379, %add3A_380 : i32
    %dma_start3A_382 = tpu.memref_slice %arg4[%add3A_381, %mul3A_4] : memref<416x16384xf32, #tpu.memory_space<hbm>> -> memref<1x1024xf32, #tpu.memory_space<hbm>>
    %dma_start3A_383 = tpu.memref_squeeze %dma_start3A_382 : memref<1x1024xf32, #tpu.memory_space<hbm>> -> memref<1024xf32, #tpu.memory_space<hbm>>
    %dma_start3A_384 = tpu.memref_slice %arg4[%add3A_381, %mul3A_4] : memref<416x16384xf32, #tpu.memory_space<hbm>> -> memref<1x1024xf32, #tpu.memory_space<hbm>>
    %dma_start3A_385 = tpu.memref_squeeze %dma_start3A_384 : memref<1x1024xf32, #tpu.memory_space<hbm>> -> memref<1024xf32, #tpu.memory_space<hbm>>
    tpu.enqueue_dma source(%arg34 : memref<1024xf32, #tpu.memory_space<vmem>>) target(%dma_start3A_385 : memref<1024xf32, #tpu.memory_space<hbm>>) target_semaphore(%arg42 : memref<!tpu.dma_semaphore, #tpu.memory_space<semaphore_mem>>)
    %eq3A_386 = arith.constant 12 : i32
    %eq3A_387 = arith.cmpi eq, %arg1, %eq3A_386 : i32
    %convert_element_type3A_388 = arith.extui %eq3A_387 : i1 to i32
    %cond3A_389 = arith.constant 0 : i32
    %cond3A_390 = arith.cmpi ne, %convert_element_type3A_388, %cond3A_389 : i32
    scf.if %cond3A_390 {
      %add3A_552 = arith.constant 200 : i32
      %add3A_553 = arith.addi %mul3A_0, %add3A_552 : i32
      %add3A_554 = arith.constant 4 : i32
      %add3A_555 = arith.addi %add3A_553, %add3A_554 : i32
      %add3A_556 = arith.constant 0 : i32
      %add3A_557 = arith.addi %add3A_555, %add3A_556 : i32
      %shift_right_arithmetic3A = arith.constant 4 : i32
      %shift_right_arithmetic3A_558 = arith.shrsi %add3A_557, %shift_right_arithmetic3A : i32
      %and3A = arith.constant 15 : i32
      %and3A_559 = arith.andi %add3A_557, %and3A : i32
      %dma_wait3A_560 = arith.constant 0 : i32
      %dma_wait3A_561 = tpu.memref_slice %arg2[%shift_right_arithmetic3A_558, %and3A_559, %dma_wait3A_560] : memref<26x16x100000xf32, #tpu.memory_space<hbm>> -> memref<1x1x100000xf32, #tpu.memory_space<hbm>>
      %dma_wait3A_562 = tpu.memref_squeeze %dma_wait3A_561 : memref<1x1x100000xf32, #tpu.memory_space<hbm>> -> memref<100000xf32, #tpu.memory_space<hbm>>
      tpu.wait_dma2 semaphore(%arg39 : memref<!tpu.dma_semaphore, #tpu.memory_space<semaphore_mem>>) src(%dma_wait3A_562 : memref<100000xf32, #tpu.memory_space<hbm>>) dst(%arg17 : memref<100000xf32, #tpu.memory_space<vmem_shared>>)
    } else {
    }
    %eq3A_391 = arith.constant 13 : i32
    %eq3A_392 = arith.cmpi eq, %arg1, %eq3A_391 : i32
    %convert_element_type3A_393 = arith.extui %eq3A_392 : i1 to i32
    %cond3A_394 = arith.constant 0 : i32
    %cond3A_395 = arith.cmpi ne, %convert_element_type3A_393, %cond3A_394 : i32
    scf.if %cond3A_395 {
      %add3A_552 = arith.constant 200 : i32
      %add3A_553 = arith.addi %mul3A_0, %add3A_552 : i32
      %add3A_554 = arith.constant 4 : i32
      %add3A_555 = arith.addi %add3A_553, %add3A_554 : i32
      %add3A_556 = arith.constant 1 : i32
      %add3A_557 = arith.addi %add3A_555, %add3A_556 : i32
      %shift_right_arithmetic3A = arith.constant 4 : i32
      %shift_right_arithmetic3A_558 = arith.shrsi %add3A_557, %shift_right_arithmetic3A : i32
      %and3A = arith.constant 15 : i32
      %and3A_559 = arith.andi %add3A_557, %and3A : i32
      %dma_wait3A_560 = arith.constant 0 : i32
      %dma_wait3A_561 = tpu.memref_slice %arg2[%shift_right_arithmetic3A_558, %and3A_559, %dma_wait3A_560] : memref<26x16x100000xf32, #tpu.memory_space<hbm>> -> memref<1x1x100000xf32, #tpu.memory_space<hbm>>
      %dma_wait3A_562 = tpu.memref_squeeze %dma_wait3A_561 : memref<1x1x100000xf32, #tpu.memory_space<hbm>> -> memref<100000xf32, #tpu.memory_space<hbm>>
      tpu.wait_dma2 semaphore(%arg39 : memref<!tpu.dma_semaphore, #tpu.memory_space<semaphore_mem>>) src(%dma_wait3A_562 : memref<100000xf32, #tpu.memory_space<hbm>>) dst(%arg18 : memref<100000xf32, #tpu.memory_space<vmem_shared>>)
    } else {
    }
    %eq3A_396 = arith.constant 14 : i32
    %eq3A_397 = arith.cmpi eq, %arg1, %eq3A_396 : i32
    %convert_element_type3A_398 = arith.extui %eq3A_397 : i1 to i32
    %cond3A_399 = arith.constant 0 : i32
    %cond3A_400 = arith.cmpi ne, %convert_element_type3A_398, %cond3A_399 : i32
    scf.if %cond3A_400 {
      %add3A_552 = arith.constant 200 : i32
      %add3A_553 = arith.addi %mul3A_0, %add3A_552 : i32
      %add3A_554 = arith.constant 4 : i32
      %add3A_555 = arith.addi %add3A_553, %add3A_554 : i32
      %add3A_556 = arith.constant 2 : i32
      %add3A_557 = arith.addi %add3A_555, %add3A_556 : i32
      %shift_right_arithmetic3A = arith.constant 4 : i32
      %shift_right_arithmetic3A_558 = arith.shrsi %add3A_557, %shift_right_arithmetic3A : i32
      %and3A = arith.constant 15 : i32
      %and3A_559 = arith.andi %add3A_557, %and3A : i32
      %dma_wait3A_560 = arith.constant 0 : i32
      %dma_wait3A_561 = tpu.memref_slice %arg2[%shift_right_arithmetic3A_558, %and3A_559, %dma_wait3A_560] : memref<26x16x100000xf32, #tpu.memory_space<hbm>> -> memref<1x1x100000xf32, #tpu.memory_space<hbm>>
      %dma_wait3A_562 = tpu.memref_squeeze %dma_wait3A_561 : memref<1x1x100000xf32, #tpu.memory_space<hbm>> -> memref<100000xf32, #tpu.memory_space<hbm>>
      tpu.wait_dma2 semaphore(%arg39 : memref<!tpu.dma_semaphore, #tpu.memory_space<semaphore_mem>>) src(%dma_wait3A_562 : memref<100000xf32, #tpu.memory_space<hbm>>) dst(%arg19 : memref<100000xf32, #tpu.memory_space<vmem_shared>>)
    } else {
    }
    %eq3A_401 = arith.constant 15 : i32
    %eq3A_402 = arith.cmpi eq, %arg1, %eq3A_401 : i32
    %convert_element_type3A_403 = arith.extui %eq3A_402 : i1 to i32
    %cond3A_404 = arith.constant 0 : i32
    %cond3A_405 = arith.cmpi ne, %convert_element_type3A_403, %cond3A_404 : i32
    scf.if %cond3A_405 {
      %add3A_552 = arith.constant 200 : i32
      %add3A_553 = arith.addi %mul3A_0, %add3A_552 : i32
      %add3A_554 = arith.constant 4 : i32
      %add3A_555 = arith.addi %add3A_553, %add3A_554 : i32
      %add3A_556 = arith.constant 3 : i32
      %add3A_557 = arith.addi %add3A_555, %add3A_556 : i32
      %shift_right_arithmetic3A = arith.constant 4 : i32
      %shift_right_arithmetic3A_558 = arith.shrsi %add3A_557, %shift_right_arithmetic3A : i32
      %and3A = arith.constant 15 : i32
      %and3A_559 = arith.andi %add3A_557, %and3A : i32
      %dma_wait3A_560 = arith.constant 0 : i32
      %dma_wait3A_561 = tpu.memref_slice %arg2[%shift_right_arithmetic3A_558, %and3A_559, %dma_wait3A_560] : memref<26x16x100000xf32, #tpu.memory_space<hbm>> -> memref<1x1x100000xf32, #tpu.memory_space<hbm>>
      %dma_wait3A_562 = tpu.memref_squeeze %dma_wait3A_561 : memref<1x1x100000xf32, #tpu.memory_space<hbm>> -> memref<100000xf32, #tpu.memory_space<hbm>>
      tpu.wait_dma2 semaphore(%arg39 : memref<!tpu.dma_semaphore, #tpu.memory_space<semaphore_mem>>) src(%dma_wait3A_562 : memref<100000xf32, #tpu.memory_space<hbm>>) dst(%arg20 : memref<100000xf32, #tpu.memory_space<vmem_shared>>)
    } else {
    }
    %barrier3A_406 = arith.constant 0 : index
    tpu.barrier barrier_id(%barrier3A_406)
    %add3A_407 = arith.constant 204 : i32
    %add3A_408 = arith.addi %mul3A_0, %add3A_407 : i32
    %add3A_409 = arith.constant 0 : i32
    %add3A_410 = arith.addi %add3A_408, %add3A_409 : i32
    %dma_wait3A_411 = tpu.memref_slice %arg4[%add3A_410, %mul3A_4] : memref<416x16384xf32, #tpu.memory_space<hbm>> -> memref<1x1024xf32, #tpu.memory_space<hbm>>
    %dma_wait3A_412 = tpu.memref_squeeze %dma_wait3A_411 : memref<1x1024xf32, #tpu.memory_space<hbm>> -> memref<1024xf32, #tpu.memory_space<hbm>>
    %dma_wait3A_413 = tpu.memref_slice %arg4[%add3A_410, %mul3A_4] : memref<416x16384xf32, #tpu.memory_space<hbm>> -> memref<1x1024xf32, #tpu.memory_space<hbm>>
    %dma_wait3A_414 = tpu.memref_squeeze %dma_wait3A_413 : memref<1x1024xf32, #tpu.memory_space<hbm>> -> memref<1024xf32, #tpu.memory_space<hbm>>
    tpu.wait_dma2 semaphore(%arg42 : memref<!tpu.dma_semaphore, #tpu.memory_space<semaphore_mem>>) src(%arg35 : memref<1024xf32, #tpu.memory_space<vmem>>) dst(%dma_wait3A_414 : memref<1024xf32, #tpu.memory_space<hbm>>)
    %add3A_415 = arith.constant 204 : i32
    %add3A_416 = arith.addi %mul3A_0, %add3A_415 : i32
    %add3A_417 = arith.constant 1 : i32
    %add3A_418 = arith.addi %add3A_416, %add3A_417 : i32
    %dma_wait3A_419 = tpu.memref_slice %arg4[%add3A_418, %mul3A_4] : memref<416x16384xf32, #tpu.memory_space<hbm>> -> memref<1x1024xf32, #tpu.memory_space<hbm>>
    %dma_wait3A_420 = tpu.memref_squeeze %dma_wait3A_419 : memref<1x1024xf32, #tpu.memory_space<hbm>> -> memref<1024xf32, #tpu.memory_space<hbm>>
    %dma_wait3A_421 = tpu.memref_slice %arg4[%add3A_418, %mul3A_4] : memref<416x16384xf32, #tpu.memory_space<hbm>> -> memref<1x1024xf32, #tpu.memory_space<hbm>>
    %dma_wait3A_422 = tpu.memref_squeeze %dma_wait3A_421 : memref<1x1024xf32, #tpu.memory_space<hbm>> -> memref<1024xf32, #tpu.memory_space<hbm>>
    tpu.wait_dma2 semaphore(%arg42 : memref<!tpu.dma_semaphore, #tpu.memory_space<semaphore_mem>>) src(%arg36 : memref<1024xf32, #tpu.memory_space<vmem>>) dst(%dma_wait3A_422 : memref<1024xf32, #tpu.memory_space<hbm>>)
    %add3A_423 = arith.constant 204 : i32
    %add3A_424 = arith.addi %mul3A_0, %add3A_423 : i32
    %add3A_425 = arith.constant 2 : i32
    %add3A_426 = arith.addi %add3A_424, %add3A_425 : i32
    %dma_wait3A_427 = tpu.memref_slice %arg4[%add3A_426, %mul3A_4] : memref<416x16384xf32, #tpu.memory_space<hbm>> -> memref<1x1024xf32, #tpu.memory_space<hbm>>
    %dma_wait3A_428 = tpu.memref_squeeze %dma_wait3A_427 : memref<1x1024xf32, #tpu.memory_space<hbm>> -> memref<1024xf32, #tpu.memory_space<hbm>>
    %dma_wait3A_429 = tpu.memref_slice %arg4[%add3A_426, %mul3A_4] : memref<416x16384xf32, #tpu.memory_space<hbm>> -> memref<1x1024xf32, #tpu.memory_space<hbm>>
    %dma_wait3A_430 = tpu.memref_squeeze %dma_wait3A_429 : memref<1x1024xf32, #tpu.memory_space<hbm>> -> memref<1024xf32, #tpu.memory_space<hbm>>
    tpu.wait_dma2 semaphore(%arg42 : memref<!tpu.dma_semaphore, #tpu.memory_space<semaphore_mem>>) src(%arg37 : memref<1024xf32, #tpu.memory_space<vmem>>) dst(%dma_wait3A_430 : memref<1024xf32, #tpu.memory_space<hbm>>)
    %add3A_431 = arith.constant 204 : i32
    %add3A_432 = arith.addi %mul3A_0, %add3A_431 : i32
    %add3A_433 = arith.constant 3 : i32
    %add3A_434 = arith.addi %add3A_432, %add3A_433 : i32
    %dma_wait3A_435 = tpu.memref_slice %arg4[%add3A_434, %mul3A_4] : memref<416x16384xf32, #tpu.memory_space<hbm>> -> memref<1x1024xf32, #tpu.memory_space<hbm>>
    %dma_wait3A_436 = tpu.memref_squeeze %dma_wait3A_435 : memref<1x1024xf32, #tpu.memory_space<hbm>> -> memref<1024xf32, #tpu.memory_space<hbm>>
    %dma_wait3A_437 = tpu.memref_slice %arg4[%add3A_434, %mul3A_4] : memref<416x16384xf32, #tpu.memory_space<hbm>> -> memref<1x1024xf32, #tpu.memory_space<hbm>>
    %dma_wait3A_438 = tpu.memref_squeeze %dma_wait3A_437 : memref<1x1024xf32, #tpu.memory_space<hbm>> -> memref<1024xf32, #tpu.memory_space<hbm>>
    tpu.wait_dma2 semaphore(%arg42 : memref<!tpu.dma_semaphore, #tpu.memory_space<semaphore_mem>>) src(%arg38 : memref<1024xf32, #tpu.memory_space<vmem>>) dst(%dma_wait3A_438 : memref<1024xf32, #tpu.memory_space<hbm>>)
    %dma_start3A_439 = arith.constant 0 : i32
    %dma_start3A_440 = tpu.memref_slice %arg17[%dma_start3A_439] : memref<100000xf32, #tpu.memory_space<vmem_shared>> -> memref<100000xf32, #tpu.memory_space<vmem_shared>>
    tpu.enqueue_indirect_dma source(%dma_start3A_440 : memref<100000xf32, #tpu.memory_space<vmem_shared>>) target(%arg35 : memref<1024xf32, #tpu.memory_space<vmem>>) offsets(%arg21 : memref<1024xi32, #tpu.memory_space<vmem>>) semaphore(%arg41 : memref<!tpu.dma_semaphore, #tpu.memory_space<semaphore_mem>>)
    %dma_start3A_441 = arith.constant 0 : i32
    %dma_start3A_442 = tpu.memref_slice %arg18[%dma_start3A_441] : memref<100000xf32, #tpu.memory_space<vmem_shared>> -> memref<100000xf32, #tpu.memory_space<vmem_shared>>
    tpu.enqueue_indirect_dma source(%dma_start3A_442 : memref<100000xf32, #tpu.memory_space<vmem_shared>>) target(%arg36 : memref<1024xf32, #tpu.memory_space<vmem>>) offsets(%arg21 : memref<1024xi32, #tpu.memory_space<vmem>>) semaphore(%arg41 : memref<!tpu.dma_semaphore, #tpu.memory_space<semaphore_mem>>)
    %dma_start3A_443 = arith.constant 0 : i32
    %dma_start3A_444 = tpu.memref_slice %arg19[%dma_start3A_443] : memref<100000xf32, #tpu.memory_space<vmem_shared>> -> memref<100000xf32, #tpu.memory_space<vmem_shared>>
    tpu.enqueue_indirect_dma source(%dma_start3A_444 : memref<100000xf32, #tpu.memory_space<vmem_shared>>) target(%arg37 : memref<1024xf32, #tpu.memory_space<vmem>>) offsets(%arg21 : memref<1024xi32, #tpu.memory_space<vmem>>) semaphore(%arg41 : memref<!tpu.dma_semaphore, #tpu.memory_space<semaphore_mem>>)
    %dma_start3A_445 = arith.constant 0 : i32
    %dma_start3A_446 = tpu.memref_slice %arg20[%dma_start3A_445] : memref<100000xf32, #tpu.memory_space<vmem_shared>> -> memref<100000xf32, #tpu.memory_space<vmem_shared>>
    tpu.enqueue_indirect_dma source(%dma_start3A_446 : memref<100000xf32, #tpu.memory_space<vmem_shared>>) target(%arg38 : memref<1024xf32, #tpu.memory_space<vmem>>) offsets(%arg21 : memref<1024xi32, #tpu.memory_space<vmem>>) semaphore(%arg41 : memref<!tpu.dma_semaphore, #tpu.memory_space<semaphore_mem>>)
    %dma_wait3A_447 = arith.constant 0 : i32
    %dma_wait3A_448 = tpu.memref_slice %arg17[%dma_wait3A_447] : memref<100000xf32, #tpu.memory_space<vmem_shared>> -> memref<100000xf32, #tpu.memory_space<vmem_shared>>
    tpu.wait_indirect_dma semaphore(%arg41 : memref<!tpu.dma_semaphore, #tpu.memory_space<semaphore_mem>>) src(%dma_wait3A_448 : memref<100000xf32, #tpu.memory_space<vmem_shared>>) dst(%arg35 : memref<1024xf32, #tpu.memory_space<vmem>>)
    %dma_wait3A_449 = arith.constant 0 : i32
    %dma_wait3A_450 = tpu.memref_slice %arg18[%dma_wait3A_449] : memref<100000xf32, #tpu.memory_space<vmem_shared>> -> memref<100000xf32, #tpu.memory_space<vmem_shared>>
    tpu.wait_indirect_dma semaphore(%arg41 : memref<!tpu.dma_semaphore, #tpu.memory_space<semaphore_mem>>) src(%dma_wait3A_450 : memref<100000xf32, #tpu.memory_space<vmem_shared>>) dst(%arg36 : memref<1024xf32, #tpu.memory_space<vmem>>)
    %dma_wait3A_451 = arith.constant 0 : i32
    %dma_wait3A_452 = tpu.memref_slice %arg19[%dma_wait3A_451] : memref<100000xf32, #tpu.memory_space<vmem_shared>> -> memref<100000xf32, #tpu.memory_space<vmem_shared>>
    tpu.wait_indirect_dma semaphore(%arg41 : memref<!tpu.dma_semaphore, #tpu.memory_space<semaphore_mem>>) src(%dma_wait3A_452 : memref<100000xf32, #tpu.memory_space<vmem_shared>>) dst(%arg37 : memref<1024xf32, #tpu.memory_space<vmem>>)
    %dma_wait3A_453 = arith.constant 0 : i32
    %dma_wait3A_454 = tpu.memref_slice %arg20[%dma_wait3A_453] : memref<100000xf32, #tpu.memory_space<vmem_shared>> -> memref<100000xf32, #tpu.memory_space<vmem_shared>>
    tpu.wait_indirect_dma semaphore(%arg41 : memref<!tpu.dma_semaphore, #tpu.memory_space<semaphore_mem>>) src(%dma_wait3A_454 : memref<100000xf32, #tpu.memory_space<vmem_shared>>) dst(%arg38 : memref<1024xf32, #tpu.memory_space<vmem>>)
    %add3A_455 = arith.constant 204 : i32
    %add3A_456 = arith.addi %mul3A_0, %add3A_455 : i32
    %add3A_457 = arith.constant 0 : i32
    %add3A_458 = arith.addi %add3A_456, %add3A_457 : i32
    %dma_start3A_459 = tpu.memref_slice %arg4[%add3A_458, %mul3A_4] : memref<416x16384xf32, #tpu.memory_space<hbm>> -> memref<1x1024xf32, #tpu.memory_space<hbm>>
    %dma_start3A_460 = tpu.memref_squeeze %dma_start3A_459 : memref<1x1024xf32, #tpu.memory_space<hbm>> -> memref<1024xf32, #tpu.memory_space<hbm>>
    %dma_start3A_461 = tpu.memref_slice %arg4[%add3A_458, %mul3A_4] : memref<416x16384xf32, #tpu.memory_space<hbm>> -> memref<1x1024xf32, #tpu.memory_space<hbm>>
    %dma_start3A_462 = tpu.memref_squeeze %dma_start3A_461 : memref<1x1024xf32, #tpu.memory_space<hbm>> -> memref<1024xf32, #tpu.memory_space<hbm>>
    tpu.enqueue_dma source(%arg35 : memref<1024xf32, #tpu.memory_space<vmem>>) target(%dma_start3A_462 : memref<1024xf32, #tpu.memory_space<hbm>>) target_semaphore(%arg42 : memref<!tpu.dma_semaphore, #tpu.memory_space<semaphore_mem>>)
    %add3A_463 = arith.constant 204 : i32
    %add3A_464 = arith.addi %mul3A_0, %add3A_463 : i32
    %add3A_465 = arith.constant 1 : i32
    %add3A_466 = arith.addi %add3A_464, %add3A_465 : i32
    %dma_start3A_467 = tpu.memref_slice %arg4[%add3A_466, %mul3A_4] : memref<416x16384xf32, #tpu.memory_space<hbm>> -> memref<1x1024xf32, #tpu.memory_space<hbm>>
    %dma_start3A_468 = tpu.memref_squeeze %dma_start3A_467 : memref<1x1024xf32, #tpu.memory_space<hbm>> -> memref<1024xf32, #tpu.memory_space<hbm>>
    %dma_start3A_469 = tpu.memref_slice %arg4[%add3A_466, %mul3A_4] : memref<416x16384xf32, #tpu.memory_space<hbm>> -> memref<1x1024xf32, #tpu.memory_space<hbm>>
    %dma_start3A_470 = tpu.memref_squeeze %dma_start3A_469 : memref<1x1024xf32, #tpu.memory_space<hbm>> -> memref<1024xf32, #tpu.memory_space<hbm>>
    tpu.enqueue_dma source(%arg36 : memref<1024xf32, #tpu.memory_space<vmem>>) target(%dma_start3A_470 : memref<1024xf32, #tpu.memory_space<hbm>>) target_semaphore(%arg42 : memref<!tpu.dma_semaphore, #tpu.memory_space<semaphore_mem>>)
    %add3A_471 = arith.constant 204 : i32
    %add3A_472 = arith.addi %mul3A_0, %add3A_471 : i32
    %add3A_473 = arith.constant 2 : i32
    %add3A_474 = arith.addi %add3A_472, %add3A_473 : i32
    %dma_start3A_475 = tpu.memref_slice %arg4[%add3A_474, %mul3A_4] : memref<416x16384xf32, #tpu.memory_space<hbm>> -> memref<1x1024xf32, #tpu.memory_space<hbm>>
    %dma_start3A_476 = tpu.memref_squeeze %dma_start3A_475 : memref<1x1024xf32, #tpu.memory_space<hbm>> -> memref<1024xf32, #tpu.memory_space<hbm>>
    %dma_start3A_477 = tpu.memref_slice %arg4[%add3A_474, %mul3A_4] : memref<416x16384xf32, #tpu.memory_space<hbm>> -> memref<1x1024xf32, #tpu.memory_space<hbm>>
    %dma_start3A_478 = tpu.memref_squeeze %dma_start3A_477 : memref<1x1024xf32, #tpu.memory_space<hbm>> -> memref<1024xf32, #tpu.memory_space<hbm>>
    tpu.enqueue_dma source(%arg37 : memref<1024xf32, #tpu.memory_space<vmem>>) target(%dma_start3A_478 : memref<1024xf32, #tpu.memory_space<hbm>>) target_semaphore(%arg42 : memref<!tpu.dma_semaphore, #tpu.memory_space<semaphore_mem>>)
    %add3A_479 = arith.constant 204 : i32
    %add3A_480 = arith.addi %mul3A_0, %add3A_479 : i32
    %add3A_481 = arith.constant 3 : i32
    %add3A_482 = arith.addi %add3A_480, %add3A_481 : i32
    %dma_start3A_483 = tpu.memref_slice %arg4[%add3A_482, %mul3A_4] : memref<416x16384xf32, #tpu.memory_space<hbm>> -> memref<1x1024xf32, #tpu.memory_space<hbm>>
    %dma_start3A_484 = tpu.memref_squeeze %dma_start3A_483 : memref<1x1024xf32, #tpu.memory_space<hbm>> -> memref<1024xf32, #tpu.memory_space<hbm>>
    %dma_start3A_485 = tpu.memref_slice %arg4[%add3A_482, %mul3A_4] : memref<416x16384xf32, #tpu.memory_space<hbm>> -> memref<1x1024xf32, #tpu.memory_space<hbm>>
    %dma_start3A_486 = tpu.memref_squeeze %dma_start3A_485 : memref<1x1024xf32, #tpu.memory_space<hbm>> -> memref<1024xf32, #tpu.memory_space<hbm>>
    tpu.enqueue_dma source(%arg38 : memref<1024xf32, #tpu.memory_space<vmem>>) target(%dma_start3A_486 : memref<1024xf32, #tpu.memory_space<hbm>>) target_semaphore(%arg42 : memref<!tpu.dma_semaphore, #tpu.memory_space<semaphore_mem>>)
    %barrier3A_487 = arith.constant 0 : index
    tpu.barrier barrier_id(%barrier3A_487)
    %dma_wait3A_488 = tpu.memref_slice %arg4[%mul3A_0, %mul3A_4] : memref<416x16384xf32, #tpu.memory_space<hbm>> -> memref<1x1024xf32, #tpu.memory_space<hbm>>
    %dma_wait3A_489 = tpu.memref_squeeze %dma_wait3A_488 : memref<1x1024xf32, #tpu.memory_space<hbm>> -> memref<1024xf32, #tpu.memory_space<hbm>>
    %dma_wait3A_490 = tpu.memref_slice %arg4[%mul3A_0, %mul3A_4] : memref<416x16384xf32, #tpu.memory_space<hbm>> -> memref<1x1024xf32, #tpu.memory_space<hbm>>
    %dma_wait3A_491 = tpu.memref_squeeze %dma_wait3A_490 : memref<1x1024xf32, #tpu.memory_space<hbm>> -> memref<1024xf32, #tpu.memory_space<hbm>>
    tpu.wait_dma2 semaphore(%arg42 : memref<!tpu.dma_semaphore, #tpu.memory_space<semaphore_mem>>) src(%arg23 : memref<1024xf32, #tpu.memory_space<vmem>>) dst(%dma_wait3A_491 : memref<1024xf32, #tpu.memory_space<hbm>>)
    %dma_wait3A_492 = tpu.memref_slice %arg4[%mul3A_0, %mul3A_4] : memref<416x16384xf32, #tpu.memory_space<hbm>> -> memref<1x1024xf32, #tpu.memory_space<hbm>>
    %dma_wait3A_493 = tpu.memref_squeeze %dma_wait3A_492 : memref<1x1024xf32, #tpu.memory_space<hbm>> -> memref<1024xf32, #tpu.memory_space<hbm>>
    %dma_wait3A_494 = tpu.memref_slice %arg4[%mul3A_0, %mul3A_4] : memref<416x16384xf32, #tpu.memory_space<hbm>> -> memref<1x1024xf32, #tpu.memory_space<hbm>>
    %dma_wait3A_495 = tpu.memref_squeeze %dma_wait3A_494 : memref<1x1024xf32, #tpu.memory_space<hbm>> -> memref<1024xf32, #tpu.memory_space<hbm>>
    tpu.wait_dma2 semaphore(%arg42 : memref<!tpu.dma_semaphore, #tpu.memory_space<semaphore_mem>>) src(%arg24 : memref<1024xf32, #tpu.memory_space<vmem>>) dst(%dma_wait3A_495 : memref<1024xf32, #tpu.memory_space<hbm>>)
    %dma_wait3A_496 = tpu.memref_slice %arg4[%mul3A_0, %mul3A_4] : memref<416x16384xf32, #tpu.memory_space<hbm>> -> memref<1x1024xf32, #tpu.memory_space<hbm>>
    %dma_wait3A_497 = tpu.memref_squeeze %dma_wait3A_496 : memref<1x1024xf32, #tpu.memory_space<hbm>> -> memref<1024xf32, #tpu.memory_space<hbm>>
    %dma_wait3A_498 = tpu.memref_slice %arg4[%mul3A_0, %mul3A_4] : memref<416x16384xf32, #tpu.memory_space<hbm>> -> memref<1x1024xf32, #tpu.memory_space<hbm>>
    %dma_wait3A_499 = tpu.memref_squeeze %dma_wait3A_498 : memref<1x1024xf32, #tpu.memory_space<hbm>> -> memref<1024xf32, #tpu.memory_space<hbm>>
    tpu.wait_dma2 semaphore(%arg42 : memref<!tpu.dma_semaphore, #tpu.memory_space<semaphore_mem>>) src(%arg25 : memref<1024xf32, #tpu.memory_space<vmem>>) dst(%dma_wait3A_499 : memref<1024xf32, #tpu.memory_space<hbm>>)
    %dma_wait3A_500 = tpu.memref_slice %arg4[%mul3A_0, %mul3A_4] : memref<416x16384xf32, #tpu.memory_space<hbm>> -> memref<1x1024xf32, #tpu.memory_space<hbm>>
    %dma_wait3A_501 = tpu.memref_squeeze %dma_wait3A_500 : memref<1x1024xf32, #tpu.memory_space<hbm>> -> memref<1024xf32, #tpu.memory_space<hbm>>
    %dma_wait3A_502 = tpu.memref_slice %arg4[%mul3A_0, %mul3A_4] : memref<416x16384xf32, #tpu.memory_space<hbm>> -> memref<1x1024xf32, #tpu.memory_space<hbm>>
    %dma_wait3A_503 = tpu.memref_squeeze %dma_wait3A_502 : memref<1x1024xf32, #tpu.memory_space<hbm>> -> memref<1024xf32, #tpu.memory_space<hbm>>
    tpu.wait_dma2 semaphore(%arg42 : memref<!tpu.dma_semaphore, #tpu.memory_space<semaphore_mem>>) src(%arg26 : memref<1024xf32, #tpu.memory_space<vmem>>) dst(%dma_wait3A_503 : memref<1024xf32, #tpu.memory_space<hbm>>)
    %dma_wait3A_504 = tpu.memref_slice %arg4[%mul3A_0, %mul3A_4] : memref<416x16384xf32, #tpu.memory_space<hbm>> -> memref<1x1024xf32, #tpu.memory_space<hbm>>
    %dma_wait3A_505 = tpu.memref_squeeze %dma_wait3A_504 : memref<1x1024xf32, #tpu.memory_space<hbm>> -> memref<1024xf32, #tpu.memory_space<hbm>>
    %dma_wait3A_506 = tpu.memref_slice %arg4[%mul3A_0, %mul3A_4] : memref<416x16384xf32, #tpu.memory_space<hbm>> -> memref<1x1024xf32, #tpu.memory_space<hbm>>
    %dma_wait3A_507 = tpu.memref_squeeze %dma_wait3A_506 : memref<1x1024xf32, #tpu.memory_space<hbm>> -> memref<1024xf32, #tpu.memory_space<hbm>>
    tpu.wait_dma2 semaphore(%arg42 : memref<!tpu.dma_semaphore, #tpu.memory_space<semaphore_mem>>) src(%arg27 : memref<1024xf32, #tpu.memory_space<vmem>>) dst(%dma_wait3A_507 : memref<1024xf32, #tpu.memory_space<hbm>>)
    %dma_wait3A_508 = tpu.memref_slice %arg4[%mul3A_0, %mul3A_4] : memref<416x16384xf32, #tpu.memory_space<hbm>> -> memref<1x1024xf32, #tpu.memory_space<hbm>>
    %dma_wait3A_509 = tpu.memref_squeeze %dma_wait3A_508 : memref<1x1024xf32, #tpu.memory_space<hbm>> -> memref<1024xf32, #tpu.memory_space<hbm>>
    %dma_wait3A_510 = tpu.memref_slice %arg4[%mul3A_0, %mul3A_4] : memref<416x16384xf32, #tpu.memory_space<hbm>> -> memref<1x1024xf32, #tpu.memory_space<hbm>>
    %dma_wait3A_511 = tpu.memref_squeeze %dma_wait3A_510 : memref<1x1024xf32, #tpu.memory_space<hbm>> -> memref<1024xf32, #tpu.memory_space<hbm>>
    tpu.wait_dma2 semaphore(%arg42 : memref<!tpu.dma_semaphore, #tpu.memory_space<semaphore_mem>>) src(%arg28 : memref<1024xf32, #tpu.memory_space<vmem>>) dst(%dma_wait3A_511 : memref<1024xf32, #tpu.memory_space<hbm>>)
    %dma_wait3A_512 = tpu.memref_slice %arg4[%mul3A_0, %mul3A_4] : memref<416x16384xf32, #tpu.memory_space<hbm>> -> memref<1x1024xf32, #tpu.memory_space<hbm>>
    %dma_wait3A_513 = tpu.memref_squeeze %dma_wait3A_512 : memref<1x1024xf32, #tpu.memory_space<hbm>> -> memref<1024xf32, #tpu.memory_space<hbm>>
    %dma_wait3A_514 = tpu.memref_slice %arg4[%mul3A_0, %mul3A_4] : memref<416x16384xf32, #tpu.memory_space<hbm>> -> memref<1x1024xf32, #tpu.memory_space<hbm>>
    %dma_wait3A_515 = tpu.memref_squeeze %dma_wait3A_514 : memref<1x1024xf32, #tpu.memory_space<hbm>> -> memref<1024xf32, #tpu.memory_space<hbm>>
    tpu.wait_dma2 semaphore(%arg42 : memref<!tpu.dma_semaphore, #tpu.memory_space<semaphore_mem>>) src(%arg29 : memref<1024xf32, #tpu.memory_space<vmem>>) dst(%dma_wait3A_515 : memref<1024xf32, #tpu.memory_space<hbm>>)
    %dma_wait3A_516 = tpu.memref_slice %arg4[%mul3A_0, %mul3A_4] : memref<416x16384xf32, #tpu.memory_space<hbm>> -> memref<1x1024xf32, #tpu.memory_space<hbm>>
    %dma_wait3A_517 = tpu.memref_squeeze %dma_wait3A_516 : memref<1x1024xf32, #tpu.memory_space<hbm>> -> memref<1024xf32, #tpu.memory_space<hbm>>
    %dma_wait3A_518 = tpu.memref_slice %arg4[%mul3A_0, %mul3A_4] : memref<416x16384xf32, #tpu.memory_space<hbm>> -> memref<1x1024xf32, #tpu.memory_space<hbm>>
    %dma_wait3A_519 = tpu.memref_squeeze %dma_wait3A_518 : memref<1x1024xf32, #tpu.memory_space<hbm>> -> memref<1024xf32, #tpu.memory_space<hbm>>
    tpu.wait_dma2 semaphore(%arg42 : memref<!tpu.dma_semaphore, #tpu.memory_space<semaphore_mem>>) src(%arg30 : memref<1024xf32, #tpu.memory_space<vmem>>) dst(%dma_wait3A_519 : memref<1024xf32, #tpu.memory_space<hbm>>)
    %dma_wait3A_520 = tpu.memref_slice %arg4[%mul3A_0, %mul3A_4] : memref<416x16384xf32, #tpu.memory_space<hbm>> -> memref<1x1024xf32, #tpu.memory_space<hbm>>
    %dma_wait3A_521 = tpu.memref_squeeze %dma_wait3A_520 : memref<1x1024xf32, #tpu.memory_space<hbm>> -> memref<1024xf32, #tpu.memory_space<hbm>>
    %dma_wait3A_522 = tpu.memref_slice %arg4[%mul3A_0, %mul3A_4] : memref<416x16384xf32, #tpu.memory_space<hbm>> -> memref<1x1024xf32, #tpu.memory_space<hbm>>
    %dma_wait3A_523 = tpu.memref_squeeze %dma_wait3A_522 : memref<1x1024xf32, #tpu.memory_space<hbm>> -> memref<1024xf32, #tpu.memory_space<hbm>>
    tpu.wait_dma2 semaphore(%arg42 : memref<!tpu.dma_semaphore, #tpu.memory_space<semaphore_mem>>) src(%arg31 : memref<1024xf32, #tpu.memory_space<vmem>>) dst(%dma_wait3A_523 : memref<1024xf32, #tpu.memory_space<hbm>>)
    %dma_wait3A_524 = tpu.memref_slice %arg4[%mul3A_0, %mul3A_4] : memref<416x16384xf32, #tpu.memory_space<hbm>> -> memref<1x1024xf32, #tpu.memory_space<hbm>>
    %dma_wait3A_525 = tpu.memref_squeeze %dma_wait3A_524 : memref<1x1024xf32, #tpu.memory_space<hbm>> -> memref<1024xf32, #tpu.memory_space<hbm>>
    %dma_wait3A_526 = tpu.memref_slice %arg4[%mul3A_0, %mul3A_4] : memref<416x16384xf32, #tpu.memory_space<hbm>> -> memref<1x1024xf32, #tpu.memory_space<hbm>>
    %dma_wait3A_527 = tpu.memref_squeeze %dma_wait3A_526 : memref<1x1024xf32, #tpu.memory_space<hbm>> -> memref<1024xf32, #tpu.memory_space<hbm>>
    tpu.wait_dma2 semaphore(%arg42 : memref<!tpu.dma_semaphore, #tpu.memory_space<semaphore_mem>>) src(%arg32 : memref<1024xf32, #tpu.memory_space<vmem>>) dst(%dma_wait3A_527 : memref<1024xf32, #tpu.memory_space<hbm>>)
    %dma_wait3A_528 = tpu.memref_slice %arg4[%mul3A_0, %mul3A_4] : memref<416x16384xf32, #tpu.memory_space<hbm>> -> memref<1x1024xf32, #tpu.memory_space<hbm>>
    %dma_wait3A_529 = tpu.memref_squeeze %dma_wait3A_528 : memref<1x1024xf32, #tpu.memory_space<hbm>> -> memref<1024xf32, #tpu.memory_space<hbm>>
    %dma_wait3A_530 = tpu.memref_slice %arg4[%mul3A_0, %mul3A_4] : memref<416x16384xf32, #tpu.memory_space<hbm>> -> memref<1x1024xf32, #tpu.memory_space<hbm>>
    %dma_wait3A_531 = tpu.memref_squeeze %dma_wait3A_530 : memref<1x1024xf32, #tpu.memory_space<hbm>> -> memref<1024xf32, #tpu.memory_space<hbm>>
    tpu.wait_dma2 semaphore(%arg42 : memref<!tpu.dma_semaphore, #tpu.memory_space<semaphore_mem>>) src(%arg33 : memref<1024xf32, #tpu.memory_space<vmem>>) dst(%dma_wait3A_531 : memref<1024xf32, #tpu.memory_space<hbm>>)
    %dma_wait3A_532 = tpu.memref_slice %arg4[%mul3A_0, %mul3A_4] : memref<416x16384xf32, #tpu.memory_space<hbm>> -> memref<1x1024xf32, #tpu.memory_space<hbm>>
    %dma_wait3A_533 = tpu.memref_squeeze %dma_wait3A_532 : memref<1x1024xf32, #tpu.memory_space<hbm>> -> memref<1024xf32, #tpu.memory_space<hbm>>
    %dma_wait3A_534 = tpu.memref_slice %arg4[%mul3A_0, %mul3A_4] : memref<416x16384xf32, #tpu.memory_space<hbm>> -> memref<1x1024xf32, #tpu.memory_space<hbm>>
    %dma_wait3A_535 = tpu.memref_squeeze %dma_wait3A_534 : memref<1x1024xf32, #tpu.memory_space<hbm>> -> memref<1024xf32, #tpu.memory_space<hbm>>
    tpu.wait_dma2 semaphore(%arg42 : memref<!tpu.dma_semaphore, #tpu.memory_space<semaphore_mem>>) src(%arg34 : memref<1024xf32, #tpu.memory_space<vmem>>) dst(%dma_wait3A_535 : memref<1024xf32, #tpu.memory_space<hbm>>)
    %dma_wait3A_536 = tpu.memref_slice %arg4[%mul3A_0, %mul3A_4] : memref<416x16384xf32, #tpu.memory_space<hbm>> -> memref<1x1024xf32, #tpu.memory_space<hbm>>
    %dma_wait3A_537 = tpu.memref_squeeze %dma_wait3A_536 : memref<1x1024xf32, #tpu.memory_space<hbm>> -> memref<1024xf32, #tpu.memory_space<hbm>>
    %dma_wait3A_538 = tpu.memref_slice %arg4[%mul3A_0, %mul3A_4] : memref<416x16384xf32, #tpu.memory_space<hbm>> -> memref<1x1024xf32, #tpu.memory_space<hbm>>
    %dma_wait3A_539 = tpu.memref_squeeze %dma_wait3A_538 : memref<1x1024xf32, #tpu.memory_space<hbm>> -> memref<1024xf32, #tpu.memory_space<hbm>>
    tpu.wait_dma2 semaphore(%arg42 : memref<!tpu.dma_semaphore, #tpu.memory_space<semaphore_mem>>) src(%arg35 : memref<1024xf32, #tpu.memory_space<vmem>>) dst(%dma_wait3A_539 : memref<1024xf32, #tpu.memory_space<hbm>>)
    %dma_wait3A_540 = tpu.memref_slice %arg4[%mul3A_0, %mul3A_4] : memref<416x16384xf32, #tpu.memory_space<hbm>> -> memref<1x1024xf32, #tpu.memory_space<hbm>>
    %dma_wait3A_541 = tpu.memref_squeeze %dma_wait3A_540 : memref<1x1024xf32, #tpu.memory_space<hbm>> -> memref<1024xf32, #tpu.memory_space<hbm>>
    %dma_wait3A_542 = tpu.memref_slice %arg4[%mul3A_0, %mul3A_4] : memref<416x16384xf32, #tpu.memory_space<hbm>> -> memref<1x1024xf32, #tpu.memory_space<hbm>>
    %dma_wait3A_543 = tpu.memref_squeeze %dma_wait3A_542 : memref<1x1024xf32, #tpu.memory_space<hbm>> -> memref<1024xf32, #tpu.memory_space<hbm>>
    tpu.wait_dma2 semaphore(%arg42 : memref<!tpu.dma_semaphore, #tpu.memory_space<semaphore_mem>>) src(%arg36 : memref<1024xf32, #tpu.memory_space<vmem>>) dst(%dma_wait3A_543 : memref<1024xf32, #tpu.memory_space<hbm>>)
    %dma_wait3A_544 = tpu.memref_slice %arg4[%mul3A_0, %mul3A_4] : memref<416x16384xf32, #tpu.memory_space<hbm>> -> memref<1x1024xf32, #tpu.memory_space<hbm>>
    %dma_wait3A_545 = tpu.memref_squeeze %dma_wait3A_544 : memref<1x1024xf32, #tpu.memory_space<hbm>> -> memref<1024xf32, #tpu.memory_space<hbm>>
    %dma_wait3A_546 = tpu.memref_slice %arg4[%mul3A_0, %mul3A_4] : memref<416x16384xf32, #tpu.memory_space<hbm>> -> memref<1x1024xf32, #tpu.memory_space<hbm>>
    %dma_wait3A_547 = tpu.memref_squeeze %dma_wait3A_546 : memref<1x1024xf32, #tpu.memory_space<hbm>> -> memref<1024xf32, #tpu.memory_space<hbm>>
    tpu.wait_dma2 semaphore(%arg42 : memref<!tpu.dma_semaphore, #tpu.memory_space<semaphore_mem>>) src(%arg37 : memref<1024xf32, #tpu.memory_space<vmem>>) dst(%dma_wait3A_547 : memref<1024xf32, #tpu.memory_space<hbm>>)
    %dma_wait3A_548 = tpu.memref_slice %arg4[%mul3A_0, %mul3A_4] : memref<416x16384xf32, #tpu.memory_space<hbm>> -> memref<1x1024xf32, #tpu.memory_space<hbm>>
    %dma_wait3A_549 = tpu.memref_squeeze %dma_wait3A_548 : memref<1x1024xf32, #tpu.memory_space<hbm>> -> memref<1024xf32, #tpu.memory_space<hbm>>
    %dma_wait3A_550 = tpu.memref_slice %arg4[%mul3A_0, %mul3A_4] : memref<416x16384xf32, #tpu.memory_space<hbm>> -> memref<1x1024xf32, #tpu.memory_space<hbm>>
    %dma_wait3A_551 = tpu.memref_squeeze %dma_wait3A_550 : memref<1x1024xf32, #tpu.memory_space<hbm>> -> memref<1024xf32, #tpu.memory_space<hbm>>
    tpu.wait_dma2 semaphore(%arg42 : memref<!tpu.dma_semaphore, #tpu.memory_space<semaphore_mem>>) src(%arg38 : memref<1024xf32, #tpu.memory_space<vmem>>) dst(%dma_wait3A_551 : memref<1024xf32, #tpu.memory_space<hbm>>)
    return
  }
}

</mosaic_0001>

<sc_bundles>
// kernel: kernel.3.cloned.1.call-start
scs
__scs_entry_jumppad:
0x0: {  	(pc) =	sbr.rel $0x88, $3  }
0x1: {  	(tag) =	ssettag $0x0;
	lr =	simm.s32 $0x1  }
0x2: {  	[smem:$0x3F9F] =	sst lr;
	_ =	strace $0xD0000000  }
0x3: {  	_ = 	snop  }
0x4: {  	_ = 	snop  }
0x5: {  	_ = 	snop  }
0x6: {  	_ = 	snop  }
0x7: {  	_ = 	snop  }
__scs_overlays_trampoline_lowered:
0x8: {  	[smem:$0x3FAE] =	sst s0  }
0x9: {  	[smem:$0x3FAF] =	sst s1  }
0xa: {  	[smem:$0x3FB0] =	sst s2  }
0xb: {  	[smem:$0x3FB1] =	sst s3  }
0xc: {  	[smem:$0x3FB2] =	sst s4  }
0xd: {  	[smem:$0x3FB3] =	sst s5  }
0xe: {  	[smem:$0x3FB4] =	sst s6  }
0xf: {  	[smem:$0x3FB5] =	sst s7  }
0x10: {  	[smem:$0x3FB6] =	sst s8  }
0x11: {  	[smem:$0x3FB7] =	sst s9;
	s0 =	simm.s32 @!p0 $0x0  }
0x12: {  	s1 =	sld [smem:$0x3F9D];
	s0 =	simm.s32 @p0 $0x1  }
0x13: {  	[smem:$0x3FB8] =	sst s0;
	s0 =	simm.s32 @!p1 $0x0  }
0x14: {  	s2 =	sld [smem:$0x3F9C];
	s0 =	simm.s32 @p1 $0x1  }
0x15: {  	[smem:$0x3FB9] =	sst s0;
	s0 =	simm.s32 @!p2 $0x0  }
0x16: {  	s3 =	sld [smem:$0x3FDB];
	s0 =	simm.s32 @p2 $0x1  }
0x17: {  	s4 =	simm.s32 $0x1BF5;
	[smem:$0x3FBB] =	sst s0  }
0x18: {  	s0 =	sld [smem:$0x3F9E];
	_ =	swait.ge [sflag:s4], $0x0  }
0x19: {  	s7 =	sld [smem:$0x3F9F]  }
0x1a: {  	s8 =	sadd.s32 $0xFFFFE003, lr  }
0x1b: {  	s9 =	sadd.s32 $0xFFFFFEF7, lr;
	s5 =	simm.s32 $0xFFFFFFFF;
	p2 =	slt.u32 s8, $0xFFFFF086  }
0x1c: {  	p1 =	slt.u32 s9, $0xF7A;
	s5 =	simm.s32 @!p2 $0x0  }
0x1d: {  	s5 =	simm.s32 @p1 $0x1;
	p0 =	seq.s32 s7, s2  }
0x1e: {  	s7 =	smul.u32 @!p0 $0xF7A, s2;
	p2 =	seq.s32 @!p0 s5, $0x0  }
0x1f: {  	s9 =	smul.u32 $0xF7A, s1;
	s8 =	simm.s32 @!p0 $0x1BF5;
	p2 =	por !p2, p0  }
0x20: {  	[sflag:s8] =	ssyncset.s32 @!p0 $0xFFFFF086;
	s6 =	sadd.s32 @!p0 s3, s7;
	s7 =	simm.s32 @!p0 $0x108  }
0x21: {  	s3 =	sadd.s32 s3, s9;
	s6 =	sadd.s32 @!p0 $0x88, s6;
	s7 =	simm.s32 @p2 $0x1082  }
0x22: {  	[simem:s7], [sflag:s8] =	dma.local @!p0 [hbm:s6], $0xF7A  }
0x23: {  	s9 =	sor.u32 $0xD0000000, s2;
	s6 =	simm.s32 $0x108;
	_ =	swait.ge @!p0 [sflag:s8], $0x0  }
0x24: {  	s3 =	sadd.s32 $0x88, s3;
	s6 =	simm.s32 @!p1 $0x1082;
	[sflag:s4] =	ssyncset.s32 $0xFFFFF086  }
0x25: {  	[simem:s6], [sflag:s4] =	dma.local [hbm:s3], $0xF7A  }
0x26: {  	[smem:$0x3F9F] =	sst s1;
	(tag) =	ssettag s2;
	_ =	strace s9  }
0x27: {  	s1 =	sld [smem:$0x3FAF]  }
0x28: {  	s2 =	sld [smem:$0x3FB0]  }
0x29: {  	s4 =	sld [smem:$0x3FB2]  }
0x2a: {  	p0 =	seq.s32 s5, $0x0;
	s5 =	sld [smem:$0x3FB3]  }
0x2b: {  	s6 =	sld [smem:$0x3FB4]  }
0x2c: {  	s7 =	sld [smem:$0x3FB5]  }
0x2d: {  	s3 =	simm.s32 $0x108;
	s8 =	sld [smem:$0x3FB6]  }
0x2e: {  	s3 =	simm.s32 @!p0 $0x1082;
	s9 =	sld [smem:$0x3FB7]  }
0x2f: {  	lr =	sadd.s32 s0, s3;
	s0 =	sld [smem:$0x3FAE]  }
0x30: {  	s3 =	sld [smem:$0x3FB1]  }
0x31: {  	[smem:$0x3FBA] =	sst s10  }
0x32: {  	s10 =	sld [smem:$0x3FB8];
	_ =	sdelay $0x3  }
0x33: {  	p0 =	seq.s32 s10, $0x1;
	s10 =	sld [smem:$0x3FBA];
	_ =	sdelay $0x3  }
0x34: {  	[smem:$0x3FBA] =	sst s10  }
0x35: {  	s10 =	sld [smem:$0x3FB9];
	_ =	sdelay $0x3  }
0x36: {  	p1 =	seq.s32 s10, $0x1;
	s10 =	sld [smem:$0x3FBA];
	_ =	sdelay $0x3  }
0x37: {  	[smem:$0x3FBA] =	sst s10  }
0x38: {  	s10 =	sld [smem:$0x3FBB]  }
0x39: {  	_ = 	snop;
	(pc) =	sbr.ind lr, $3  }
0x3a: {  	_ = 	snop  }
0x3b: {  	_ = 	snop  }
0x3c: {  	p2 =	seq.s32 s10, $0x1;
	s10 =	sld [smem:$0x3FBA]  }
0x3d: {  	_ =	shalt  }
0x3e: {  	_ =	shalt  }
0x3f: {  	_ =	shalt  }
0x40: {  	_ =	shalt  }
0x41: {  	_ =	shalt  }
0x42: {  	_ =	shalt  }
0x43: {  	_ =	shalt  }
0x44: {  	_ =	shalt  }
0x45: {  	_ =	shalt  }
0x46: {  	_ =	shalt  }
0x47: {  	_ =	shalt  }
0x48: {  	_ =	shalt  }
0x49: {  	_ =	shalt  }
0x4a: {  	_ =	shalt  }
0x4b: {  	_ =	shalt  }
0x4c: {  	_ =	shalt  }
0x4d: {  	_ =	shalt  }
0x4e: {  	_ =	shalt  }
0x4f: {  	_ =	shalt  }
0x50: {  	_ =	shalt  }
0x51: {  	_ =	shalt  }
0x52: {  	_ =	shalt  }
0x53: {  	_ =	shalt  }
0x54: {  	_ =	shalt  }
0x55: {  	_ =	shalt  }
0x56: {  	_ =	shalt  }
0x57: {  	_ =	shalt  }
0x58: {  	_ =	shalt  }
0x59: {  	_ =	shalt  }
0x5a: {  	_ =	shalt  }
0x5b: {  	_ =	shalt  }
0x5c: {  	_ =	shalt  }
0x5d: {  	_ =	shalt  }
0x5e: {  	_ =	shalt  }
0x5f: {  	_ =	shalt  }
0x60: {  	_ =	shalt  }
0x61: {  	_ =	shalt  }
0x62: {  	_ =	shalt  }
0x63: {  	_ =	shalt  }
0x64: {  	_ =	shalt  }
0x65: {  	_ =	shalt  }
0x66: {  	_ =	shalt  }
0x67: {  	_ =	shalt  }
0x68: {  	_ =	shalt  }
0x69: {  	_ =	shalt  }
0x6a: {  	_ =	shalt  }
0x6b: {  	_ =	shalt  }
0x6c: {  	_ =	shalt  }
0x6d: {  	_ =	shalt  }
0x6e: {  	_ =	shalt  }
0x6f: {  	_ =	shalt  }
0x70: {  	_ =	shalt  }
0x71: {  	_ =	shalt  }
0x72: {  	_ =	shalt  }
0x73: {  	_ =	shalt  }
0x74: {  	_ =	shalt  }
0x75: {  	_ =	shalt  }
0x76: {  	_ =	shalt  }
0x77: {  	_ =	shalt  }
0x78: {  	_ =	shalt  }
0x79: {  	_ =	shalt  }
0x7a: {  	_ =	shalt  }
0x7b: {  	_ =	shalt  }
0x7c: {  	_ =	shalt  }
0x7d: {  	_ =	shalt  }
0x7e: {  	_ =	shalt  }
0x7f: {  	_ =	shalt  }
0x80: {  	_ =	shalt  }
0x81: {  	_ =	shalt  }
0x82: {  	_ =	shalt  }
0x83: {  	_ =	shalt  }
0x84: {  	_ =	shalt  }
0x85: {  	_ =	shalt  }
0x86: {  	_ =	shalt  }
0x87: {  	_ =	shalt  }
.Lfunc_end0:
.L_simem_size_0:
called_computation_lowered:
.L_overlay_start_0:
0x88: {  	s2 =	sld [smem:$0x3FD9]  }
0x89: {  	s3 =	sld [smem:$0x3FFE];
	_ =	sdelay $0x1  }
0x8a: {  	s1 =	srdreg.scid  }
0x8b: {  	s0 =	sand.u32 $0x1, s1  }
0x8c: {  	s12 =	sshll.u32 s0, $0xA;
	s2 =	sadd.s32 s3, s2  }
0x8d: {  	s2 =	sadd.s32 s2, s12  }
0x8e: {  	[smem:$0x3FC6] =	sst s2  }
0x8f: {  	_ = 	snop  }
0x90: {  	s13 =	sld [smem:$0x3FC9]  }
0x91: {  	s5 =	sld [smem:$0x3FC8]  }
0x92: {  	s4 =	sld [smem:$0x3FD0];
	(tm) =	ssettm $0x1  }
0x93: {  	s14 =	sld [smem:$0x3FFB];
	_ =	sdelay $0x3  }
0x94: {  	_ =	strace s14  }
0x95: {  	s2 =	sld [smem:$0x3FFC];
	_ =	sdelay $0x3  }
0x96: {  	_ =	strace s2  }
0x97: {  	s2 =	sld [smem:$0x3FFD];
	_ =	sdelay $0x3  }
0x98: {  	_ =	strace s2  }
0x99: {  	_ =	strace $0x8FFFFFFF  }
0x9a: {  	s15 =	sld [smem:$0x3FDB];
	_ =	sdelay $0x1  }
0x9b: {  	s6 =	simm.s32 $_scs_section_size  }
0x9c: {  	s7 =	simm.s32 $_size__tile_task_arg_handler_lowered;
	s8 =	simm.s32 $_tile_task_arg_handler_lowered  }
0x9d: {  	s18 =	simm.s32 $0x1BFF;
	s17 =	sshll.u32 s8, $0x1;
	s6 =	sadd.s32 s6, s15  }
0x9e: {  	s9 =	simm.s32 $0x60;
	s16 =	sshll.u32 s7, $0x1;
	s7 =	sadd.s32 s17, s6  }
0x9f: {  	[timem:s9], [sflag:s18] =	dma.local [hbm:s7], s16  }
0xa0: {  	_ =	swait.ge [sflag:s18], s16  }
0xa1: {  	s19 =	simm.s32 $_tile_overlayer_lowered;
	s2 =	ssub.s32 $0x0, s16;
	[sflag:s18] =	ssyncset.done $0x0  }
0xa2: {  	s20 =	simm.s32 $_size__tile_overlayer_lowered;
	s7 =	sshll.u32 s19, $0x1;
	[sflag:s18] =	ssyncadd.s32 s2  }
0xa3: {  	s22 =	simm.s32 $0x0;
	s21 =	sshll.u32 s20, $0x1;
	s7 =	sadd.s32 s7, s6  }
0xa4: {  	[timem:s22], [sflag:s18] =	dma.local [hbm:s7], s21  }
0xa5: {  	_ =	swait.ge [sflag:s18], s21  }
0xa6: {  	s23 =	ssub.s32 $0x0, s21;
	[sflag:s18] =	ssyncset.done $0x0  }
0xa7: {  	[sflag:s18] =	ssyncadd.s32 s23;
	_ =	sdelay $0x1  }
0xa8: {  	s24 =	simm.s32 $0x1B8B  }
0xa9: {  	_ =	swait.ge [sflag:s24], $0x1  }
0xaa: {  	[sflag:s24] =	ssyncset.done $0x0  }
0xab: {  	s25 =	simm.s32 $0x1B8E;
	[sflag:s24] =	ssyncadd.s32 $0xFFFFFFFF  }
0xac: {  	s26 =	simm.s32 $execute0_lowered;
	[smem:$0x3FD2] =	sst s25  }
0xad: {  	s7 =	sshll.u32 s26, $0x1;
	_ =	strace $0x80000046;
	[dreg:$0x1] =	wrdreg $0xFFFFFFFF  }
0xae: {  	s28 =	simm.s32 $_size_execute0_lowered;
	s6 =	sadd.s32 s6, s7;
	[dreg:$0x0] =	wrdreg $0x0  }
0xaf: {  	s7 =	sshll.u32 s28, $0x1;
	[dreg:$0x2] =	wrdreg s6  }
0xb0: {  	[dreg:$0x3] =	wrdreg s7  }
0xb1: {  	[dreg:$0x4] =	wrdreg $0xC0  }
0xb2: {  	_ =	task [dreg:s22], $0x5FFFF  }
0xb3: {  	[dreg:$0x1] =	wrdreg $0xFFFFFFFF  }
0xb4: {  	[dreg:$0x0] =	wrdreg $0x30  }
0xb5: {  	[dreg:$0x2] =	wrdreg $0x0  }
0xb6: {  	[dreg:$0x3] =	wrdreg $0x10CD00  }
0xb7: {  	[dreg:$0x4] =	wrdreg $0x125400  }
0xb8: {  	[dreg:$0x5] =	wrdreg $0x13DB00  }
0xb9: {  	[dreg:$0x6] =	wrdreg $0x156200  }
0xba: {  	[dreg:$0x7] =	wrdreg $0x16E900  }
0xbb: {  	[dreg:$0x8] =	wrdreg $0x9  }
0xbc: {  	_ =	task [dreg:s22], $0x9FFFF  }
0xbd: {  	[dreg:$0x1] =	wrdreg $0xFFFFFFFF  }
0xbe: {  	[dreg:$0x0] =	wrdreg $0x60  }
0xbf: {  	[dreg:$0x2] =	wrdreg s5  }
0xc0: {  	[dreg:$0x3] =	wrdreg s13  }
0xc1: {  	[dreg:$0x4] =	wrdreg s4  }
0xc2: {  	[dreg:$0x5] =	wrdreg $0x0  }
0xc3: {  	[dreg:$0x6] =	wrdreg $0x18700  }
0xc4: {  	[dreg:$0x7] =	wrdreg $0x30E00  }
0xc5: {  	[dreg:$0x8] =	wrdreg $0x49500  }
0xc6: {  	[dreg:$0x9] =	wrdreg $0x61C00  }
0xc7: {  	[dreg:$0xa] =	wrdreg $0x7A300  }
0xc8: {  	[dreg:$0xb] =	wrdreg $0x92A00  }
0xc9: {  	[dreg:$0xc] =	wrdreg $0xAB100  }
0xca: {  	[dreg:$0xd] =	wrdreg $0xC3800  }
0xcb: {  	[dreg:$0xe] =	wrdreg $0xDBF00  }
0xcc: {  	[dreg:$0xf] =	wrdreg $0xF4600  }
0xcd: {  	_ =	task.clear_ibuf [dreg:s22], $0x10FFFF;
	_ =	strace $0x90000046  }
0xce: {  	s29 =	simm.s32 $0x9;
	_ =	strace $0x80000048  }
0xcf: {  	_ =	swait.ge [sflag:s29], $0x1  }
0xd0: {  	[sflag:s29] =	ssyncadd.s32 $0xFFFFFFFF  }
0xd1: {  	_ =	strace $0x90000048  }
0xd2: {  	_ =	sfence  }
0xd3: {  	s30 =	sld [smem:$0x0];
	_ =	sdelay $0x2  }
0xd4: {  	s31 =	sshll.u32 s1, $0xD;
	s1 =	sshrl.u32 s1, $0x2  }
0xd5: {  	s4 =	sand.u32 $0x4000, s31;
	s1 =	sadd.s32 s1, s30  }
0xd6: {  	s0 =	sor.u32 s4, s0;
	s1 =	sshll.u32 s1, $0x11  }
0xd7: {  	s0 =	sor.u32 s1, s0  }
0xd8: {  	s0 =	sadd.s32 $0x8F2B, s0  }
0xd9: {  	[sflag:s0] =	ssyncadd.remote.s32 $0x1  }
0xda: {  	_ =	sfence.sel $0xFFFF  }
0xdb: {  	[dreg:$0x0] =	wrdreg $0xFFFFFFFF;
	(pc) =	sbr.abs _section_cstart, $3  }
0xdc: {  	[dreg:$0x1] =	wrdreg $0xFFFFFFFF  }
0xdd: {  	_ =	task.clear_ibuf [dreg:s22], $0x2FFFF;
	_ =	strace $0x9FFFFFFF  }
0xde: {  	(tm) =	ssettm $0x7FFFFFFF  }
0xdf: {  	_ =	shalt  }
tec
_tile_task_arg_handler_lowered:
.L_overlay_start_1:
0x0: {  	(tag) =	ssettag $0x1  }
0x1: {  	s0 =	rddreg [dreg:$0x0]  }
0x2: {  	s1 =	rddreg [dreg:$0x1]  }
0x3: {  	s2 =	rddreg [dreg:$0x2]  }
0x4: {  	s3 =	rddreg [dreg:$0x3]  }
0x5: {  	s4 =	rddreg [dreg:$0x4]  }
0x6: {  	s5 =	rddreg [dreg:$0x5]  }
0x7: {  	s6 =	rddreg [dreg:$0x6]  }
0x8: {  	s7 =	rddreg [dreg:$0x7]  }
0x9: {  	s8 =	rddreg [dreg:$0x8]  }
0xa: {  	s9 =	rddreg [dreg:$0x9]  }
0xb: {  	s10 =	rddreg [dreg:$0xa]  }
0xc: {  	s11 =	rddreg [dreg:$0xb]  }
0xd: {  	s12 =	rddreg [dreg:$0xc]  }
0xe: {  	s13 =	rddreg [dreg:$0xd]  }
0xf: {  	[smem:s0] =	sst s1  }
0x10: {  	[smem:s0+$0x1] =	sst s2  }
0x11: {  	[smem:s0+$0x2] =	sst s3  }
0x12: {  	[smem:s0+$0x3] =	sst s4  }
0x13: {  	[smem:s0+$0x4] =	sst s5  }
0x14: {  	[smem:s0+$0x5] =	sst s6  }
0x15: {  	[smem:s0+$0x6] =	sst s7  }
0x16: {  	[smem:s0+$0x7] =	sst s8  }
0x17: {  	[smem:s0+$0x8] =	sst s9  }
0x18: {  	[smem:s0+$0x9] =	sst s10  }
0x19: {  	[smem:s0+$0xA] =	sst s11  }
0x1a: {  	[smem:s0+$0xB] =	sst s12  }
0x1b: {  	[smem:s0+$0xC] =	sst s13;
	_ =	shalt  }
.Lfunc_end2:
execute0_lowered:
.L_overlay_start_2:
0x1c: {  	(tag) =	ssettag $0x2  }
0x1d: {  	s3 =	rddreg [dreg:$0x0]  }
0x1e: {  	s9 =	rddreg [dreg:$0x1]  }
0x1f: {  	s16 =	rddreg [dreg:$0x2]  }
0x20: {  	s23 =	rddreg [dreg:$0x9]  }
0x21: {  	s20 =	rddreg [dreg:$0xb]  }
0x22: {  	s26 =	rddreg [dreg:$0xc]  }
0x23: {  	s18 =	rddreg [dreg:$0xd];
	s2 =	simm.s32 $0x0  }
0x24: {  	s0 =	srdreg.scid;
	[smem:$0x7FF] =	sst s2  }
0x25: {  	s15 =	stileid.u32;
	s8 =	sand.u32 $0x1, s0;
	s29 =	sld [smem:$0x0]  }
0x26: {  	s4 =	smul.u32 $0xD0, s8;
	s24 =	sld [smem:$0x1]  }
0x27: {  	s12 =	smul.u32 $0x34000, s8;
	s2 =	sld [smem:$0x2]  }
0x28: {  	s10 =	ssub.s32 $0x2, s8;
	s11 =	smul.u32 $0x280, s8;
	s19 =	sld [smem:$0x3]  }
0x29: {  	s0 =	smul.u32 $0x27B600, s8;
	s22 =	sld [smem:$0x5];
	s7 =	sshrl.u32 s10, $0x1  }
0x2a: {  	s1 =	sshrl.u32 s4, $0x4;
	s17 =	ssub.s32 s10, s7;
	s13 =	sand.u32 $0x20000, s12  }
0x2b: {  	s14 =	sadd.s32 $0x14, s4;
	s4 =	sadd.s32 $0x24, s4;
	s5 =	smul.u32 $0x30E00, s1  }
0x2c: {  	s0 =	sadd.s32 s0, s3;
	s6 =	smul.u32 $0x187000, s1;
	s7 =	sor.u32 s11, s13  }
0x2d: {  	s4 =	sshrl.u32 s4, $0x4;
	s25 =	sadd.s32 s3, s5;
	s5 =	sshrl.u32 s14, $0x4  }
0x2e: {  	[smem:$0x7CD] =	sst s0;
	s0 =	sshll.u32 s15, $0xD;
	s5 =	smul.u32 $0x30E00, s5  }
0x2f: {  	[dreg:$0x12] =	wrdreg s22;
	s4 =	smul.u32 $0x30E00, s4;
	s6 =	sadd.s32 $0x1254000, s6  }
0x30: {  	s14 =	sld [smem:$0x4];
	s6 =	sshrl.u32 s6, $0x3;
	s5 =	sadd.s32 s5, s3  }
0x31: {  	s6 =	sadd.s32 s3, s6;
	s3 =	sadd.s32 s4, s3;
	[dreg:$0x11] =	wrdreg s5  }
0x32: {  	s21 =	sor.u32 s0, s7;
	s31 =	sadd.s32 $0x18730, s6;
	[dreg:$0x13] =	wrdreg s3  }
0x33: {  	s7 =	sadd.s32 $0x18720, s6;
	_ =	strace $0x80000047;
	[dreg:$0x16] =	wrdreg s31  }
0x34: {  	s10 =	sadd.s32 $0x18700, s6;
	[dreg:$0x17] =	wrdreg s7  }
0x35: {  	s11 =	sadd.s32 $0x18770, s6;
	[dreg:$0x19] =	wrdreg s10  }
0x36: {  	s13 =	sadd.s32 $0x18760, s6;
	[dreg:$0x1a] =	wrdreg s11  }
0x37: {  	s1 =	smul.u32 $0x340000, s8;
	s15 =	sadd.s32 $0x18750, s6;
	[dreg:$0x1b] =	wrdreg s13  }
0x38: {  	s3 =	sshrl.u32 s21, $0x3;
	s21 =	sadd.s32 $0x18740, s6;
	[dreg:$0x1c] =	wrdreg s15  }
0x39: {  	[dreg:$0x1d] =	wrdreg s21  }
0x3a: {  	s4 =	sor.u32 s0, s1;
	[dreg:$0x14] =	wrdreg s0  }
0x3b: {  	s28 =	sadd.s32 $0x300000, s4;
	s3 =	sadd.s32 s9, s3;
	[dreg:$0xf] =	wrdreg s25  }
0x3c: {  	s9 =	sadd.s32 $0x18710, s6;
	s6 =	sadd.s32 $0x10, s16;
	[smem:$0x7FB] =	sst s24  }
0x3d: {  	s7 =	sadd.s32 $0x20, s16;
	[dreg:$0x15] =	wrdreg s3;
	s3 =	sshrl.u32 s28, $0x3  }
0x3e: {  	s10 =	sadd.s32 $0x40, s16;
	[dreg:$0x18] =	wrdreg s9;
	s22 =	sadd.s32 s16, s3  }
0x3f: {  	s11 =	sadd.s32 $0x50, s16;
	s28 =	sadd.s32 s3, s6;
	[dreg:$0x1e] =	wrdreg s22  }
0x40: {  	s9 =	sadd.s32 $0x30, s16;
	s31 =	sadd.s32 s3, s7;
	[dreg:$0x1f] =	wrdreg s28  }
0x41: {  	s15 =	sadd.s32 $0x60, s16;
	s21 =	sadd.s32 s3, s9;
	[smem:$0x7CE] =	sst s31  }
0x42: {  	s13 =	sadd.s32 $0x70, s16;
	s30 =	sadd.s32 s3, s15;
	[smem:$0x7CF] =	sst s21  }
0x43: {  	s22 =	sadd.s32 s3, s10;
	s28 =	sadd.s32 s3, s11;
	[smem:$0x7D2] =	sst s30  }
0x44: {  	s31 =	sadd.s32 $0x320000, s4;
	s3 =	sadd.s32 s3, s13;
	[smem:$0x7D0] =	sst s22  }
0x45: {  	[smem:$0x7D3] =	sst s3;
	s3 =	sshrl.u32 s31, $0x3  }
0x46: {  	[smem:$0x7D1] =	sst s28;
	s5 =	sadd.s32 s3, s6  }
0x47: {  	s30 =	simm.s32 $0x3;
	s7 =	sadd.s32 s3, s7;
	[smem:$0x7D4] =	sst s5  }
0x48: {  	s21 =	sadd.s32 s3, s9;
	s22 =	sadd.s32 s3, s10;
	[smem:$0x7D5] =	sst s7  }
0x49: {  	s10 =	stileid.u32;
	s28 =	sadd.s32 s3, s11;
	[smem:$0x7D6] =	sst s21  }
0x4a: {  	s11 =	smov.u32 s14;
	s31 =	sadd.s32 s3, s15;
	[smem:$0x7D7] =	sst s22  }
0x4b: {  	s9 =	smov.u32 s2;
	s6 =	sadd.s32 s3, s13;
	[smem:$0x7D8] =	sst s28  }
0x4c: {  	s13 =	smax.u32 s17, $0x1;
	s14 =	sadd.s32 $0x60000, s4;
	[smem:$0x7D9] =	sst s31  }
0x4d: {  	s15 =	sadd.s32 $0x40000, s4;
	[smem:$0x7DA] =	sst s6;
	s7 =	sadd.s32 s16, s3  }
0x4e: {  	[smem:$0x7DC] =	sst s13;
	s16 =	sadd.s32 $0x70000, s1;
	s2 =	sshrl.u32 s14, $0x3  }
0x4f: {  	s17 =	sshrl.u32 s15, $0x3;
	s22 =	sadd.s32 $0x50000, s1;
	[smem:$0x7FC] =	sst s9  }
0x50: {  	s28 =	sor.u32 $0x20000, s4;
	s6 =	smul.u32 $0x680, s8;
	[smem:$0x7FD] =	sst s11  }
0x51: {  	p4 =	sgt.s32 s10, $0x1;
	s8 =	smov.u32 s19;
	[smem:$0x7DB] =	sst s7  }
0x52: {  	s13 =	sshrl.u32 s4, $0x3;
	s14 =	sadd.s32 $0x8000, s12;
	[smem:$0x7DD] =	sst s2  }
0x53: {  	p5 =	sgt.s32 s10, $0x9;
	s15 =	sadd.s32 $0x70, s25;
	[smem:$0x7DE] =	sst s17  }
0x54: {  	s19 =	sadd.s32 $0x40, s25;
	s21 =	sand.u32 $0x7E0000, s16;
	[smem:$0x7E2] =	sst s13  }
0x55: {  	s31 =	sshrl.u32 s28, $0x3;
	s5 =	sand.u32 $0x7C0000, s22;
	[smem:$0x7E4] =	sst s14  }
0x56: {  	p0 =	seq.s32 @p4 s10, $0x2;
	[smem:$0x7F2] =	sst s15;
	s16 =	sadd.s32 $0x60, s25  }
0x57: {  	s17 =	sadd.s32 $0x50, s25;
	[smem:$0x7F5] =	sst s19;
	p1 =	por p0, !p4  }
0x58: {  	[dreg:$0x10] =	wrdreg s8;
	p2 =	por !p0, !p4;
	p1 =	seq.s32 @!p1 s10, $0x3  }
0x59: {  	[smem:$0x7DF] =	sst s31;
	s1 =	simm.s32 @!p2 $0x0;
	p0 =	por @p4 !p1, p0  }
0x5a: {  	[smem:$0x7F3] =	sst s16;
	s1 =	simm.s32 @p2 $0x1;
	p3 =	por p0, !p4  }
0x5b: {  	p2 =	seq.s32 @!p4 s10, $0x0;
	[smem:$0x7E5] =	sst s1;
	s1 =	simm.s32 @!p3 $0x0  }
0x5c: {  	p1 =	por p2, p4;
	p0 =	por !p0, !p4;
	s1 =	simm.s32 @p3 $0x1  }
0x5d: {  	p1 =	seq.s32 @!p1 s10, $0x1;
	[smem:$0x7E6] =	sst s1;
	s1 =	simm.s32 @!p0 $0x0  }
0x5e: {  	s1 =	simm.s32 @p0 $0x1;
	p0 =	por @!p4 !p1, p2;
	p2 =	por !p2, p4  }
0x5f: {  	s22 =	sadd.s32 $0x20, s25;
	[smem:$0x7E7] =	sst s1;
	s1 =	simm.s32 @!p2 $0x0  }
0x60: {  	[smem:$0x7F4] =	sst s17;
	s1 =	simm.s32 @p2 $0x1;
	p2 =	por p0, p4  }
0x61: {  	s28 =	sadd.s32 $0x10, s25;
	[smem:$0x7E8] =	sst s1;
	s1 =	simm.s32 @!p2 $0x0  }
0x62: {  	s14 =	simm.s32 $0x80;
	[smem:$0x7F7] =	sst s22;
	s1 =	simm.s32 @p2 $0x1  }
0x63: {  	p3 =	seq.s32 @p5 s10, $0xA;
	[smem:$0x7E9] =	sst s1;
	s1 =	simm.s32 @!p4 $0x0  }
0x64: {  	p1 =	por p3, !p5;
	p0 =	por !p0, p4;
	s1 =	simm.s32 @p4 $0x1  }
0x65: {  	p1 =	seq.s32 @!p1 s10, $0xB;
	[smem:$0x7EA] =	sst s1;
	s1 =	simm.s32 @!p0 $0x0  }
0x66: {  	s1 =	simm.s32 @p0 $0x1;
	p0 =	por @p5 !p1, p3;
	p1 =	por !p3, !p5  }
0x67: {  	s2 =	sor.u32 s0, s21;
	[smem:$0x7EB] =	sst s1;
	s1 =	simm.s32 @!p1 $0x0  }
0x68: {  	[smem:$0x7F8] =	sst s28;
	s1 =	simm.s32 @p1 $0x1;
	p1 =	por p0, !p5  }
0x69: {  	s21 =	sadd.s32 $0x30, s25;
	[smem:$0x7EC] =	sst s1;
	s1 =	simm.s32 @!p1 $0x0  }
0x6a: {  	s31 =	sand.u32 $0xC, s10;
	[smem:$0x7F6] =	sst s21;
	s1 =	simm.s32 @p1 $0x1  }
0x6b: {  	s25 =	simm.s32 $0x400;
	[smem:$0x7ED] =	sst s1;
	s1 =	simm.s32 @!p5 $0x0  }
0x6c: {  	[smem:$0x7F9] =	sst s31;
	p0 =	por !p0, !p5;
	s1 =	simm.s32 @p5 $0x1  }
0x6d: {  	s2 =	sshrl.u32 s2, $0x3;
	[smem:$0x7EE] =	sst s1;
	s1 =	simm.s32 @!p0 $0x0  }
0x6e: {  	[smem:$0x7E0] =	sst s2;
	s1 =	simm.s32 @p0 $0x1;
	p0 =	seq.s32 s10, $0xC  }
0x6f: {  	s2 =	sor.u32 s0, s5;
	[smem:$0x7EF] =	sst s1;
	s1 =	simm.s32 @!p0 $0x0  }
0x70: {  	s0 =	sadd.s32 $0x100, s6;
	s1 =	simm.s32 @p0 $0x1;
	p0 =	sgt.s32 s10, $0x3  }
.Ltmp0:
0x71: {  	[smem:$0x7F0] =	sst s1;
	s1 =	simm.s32 @!p0 $0x0;
	(pc) =	sbr.rel .LBB3_1-.Ltmp0, $4  }
0x72: {  	[smem:$0x7E3] =	sst s0;
	s1 =	simm.s32 @p0 $0x1;
	p0 =	sne.s32 s10, $0x0  }
0x73: {  	s7 =	sshrl.u32 s2, $0x3;
	[smem:$0x7F1] =	sst s1;
	s1 =	simm.s32 @!p0 $0x0  }
0x74: {  	s6 =	simm.s32 $0x18700;
	[smem:$0x7E1] =	sst s7;
	s1 =	simm.s32 @p0 $0x1  }
0x75: {  	s0 =	simm.s32 $0x0;
	s7 =	simm.s32 $0x18B00;
	[smem:$0x7FA] =	sst s1  }
.LBB3_14:
0x76: {  	s0 =	simm.s32 $0x1  }
0x77: {  	_ =	swait.ge [sflag:s0], $0x30E0  }
0x78: {  	[sflag:s0] =	ssyncset.done $0x0  }
0x79: {  	[sflag:s0] =	ssyncadd.s32 $0xFFFFCF20  }
0x7a: {  	[bflag:$0x0] =	sbarrier.arrive $0xFFFF  }
0x7b: {  	s31 =	sld [smem:$0x7F0];
	_ =	sdelay $0x2  }
0x7c: {  	p0 =	seq.s32 s31, $0x1  }
0x7d: {  	s0 =	simm.s32 @!p0 $0x0  }
0x7e: {  	p3 =	por $0x0, $0x0;
	s1 =	rddreg [dreg:$0xe];
	s0 =	simm.s32 @p0 $0x1  }
0x7f: {  	p4 =	por $0x0, $0x0;
	p5 =	por $0x0, $0x0;
	[smem:$0x786] =	sst s0  }
.LBB3_18:
0x80: {  	s12 =	simm.s32 $0x4  }
0x81: {  	_ =	swait.ge [sflag:s12], $0x400  }
0x82: {  	[sflag:s12] =	ssyncset.done $0x0  }
0x83: {  	[sflag:s12] =	ssyncadd.s32 $0xFFFFFC00  }
0x84: {  	_ =	swait.ge [sflag:s12], $0x400  }
0x85: {  	[sflag:s12] =	ssyncset.done $0x0  }
0x86: {  	[sflag:s12] =	ssyncadd.s32 $0xFFFFFC00  }
0x87: {  	_ =	swait.ge [sflag:s12], $0x400  }
0x88: {  	[sflag:s12] =	ssyncset.done $0x0  }
0x89: {  	[sflag:s12] =	ssyncadd.s32 $0xFFFFFC00  }
0x8a: {  	_ =	swait.ge [sflag:s12], $0x400  }
0x8b: {  	[sflag:s12] =	ssyncset.done $0x0  }
0x8c: {  	[sflag:s12] =	ssyncadd.s32 $0xFFFFFC00  }
0x8d: {  	s3 =	simm.s32 $0x18700;
	s4 =	simm.s32 $0x19F00;
	s0 =	rddreg [dreg:$0x7]  }
0x8e: {  	[tilespmem:s4], [sflag:$0x3] =	stream.indirect.gather [spmem:s0], $0x1, s3, s25, $0xb8;
	[tilespmem:$0x1CF00] =	vst v63  }
0x8f: {  	s5 =	simm.s32 $0x1A300;
	s22 =	rddreg [dreg:$0x8]  }
0x90: {  	[tilespmem:s5], [sflag:$0x3] =	stream.indirect.gather [spmem:s22], $0x1, s3, s25, $0xb8;
	[tilespmem:$0x1CF00] =	vst v63  }
0x91: {  	s6 =	simm.s32 $0x1A700  }
0x92: {  	[tilespmem:s6], [sflag:$0x3] =	stream.indirect.gather [spmem:s23], $0x1, s3, s25, $0xb8;
	[tilespmem:$0x1CF00] =	vst v63  }
0x93: {  	s8 =	simm.s32 $0x1AB00;
	s28 =	rddreg [dreg:$0xa]  }
0x94: {  	[tilespmem:s8], [sflag:$0x3] =	stream.indirect.gather [spmem:s28], $0x1, s3, s25, $0xb8;
	[tilespmem:$0x1CF00] =	vst v63  }
0x95: {  	_ =	swait.ge [sflag:s30], $0x400  }
0x96: {  	[sflag:s30] =	ssyncset.done $0x0  }
0x97: {  	[sflag:s30] =	ssyncadd.s32 $0xFFFFFC00  }
0x98: {  	_ =	swait.ge [sflag:s30], $0x400  }
0x99: {  	[sflag:s30] =	ssyncset.done $0x0  }
0x9a: {  	[sflag:s30] =	ssyncadd.s32 $0xFFFFFC00  }
0x9b: {  	_ =	swait.ge [sflag:s30], $0x400  }
0x9c: {  	[sflag:s30] =	ssyncset.done $0x0  }
0x9d: {  	[sflag:s30] =	ssyncadd.s32 $0xFFFFFC00  }
0x9e: {  	_ =	swait.ge [sflag:s30], $0x400  }
0x9f: {  	s31 =	sld [smem:$0x7D0]  }
0xa0: {  	[sflag:s30] =	ssyncset.done $0x0  }
0xa1: {  	[sflag:s30] =	ssyncadd.s32 $0xFFFFFC00  }
0xa2: {  	[hbm4b:s31+s14] =	stream.strided.scatter [tilespmem:s4], [sflag:$0x4], $0x400, s25, s14, $0x38;
	[tilespmem:$0x1CF00] =	vst v63  }
0xa3: {  	s4 =	sld [smem:$0x7D1]  }
0xa4: {  	s16 =	sld [smem:$0x78F]  }
0xa5: {  	s13 =	sld [smem:$0x7D2]  }
0xa6: {  	[hbm4b:s4+s14] =	stream.strided.scatter [tilespmem:s5], [sflag:$0x4], $0x400, s25, s14, $0x38;
	[tilespmem:$0x1CF00] =	vst v63  }
0xa7: {  	s15 =	sld [smem:$0x7D3];
	p0 =	seq.s32 s16, $0x1  }
0xa8: {  	[hbm4b:s13+s14] =	stream.strided.scatter [tilespmem:s6], [sflag:$0x4], $0x400, s25, s14, $0x38;
	[tilespmem:$0x1CF00] =	vst v63  }
0xa9: {  	s0 =	simm.s32 @!p0 $0x1  }
0xaa: {  	[hbm4b:s15+s14] =	stream.strided.scatter [tilespmem:s8], [sflag:$0x4], $0x400, s25, s14, $0x38;
	[tilespmem:$0x1CF00] =	vst v63  }
0xab: {  	_ =	swait.ge @!p0 [sflag:s0], $0x30E0  }
0xac: {  	s17 =	sld [smem:$0x788];
	_ =	sdelay $0x2  }
0xad: {  	[sflag:s0] =	ssyncset.done @!p0 $0x0;
	p1 =	seq.s32 s17, $0x1  }
0xae: {  	[sflag:s0] =	ssyncadd.s32 @!p0 $0xFFFFCF20;
	s0 =	simm.s32 @p1 $0x1  }
0xaf: {  	_ =	swait.ge @p1 [sflag:s0], $0x30E0  }
0xb0: {  	[sflag:s0] =	ssyncset.done @p1 $0x0  }
0xb1: {  	[sflag:s0] =	ssyncadd.s32 @p1 $0xFFFFCF20;
	s0 =	simm.s32 @p2 $0x1  }
0xb2: {  	_ =	swait.ge @p2 [sflag:s0], $0x30E0  }
0xb3: {  	[sflag:s0] =	ssyncset.done @p2 $0x0  }
0xb4: {  	[sflag:s0] =	ssyncadd.s32 @p2 $0xFFFFCF20;
	s0 =	simm.s32 @p6 $0x1  }
0xb5: {  	_ =	swait.ge @p6 [sflag:s0], $0x30E0  }
0xb6: {  	[sflag:s0] =	ssyncset.done @p6 $0x0  }
0xb7: {  	[sflag:s0] =	ssyncadd.s32 @p6 $0xFFFFCF20  }
0xb8: {  	[bflag:$0x0] =	sbarrier.arrive $0xFFFF  }
0xb9: {  	_ =	swait.ge [sflag:s12], $0x400  }
0xba: {  	[sflag:s12] =	ssyncset.done $0x0  }
0xbb: {  	[sflag:s12] =	ssyncadd.s32 $0xFFFFFC00  }
0xbc: {  	_ =	swait.ge [sflag:s12], $0x400  }
0xbd: {  	[sflag:s12] =	ssyncset.done $0x0  }
0xbe: {  	[sflag:s12] =	ssyncadd.s32 $0xFFFFFC00  }
0xbf: {  	_ =	swait.ge [sflag:s12], $0x400  }
0xc0: {  	[sflag:s12] =	ssyncset.done $0x0  }
0xc1: {  	[sflag:s12] =	ssyncadd.s32 $0xFFFFFC00  }
0xc2: {  	_ =	swait.ge [sflag:s12], $0x400  }
0xc3: {  	[sflag:s12] =	ssyncset.done $0x0  }
0xc4: {  	s19 =	simm.s32 $0x1AF00;
	[sflag:s12] =	ssyncadd.s32 $0xFFFFFC00  }
0xc5: {  	[tilespmem:s19], [sflag:$0x3] =	stream.indirect.gather [spmem:s20], $0x1, s3, s25, $0xb8;
	[tilespmem:$0x1CF00] =	vst v63  }
0xc6: {  	s21 =	simm.s32 $0x1B300  }
0xc7: {  	[tilespmem:s21], [sflag:$0x3] =	stream.indirect.gather [spmem:s26], $0x1, s3, s25, $0xb8;
	[tilespmem:$0x1CF00] =	vst v63  }
0xc8: {  	s22 =	simm.s32 $0x1B700  }
0xc9: {  	[tilespmem:s22], [sflag:$0x3] =	stream.indirect.gather [spmem:s18], $0x1, s3, s25, $0xb8;
	[tilespmem:$0x1CF00] =	vst v63  }
0xca: {  	s28 =	simm.s32 $0x1BB00  }
0xcb: {  	[tilespmem:s28], [sflag:$0x3] =	stream.indirect.gather [spmem:s29], $0x1, s3, s25, $0xb8;
	[tilespmem:$0x1CF00] =	vst v63  }
0xcc: {  	_ =	swait.ge [sflag:s30], $0x400  }
0xcd: {  	[sflag:s30] =	ssyncset.done $0x0  }
0xce: {  	[sflag:s30] =	ssyncadd.s32 $0xFFFFFC00  }
0xcf: {  	_ =	swait.ge [sflag:s30], $0x400  }
0xd0: {  	[sflag:s30] =	ssyncset.done $0x0  }
0xd1: {  	[sflag:s30] =	ssyncadd.s32 $0xFFFFFC00  }
0xd2: {  	_ =	swait.ge [sflag:s30], $0x400  }
0xd3: {  	[sflag:s30] =	ssyncset.done $0x0  }
0xd4: {  	[sflag:s30] =	ssyncadd.s32 $0xFFFFFC00  }
0xd5: {  	_ =	swait.ge [sflag:s30], $0x400  }
0xd6: {  	s31 =	sld [smem:$0x7DB]  }
0xd7: {  	[sflag:s30] =	ssyncset.done $0x0;
	s4 =	sld [smem:$0x7D4]  }
0xd8: {  	s8 =	sld [smem:$0x786];
	[sflag:s30] =	ssyncadd.s32 $0xFFFFFC00  }
0xd9: {  	[hbm4b:s31+s14] =	stream.strided.scatter [tilespmem:s19], [sflag:$0x4], $0x400, s25, s14, $0x38;
	[tilespmem:$0x1CF00] =	vst v63  }
0xda: {  	s5 =	sld [smem:$0x7D5]  }
0xdb: {  	[hbm4b:s4+s14] =	stream.strided.scatter [tilespmem:s21], [sflag:$0x4], $0x400, s25, s14, $0x38;
	[tilespmem:$0x1CF00] =	vst v63  }
0xdc: {  	s6 =	sld [smem:$0x7D6];
	p0 =	seq.s32 s8, $0x1  }
0xdd: {  	[hbm4b:s5+s14] =	stream.strided.scatter [tilespmem:s22], [sflag:$0x4], $0x400, s25, s14, $0x38;
	[tilespmem:$0x1CF00] =	vst v63  }
0xde: {  	s0 =	simm.s32 @p0 $0x1  }
0xdf: {  	[hbm4b:s6+s14] =	stream.strided.scatter [tilespmem:s28], [sflag:$0x4], $0x400, s25, s14, $0x38;
	[tilespmem:$0x1CF00] =	vst v63  }
0xe0: {  	_ =	swait.ge @p0 [sflag:s0], $0x30E0  }
0xe1: {  	[sflag:s0] =	ssyncset.done @p0 $0x0  }
0xe2: {  	[sflag:s0] =	ssyncadd.s32 @p0 $0xFFFFCF20;
	s0 =	simm.s32 @p4 $0x1  }
0xe3: {  	_ =	swait.ge @p4 [sflag:s0], $0x30E0  }
0xe4: {  	[sflag:s0] =	ssyncset.done @p4 $0x0  }
0xe5: {  	[sflag:s0] =	ssyncadd.s32 @p4 $0xFFFFCF20;
	s0 =	simm.s32 @p5 $0x1  }
0xe6: {  	_ =	swait.ge @p5 [sflag:s0], $0x30E0  }
0xe7: {  	[sflag:s0] =	ssyncset.done @p5 $0x0  }
0xe8: {  	[sflag:s0] =	ssyncadd.s32 @p5 $0xFFFFCF20;
	s0 =	simm.s32 @p3 $0x1  }
0xe9: {  	_ =	swait.ge @p3 [sflag:s0], $0x30E0  }
0xea: {  	[sflag:s0] =	ssyncset.done @p3 $0x0  }
0xeb: {  	[sflag:s0] =	ssyncadd.s32 @p3 $0xFFFFCF20  }
0xec: {  	[bflag:$0x0] =	sbarrier.arrive $0xFFFF  }
0xed: {  	_ =	swait.ge [sflag:s12], $0x400  }
0xee: {  	[sflag:s12] =	ssyncset.done $0x0  }
0xef: {  	[sflag:s12] =	ssyncadd.s32 $0xFFFFFC00  }
0xf0: {  	_ =	swait.ge [sflag:s12], $0x400  }
0xf1: {  	[sflag:s12] =	ssyncset.done $0x0  }
0xf2: {  	[sflag:s12] =	ssyncadd.s32 $0xFFFFFC00  }
0xf3: {  	_ =	swait.ge [sflag:s12], $0x400  }
0xf4: {  	[sflag:s12] =	ssyncset.done $0x0  }
0xf5: {  	[sflag:s12] =	ssyncadd.s32 $0xFFFFFC00  }
0xf6: {  	_ =	swait.ge [sflag:s12], $0x400  }
0xf7: {  	[sflag:s12] =	ssyncset.done $0x0  }
0xf8: {  	s13 =	simm.s32 $0x1BF00;
	[sflag:s12] =	ssyncadd.s32 $0xFFFFFC00  }
0xf9: {  	[tilespmem:s13], [sflag:$0x3] =	stream.indirect.gather [spmem:s24], $0x1, s3, s25, $0xb8;
	[tilespmem:$0x1CF00] =	vst v63  }
0xfa: {  	s15 =	simm.s32 $0x1C300  }
0xfb: {  	[tilespmem:s15], [sflag:$0x3] =	stream.indirect.gather [spmem:s9], $0x1, s3, s25, $0xb8;
	[tilespmem:$0x1CF00] =	vst v63  }
0xfc: {  	s17 =	simm.s32 $0x1C700  }
0xfd: {  	[tilespmem:s17], [sflag:$0x3] =	stream.indirect.gather [spmem:s2], $0x1, s3, s25, $0xb8;
	[tilespmem:$0x1CF00] =	vst v63  }
0xfe: {  	s16 =	simm.s32 $0x1CB00  }
0xff: {  	[tilespmem:s16], [sflag:$0x3] =	stream.indirect.gather [spmem:s11], $0x1, s3, s25, $0xb8;
	[tilespmem:$0x1CF00] =	vst v63  }
0x100: {  	_ =	swait.ge [sflag:s30], $0x400  }
0x101: {  	[sflag:s30] =	ssyncset.done $0x0  }
0x102: {  	[sflag:s30] =	ssyncadd.s32 $0xFFFFFC00  }
0x103: {  	_ =	swait.ge [sflag:s30], $0x400  }
0x104: {  	[sflag:s30] =	ssyncset.done $0x0  }
0x105: {  	[sflag:s30] =	ssyncadd.s32 $0xFFFFFC00  }
0x106: {  	_ =	swait.ge [sflag:s30], $0x400  }
0x107: {  	[sflag:s30] =	ssyncset.done $0x0  }
0x108: {  	[sflag:s30] =	ssyncadd.s32 $0xFFFFFC00  }
0x109: {  	_ =	swait.ge [sflag:s30], $0x400  }
0x10a: {  	s19 =	sld [smem:$0x7D7]  }
0x10b: {  	[sflag:s30] =	ssyncset.done $0x0  }
0x10c: {  	s21 =	sld [smem:$0x7D8];
	[sflag:s30] =	ssyncadd.s32 $0xFFFFFC00  }
0x10d: {  	[hbm4b:s19+s14] =	stream.strided.scatter [tilespmem:s13], [sflag:$0x4], $0x400, s25, s14, $0x38;
	[tilespmem:$0x1CF00] =	vst v63  }
0x10e: {  	s22 =	sld [smem:$0x7D9]  }
0x10f: {  	[hbm4b:s21+s14] =	stream.strided.scatter [tilespmem:s15], [sflag:$0x4], $0x400, s25, s14, $0x38;
	[tilespmem:$0x1CF00] =	vst v63  }
0x110: {  	s28 =	sld [smem:$0x7DA]  }
0x111: {  	[hbm4b:s22+s14] =	stream.strided.scatter [tilespmem:s17], [sflag:$0x4], $0x400, s25, s14, $0x38;
	[tilespmem:$0x1CF00] =	vst v63  }
0x112: {  	_ = 	snop  }
0x113: {  	[hbm4b:s28+s14] =	stream.strided.scatter [tilespmem:s16], [sflag:$0x4], $0x400, s25, s14, $0x38;
	[tilespmem:$0x1CF00] =	vst v63  }
0x114: {  	[bflag:$0x0] =	sbarrier.arrive $0xFFFF  }
0x115: {  	_ =	swait.ge [sflag:s12], $0x400  }
0x116: {  	[sflag:s12] =	ssyncset.done $0x0  }
0x117: {  	[sflag:s12] =	ssyncadd.s32 $0xFFFFFC00  }
0x118: {  	_ =	swait.ge [sflag:s12], $0x400  }
0x119: {  	[sflag:s12] =	ssyncset.done $0x0  }
0x11a: {  	[sflag:s12] =	ssyncadd.s32 $0xFFFFFC00  }
0x11b: {  	_ =	swait.ge [sflag:s12], $0x400  }
0x11c: {  	[sflag:s12] =	ssyncset.done $0x0  }
0x11d: {  	[sflag:s12] =	ssyncadd.s32 $0xFFFFFC00  }
0x11e: {  	_ =	swait.ge [sflag:s12], $0x400  }
0x11f: {  	[sflag:s12] =	ssyncset.done $0x0  }
0x120: {  	[sflag:s12] =	ssyncadd.s32 $0xFFFFFC00  }
0x121: {  	_ =	swait.ge [sflag:s12], $0x400  }
0x122: {  	[sflag:s12] =	ssyncset.done $0x0  }
0x123: {  	[sflag:s12] =	ssyncadd.s32 $0xFFFFFC00  }
0x124: {  	_ =	swait.ge [sflag:s12], $0x400  }
0x125: {  	[sflag:s12] =	ssyncset.done $0x0  }
0x126: {  	[sflag:s12] =	ssyncadd.s32 $0xFFFFFC00  }
0x127: {  	_ =	swait.ge [sflag:s12], $0x400  }
0x128: {  	[sflag:s12] =	ssyncset.done $0x0  }
0x129: {  	[sflag:s12] =	ssyncadd.s32 $0xFFFFFC00  }
0x12a: {  	_ =	swait.ge [sflag:s12], $0x400  }
0x12b: {  	[sflag:s12] =	ssyncset.done $0x0  }
0x12c: {  	[sflag:s12] =	ssyncadd.s32 $0xFFFFFC00  }
0x12d: {  	_ =	swait.ge [sflag:s12], $0x400  }
0x12e: {  	[sflag:s12] =	ssyncset.done $0x0  }
0x12f: {  	[sflag:s12] =	ssyncadd.s32 $0xFFFFFC00  }
0x130: {  	_ =	swait.ge [sflag:s12], $0x400  }
0x131: {  	[sflag:s12] =	ssyncset.done $0x0  }
0x132: {  	[sflag:s12] =	ssyncadd.s32 $0xFFFFFC00  }
0x133: {  	_ =	swait.ge [sflag:s12], $0x400  }
0x134: {  	[sflag:s12] =	ssyncset.done $0x0  }
0x135: {  	[sflag:s12] =	ssyncadd.s32 $0xFFFFFC00  }
0x136: {  	_ =	swait.ge [sflag:s12], $0x400  }
0x137: {  	[sflag:s12] =	ssyncset.done $0x0  }
0x138: {  	[sflag:s12] =	ssyncadd.s32 $0xFFFFFC00  }
0x139: {  	_ =	swait.ge [sflag:s12], $0x400  }
0x13a: {  	[sflag:s12] =	ssyncset.done $0x0  }
0x13b: {  	[sflag:s12] =	ssyncadd.s32 $0xFFFFFC00  }
0x13c: {  	_ =	swait.ge [sflag:s12], $0x400  }
0x13d: {  	[sflag:s12] =	ssyncset.done $0x0  }
0x13e: {  	[sflag:s12] =	ssyncadd.s32 $0xFFFFFC00  }
0x13f: {  	_ =	swait.ge [sflag:s12], $0x400  }
0x140: {  	[sflag:s12] =	ssyncset.done $0x0  }
0x141: {  	[sflag:s12] =	ssyncadd.s32 $0xFFFFFC00  }
0x142: {  	_ =	swait.ge [sflag:s12], $0x400  }
0x143: {  	s31 =	sld [smem:$0x7DC];
	_ =	sdelay $0x1  }
0x144: {  	s1 =	sadd.s32 $0x1, s1  }
0x145: {  	p0 =	sne.s32 s1, s31  }
.Ltmp1:
0x146: {  	_ = 	snop;
	(pc) =	sbr.rel @!p0 .LBB3_19-.Ltmp1, $3  }
0x147: {  	_ =	sdelay $0x1  }
0x148: {  	[sflag:s12] =	ssyncset.done $0x0  }
0x149: {  	s6 =	simm.s32 $0x18700;
	s0 =	smov.u32 s1;
	[sflag:s12] =	ssyncadd.s32 $0xFFFFFC00  }
.LBB3_1:
0x14a: {  	s31 =	sld [smem:$0x7F1];
	_ =	sdelay $0x2  }
0x14b: {  	p0 =	seq.s32 s31, $0x1  }
.Ltmp2:
0x14c: {  	_ = 	snop;
	(pc) =	sbr.rel @p0 .LBB3_3-.Ltmp2, $2  }
0x14d: {  	_ =	sdelay $0x2  }
0x14e: {  	[dreg:$0xe] =	wrdreg s0  }
0x14f: {  	s0 =	sld [smem:$0x7E5];
	_ =	sdelay $0x1  }
0x150: {  	s5 =	sld [smem:$0x7F7]  }
0x151: {  	p2 =	seq.s32 s0, $0x1;
	s0 =	rddreg [dreg:$0x5]  }
0x152: {  	s0 =	sshrl.u32 @!p2 s0, $0x3;
	s1 =	simm.s32 @!p2 $0x1  }
0x153: {  	s2 =	simm.s32 @!p2 $0x10;
	s3 =	simm.s32 @!p2 $0x80;
	s4 =	simm.s32 @!p2 $0x1C81  }
0x154: {  	[spmem:s0@s2], [sflag:s4] =	dma.strided @!p2 [hbm:s5@s3], $0x30E0, s1, $0x10   }
0x155: {  	s0 =	sld [smem:$0x7E6];
	_ =	sdelay $0x1  }
0x156: {  	s5 =	sld [smem:$0x7F6]  }
0x157: {  	p3 =	seq.s32 s0, $0x1;
	s0 =	rddreg [dreg:$0x6]  }
0x158: {  	s0 =	sshrl.u32 @!p3 s0, $0x3;
	s1 =	simm.s32 @!p3 $0x1  }
0x159: {  	s2 =	simm.s32 @!p3 $0x10;
	s3 =	simm.s32 @!p3 $0x80;
	s4 =	simm.s32 @!p3 $0x1CC1  }
0x15a: {  	[spmem:s0@s2], [sflag:s4] =	dma.strided @!p3 [hbm:s5@s3], $0x30E0, s1, $0x10   }
0x15b: {  	s0 =	sld [smem:$0x7E7]  }
0x15c: {  	s21 =	sld [smem:$0x7E8]  }
0x15d: {  	p4 =	por $0x0, $0x0;
	p6 =	por @!p3 $0x0, $0x0  }
0x15e: {  	p1 =	por @!p3 $0x1, $0x1;
	p3 =	seq.s32 s0, $0x1;
	s0 =	rddreg [dreg:$0x3]  }
0x15f: {  	p6 =	por @!p3 p4, p4;
	p1 =	por @!p3 p4, p4;
	p3 =	seq.s32 s21, $0x1  }
0x160: {  	s5 =	rddreg [dreg:$0xf];
	s0 =	sshrl.u32 @!p3 s0, $0x3;
	s1 =	simm.s32 @!p3 $0x1  }
0x161: {  	s2 =	simm.s32 @!p3 $0x10;
	s3 =	simm.s32 @!p3 $0x80;
	s4 =	simm.s32 @!p3 $0x1C01  }
0x162: {  	[spmem:s0@s2], [sflag:s4] =	dma.strided @!p3 [hbm:s5@s3], $0x30E0, s1, $0x10   }
0x163: {  	s0 =	sld [smem:$0x7E9];
	_ =	sdelay $0x1  }
0x164: {  	p0 =	por @!p2 $0x0, $0x0;
	p5 =	por p1, p1;
	s5 =	sld [smem:$0x7F8]  }
0x165: {  	p1 =	por p6, p6;
	p4 =	seq.s32 s0, $0x1;
	s0 =	rddreg [dreg:$0x4]  }
0x166: {  	p1 =	por @!p2 p0, p0;
	s0 =	sshrl.u32 @!p4 s0, $0x3;
	s1 =	simm.s32 @!p4 $0x1  }
0x167: {  	s2 =	simm.s32 @!p4 $0x10;
	s3 =	simm.s32 @!p4 $0x80;
	s4 =	simm.s32 @!p4 $0x1C41  }
0x168: {  	[spmem:s0@s2], [sflag:s4] =	dma.strided @!p4 [hbm:s5@s3], $0x30E0, s1, $0x10   }
0x169: {  	p5 =	por @!p2 p0, p0;
	p0 =	por @!p2 $0x1, $0x1;
	s22 =	sld [smem:$0x7EB]  }
0x16a: {  	p6 =	por @!p2 p0, p0;
	s0 =	simm.s32 @!p5 $0x0  }
0x16b: {  	p2 =	por $0x0, $0x0;
	p0 =	por @!p4 $0x0, $0x0;
	s0 =	simm.s32 @p5 $0x1  }
0x16c: {  	p5 =	por @!p4 $0x1, $0x1;
	s28 =	sld [smem:$0x7EA];
	p4 =	seq.s32 s22, $0x1  }
0x16d: {  	p5 =	por @!p4 p2, p2;
	p0 =	por @!p4 p2, p2;
	p2 =	por @!p3 $0x0, $0x0  }
0x16e: {  	p5 =	por @!p3 p2, p2;
	p2 =	por @!p3 $0x0, $0x0  }
0x16f: {  	p4 =	por p1, p1;
	p0 =	por @!p3 p2, p2;
	p2 =	seq.s32 s28, $0x1  }
0x170: {  	p4 =	por @!p2 p5, p5  }
0x171: {  	[smem:$0x7CA] =	sst s0;
	p3 =	por p1, p1;
	s0 =	simm.s32 @!p4 $0x0  }
0x172: {  	p3 =	por @!p2 p0, p0;
	s0 =	simm.s32 @p4 $0x1  }
0x173: {  	p4 =	por p1, p1;
	[smem:$0x7C7] =	sst s0;
	s0 =	simm.s32 @!p3 $0x0  }
0x174: {  	p4 =	por @!p2 p0, p0;
	s0 =	simm.s32 @p3 $0x1  }
0x175: {  	p3 =	por p1, p1;
	[smem:$0x7C8] =	sst s0;
	s0 =	simm.s32 @!p4 $0x0  }
0x176: {  	s31 =	sld [smem:$0x7CA];
	p3 =	por @!p2 p0, p0;
	s0 =	simm.s32 @p4 $0x1  }
.Ltmp3:
0x177: {  	[smem:$0x7C9] =	sst s0;
	s0 =	simm.s32 @!p3 $0x0;
	(pc) =	sbr.rel .LBB3_4-.Ltmp3, $4  }
0x178: {  	p1 =	por @!p2 p0, p0;
	s0 =	simm.s32 @p3 $0x1  }
0x179: {  	[smem:$0x7CB] =	sst s0;
	s0 =	simm.s32 @!p1 $0x0  }
0x17a: {  	p5 =	seq.s32 s31, $0x1;
	s0 =	simm.s32 @p1 $0x1  }
0x17b: {  	p6 =	por @!p2 p0, p0;
	p5 =	por @!p2 p0, p0;
	[smem:$0x7CC] =	sst s0  }
.LBB3_3:
0x17c: {  	p0 =	sgt.s32 s10, $0x5  }
0x17d: {  	p2 =	seq.s32 @p0 s10, $0x6  }
0x17e: {  	s5 =	sld [smem:$0x7F3];
	p1 =	por !p2, !p0  }
0x17f: {  	p3 =	por p2, !p0;
	s0 =	sshrl.u32 @!p1 s23, $0x3;
	s1 =	simm.s32 @!p1 $0x1  }
0x180: {  	s2 =	simm.s32 @!p1 $0x10;
	s3 =	simm.s32 @!p1 $0x80;
	s4 =	simm.s32 @!p1 $0x1D81  }
0x181: {  	[spmem:s0@s2], [sflag:s4] =	dma.strided @!p1 [hbm:s5@s3], $0x30E0, s1, $0x10   }
0x182: {  	p4 =	seq.s32 @!p0 s10, $0x4;
	p3 =	seq.s32 @!p3 s10, $0x7;
	s0 =	simm.s32 @!p1 $0x0  }
0x183: {  	p5 =	por @p0 !p3, p2;
	s0 =	simm.s32 @p1 $0x1;
	s5 =	sld [smem:$0x7F2]  }
0x184: {  	p2 =	por p4, p0;
	p3 =	por p5, !p0;
	[smem:$0x7C3] =	sst s0  }
0x185: {  	s0 =	rddreg [dreg:$0xa];
	s1 =	simm.s32 @!p3 $0x1;
	s2 =	simm.s32 @!p3 $0x10  }
0x186: {  	s3 =	simm.s32 @!p3 $0x80;
	s4 =	simm.s32 @!p3 $0x1DC1;
	s0 =	sshrl.u32 @!p3 s0, $0x3  }
0x187: {  	[spmem:s0@s2], [sflag:s4] =	dma.strided @!p3 [hbm:s5@s3], $0x30E0, s1, $0x10   }
0x188: {  	s0 =	simm.s32 @!p2 $0x0  }
0x189: {  	s0 =	simm.s32 @p2 $0x1  }
0x18a: {  	[smem:$0x7C1] =	sst s0  }
0x18b: {  	s0 =	sld [smem:$0x7C1];
	_ =	sdelay $0x2  }
0x18c: {  	p6 =	por @!p3 $0x0, $0x0;
	p2 =	por @!p3 $0x1, $0x1;
	p3 =	seq.s32 s0, $0x1  }
0x18d: {  	p3 =	seq.s32 @!p3 s10, $0x5  }
0x18e: {  	p5 =	por !p5, !p0;
	p3 =	por @!p0 !p3, p4  }
0x18f: {  	s5 =	sld [smem:$0x7F5];
	p4 =	por !p4, p0;
	s0 =	simm.s32 @!p3 $0x0  }
0x190: {  	s1 =	simm.s32 @!p4 $0x1;
	s2 =	simm.s32 @!p4 $0x10;
	s0 =	simm.s32 @p3 $0x1  }
0x191: {  	s3 =	simm.s32 @!p4 $0x80;
	p3 =	por $0x0, $0x0;
	[smem:$0x7C2] =	sst s0  }
0x192: {  	p2 =	por @!p5 p3, p3;
	p3 =	por $0x0, $0x0;
	s0 =	rddreg [dreg:$0x7]  }
0x193: {  	s4 =	simm.s32 @!p4 $0x1D01;
	s0 =	sshrl.u32 @!p4 s0, $0x3;
	p6 =	por @!p5 p3, p3  }
0x194: {  	[spmem:s0@s2], [sflag:s4] =	dma.strided @!p4 [hbm:s5@s3], $0x30E0, s1, $0x10   }
0x195: {  	p3 =	por @!p1 $0x0, $0x0;
	s0 =	simm.s32 @!p6 $0x0  }
0x196: {  	p2 =	por @!p1 p3, p3;
	s0 =	simm.s32 @p6 $0x1;
	s13 =	sld [smem:$0x7C2]  }
0x197: {  	[smem:$0x7CC] =	sst s0;
	s0 =	simm.s32 @!p2 $0x0  }
0x198: {  	s5 =	sld [smem:$0x7F4];
	s0 =	simm.s32 @p2 $0x1  }
0x199: {  	p5 =	seq.s32 s13, $0x1;
	[smem:$0x7C8] =	sst s0  }
0x19a: {  	s0 =	rddreg [dreg:$0x8];
	p5 =	por p5, p0  }
0x19b: {  	s0 =	sshrl.u32 @!p5 s0, $0x3;
	s1 =	simm.s32 @!p5 $0x1  }
0x19c: {  	s2 =	simm.s32 @!p5 $0x10;
	s3 =	simm.s32 @!p5 $0x80;
	s4 =	simm.s32 @!p5 $0x1D41  }
0x19d: {  	[spmem:s0@s2], [sflag:s4] =	dma.strided @!p5 [hbm:s5@s3], $0x30E0, s1, $0x10   }
0x19e: {  	s0 =	sld [smem:$0x7C2]  }
0x19f: {  	p3 =	por @!p1 $0x0, $0x0;
	p2 =	por p6, p6  }
0x1a0: {  	p2 =	por @!p1 p3, p3  }
0x1a1: {  	p3 =	por @!p5 $0x0, $0x0;
	s15 =	sld [smem:$0x7C3];
	p6 =	seq.s32 s0, $0x1  }
0x1a2: {  	p5 =	por @!p5 $0x1, $0x1;
	s16 =	sld [smem:$0x7CC];
	p1 =	por !p6, p0  }
0x1a3: {  	s17 =	sld [smem:$0x7C3];
	p6 =	por $0x0, $0x0;
	s0 =	simm.s32 @!p1 $0x0  }
0x1a4: {  	p3 =	por @!p1 p6, p6;
	s0 =	simm.s32 @p1 $0x1;
	p1 =	seq.s32 s15, $0x1  }
0x1a5: {  	[smem:$0x7C4] =	sst s0;
	s0 =	simm.s32 @!p5 $0x0;
	p6 =	por @!p1 $0x1, $0x1  }
0x1a6: {  	p1 =	seq.s32 s16, $0x1;
	s0 =	simm.s32 @p5 $0x1;
	p5 =	seq.s32 s17, $0x1  }
0x1a7: {  	s19 =	sld [smem:$0x7C4];
	p1 =	por @!p5 p6, p6  }
0x1a8: {  	[smem:$0x7C5] =	sst s0;
	s0 =	simm.s32 @!p1 $0x0  }
0x1a9: {  	s21 =	sld [smem:$0x7C5];
	s0 =	simm.s32 @p1 $0x1  }
0x1aa: {  	[smem:$0x7CC] =	sst s0;
	s0 =	simm.s32 @!p2 $0x0  }
0x1ab: {  	s0 =	simm.s32 @p2 $0x1  }
0x1ac: {  	p1 =	por $0x0, $0x0;
	[smem:$0x7C9] =	sst s0  }
0x1ad: {  	p6 =	seq.s32 s19, $0x1;
	p5 =	seq.s32 s21, $0x1;
	s0 =	sld [smem:$0x7C9]  }
0x1ae: {  	p5 =	por @!p6 p1, p1;
	p6 =	por @!p4 $0x0, $0x0;
	p1 =	por p3, p3  }
0x1af: {  	p1 =	por @!p4 p6, p6;
	p5 =	por @!p4 p6, p6;
	p6 =	por @!p4 $0x1, $0x1  }
0x1b0: {  	p3 =	por @!p4 p6, p6;
	p4 =	seq.s32 s0, $0x1  }
0x1b1: {  	p4 =	por @!p0 p5, p5  }
0x1b2: {  	s0 =	simm.s32 @!p4 $0x0  }
0x1b3: {  	s22 =	sld [smem:$0x7C8];
	s0 =	simm.s32 @p4 $0x1  }
0x1b4: {  	p6 =	por p2, p2;
	[smem:$0x7C9] =	sst s0;
	s0 =	simm.s32 @!p2 $0x0  }
0x1b5: {  	p5 =	por p2, p2;
	s0 =	simm.s32 @p2 $0x1;
	p2 =	por @!p0 p3, p3  }
0x1b6: {  	[smem:$0x7C6] =	sst s0;
	s0 =	simm.s32 @!p2 $0x0  }
0x1b7: {  	s0 =	simm.s32 @p2 $0x1;
	p2 =	seq.s32 s22, $0x1  }
0x1b8: {  	s31 =	sld [smem:$0x7CC];
	p2 =	por @!p0 p1, p1  }
0x1b9: {  	[smem:$0x7CB] =	sst s0;
	s0 =	simm.s32 @!p2 $0x0  }
0x1ba: {  	p6 =	por @!p0 p1, p1;
	s28 =	sld [smem:$0x7C6];
	s0 =	simm.s32 @p2 $0x1  }
0x1bb: {  	p2 =	seq.s32 s31, $0x1;
	[smem:$0x7C8] =	sst s0;
	s0 =	simm.s32 @!p6 $0x0  }
0x1bc: {  	p2 =	por @!p0 p1, p1;
	s0 =	simm.s32 @p6 $0x1  }
0x1bd: {  	[smem:$0x7C7] =	sst s0;
	s0 =	simm.s32 @!p2 $0x0  }
0x1be: {  	p6 =	seq.s32 s28, $0x1;
	s0 =	simm.s32 @p2 $0x1  }
0x1bf: {  	p5 =	por @!p0 p1, p1;
	p6 =	por @!p0 p1, p1;
	[smem:$0x7CC] =	sst s0  }
.LBB3_4:
0x1c0: {  	s0 =	rddreg [dreg:$0x15];
	s22 =	simm.s32 $0x5  }
0x1c1: {  	[tilespmem:s6], [sflag:$0x5] =	stream.strided.gather [hbm4b:s0+s14], $0x400, s25, s14, $0x38;
	[tilespmem:$0x1CF00] =	vst v63  }
0x1c2: {  	_ =	swait.ge [sflag:s22], $0x400  }
0x1c3: {  	s28 =	sld [smem:$0x7FA];
	_ =	sdelay $0x2  }
0x1c4: {  	[sflag:s22] =	ssyncset.done $0x0;
	p0 =	seq.s32 s28, $0x1  }
0x1c5: {  	[sflag:s22] =	ssyncadd.s32 $0xFFFFFC00;
	s0 =	simm.s32 @!p0 $0x1  }
0x1c6: {  	_ =	swait.ge @!p0 [sflag:s0], $0x30E0  }
0x1c7: {  	s31 =	sld [smem:$0x7C7];
	_ =	sdelay $0x1  }
0x1c8: {  	[sflag:s0] =	ssyncset.done @!p0 $0x0  }
0x1c9: {  	[sflag:s0] =	ssyncadd.s32 @!p0 $0xFFFFCF20;
	p0 =	seq.s32 s31, $0x1  }
0x1ca: {  	s0 =	simm.s32 @p0 $0x1  }
0x1cb: {  	_ =	swait.ge @p0 [sflag:s0], $0x30E0  }
0x1cc: {  	[sflag:s0] =	ssyncset.done @p0 $0x0  }
0x1cd: {  	[sflag:s0] =	ssyncadd.s32 @p0 $0xFFFFCF20;
	s0 =	simm.s32 @p6 $0x1  }
0x1ce: {  	_ =	swait.ge @p6 [sflag:s0], $0x30E0  }
0x1cf: {  	[sflag:s0] =	ssyncset.done @p6 $0x0  }
0x1d0: {  	[sflag:s0] =	ssyncadd.s32 @p6 $0xFFFFCF20;
	s0 =	simm.s32 @p5 $0x1  }
0x1d1: {  	_ =	swait.ge @p5 [sflag:s0], $0x30E0  }
0x1d2: {  	[sflag:s0] =	ssyncset.done @p5 $0x0  }
0x1d3: {  	[sflag:s0] =	ssyncadd.s32 @p5 $0xFFFFCF20  }
0x1d4: {  	[bflag:$0x0] =	sbarrier.arrive $0xFFFF  }
0x1d5: {  	s1 =	simm.s32 @!p0 $0x0;
	s5 =	sld [smem:$0x7E4]  }
0x1d6: {  	s1 =	simm.s32 @p0 $0x1;
	s0 =	sld [smem:$0x7E3]  }
.Ltmp4:
0x1d7: {  	[smem:$0x7C7] =	sst s1;
	s1 =	simm.s32 @!p5 $0x0;
	(pc) =	sbr.rel .LBB3_5-.Ltmp4, $4  }
0x1d8: {  	s17 =	rddreg [dreg:$0x2];
	s1 =	simm.s32 @p5 $0x1  }
0x1d9: {  	[smem:$0x7CA] =	sst s1;
	s1 =	simm.s32 @!p6 $0x0  }
0x1da: {  	s15 =	rddreg [dreg:$0x10];
	s1 =	simm.s32 @p6 $0x1  }
0x1db: {  	s16 =	simm.s32 $0x0;
	[smem:$0x7C6] =	sst s1  }
.LBB3_10:
0x1dc: {  	s7 =	stileid.u32  }
0x1dd: {  	p0 =	sgt.s32 s7, $0x5  }
0x1de: {  	[bflag:$0x0] =	sbarrier.arrive $0xFFFF;
	p1 =	seq.s32 @p0 s7, $0x6  }
0x1df: {  	s8 =	rddreg [dreg:$0x13];
	p2 =	por !p1, !p0  }
0x1e0: {  	s0 =	sadd.s32 @!p2 s16, s8  }
0x1e1: {  	s1 =	sshrl.u32 @!p2 s23, $0x3;
	s3 =	simm.s32 @!p2 $0x1;
	s4 =	simm.s32 @!p2 $0x10  }
0x1e2: {  	s5 =	simm.s32 @!p2 $0x80;
	s6 =	simm.s32 @!p2 $0x1D81;
	s0 =	sadd.s32 @!p2 $0x60, s0  }
0x1e3: {  	[spmem:s1@s4], [sflag:s6] =	dma.strided @!p2 [hbm:s0@s5], $0x30E0, s3, $0x10   }
0x1e4: {  	p2 =	por p1, !p0  }
0x1e5: {  	p2 =	seq.s32 @!p2 s7, $0x7  }
0x1e6: {  	p1 =	por @p0 !p2, p1  }
0x1e7: {  	p1 =	por p1, !p0  }
0x1e8: {  	s1 =	rddreg [dreg:$0xa];
	s0 =	sadd.s32 @!p1 s16, s8  }
0x1e9: {  	s1 =	sshrl.u32 @!p1 s1, $0x3;
	s3 =	simm.s32 @!p1 $0x1;
	s4 =	simm.s32 @!p1 $0x10  }
0x1ea: {  	s5 =	simm.s32 @!p1 $0x80;
	s6 =	simm.s32 @!p1 $0x1DC1;
	s0 =	sadd.s32 @!p1 $0x70, s0  }
0x1eb: {  	[spmem:s1@s4], [sflag:s6] =	dma.strided @!p1 [hbm:s0@s5], $0x30E0, s3, $0x10   }
0x1ec: {  	p1 =	seq.s32 @!p0 s7, $0x4  }
0x1ed: {  	p2 =	por !p1, p0  }
0x1ee: {  	s1 =	rddreg [dreg:$0x7];
	s0 =	sadd.s32 @!p2 s16, s8  }
0x1ef: {  	s1 =	sshrl.u32 @!p2 s1, $0x3;
	s3 =	simm.s32 @!p2 $0x1;
	s4 =	simm.s32 @!p2 $0x10  }
0x1f0: {  	s5 =	simm.s32 @!p2 $0x80;
	s6 =	simm.s32 @!p2 $0x1D01;
	s0 =	sadd.s32 @!p2 $0x40, s0  }
0x1f1: {  	[spmem:s1@s4], [sflag:s6] =	dma.strided @!p2 [hbm:s0@s5], $0x30E0, s3, $0x10   }
0x1f2: {  	p2 =	por p1, p0  }
0x1f3: {  	p2 =	seq.s32 @!p2 s7, $0x5  }
0x1f4: {  	p1 =	por @!p0 !p2, p1  }
0x1f5: {  	p0 =	por p1, p0  }
0x1f6: {  	s10 =	stileid.u32;
	s1 =	rddreg [dreg:$0x8];
	s0 =	sadd.s32 @!p0 s16, s8  }
0x1f7: {  	s1 =	sshrl.u32 @!p0 s1, $0x3;
	s3 =	simm.s32 @!p0 $0x1;
	s4 =	simm.s32 @!p0 $0x10  }
0x1f8: {  	s5 =	simm.s32 @!p0 $0x80;
	s6 =	simm.s32 @!p0 $0x1D41;
	s0 =	sadd.s32 @!p0 $0x50, s0  }
0x1f9: {  	[spmem:s1@s4], [sflag:s6] =	dma.strided @!p0 [hbm:s0@s5], $0x30E0, s3, $0x10   }
.LBB3_11:
0x1fa: {  	s0 =	simm.s32 $0x4  }
0x1fb: {  	_ =	swait.ge [sflag:s0], $0x400  }
0x1fc: {  	[sflag:s0] =	ssyncset.done $0x0  }
0x1fd: {  	[sflag:s0] =	ssyncadd.s32 $0xFFFFFC00  }
0x1fe: {  	_ =	swait.ge [sflag:s0], $0x400  }
0x1ff: {  	[sflag:s0] =	ssyncset.done $0x0  }
0x200: {  	[sflag:s0] =	ssyncadd.s32 $0xFFFFFC00  }
0x201: {  	_ =	swait.ge [sflag:s0], $0x400  }
0x202: {  	[sflag:s0] =	ssyncset.done $0x0  }
0x203: {  	[sflag:s0] =	ssyncadd.s32 $0xFFFFFC00  }
0x204: {  	_ =	swait.ge [sflag:s0], $0x400  }
0x205: {  	[sflag:s0] =	ssyncset.done $0x0  }
0x206: {  	s7 =	simm.s32 $0x18B00;
	s3 =	simm.s32 $0x1BF00;
	[sflag:s0] =	ssyncadd.s32 $0xFFFFFC00  }
0x207: {  	[tilespmem:s3], [sflag:$0x3] =	stream.indirect.gather [spmem:s24], $0x1, s7, s25, $0xb8;
	[tilespmem:$0x1CF00] =	vst v63  }
0x208: {  	s4 =	simm.s32 $0x1C300  }
0x209: {  	[tilespmem:s4], [sflag:$0x3] =	stream.indirect.gather [spmem:s9], $0x1, s7, s25, $0xb8;
	[tilespmem:$0x1CF00] =	vst v63  }
0x20a: {  	s5 =	simm.s32 $0x1C700;
	s11 =	sld [smem:$0x7FD]  }
0x20b: {  	[tilespmem:s5], [sflag:$0x3] =	stream.indirect.gather [spmem:s15], $0x1, s7, s25, $0xb8;
	[tilespmem:$0x1CF00] =	vst v63  }
0x20c: {  	s6 =	simm.s32 $0x1CB00  }
0x20d: {  	[tilespmem:s6], [sflag:$0x3] =	stream.indirect.gather [spmem:s11], $0x1, s7, s25, $0xb8;
	[tilespmem:$0x1CF00] =	vst v63  }
0x20e: {  	_ =	swait.ge [sflag:s30], $0x400  }
0x20f: {  	[sflag:s30] =	ssyncset.done $0x0  }
0x210: {  	[sflag:s30] =	ssyncadd.s32 $0xFFFFFC00  }
0x211: {  	_ =	swait.ge [sflag:s30], $0x400  }
0x212: {  	[sflag:s30] =	ssyncset.done $0x0  }
0x213: {  	[sflag:s30] =	ssyncadd.s32 $0xFFFFFC00  }
0x214: {  	_ =	swait.ge [sflag:s30], $0x400  }
0x215: {  	[sflag:s30] =	ssyncset.done $0x0  }
0x216: {  	[sflag:s30] =	ssyncadd.s32 $0xFFFFFC00  }
0x217: {  	_ =	swait.ge [sflag:s30], $0x400  }
0x218: {  	s8 =	sld [smem:$0x7E0];
	_ =	sdelay $0x2  }
0x219: {  	[sflag:s30] =	ssyncset.done $0x0;
	s0 =	sadd.s32 s17, s8  }
0x21a: {  	s14 =	simm.s32 $0x80;
	[sflag:s30] =	ssyncadd.s32 $0xFFFFFC00;
	s1 =	sadd.s32 $0x40, s0  }
0x21b: {  	[hbm4b:s1+s14] =	stream.strided.scatter [tilespmem:s3], [sflag:$0x4], $0x400, s25, s14, $0x38;
	[tilespmem:$0x1CF00] =	vst v63  }
0x21c: {  	s12 =	sadd.s32 $0x50, s0  }
0x21d: {  	[hbm4b:s12+s14] =	stream.strided.scatter [tilespmem:s4], [sflag:$0x4], $0x400, s25, s14, $0x38;
	[tilespmem:$0x1CF00] =	vst v63  }
0x21e: {  	s13 =	sadd.s32 $0x60, s0  }
0x21f: {  	[hbm4b:s13+s14] =	stream.strided.scatter [tilespmem:s5], [sflag:$0x4], $0x400, s25, s14, $0x38;
	[tilespmem:$0x1CF00] =	vst v63  }
0x220: {  	s19 =	simm.s32 $0x2;
	s0 =	sadd.s32 $0x70, s0  }
0x221: {  	[hbm4b:s0+s14] =	stream.strided.scatter [tilespmem:s6], [sflag:$0x4], $0x400, s25, s14, $0x38;
	[tilespmem:$0x1CF00] =	vst v63  }
0x222: {  	_ =	swait.ge [sflag:s19], $0x400  }
0x223: {  	s21 =	sld [smem:$0x7FA];
	_ =	sdelay $0x2  }
0x224: {  	[sflag:s19] =	ssyncset.done $0x0;
	p0 =	seq.s32 s21, $0x1  }
0x225: {  	[sflag:s19] =	ssyncadd.s32 $0xFFFFFC00;
	s0 =	simm.s32 @!p0 $0x1  }
0x226: {  	_ =	swait.ge @!p0 [sflag:s0], $0x30E0  }
0x227: {  	s22 =	sld [smem:$0x7C7];
	_ =	sdelay $0x1  }
0x228: {  	[sflag:s0] =	ssyncset.done @!p0 $0x0  }
0x229: {  	[sflag:s0] =	ssyncadd.s32 @!p0 $0xFFFFCF20;
	p0 =	seq.s32 s22, $0x1  }
0x22a: {  	s0 =	simm.s32 @p0 $0x1  }
0x22b: {  	_ =	swait.ge @p0 [sflag:s0], $0x30E0  }
0x22c: {  	[sflag:s0] =	ssyncset.done @p0 $0x0  }
0x22d: {  	[sflag:s0] =	ssyncadd.s32 @p0 $0xFFFFCF20;
	s0 =	simm.s32 @p6 $0x1  }
0x22e: {  	_ =	swait.ge @p6 [sflag:s0], $0x30E0  }
0x22f: {  	[sflag:s0] =	ssyncset.done @p6 $0x0  }
0x230: {  	[sflag:s0] =	ssyncadd.s32 @p6 $0xFFFFCF20;
	s0 =	simm.s32 @p5 $0x1  }
0x231: {  	_ =	swait.ge @p5 [sflag:s0], $0x30E0  }
0x232: {  	[sflag:s0] =	ssyncset.done @p5 $0x0  }
0x233: {  	s16 =	sadd.s32 $0x61C00, s16;
	[sflag:s0] =	ssyncadd.s32 @p5 $0xFFFFCF20  }
0x234: {  	p0 =	sne.s32 s16, $0x24A800;
	[bflag:$0x0] =	sbarrier.arrive $0xFFFF  }
.Ltmp5:
0x235: {  	s28 =	sld [smem:$0x7B5];
	(pc) =	sbr.rel @!p0 .LBB3_12-.Ltmp5, $2  }
0x236: {  	s31 =	sld [smem:$0x7B7];
	_ =	sdelay $0x2  }
0x237: {  	s17 =	sadd.s32 $0x10000, s17;
	s0 =	sadd.s32 $0x100, s28;
	s5 =	sadd.s32 $0x8000, s31  }
.LBB3_5:
0x238: {  	s1 =	sld [smem:$0x7EC]  }
0x239: {  	s12 =	sld [smem:$0x7CD];
	_ =	sdelay $0x1  }
0x23a: {  	[smem:$0x7B6] =	sst s17;
	p0 =	seq.s32 s1, $0x1  }
0x23b: {  	s31 =	smov.u32 s0;
	s0 =	sadd.s32 @!p0 s16, s12;
	s8 =	sshrl.u32 @!p0 s18, $0x3  }
0x23c: {  	s1 =	simm.s32 @!p0 $0x1;
	s3 =	simm.s32 @!p0 $0x10;
	s4 =	simm.s32 @!p0 $0x80  }
0x23d: {  	s6 =	simm.s32 @!p0 $0x1E81;
	s0 =	sadd.s32 @!p0 $0x18720, s0;
	[smem:$0x7B1] =	sst s8  }
0x23e: {  	[spmem:s8@s3], [sflag:s6] =	dma.strided @!p0 [hbm:s0@s4], $0x30E0, s1, $0x10   }
0x23f: {  	s0 =	sld [smem:$0x7ED];
	_ =	sdelay $0x2  }
0x240: {  	p3 =	seq.s32 s0, $0x1  }
0x241: {  	s0 =	sadd.s32 @!p3 s16, s12;
	s8 =	sshrl.u32 @!p3 s29, $0x3  }
0x242: {  	s1 =	simm.s32 @!p3 $0x1;
	s3 =	simm.s32 @!p3 $0x10;
	s4 =	simm.s32 @!p3 $0x80  }
0x243: {  	s6 =	simm.s32 @!p3 $0x1EC1;
	s0 =	sadd.s32 @!p3 $0x18730, s0;
	[smem:$0x7B2] =	sst s8  }
0x244: {  	[spmem:s8@s3], [sflag:s6] =	dma.strided @!p3 [hbm:s0@s4], $0x30E0, s1, $0x10   }
0x245: {  	s0 =	sld [smem:$0x7EE];
	_ =	sdelay $0x2  }
0x246: {  	p4 =	seq.s32 s0, $0x1  }
0x247: {  	p2 =	seq.s32 @!p4 s10, $0x8  }
0x248: {  	p1 =	por !p2, p4  }
0x249: {  	s0 =	simm.s32 @!p1 $0x0;
	s8 =	sshrl.u32 @!p1 s20, $0x3  }
0x24a: {  	s1 =	simm.s32 @!p1 $0x1;
	s3 =	simm.s32 @!p1 $0x10;
	s0 =	simm.s32 @p1 $0x1  }
0x24b: {  	s4 =	simm.s32 @!p1 $0x80;
	[smem:$0x7BC] =	sst s0;
	s0 =	sadd.s32 @!p1 s16, s12  }
0x24c: {  	s6 =	simm.s32 @!p1 $0x1E01;
	[smem:$0x7B3] =	sst s8;
	s0 =	sadd.s32 @!p1 $0x18700, s0  }
0x24d: {  	[spmem:s8@s3], [sflag:s6] =	dma.strided @!p1 [hbm:s0@s4], $0x30E0, s1, $0x10   }
0x24e: {  	p1 =	por p2, p4  }
0x24f: {  	p1 =	seq.s32 @!p1 s10, $0x9  }
0x250: {  	p1 =	por @!p4 !p1, p2  }
0x251: {  	s0 =	simm.s32 @!p1 $0x0  }
0x252: {  	p2 =	por p1, p4;
	s0 =	simm.s32 @p1 $0x1  }
0x253: {  	s8 =	sshrl.u32 @!p2 s26, $0x3;
	s1 =	simm.s32 @!p2 $0x1;
	s3 =	simm.s32 @!p2 $0x10  }
0x254: {  	s4 =	simm.s32 @!p2 $0x80;
	[smem:$0x7B9] =	sst s0;
	s0 =	sadd.s32 @!p2 s16, s12  }
0x255: {  	s6 =	simm.s32 @!p2 $0x1E41;
	[smem:$0x7B4] =	sst s8;
	s0 =	sadd.s32 @!p2 $0x18710, s0  }
0x256: {  	[spmem:s8@s3], [sflag:s6] =	dma.strided @!p2 [hbm:s0@s4], $0x30E0, s1, $0x10   }
0x257: {  	s2 =	sadd.s32 $0xFFFFFF80, s31;
	s3 =	sadd.s32 $0xFFFFC000, s5  }
0x258: {  	s0 =	sand.u32 $0x380, s2;
	s1 =	sand.u32 $0xE0000, s3  }
0x259: {  	s4 =	rddreg [dreg:$0x14];
	s0 =	sor.u32 s1, s0  }
0x25a: {  	[smem:$0x7B7] =	sst s5;
	s0 =	sor.u32 s4, s0  }
0x25b: {  	s5 =	rddreg [dreg:$0x1];
	s0 =	sshrl.u32 s0, $0x3  }
0x25c: {  	p1 =	seq.s32 s16, $0x0;
	s0 =	sadd.s32 s5, s0  }
0x25d: {  	[tilespmem:s7], [sflag:$0x2] =	stream.strided.gather [hbm4b:s0+s14], $0x400, s25, s14, $0x38;
	[tilespmem:$0x1CF00] =	vst v63  }
0x25e: {  	[smem:$0x7B5] =	sst s31;
	s0 =	simm.s32 @!p1 $0x4  }
0x25f: {  	s17 =	sld [smem:$0x7B6];
	_ =	swait.ge @!p1 [sflag:s0], $0x400  }
0x260: {  	[sflag:s0] =	ssyncset.done @!p1 $0x0  }
0x261: {  	[sflag:s0] =	ssyncadd.s32 @!p1 $0xFFFFFC00  }
0x262: {  	_ =	swait.ge @!p1 [sflag:s0], $0x400  }
0x263: {  	[sflag:s0] =	ssyncset.done @!p1 $0x0  }
0x264: {  	[sflag:s0] =	ssyncadd.s32 @!p1 $0xFFFFFC00  }
0x265: {  	_ =	swait.ge @!p1 [sflag:s0], $0x400  }
0x266: {  	[sflag:s0] =	ssyncset.done @!p1 $0x0  }
0x267: {  	[sflag:s0] =	ssyncadd.s32 @!p1 $0xFFFFFC00  }
0x268: {  	s1 =	simm.s32 @!p1 $0x0;
	_ =	swait.ge @!p1 [sflag:s0], $0x400  }
0x269: {  	s1 =	simm.s32 @p1 $0x1;
	[sflag:s0] =	ssyncset.done @!p1 $0x0  }
0x26a: {  	[smem:$0x7B8] =	sst s1;
	[sflag:s0] =	ssyncadd.s32 @!p1 $0xFFFFFC00  }
0x26b: {  	s6 =	simm.s32 $0x18700;
	s7 =	simm.s32 $0x18F00;
	s8 =	rddreg [dreg:$0x3]  }
0x26c: {  	[tilespmem:s7], [sflag:$0x3] =	stream.indirect.gather [spmem:s8], $0x1, s6, s25, $0xb8;
	[tilespmem:$0x1CF00] =	vst v63  }
0x26d: {  	s12 =	simm.s32 $0x19300;
	s13 =	rddreg [dreg:$0x4]  }
0x26e: {  	[tilespmem:s12], [sflag:$0x3] =	stream.indirect.gather [spmem:s13], $0x1, s6, s25, $0xb8;
	[tilespmem:$0x1CF00] =	vst v63  }
0x26f: {  	s19 =	simm.s32 $0x19700;
	s21 =	rddreg [dreg:$0x5]  }
0x270: {  	[tilespmem:s19], [sflag:$0x3] =	stream.indirect.gather [spmem:s21], $0x1, s6, s25, $0xb8;
	[tilespmem:$0x1CF00] =	vst v63  }
0x271: {  	s22 =	simm.s32 $0x19B00;
	s28 =	rddreg [dreg:$0x6]  }
0x272: {  	[tilespmem:s22], [sflag:$0x3] =	stream.indirect.gather [spmem:s28], $0x1, s6, s25, $0xb8;
	[tilespmem:$0x1CF00] =	vst v63  }
0x273: {  	_ =	swait.ge [sflag:s30], $0x400  }
0x274: {  	[sflag:s30] =	ssyncset.done $0x0  }
0x275: {  	[sflag:s30] =	ssyncadd.s32 $0xFFFFFC00  }
0x276: {  	_ =	swait.ge [sflag:s30], $0x400  }
0x277: {  	[sflag:s30] =	ssyncset.done $0x0  }
0x278: {  	[sflag:s30] =	ssyncadd.s32 $0xFFFFFC00  }
0x279: {  	_ =	swait.ge [sflag:s30], $0x400  }
0x27a: {  	[sflag:s30] =	ssyncset.done $0x0  }
0x27b: {  	[sflag:s30] =	ssyncadd.s32 $0xFFFFFC00  }
0x27c: {  	_ =	swait.ge [sflag:s30], $0x400  }
0x27d: {  	s31 =	sld [smem:$0x7E2]  }
0x27e: {  	p5 =	por $0x0, $0x0;
	p6 =	por @!p0 $0x0, $0x0;
	p4 =	por @!p3 $0x0, $0x0  }
0x27f: {  	p3 =	por @!p3 $0x1, $0x1;
	[sflag:s30] =	ssyncset.done $0x0;
	s8 =	sld [smem:$0x7EF]  }
0x280: {  	s13 =	sld [smem:$0x7B9];
	[sflag:s30] =	ssyncadd.s32 $0xFFFFFC00;
	s0 =	sadd.s32 s17, s31  }
0x281: {  	[hbm4b:s0+s14] =	stream.strided.scatter [tilespmem:s7], [sflag:$0x4], $0x400, s25, s14, $0x38;
	[tilespmem:$0x1CF00] =	vst v63  }
0x282: {  	p1 =	seq.s32 s8, $0x1;
	s2 =	sadd.s32 $0x10, s0;
	s6 =	sadd.s32 $0x20, s0  }
0x283: {  	s7 =	sadd.s32 $0x30, s0;
	p4 =	por @!p1 p5, p5;
	p3 =	por @!p1 p5, p5  }
0x284: {  	[hbm4b:s2+s14] =	stream.strided.scatter [tilespmem:s12], [sflag:$0x4], $0x400, s25, s14, $0x38;
	[tilespmem:$0x1CF00] =	vst v63  }
0x285: {  	p1 =	por @!p0 $0x1, $0x1;
	p5 =	por p4, p4;
	s12 =	sld [smem:$0x7EE]  }
0x286: {  	p3 =	por @!p0 p6, p6;
	p4 =	por @!p0 p1, p1;
	p5 =	por @!p0 p6, p6  }
0x287: {  	[hbm4b:s6+s14] =	stream.strided.scatter [tilespmem:s19], [sflag:$0x4], $0x400, s25, s14, $0x38;
	[tilespmem:$0x1CF00] =	vst v63  }
0x288: {  	p6 =	seq.s32 s13, $0x1;
	s19 =	sld [smem:$0x7BC];
	p1 =	seq.s32 s12, $0x1  }
0x289: {  	[hbm4b:s7+s14] =	stream.strided.scatter [tilespmem:s22], [sflag:$0x4], $0x400, s25, s14, $0x38;
	[tilespmem:$0x1CF00] =	vst v63  }
0x28a: {  	p0 =	por @!p2 $0x1, $0x1;
	p1 =	por !p6, p1;
	p6 =	por $0x0, $0x0  }
0x28b: {  	p0 =	por @!p1 p6, p6;
	p6 =	seq.s32 s19, $0x1  }
0x28c: {  	s21 =	sld [smem:$0x7BC];
	p6 =	por @!p6 $0x0, $0x0  }
0x28d: {  	s28 =	sld [smem:$0x7EE];
	s1 =	simm.s32 @!p6 $0x0  }
0x28e: {  	s31 =	sld [smem:$0x7F9];
	s1 =	simm.s32 @p6 $0x1  }
0x28f: {  	[smem:$0x7BD] =	sst s1  }
0x290: {  	s1 =	simm.s32 @!p2 $0x0;
	s22 =	sld [smem:$0x7BD]  }
0x291: {  	p6 =	por $0x0, $0x0;
	s1 =	simm.s32 @p2 $0x1;
	p2 =	por @!p2 $0x0, $0x0  }
0x292: {  	[smem:$0x7BA] =	sst s1;
	s1 =	simm.s32 @!p1 $0x0;
	p2 =	por @!p1 p6, p6  }
0x293: {  	s1 =	simm.s32 @p1 $0x1;
	p1 =	seq.s32 s21, $0x1;
	p6 =	seq.s32 s22, $0x1  }
0x294: {  	p0 =	por @!p1 p6, p6;
	p2 =	por @!p1 p6, p6;
	p1 =	seq.s32 s28, $0x1  }
0x295: {  	p5 =	por @!p1 p0, p0  }
0x296: {  	[smem:$0x7BB] =	sst s1;
	s1 =	simm.s32 @!p5 $0x0  }
0x297: {  	p0 =	sne.s32 s31, $0x4;
	p3 =	por @!p1 p2, p2;
	s1 =	simm.s32 @p5 $0x1  }
.Ltmp6:
0x298: {  	[smem:$0x7BE] =	sst s1;
	s1 =	simm.s32 @!p3 $0x0;
	(pc) =	sbr.rel @p0 .LBB3_7-.Ltmp6, $4  }
0x299: {  	p4 =	por @!p1 p2, p2;
	s1 =	simm.s32 @p3 $0x1  }
0x29a: {  	[smem:$0x7BF] =	sst s1;
	s1 =	simm.s32 @!p4 $0x0  }
0x29b: {  	s1 =	simm.s32 @p4 $0x1  }
0x29c: {  	[smem:$0x7C0] =	sst s1  }
0x29d: {  	s1 =	simm.s32 $0x1  }
.Ltmp7:
0x29e: {  	_ =	swait.ge [sflag:s1], $0x30E0;
	(pc) =	sbr.rel .LBB3_8-.Ltmp7, $4  }
0x29f: {  	p0 =	por $0x0, $0x0;
	[sflag:s1] =	ssyncset.done $0x0  }
0x2a0: {  	[sflag:s1] =	ssyncadd.s32 $0xFFFFCF20;
	s1 =	simm.s32 @!p0 $0x0  }
0x2a1: {  	p1 =	por $0x0, $0x0;
	[bflag:$0x0] =	sbarrier.arrive $0xFFFF;
	s1 =	simm.s32 @p0 $0x1  }
0x2a2: {  	p3 =	por $0x0, $0x0;
	p2 =	por $0x0, $0x0;
	[smem:$0x7B0] =	sst s1  }
.LBB3_7:
0x2a3: {  	p4 =	sgt.s32 s10, $0xD  }
0x2a4: {  	[bflag:$0x0] =	sbarrier.arrive $0xFFFF;
	p0 =	seq.s32 @p4 s10, $0xE  }
0x2a5: {  	s5 =	sld [smem:$0x7CD];
	p6 =	seq.s32 @!p4 s10, $0xC;
	p2 =	por !p0, !p4  }
0x2a6: {  	p1 =	por p0, !p4;
	s3 =	sshrl.u32 @!p2 s15, $0x3;
	s4 =	simm.s32 @!p2 $0x1  }
0x2a7: {  	s6 =	simm.s32 @!p2 $0x10;
	s7 =	simm.s32 @!p2 $0x80;
	p1 =	seq.s32 @!p1 s10, $0xF  }
0x2a8: {  	s8 =	simm.s32 @!p2 $0x1F81;
	s1 =	sadd.s32 @!p2 s16, s5;
	p0 =	por @p4 !p1, p0  }
0x2a9: {  	p1 =	por p6, p4;
	s1 =	sadd.s32 @!p2 $0x18760, s1;
	p3 =	por p0, !p4  }
0x2aa: {  	[spmem:s3@s6], [sflag:s8] =	dma.strided @!p2 [hbm:s1@s7], $0x30E0, s4, $0x10   }
0x2ab: {  	p1 =	seq.s32 @!p1 s10, $0xD;
	s1 =	sadd.s32 @!p3 s16, s5  }
0x2ac: {  	s3 =	sshrl.u32 @!p3 s11, $0x3;
	s4 =	simm.s32 @!p3 $0x1;
	s6 =	simm.s32 @!p3 $0x10  }
0x2ad: {  	s7 =	simm.s32 @!p3 $0x80;
	s8 =	simm.s32 @!p3 $0x1FC1;
	s1 =	sadd.s32 @!p3 $0x18770, s1  }
0x2ae: {  	[spmem:s3@s6], [sflag:s8] =	dma.strided @!p3 [hbm:s1@s7], $0x30E0, s4, $0x10   }
0x2af: {  	s1 =	simm.s32 @!p1 $0x0  }
0x2b0: {  	s1 =	simm.s32 @p1 $0x1  }
0x2b1: {  	[smem:$0x7A8] =	sst s1  }
0x2b2: {  	s1 =	sld [smem:$0x7A8];
	_ =	sdelay $0x2  }
0x2b3: {  	p1 =	por !p0, !p4;
	p0 =	seq.s32 s1, $0x1  }
0x2b4: {  	p0 =	por @!p4 !p0, p6  }
0x2b5: {  	p5 =	por @!p3 $0x1, $0x1;
	s1 =	simm.s32 @!p0 $0x0  }
0x2b6: {  	p3 =	por @!p3 $0x0, $0x0;
	s1 =	simm.s32 @p0 $0x1;
	p0 =	por !p6, p4  }
0x2b7: {  	p6 =	por $0x0, $0x0;
	[smem:$0x7A9] =	sst s1;
	s1 =	sadd.s32 @!p0 s16, s5  }
0x2b8: {  	s3 =	sshrl.u32 @!p0 s24, $0x3;
	s4 =	simm.s32 @!p0 $0x1;
	s6 =	simm.s32 @!p0 $0x10  }
0x2b9: {  	s7 =	simm.s32 @!p0 $0x80;
	s8 =	simm.s32 @!p0 $0x1F01;
	s1 =	sadd.s32 @!p0 $0x18740, s1  }
0x2ba: {  	[spmem:s3@s6], [sflag:s8] =	dma.strided @!p0 [hbm:s1@s7], $0x30E0, s4, $0x10   }
0x2bb: {  	p3 =	por @!p1 p6, p6;
	s11 =	sld [smem:$0x7A9]  }
0x2bc: {  	p5 =	por @!p1 p6, p6;
	p1 =	por @!p2 $0x0, $0x0;
	s1 =	simm.s32 @!p3 $0x0  }
0x2bd: {  	p5 =	por @!p2 p1, p1;
	s1 =	simm.s32 @p3 $0x1  }
0x2be: {  	[smem:$0x7AF] =	sst s1;
	s1 =	simm.s32 @!p5 $0x0;
	p6 =	seq.s32 s11, $0x1  }
0x2bf: {  	s1 =	simm.s32 @p5 $0x1;
	p5 =	por !p6, p4  }
0x2c0: {  	[smem:$0x7AE] =	sst s1;
	p3 =	por p6, p4;
	s1 =	simm.s32 @!p5 $0x0  }
0x2c1: {  	s12 =	sld [smem:$0x7AF];
	p1 =	por @!p3 $0x0, $0x0;
	s1 =	simm.s32 @p5 $0x1  }
0x2c2: {  	[smem:$0x7AB] =	sst s1;
	s1 =	simm.s32 @!p1 $0x0  }
0x2c3: {  	s1 =	simm.s32 @p1 $0x1;
	s13 =	sld [smem:$0x7AB]  }
0x2c4: {  	p6 =	seq.s32 s12, $0x1;
	p1 =	por @!p2 $0x0, $0x0;
	[smem:$0x7AA] =	sst s1  }
0x2c5: {  	p6 =	por @!p2 p1, p1;
	s15 =	sld [smem:$0x7AA]  }
0x2c6: {  	s1 =	simm.s32 @!p6 $0x0  }
0x2c7: {  	s1 =	simm.s32 @p6 $0x1  }
0x2c8: {  	p6 =	por $0x0, $0x0;
	p1 =	seq.s32 s13, $0x1;
	p5 =	seq.s32 s15, $0x1  }
0x2c9: {  	s19 =	sld [smem:$0x7AF];
	p5 =	por @!p1 p6, p6  }
0x2ca: {  	[smem:$0x7AD] =	sst s1;
	s1 =	simm.s32 @!p5 $0x0  }
0x2cb: {  	s1 =	simm.s32 @p5 $0x1  }
0x2cc: {  	[smem:$0x7AA] =	sst s1  }
0x2cd: {  	p6 =	por @!p2 $0x1, $0x1;
	p1 =	seq.s32 s19, $0x1;
	s21 =	sld [smem:$0x7AA]  }
0x2ce: {  	p1 =	por @!p2 p6, p6  }
0x2cf: {  	s3 =	sshrl.u32 @!p3 s9, $0x3;
	s1 =	simm.s32 @!p1 $0x0  }
0x2d0: {  	s4 =	simm.s32 @!p3 $0x1;
	s1 =	simm.s32 @p1 $0x1;
	p1 =	seq.s32 s21, $0x1  }
0x2d1: {  	s6 =	simm.s32 @!p3 $0x10;
	[smem:$0x7AF] =	sst s1;
	s1 =	simm.s32 @!p1 $0x0  }
0x2d2: {  	s7 =	simm.s32 @!p3 $0x80;
	s22 =	sld [smem:$0x7AB];
	s1 =	simm.s32 @p1 $0x1  }
0x2d3: {  	s8 =	simm.s32 @!p3 $0x1F41;
	[smem:$0x7AC] =	sst s1;
	s1 =	sadd.s32 @!p3 s16, s5  }
0x2d4: {  	p6 =	por @!p3 $0x1, $0x1;
	s24 =	sld [smem:$0x7AC];
	s1 =	sadd.s32 @!p3 $0x18750, s1  }
0x2d5: {  	[spmem:s3@s6], [sflag:s8] =	dma.strided @!p3 [hbm:s1@s7], $0x30E0, s4, $0x10   }
0x2d6: {  	p2 =	seq.s32 s22, $0x1;
	p5 =	por $0x0, $0x0;
	s1 =	sld [smem:$0x7AD]  }
0x2d7: {  	p6 =	por @!p2 p5, p5;
	p5 =	por @!p0 $0x0, $0x0  }
0x2d8: {  	p6 =	por @!p0 p5, p5;
	p2 =	seq.s32 s24, $0x1  }
0x2d9: {  	p2 =	por @!p0 p5, p5;
	p5 =	por @!p0 $0x1, $0x1;
	p3 =	seq.s32 s1, $0x1  }
0x2da: {  	s31 =	sld [smem:$0x7AF];
	p1 =	por @!p0 p5, p5;
	p0 =	por p3, p3  }
0x2db: {  	s28 =	sld [smem:$0x7AE];
	p0 =	por @!p4 p6, p6  }
0x2dc: {  	s1 =	simm.s32 @!p0 $0x0  }
0x2dd: {  	s1 =	simm.s32 @p0 $0x1;
	p0 =	seq.s32 s31, $0x1  }
0x2de: {  	p3 =	por @!p4 p1, p1;
	p1 =	seq.s32 s28, $0x1;
	p0 =	por @!p4 p2, p2  }
0x2df: {  	p1 =	por @!p4 p2, p2;
	[smem:$0x7B0] =	sst s1;
	p2 =	por p0, p0  }
.LBB3_8:
0x2e0: {  	s1 =	simm.s32 @!p2 $0x0  }
0x2e1: {  	s4 =	sld [smem:$0x7B8];
	s1 =	simm.s32 @p2 $0x1  }
0x2e2: {  	[smem:$0x7AF] =	sst s1;
	s1 =	simm.s32 @!p3 $0x0  }
0x2e3: {  	s1 =	simm.s32 @p3 $0x1  }
0x2e4: {  	[smem:$0x7AD] =	sst s1;
	s1 =	simm.s32 @!p1 $0x0  }
0x2e5: {  	p5 =	seq.s32 s4, $0x1;
	s1 =	simm.s32 @p1 $0x1  }
0x2e6: {  	s8 =	simm.s32 @!p5 $0x4;
	[smem:$0x7AE] =	sst s1  }
0x2e7: {  	_ =	swait.ge @!p5 [sflag:s8], $0x400  }
0x2e8: {  	[sflag:s8] =	ssyncset.done @!p5 $0x0  }
0x2e9: {  	[sflag:s8] =	ssyncadd.s32 @!p5 $0xFFFFFC00  }
0x2ea: {  	_ =	swait.ge @!p5 [sflag:s8], $0x400  }
0x2eb: {  	[sflag:s8] =	ssyncset.done @!p5 $0x0  }
0x2ec: {  	[sflag:s8] =	ssyncadd.s32 @!p5 $0xFFFFFC00  }
0x2ed: {  	_ =	swait.ge @!p5 [sflag:s8], $0x400  }
0x2ee: {  	[sflag:s8] =	ssyncset.done @!p5 $0x0  }
0x2ef: {  	[sflag:s8] =	ssyncadd.s32 @!p5 $0xFFFFFC00  }
0x2f0: {  	_ =	swait.ge @!p5 [sflag:s8], $0x400  }
0x2f1: {  	[sflag:s8] =	ssyncset.done @!p5 $0x0  }
0x2f2: {  	[sflag:s8] =	ssyncadd.s32 @!p5 $0xFFFFFC00  }
0x2f3: {  	s3 =	simm.s32 $0x18700;
	s5 =	simm.s32 $0x19F00;
	s2 =	rddreg [dreg:$0x7]  }
0x2f4: {  	[tilespmem:s5], [sflag:$0x3] =	stream.indirect.gather [spmem:s2], $0x1, s3, s25, $0xb8;
	[tilespmem:$0x1CF00] =	vst v63  }
0x2f5: {  	s6 =	simm.s32 $0x1A300;
	s4 =	rddreg [dreg:$0x8]  }
0x2f6: {  	[tilespmem:s6], [sflag:$0x3] =	stream.indirect.gather [spmem:s4], $0x1, s3, s25, $0xb8;
	[tilespmem:$0x1CF00] =	vst v63  }
0x2f7: {  	s9 =	simm.s32 $0x1A700  }
0x2f8: {  	[tilespmem:s9], [sflag:$0x3] =	stream.indirect.gather [spmem:s23], $0x1, s3, s25, $0xb8;
	[tilespmem:$0x1CF00] =	vst v63  }
0x2f9: {  	s11 =	simm.s32 $0x1AB00;
	s24 =	rddreg [dreg:$0xa]  }
0x2fa: {  	[tilespmem:s11], [sflag:$0x3] =	stream.indirect.gather [spmem:s24], $0x1, s3, s25, $0xb8;
	[tilespmem:$0x1CF00] =	vst v63  }
0x2fb: {  	_ =	swait.ge [sflag:s30], $0x400  }
0x2fc: {  	[sflag:s30] =	ssyncset.done $0x0  }
0x2fd: {  	[sflag:s30] =	ssyncadd.s32 $0xFFFFFC00  }
0x2fe: {  	_ =	swait.ge [sflag:s30], $0x400  }
0x2ff: {  	[sflag:s30] =	ssyncset.done $0x0  }
0x300: {  	[sflag:s30] =	ssyncadd.s32 $0xFFFFFC00  }
0x301: {  	_ =	swait.ge [sflag:s30], $0x400  }
0x302: {  	[sflag:s30] =	ssyncset.done $0x0  }
0x303: {  	[sflag:s30] =	ssyncadd.s32 $0xFFFFFC00  }
0x304: {  	s7 =	simm.s32 $0x19F00;
	_ =	swait.ge [sflag:s30], $0x400  }
0x305: {  	s13 =	sadd.s32 $0x40, s0;
	s15 =	sadd.s32 $0x50, s0;
	[sflag:s30] =	ssyncset.done $0x0  }
0x306: {  	s19 =	sadd.s32 $0x60, s0;
	p0 =	sne.s32 s10, $0x8;
	[sflag:s30] =	ssyncadd.s32 $0xFFFFFC00  }
0x307: {  	[hbm4b:s13+s14] =	stream.strided.scatter [tilespmem:s7], [sflag:$0x4], $0x400, s25, s14, $0x38;
	[tilespmem:$0x1CF00] =	vst v63  }
0x308: {  	s21 =	sadd.s32 $0x70, s0;
	s0 =	simm.s32 @!p0 $0x0;
	s6 =	simm.s32 $0x1A300  }
0x309: {  	[hbm4b:s15+s14] =	stream.strided.scatter [tilespmem:s6], [sflag:$0x4], $0x400, s25, s14, $0x38;
	[tilespmem:$0x1CF00] =	vst v63  }
0x30a: {  	s0 =	simm.s32 @p0 $0x1;
	s5 =	simm.s32 $0x1A700  }
0x30b: {  	[hbm4b:s19+s14] =	stream.strided.scatter [tilespmem:s5], [sflag:$0x4], $0x400, s25, s14, $0x38;
	[tilespmem:$0x1CF00] =	vst v63  }
0x30c: {  	s12 =	simm.s32 $0x1AB00;
	[smem:$0x78F] =	sst s0;
	s0 =	simm.s32 @!p0 $0x1  }
0x30d: {  	[hbm4b:s21+s14] =	stream.strided.scatter [tilespmem:s12], [sflag:$0x4], $0x400, s25, s14, $0x38;
	[tilespmem:$0x1CF00] =	vst v63  }
0x30e: {  	_ =	swait.ge @!p0 [sflag:s0], $0x30E0  }
0x30f: {  	s22 =	sld [smem:$0x7BE];
	_ =	sdelay $0x1  }
0x310: {  	[sflag:s0] =	ssyncset.done @!p0 $0x0  }
0x311: {  	[sflag:s0] =	ssyncadd.s32 @!p0 $0xFFFFCF20;
	s0 =	simm.s32 @!p0 $0x1;
	p0 =	seq.s32 s22, $0x1  }
0x312: {  	[smem:$0x78E] =	sst s0;
	s0 =	simm.s32 @p0 $0x1  }
0x313: {  	_ =	swait.ge @p0 [sflag:s0], $0x30E0  }
0x314: {  	s23 =	sld [smem:$0x7C0];
	_ =	sdelay $0x1  }
0x315: {  	[sflag:s0] =	ssyncset.done @p0 $0x0  }
0x316: {  	[sflag:s0] =	ssyncadd.s32 @p0 $0xFFFFCF20;
	s0 =	simm.s32 @p0 $0x1;
	p4 =	seq.s32 s23, $0x1  }
0x317: {  	[smem:$0x789] =	sst s0;
	s0 =	simm.s32 @p4 $0x1  }
0x318: {  	_ =	swait.ge @p4 [sflag:s0], $0x30E0  }
0x319: {  	s28 =	sld [smem:$0x7BF];
	_ =	sdelay $0x2  }
0x31a: {  	p6 =	seq.s32 s28, $0x1  }
0x31b: {  	p0 =	sne.s32 @!p6 s10, $0x0  }
0x31c: {  	[sflag:s0] =	ssyncset.done @p4 $0x0;
	p0 =	por p0, p6  }
0x31d: {  	[sflag:s0] =	ssyncadd.s32 @p4 $0xFFFFCF20;
	s0 =	simm.s32 @!p0 $0x0  }
0x31e: {  	s0 =	simm.s32 @p0 $0x1  }
0x31f: {  	[smem:$0x791] =	sst s0  }
0x320: {  	[bflag:$0x0] =	sbarrier.arrive @!p6 $0xFFFF  }
0x321: {  	s15 =	sld [smem:$0x7CD]  }
0x322: {  	s7 =	rddreg [dreg:$0x3]  }
0x323: {  	s4 =	simm.s32 @!p0 $0x1;
	s5 =	simm.s32 @!p0 $0x10;
	s1 =	sshrl.u32 @!p0 s7, $0x3  }
0x324: {  	s6 =	simm.s32 @!p0 $0x80;
	[smem:$0x792] =	sst s1;
	s0 =	sadd.s32 @!p0 s16, s15  }
0x325: {  	s9 =	simm.s32 @!p0 $0x1C01;
	[smem:$0x790] =	sst s0;
	s0 =	sadd.s32 @!p0 $0x30E00, s0  }
0x326: {  	[spmem:s1@s5], [sflag:s9] =	dma.strided @!p0 [hbm:s0@s6], $0x30E0, s4, $0x10   }
0x327: {  	s0 =	simm.s32 @!p0 $0x1C01  }
0x328: {  	[smem:$0x794] =	sst s0;
	s0 =	simm.s32 @!p0 $0x80  }
0x329: {  	[smem:$0x796] =	sst s0;
	s0 =	simm.s32 @!p0 $0x10  }
0x32a: {  	[smem:$0x793] =	sst s0;
	s0 =	simm.s32 @!p0 $0x1  }
0x32b: {  	[smem:$0x795] =	sst s0;
	s0 =	simm.s32 @p6 $0x1  }
0x32c: {  	_ =	swait.ge @p6 [sflag:s0], $0x30E0  }
0x32d: {  	[sflag:s0] =	ssyncset.done @p6 $0x0  }
0x32e: {  	[sflag:s0] =	ssyncadd.s32 @p6 $0xFFFFCF20  }
0x32f: {  	[bflag:$0x0] =	sbarrier.arrive @p6 $0xFFFF  }
0x330: {  	s31 =	sld [smem:$0x7C7];
	_ =	sdelay $0x2  }
0x331: {  	p0 =	seq.s32 s31, $0x1  }
0x332: {  	s4 =	rddreg [dreg:$0x4];
	s1 =	sadd.s32 @p0 s16, s15  }
0x333: {  	s5 =	sshrl.u32 @p0 s4, $0x3;
	[smem:$0x797] =	sst s1  }
0x334: {  	s6 =	simm.s32 @p0 $0x10;
	[smem:$0x798] =	sst s5  }
0x335: {  	s0 =	sshll.u32 @p0 s10, $0x6;
	s9 =	simm.s32 @p0 $0x80;
	[smem:$0x79B] =	sst s6  }
0x336: {  	s0 =	sor.u32 @p0 $0x1C01, s0;
	[smem:$0x799] =	sst s9  }
0x337: {  	s21 =	simm.s32 @p0 $0x1;
	s1 =	sadd.s32 @p0 $0x30E10, s1;
	[smem:$0x79A] =	sst s0  }
0x338: {  	[spmem:s5@s6], [sflag:s0] =	dma.strided @p0 [hbm:s1@s9], $0x30E0, s21, $0x10   }
0x339: {  	s0 =	sld [smem:$0x7C6];
	_ =	sdelay $0x2  }
0x33a: {  	p0 =	seq.s32 s0, $0x1  }
0x33b: {  	s12 =	rddreg [dreg:$0x5];
	s1 =	sadd.s32 @p0 s16, s15;
	s0 =	sshll.u32 @p0 s10, $0x6  }
0x33c: {  	s5 =	sshrl.u32 @p0 s12, $0x3;
	s6 =	simm.s32 @p0 $0x1;
	[smem:$0x79D] =	sst s1  }
0x33d: {  	s9 =	simm.s32 @p0 $0x10;
	s0 =	sor.u32 @p0 $0x1C01, s0;
	[smem:$0x79F] =	sst s5  }
0x33e: {  	s11 =	simm.s32 @p0 $0x80;
	s1 =	sadd.s32 @p0 $0x30E20, s1;
	[smem:$0x79E] =	sst s0  }
0x33f: {  	[spmem:s5@s9], [sflag:s0] =	dma.strided @p0 [hbm:s1@s11], $0x30E0, s6, $0x10   }
0x340: {  	s1 =	sld [smem:$0x7CA]  }
0x341: {  	s0 =	simm.s32 @p0 $0x80  }
0x342: {  	[smem:$0x7A1] =	sst s0  }
0x343: {  	s0 =	simm.s32 @p0 $0x10;
	s31 =	rddreg [dreg:$0x6];
	p0 =	seq.s32 s1, $0x1  }
0x344: {  	[smem:$0x7A0] =	sst s0;
	s1 =	sadd.s32 @p0 s16, s15;
	s0 =	sshll.u32 @p0 s10, $0x6  }
0x345: {  	s5 =	sshrl.u32 @p0 s31, $0x3;
	s22 =	simm.s32 @p0 $0x1;
	[smem:$0x7A3] =	sst s1  }
0x346: {  	s6 =	simm.s32 @p0 $0x10;
	s0 =	sor.u32 @p0 $0x1C01, s0;
	[smem:$0x7A4] =	sst s5  }
0x347: {  	s9 =	simm.s32 @p0 $0x80;
	s1 =	sadd.s32 @p0 $0x30E30, s1;
	[smem:$0x7A6] =	sst s0  }
0x348: {  	[spmem:s5@s6], [sflag:s0] =	dma.strided @p0 [hbm:s1@s9], $0x30E0, s22, $0x10   }
0x349: {  	s1 =	simm.s32 @p0 $0x80  }
0x34a: {  	s0 =	simm.s32 @p0 $0x10;
	[smem:$0x7A5] =	sst s1  }
0x34b: {  	[smem:$0x7A7] =	sst s0  }
0x34c: {  	_ =	swait.ge @!p5 [sflag:s8], $0x400  }
0x34d: {  	[sflag:s8] =	ssyncset.done @!p5 $0x0  }
0x34e: {  	[sflag:s8] =	ssyncadd.s32 @!p5 $0xFFFFFC00  }
0x34f: {  	_ =	swait.ge @!p5 [sflag:s8], $0x400  }
0x350: {  	[sflag:s8] =	ssyncset.done @!p5 $0x0  }
0x351: {  	[sflag:s8] =	ssyncadd.s32 @!p5 $0xFFFFFC00  }
0x352: {  	_ =	swait.ge @!p5 [sflag:s8], $0x400  }
0x353: {  	[sflag:s8] =	ssyncset.done @!p5 $0x0  }
0x354: {  	[sflag:s8] =	ssyncadd.s32 @!p5 $0xFFFFFC00  }
0x355: {  	_ =	swait.ge @!p5 [sflag:s8], $0x400  }
0x356: {  	[sflag:s8] =	ssyncset.done @!p5 $0x0  }
0x357: {  	s5 =	simm.s32 $0x1AF00;
	[sflag:s8] =	ssyncadd.s32 @!p5 $0xFFFFFC00  }
0x358: {  	[tilespmem:s5], [sflag:$0x3] =	stream.indirect.gather [spmem:s20], $0x1, s3, s25, $0xb8;
	[tilespmem:$0x1CF00] =	vst v63  }
0x359: {  	s1 =	simm.s32 $0x1B300  }
0x35a: {  	[tilespmem:s1], [sflag:$0x3] =	stream.indirect.gather [spmem:s26], $0x1, s3, s25, $0xb8;
	[tilespmem:$0x1CF00] =	vst v63  }
0x35b: {  	s11 =	simm.s32 $0x1B700  }
0x35c: {  	[tilespmem:s11], [sflag:$0x3] =	stream.indirect.gather [spmem:s18], $0x1, s3, s25, $0xb8;
	[tilespmem:$0x1CF00] =	vst v63  }
0x35d: {  	s23 =	smov.u32 s20;
	s20 =	simm.s32 $0x1BB00  }
0x35e: {  	[tilespmem:s20], [sflag:$0x3] =	stream.indirect.gather [spmem:s29], $0x1, s3, s25, $0xb8;
	[tilespmem:$0x1CF00] =	vst v63  }
0x35f: {  	_ =	swait.ge [sflag:s30], $0x400  }
0x360: {  	[sflag:s30] =	ssyncset.done $0x0  }
0x361: {  	[sflag:s30] =	ssyncadd.s32 $0xFFFFFC00  }
0x362: {  	_ =	swait.ge [sflag:s30], $0x400  }
0x363: {  	[sflag:s30] =	ssyncset.done $0x0  }
0x364: {  	[sflag:s30] =	ssyncadd.s32 $0xFFFFFC00  }
0x365: {  	_ =	swait.ge [sflag:s30], $0x400  }
0x366: {  	[sflag:s30] =	ssyncset.done $0x0  }
0x367: {  	[sflag:s30] =	ssyncadd.s32 $0xFFFFFC00  }
0x368: {  	_ =	swait.ge [sflag:s30], $0x400  }
0x369: {  	s11 =	sld [smem:$0x7DF];
	_ =	sdelay $0x1  }
0x36a: {  	[sflag:s30] =	ssyncset.done $0x0  }
0x36b: {  	s6 =	simm.s32 $0x1AF00;
	[sflag:s30] =	ssyncadd.s32 $0xFFFFFC00;
	s28 =	sadd.s32 s17, s11  }
0x36c: {  	[hbm4b:s28+s14] =	stream.strided.scatter [tilespmem:s6], [sflag:$0x4], $0x400, s25, s14, $0x38;
	[tilespmem:$0x1CF00] =	vst v63  }
0x36d: {  	s5 =	simm.s32 $0x1B300;
	s0 =	sadd.s32 $0x10, s28  }
0x36e: {  	[hbm4b:s0+s14] =	stream.strided.scatter [tilespmem:s5], [sflag:$0x4], $0x400, s25, s14, $0x38;
	[tilespmem:$0x1CF00] =	vst v63  }
0x36f: {  	s19 =	simm.s32 $0x1B700;
	s17 =	sadd.s32 $0x20, s28  }
0x370: {  	[hbm4b:s17+s14] =	stream.strided.scatter [tilespmem:s19], [sflag:$0x4], $0x400, s25, s14, $0x38;
	[tilespmem:$0x1CF00] =	vst v63  }
0x371: {  	s26 =	simm.s32 $0x1BB00;
	s18 =	sadd.s32 $0x30, s28;
	s0 =	simm.s32 @p3 $0x1  }
0x372: {  	[hbm4b:s18+s14] =	stream.strided.scatter [tilespmem:s26], [sflag:$0x4], $0x400, s25, s14, $0x38;
	[tilespmem:$0x1CF00] =	vst v63  }
0x373: {  	_ =	swait.ge @p3 [sflag:s0], $0x30E0  }
0x374: {  	s19 =	sld [smem:$0x7B0];
	_ =	sdelay $0x1  }
0x375: {  	s13 =	simm.s32 @p4 $0x1;
	[sflag:s0] =	ssyncset.done @p3 $0x0  }
0x376: {  	[sflag:s0] =	ssyncadd.s32 @p3 $0xFFFFCF20;
	s0 =	simm.s32 @p3 $0x1;
	p4 =	seq.s32 s19, $0x1  }
0x377: {  	[smem:$0x78A] =	sst s0;
	s0 =	simm.s32 @!p4 $0x0  }
0x378: {  	s0 =	simm.s32 @p4 $0x1  }
0x379: {  	[smem:$0x7B0] =	sst s0;
	s0 =	simm.s32 @p4 $0x1  }
0x37a: {  	_ =	swait.ge @p4 [sflag:s0], $0x30E0  }
0x37b: {  	[sflag:s0] =	ssyncset.done @p4 $0x0  }
0x37c: {  	[sflag:s0] =	ssyncadd.s32 @p4 $0xFFFFCF20;
	s0 =	simm.s32 @p4 $0x1  }
0x37d: {  	[smem:$0x78B] =	sst s0;
	s0 =	simm.s32 @p2 $0x1  }
0x37e: {  	_ =	swait.ge @p2 [sflag:s0], $0x30E0  }
0x37f: {  	[sflag:s0] =	ssyncset.done @p2 $0x0  }
0x380: {  	[sflag:s0] =	ssyncadd.s32 @p2 $0xFFFFCF20;
	s0 =	simm.s32 @p2 $0x1  }
0x381: {  	[smem:$0x78C] =	sst s0;
	s0 =	simm.s32 @p1 $0x1  }
0x382: {  	_ =	swait.ge @p1 [sflag:s0], $0x30E0  }
0x383: {  	[sflag:s0] =	ssyncset.done @p1 $0x0  }
0x384: {  	[sflag:s0] =	ssyncadd.s32 @p1 $0xFFFFCF20;
	s0 =	simm.s32 @p1 $0x1  }
0x385: {  	[smem:$0x78D] =	sst s0  }
0x386: {  	[bflag:$0x0] =	sbarrier.arrive $0xFFFF  }
0x387: {  	s20 =	sld [smem:$0x7CB];
	_ =	sdelay $0x2  }
0x388: {  	s26 =	smov.u32 s2;
	s0 =	rddreg [dreg:$0x11];
	p4 =	seq.s32 s20, $0x1  }
0x389: {  	s9 =	sadd.s32 @p4 s16, s0;
	s17 =	sshll.u32 @p4 s10, $0x6;
	s5 =	simm.s32 @p4 $0x10  }
0x38a: {  	s20 =	simm.s32 @p4 $0x80;
	s19 =	sadd.s32 @p4 $0x40, s9;
	s17 =	sor.u32 @p4 $0x1C01, s17  }
0x38b: {  	s9 =	smov.u32 s24;
	s24 =	sshrl.u32 @p4 s2, $0x3;
	s2 =	simm.s32 @p4 $0x1  }
0x38c: {  	[spmem:s24@s5], [sflag:s17] =	dma.strided @p4 [hbm:s19@s20], $0x30E0, s2, $0x10   }
0x38d: {  	s2 =	sld [smem:$0x7C9];
	_ =	sdelay $0x2  }
0x38e: {  	p6 =	seq.s32 s2, $0x1  }
0x38f: {  	s2 =	rddreg [dreg:$0x8];
	s5 =	sadd.s32 @p6 s16, s0;
	s17 =	sshll.u32 @p6 s10, $0x6  }
0x390: {  	s20 =	sshrl.u32 @p6 s2, $0x3;
	s24 =	simm.s32 @p6 $0x10;
	s14 =	simm.s32 @p6 $0x80  }
0x391: {  	s5 =	sadd.s32 @p6 $0x50, s5;
	s19 =	sor.u32 @p6 $0x1C01, s17;
	s17 =	simm.s32 @p6 $0x1  }
0x392: {  	[spmem:s20@s24], [sflag:s19] =	dma.strided @p6 [hbm:s5@s14], $0x30E0, s17, $0x10   }
0x393: {  	s24 =	sld [smem:$0x7CC];
	_ =	sdelay $0x2  }
0x394: {  	s18 =	smov.u32 s7;
	p3 =	seq.s32 s24, $0x1  }
0x395: {  	s7 =	rddreg [dreg:$0x9];
	s5 =	sadd.s32 @p3 s16, s0;
	s14 =	sshll.u32 @p3 s10, $0x6  }
0x396: {  	s20 =	sshrl.u32 @p3 s7, $0x3;
	s19 =	simm.s32 @p3 $0x1;
	s24 =	simm.s32 @p3 $0x10  }
0x397: {  	s10 =	simm.s32 @p3 $0x80;
	s5 =	sadd.s32 @p3 $0x60, s5;
	s14 =	sor.u32 @p3 $0x1C01, s14  }
0x398: {  	[spmem:s20@s24], [sflag:s14] =	dma.strided @p3 [hbm:s5@s10], $0x30E0, s19, $0x10   }
0x399: {  	s5 =	sld [smem:$0x7C8];
	_ =	sdelay $0x2  }
0x39a: {  	s6 =	stileid.u32;
	p2 =	seq.s32 s5, $0x1  }
0x39b: {  	s5 =	sadd.s32 @p2 s16, s0;
	s10 =	sshll.u32 @p2 s6, $0x6  }
0x39c: {  	s14 =	sshrl.u32 @p2 s9, $0x3;
	s24 =	simm.s32 @p2 $0x1;
	s20 =	simm.s32 @p2 $0x10  }
0x39d: {  	s11 =	simm.s32 @p2 $0x80;
	s5 =	sadd.s32 @p2 $0x70, s5;
	s10 =	sor.u32 @p2 $0x1C01, s10  }
0x39e: {  	[spmem:s14@s20], [sflag:s10] =	dma.strided @p2 [hbm:s5@s11], $0x30E0, s24, $0x10   }
0x39f: {  	_ =	swait.ge @!p5 [sflag:s8], $0x400  }
0x3a0: {  	[sflag:s8] =	ssyncset.done @!p5 $0x0  }
0x3a1: {  	[sflag:s8] =	ssyncadd.s32 @!p5 $0xFFFFFC00  }
0x3a2: {  	_ =	swait.ge @!p5 [sflag:s8], $0x400  }
0x3a3: {  	[sflag:s8] =	ssyncset.done @!p5 $0x0  }
0x3a4: {  	[sflag:s8] =	ssyncadd.s32 @!p5 $0xFFFFFC00  }
0x3a5: {  	_ =	swait.ge @!p5 [sflag:s8], $0x400  }
0x3a6: {  	[sflag:s8] =	ssyncset.done @!p5 $0x0  }
0x3a7: {  	[sflag:s8] =	ssyncadd.s32 @!p5 $0xFFFFFC00  }
0x3a8: {  	_ =	swait.ge @!p5 [sflag:s8], $0x400  }
0x3a9: {  	s10 =	sld [smem:$0x7FB]  }
0x3aa: {  	[sflag:s8] =	ssyncset.done @!p5 $0x0  }
0x3ab: {  	s7 =	simm.s32 $0x1BF00;
	s11 =	sld [smem:$0x7FC];
	[sflag:s8] =	ssyncadd.s32 @!p5 $0xFFFFFC00  }
0x3ac: {  	[tilespmem:s7], [sflag:$0x3] =	stream.indirect.gather [spmem:s10], $0x1, s3, s25, $0xb8;
	[tilespmem:$0x1CF00] =	vst v63  }
0x3ad: {  	s14 =	rddreg [dreg:$0x10];
	s10 =	simm.s32 $0x1C300  }
0x3ae: {  	[tilespmem:s10], [sflag:$0x3] =	stream.indirect.gather [spmem:s11], $0x1, s3, s25, $0xb8;
	[tilespmem:$0x1CF00] =	vst v63  }
0x3af: {  	s1 =	smov.u32 s4;
	s4 =	sld [smem:$0x7FD];
	s11 =	simm.s32 $0x1C700  }
0x3b0: {  	[tilespmem:s11], [sflag:$0x3] =	stream.indirect.gather [spmem:s14], $0x1, s3, s25, $0xb8;
	[tilespmem:$0x1CF00] =	vst v63  }
0x3b1: {  	s14 =	simm.s32 $0x1CB00  }
0x3b2: {  	[tilespmem:s14], [sflag:$0x3] =	stream.indirect.gather [spmem:s4], $0x1, s3, s25, $0xb8;
	[tilespmem:$0x1CF00] =	vst v63  }
0x3b3: {  	_ =	swait.ge [sflag:s30], $0x400  }
0x3b4: {  	[sflag:s30] =	ssyncset.done $0x0  }
0x3b5: {  	[sflag:s30] =	ssyncadd.s32 $0xFFFFFC00  }
0x3b6: {  	_ =	swait.ge [sflag:s30], $0x400  }
0x3b7: {  	[sflag:s30] =	ssyncset.done $0x0  }
0x3b8: {  	[sflag:s30] =	ssyncadd.s32 $0xFFFFFC00  }
0x3b9: {  	_ =	swait.ge [sflag:s30], $0x400  }
0x3ba: {  	[sflag:s30] =	ssyncset.done $0x0  }
0x3bb: {  	[sflag:s30] =	ssyncadd.s32 $0xFFFFFC00  }
0x3bc: {  	_ =	swait.ge [sflag:s30], $0x400  }
0x3bd: {  	[sflag:s30] =	ssyncset.done $0x0  }
0x3be: {  	s2 =	simm.s32 $0x80;
	s20 =	sadd.s32 $0x40, s28;
	[sflag:s30] =	ssyncadd.s32 $0xFFFFFC00  }
0x3bf: {  	[hbm4b:s20+s2] =	stream.strided.scatter [tilespmem:s7], [sflag:$0x4], $0x400, s25, s2, $0x38;
	[tilespmem:$0x1CF00] =	vst v63  }
0x3c0: {  	s7 =	sadd.s32 $0x50, s28  }
0x3c1: {  	[hbm4b:s7+s2] =	stream.strided.scatter [tilespmem:s10], [sflag:$0x4], $0x400, s25, s2, $0x38;
	[tilespmem:$0x1CF00] =	vst v63  }
0x3c2: {  	s8 =	sadd.s32 $0x60, s28  }
0x3c3: {  	[hbm4b:s8+s2] =	stream.strided.scatter [tilespmem:s11], [sflag:$0x4], $0x400, s25, s2, $0x38;
	[tilespmem:$0x1CF00] =	vst v63  }
0x3c4: {  	s10 =	sadd.s32 $0x70, s28;
	s11 =	simm.s32 $0x2  }
0x3c5: {  	[hbm4b:s10+s2] =	stream.strided.scatter [tilespmem:s14], [sflag:$0x4], $0x400, s25, s2, $0x38;
	[tilespmem:$0x1CF00] =	vst v63  }
0x3c6: {  	_ =	swait.ge [sflag:s11], $0x400  }
0x3c7: {  	s14 =	sld [smem:$0x7FA];
	_ =	sdelay $0x2  }
0x3c8: {  	p5 =	por p0, p0;
	[sflag:s11] =	ssyncset.done $0x0;
	p0 =	seq.s32 s14, $0x1  }
0x3c9: {  	[sflag:s11] =	ssyncadd.s32 $0xFFFFFC00;
	s5 =	simm.s32 @!p0 $0x1  }
0x3ca: {  	_ =	swait.ge @!p0 [sflag:s5], $0x30E0  }
0x3cb: {  	s20 =	sld [smem:$0x7C7];
	_ =	sdelay $0x1  }
0x3cc: {  	[sflag:s5] =	ssyncset.done @!p0 $0x0  }
0x3cd: {  	[smem:$0x79C] =	sst s21;
	[sflag:s5] =	ssyncadd.s32 @!p0 $0xFFFFCF20;
	p0 =	seq.s32 s20, $0x1  }
0x3ce: {  	_ =	swait.ge @p0 [sflag:s21], $0x30E0  }
0x3cf: {  	s28 =	sld [smem:$0x7C7]  }
0x3d0: {  	s7 =	sld [smem:$0x7C7]  }
0x3d1: {  	s8 =	sld [smem:$0x7C6]  }
0x3d2: {  	p0 =	seq.s32 s28, $0x1  }
0x3d3: {  	[sflag:s21] =	ssyncset.done @p0 $0x0;
	p0 =	seq.s32 s7, $0x1  }
0x3d4: {  	[sflag:s21] =	ssyncadd.s32 @p0 $0xFFFFCF20;
	p0 =	seq.s32 s8, $0x1  }
0x3d5: {  	s5 =	simm.s32 @p0 $0x1  }
0x3d6: {  	_ =	swait.ge @p0 [sflag:s5], $0x30E0  }
0x3d7: {  	p1 =	sne.s32 @!p5 s6, $0x8;
	[sflag:s5] =	ssyncset.done @p0 $0x0  }
0x3d8: {  	[sflag:s5] =	ssyncadd.s32 @p0 $0xFFFFCF20;
	s5 =	simm.s32 @p0 $0x1;
	p0 =	por p1, p5  }
0x3d9: {  	[smem:$0x7A2] =	sst s5;
	s5 =	sadd.s32 @!p0 s16, s15;
	s8 =	sshrl.u32 @!p0 s23, $0x3  }
0x3da: {  	s10 =	simm.s32 @!p0 $0x1;
	s11 =	simm.s32 @!p0 $0x10;
	s14 =	simm.s32 @!p0 $0x80  }
0x3db: {  	s20 =	simm.s32 @!p0 $0x1E01;
	[bflag:$0x0] =	sbarrier.arrive @!p5 $0xFFFF;
	s5 =	sadd.s32 @!p0 $0x49500, s5  }
0x3dc: {  	[spmem:s8@s11], [sflag:s20] =	dma.strided @!p0 [hbm:s5@s14], $0x30E0, s10, $0x10   }
0x3dd: {  	_ =	swait.ge @p5 [sflag:s22], $0x30E0  }
0x3de: {  	[sflag:s22] =	ssyncset.done @p5 $0x0;
	s10 =	sld [smem:$0x7BE]  }
0x3df: {  	[sflag:s22] =	ssyncadd.s32 @p5 $0xFFFFCF20  }
0x3e0: {  	[bflag:$0x0] =	sbarrier.arrive @p5 $0xFFFF  }
0x3e1: {  	s28 =	smov.u32 s1;
	p0 =	seq.s32 s10, $0x1;
	s1 =	rddreg [dreg:$0xc]  }
0x3e2: {  	s7 =	sld [smem:$0x789];
	s5 =	sadd.s32 @p0 s16, s15  }
0x3e3: {  	s8 =	sshll.u32 @p0 s6, $0x6;
	s10 =	sshrl.u32 @p0 s1, $0x3;
	s11 =	simm.s32 @p0 $0x10  }
0x3e4: {  	s14 =	simm.s32 @p0 $0x80;
	s5 =	sadd.s32 @p0 $0x49510, s5;
	s8 =	sor.u32 @p0 $0x1C01, s8  }
0x3e5: {  	[spmem:s10@s11], [sflag:s8] =	dma.strided @p0 [hbm:s5@s14], $0x30E0, s7, $0x10   }
0x3e6: {  	s11 =	sld [smem:$0x7C0];
	_ =	sdelay $0x2  }
0x3e7: {  	p0 =	seq.s32 s11, $0x1  }
0x3e8: {  	s1 =	rddreg [dreg:$0xd];
	s5 =	sadd.s32 @p0 s16, s15  }
0x3e9: {  	s8 =	sshll.u32 @p0 s6, $0x6;
	s10 =	sshrl.u32 @p0 s1, $0x3;
	s11 =	simm.s32 @p0 $0x10  }
0x3ea: {  	s14 =	simm.s32 @p0 $0x80;
	s5 =	sadd.s32 @p0 $0x49520, s5;
	s8 =	sor.u32 @p0 $0x1C01, s8  }
0x3eb: {  	[spmem:s10@s11], [sflag:s8] =	dma.strided @p0 [hbm:s5@s14], $0x30E0, s13, $0x10   }
0x3ec: {  	s14 =	sld [smem:$0x7BF];
	_ =	sdelay $0x2  }
0x3ed: {  	p0 =	seq.s32 s14, $0x1  }
0x3ee: {  	s5 =	sadd.s32 @p0 s16, s15;
	s8 =	sshll.u32 @p0 s6, $0x6  }
0x3ef: {  	s10 =	sshrl.u32 @p0 s29, $0x3;
	s11 =	simm.s32 @p0 $0x10;
	s14 =	simm.s32 @p0 $0x80  }
0x3f0: {  	s1 =	simm.s32 @p0 $0x1;
	s5 =	sadd.s32 @p0 $0x49530, s5;
	s8 =	sor.u32 @p0 $0x1C01, s8  }
0x3f1: {  	[spmem:s10@s11], [sflag:s8] =	dma.strided @p0 [hbm:s5@s14], $0x30E0, s1, $0x10   }
0x3f2: {  	s1 =	sld [smem:$0x7B5]  }
0x3f3: {  	s21 =	smov.u32 s22;
	s22 =	sld [smem:$0x7B7];
	_ =	sdelay $0x2  }
0x3f4: {  	s15 =	sand.u32 $0x380, s1;
	s1 =	sand.u32 $0x7FFE0000, s22  }
0x3f5: {  	s8 =	rddreg [dreg:$0x14];
	s5 =	sor.u32 s1, s15  }
0x3f6: {  	s5 =	sor.u32 s8, s5  }
0x3f7: {  	s14 =	rddreg [dreg:$0x1];
	s5 =	sshrl.u32 s5, $0x3  }
0x3f8: {  	s20 =	smov.u32 s13;
	s13 =	simm.s32 $0x4;
	s5 =	sadd.s32 s14, s5  }
0x3f9: {  	[tilespmem:s3], [sflag:$0x2] =	stream.strided.gather [hbm4b:s5+s2], $0x400, s25, s2, $0x38;
	[tilespmem:$0x1CF00] =	vst v63  }
0x3fa: {  	_ =	swait.ge [sflag:s13], $0x400  }
0x3fb: {  	[sflag:s13] =	ssyncset.done $0x0  }
0x3fc: {  	[sflag:s13] =	ssyncadd.s32 $0xFFFFFC00  }
0x3fd: {  	_ =	swait.ge [sflag:s13], $0x400  }
0x3fe: {  	[sflag:s13] =	ssyncset.done $0x0  }
0x3ff: {  	[sflag:s13] =	ssyncadd.s32 $0xFFFFFC00  }
0x400: {  	_ =	swait.ge [sflag:s13], $0x400  }
0x401: {  	[sflag:s13] =	ssyncset.done $0x0  }
0x402: {  	[sflag:s13] =	ssyncadd.s32 $0xFFFFFC00  }
0x403: {  	_ =	swait.ge [sflag:s13], $0x400  }
0x404: {  	[sflag:s13] =	ssyncset.done $0x0  }
0x405: {  	s10 =	simm.s32 $0x18F00;
	s3 =	simm.s32 $0x18B00;
	[sflag:s13] =	ssyncadd.s32 $0xFFFFFC00  }
0x406: {  	[tilespmem:s10], [sflag:$0x3] =	stream.indirect.gather [spmem:s18], $0x1, s3, s25, $0xb8;
	[tilespmem:$0x1CF00] =	vst v63  }
0x407: {  	s11 =	simm.s32 $0x19300  }
0x408: {  	[tilespmem:s11], [sflag:$0x3] =	stream.indirect.gather [spmem:s28], $0x1, s3, s25, $0xb8;
	[tilespmem:$0x1CF00] =	vst v63  }
0x409: {  	s14 =	simm.s32 $0x19700  }
0x40a: {  	[tilespmem:s14], [sflag:$0x3] =	stream.indirect.gather [spmem:s12], $0x1, s3, s25, $0xb8;
	[tilespmem:$0x1CF00] =	vst v63  }
0x40b: {  	s28 =	simm.s32 $0x19B00  }
0x40c: {  	[tilespmem:s28], [sflag:$0x3] =	stream.indirect.gather [spmem:s31], $0x1, s3, s25, $0xb8;
	[tilespmem:$0x1CF00] =	vst v63  }
0x40d: {  	_ =	swait.ge [sflag:s30], $0x400  }
0x40e: {  	[sflag:s30] =	ssyncset.done $0x0  }
0x40f: {  	[sflag:s30] =	ssyncadd.s32 $0xFFFFFC00  }
0x410: {  	_ =	swait.ge [sflag:s30], $0x400  }
0x411: {  	[sflag:s30] =	ssyncset.done $0x0  }
0x412: {  	[sflag:s30] =	ssyncadd.s32 $0xFFFFFC00  }
0x413: {  	_ =	swait.ge [sflag:s30], $0x400  }
0x414: {  	[sflag:s30] =	ssyncset.done $0x0  }
0x415: {  	[sflag:s30] =	ssyncadd.s32 $0xFFFFFC00  }
0x416: {  	_ =	swait.ge [sflag:s30], $0x400  }
0x417: {  	s12 =	sld [smem:$0x7DE]  }
0x418: {  	s15 =	sld [smem:$0x7B6];
	_ =	sdelay $0x1  }
0x419: {  	[sflag:s30] =	ssyncset.done $0x0  }
0x41a: {  	[sflag:s30] =	ssyncadd.s32 $0xFFFFFC00;
	s5 =	sadd.s32 s15, s12  }
0x41b: {  	[hbm4b:s5+s2] =	stream.strided.scatter [tilespmem:s10], [sflag:$0x4], $0x400, s25, s2, $0x38;
	[tilespmem:$0x1CF00] =	vst v63  }
0x41c: {  	s18 =	sadd.s32 $0x10, s5  }
0x41d: {  	[hbm4b:s18+s2] =	stream.strided.scatter [tilespmem:s11], [sflag:$0x4], $0x400, s25, s2, $0x38;
	[tilespmem:$0x1CF00] =	vst v63  }
0x41e: {  	s22 =	sadd.s32 $0x20, s5  }
0x41f: {  	[hbm4b:s22+s2] =	stream.strided.scatter [tilespmem:s14], [sflag:$0x4], $0x400, s25, s2, $0x38;
	[tilespmem:$0x1CF00] =	vst v63  }
0x420: {  	s1 =	simm.s32 @p4 $0x1;
	s5 =	sadd.s32 $0x30, s5  }
0x421: {  	[hbm4b:s5+s2] =	stream.strided.scatter [tilespmem:s28], [sflag:$0x4], $0x400, s25, s2, $0x38;
	[tilespmem:$0x1CF00] =	vst v63  }
0x422: {  	_ =	swait.ge @p4 [sflag:s1], $0x30E0  }
0x423: {  	[sflag:s1] =	ssyncset.done @p4 $0x0  }
0x424: {  	[sflag:s1] =	ssyncadd.s32 @p4 $0xFFFFCF20  }
0x425: {  	s28 =	sld [smem:$0x7B0];
	_ =	swait.ge @p6 [sflag:s17], $0x30E0  }
0x426: {  	[sflag:s17] =	ssyncset.done @p6 $0x0  }
0x427: {  	[sflag:s17] =	ssyncadd.s32 @p6 $0xFFFFCF20;
	s17 =	sld [smem:$0x7B6]  }
0x428: {  	s18 =	rddreg [dreg:$0xc];
	_ =	swait.ge @p3 [sflag:s19], $0x30E0  }
0x429: {  	[sflag:s19] =	ssyncset.done @p3 $0x0  }
0x42a: {  	[sflag:s19] =	ssyncadd.s32 @p3 $0xFFFFCF20  }
0x42b: {  	s14 =	smov.u32 s29;
	s29 =	rddreg [dreg:$0xd];
	_ =	swait.ge @p2 [sflag:s24], $0x30E0  }
0x42c: {  	[sflag:s24] =	ssyncset.done @p2 $0x0;
	s31 =	sld [smem:$0x7AD]  }
0x42d: {  	[sflag:s24] =	ssyncadd.s32 @p2 $0xFFFFCF20  }
0x42e: {  	[bflag:$0x0] =	sbarrier.arrive $0xFFFF  }
0x42f: {  	s1 =	smov.u32 s26;
	p1 =	seq.s32 s31, $0x1;
	s24 =	sld [smem:$0x7FB]  }
0x430: {  	s26 =	smov.u32 s9;
	s22 =	sld [smem:$0x78A];
	s5 =	sadd.s32 @p1 s16, s0  }
0x431: {  	s8 =	sshll.u32 @p1 s6, $0x6;
	s10 =	simm.s32 @p1 $0x10;
	s11 =	simm.s32 @p1 $0x80  }
0x432: {  	s5 =	sadd.s32 @p1 $0x18740, s5;
	s8 =	sor.u32 @p1 $0x1C01, s8;
	s9 =	sshrl.u32 @p1 s24, $0x3  }
0x433: {  	[spmem:s9@s10], [sflag:s8] =	dma.strided @p1 [hbm:s5@s11], $0x30E0, s22, $0x10   }
0x434: {  	p4 =	seq.s32 s28, $0x1;
	s19 =	sld [smem:$0x7FC]  }
0x435: {  	s5 =	sadd.s32 @p4 s16, s0;
	s31 =	sld [smem:$0x78B]  }
0x436: {  	s8 =	sshll.u32 @p4 s6, $0x6;
	s10 =	simm.s32 @p4 $0x10;
	s11 =	simm.s32 @p4 $0x80  }
0x437: {  	s5 =	sadd.s32 @p4 $0x18750, s5;
	s8 =	sor.u32 @p4 $0x1C01, s8;
	s9 =	sshrl.u32 @p4 s19, $0x3  }
0x438: {  	[spmem:s9@s10], [sflag:s8] =	dma.strided @p4 [hbm:s5@s11], $0x30E0, s31, $0x10   }
0x439: {  	s5 =	sld [smem:$0x7AF];
	_ =	sdelay $0x2  }
0x43a: {  	s15 =	rddreg [dreg:$0x10];
	p3 =	seq.s32 s5, $0x1  }
0x43b: {  	s28 =	sld [smem:$0x78C];
	s5 =	sadd.s32 @p3 s16, s0  }
0x43c: {  	s8 =	sshll.u32 @p3 s6, $0x6;
	s9 =	sshrl.u32 @p3 s15, $0x3;
	s10 =	simm.s32 @p3 $0x10  }
0x43d: {  	s11 =	simm.s32 @p3 $0x80;
	s5 =	sadd.s32 @p3 $0x18760, s5;
	s8 =	sor.u32 @p3 $0x1C01, s8  }
0x43e: {  	[spmem:s9@s10], [sflag:s8] =	dma.strided @p3 [hbm:s5@s11], $0x30E0, s28, $0x10   }
0x43f: {  	s5 =	sld [smem:$0x7AE];
	_ =	sdelay $0x2  }
0x440: {  	p2 =	seq.s32 s5, $0x1  }
0x441: {  	s5 =	sadd.s32 @p2 s16, s0;
	s0 =	sld [smem:$0x78D]  }
0x442: {  	s8 =	sshll.u32 @p2 s6, $0x6;
	s9 =	sshrl.u32 @p2 s4, $0x3;
	s10 =	simm.s32 @p2 $0x10  }
0x443: {  	s11 =	simm.s32 @p2 $0x80;
	s5 =	sadd.s32 @p2 $0x18770, s5;
	s8 =	sor.u32 @p2 $0x1C01, s8  }
0x444: {  	[spmem:s9@s10], [sflag:s8] =	dma.strided @p2 [hbm:s5@s11], $0x30E0, s0, $0x10   }
0x445: {  	s12 =	smov.u32 s23;
	s23 =	rddreg [dreg:$0x9];
	_ =	swait.ge [sflag:s13], $0x400  }
0x446: {  	[sflag:s13] =	ssyncset.done $0x0  }
0x447: {  	[sflag:s13] =	ssyncadd.s32 $0xFFFFFC00  }
0x448: {  	_ =	swait.ge [sflag:s13], $0x400  }
0x449: {  	[sflag:s13] =	ssyncset.done $0x0  }
0x44a: {  	[sflag:s13] =	ssyncadd.s32 $0xFFFFFC00  }
0x44b: {  	_ =	swait.ge [sflag:s13], $0x400  }
0x44c: {  	[sflag:s13] =	ssyncset.done $0x0  }
0x44d: {  	[sflag:s13] =	ssyncadd.s32 $0xFFFFFC00  }
0x44e: {  	_ =	swait.ge [sflag:s13], $0x400  }
0x44f: {  	[sflag:s13] =	ssyncset.done $0x0  }
0x450: {  	s8 =	simm.s32 $0x19F00;
	[sflag:s13] =	ssyncadd.s32 $0xFFFFFC00  }
0x451: {  	[tilespmem:s8], [sflag:$0x3] =	stream.indirect.gather [spmem:s1], $0x1, s3, s25, $0xb8;
	[tilespmem:$0x1CF00] =	vst v63  }
0x452: {  	s10 =	simm.s32 $0x1A300;
	s4 =	rddreg [dreg:$0x8]  }
0x453: {  	[tilespmem:s10], [sflag:$0x3] =	stream.indirect.gather [spmem:s4], $0x1, s3, s25, $0xb8;
	[tilespmem:$0x1CF00] =	vst v63  }
0x454: {  	s5 =	simm.s32 $0x1A700  }
0x455: {  	[tilespmem:s5], [sflag:$0x3] =	stream.indirect.gather [spmem:s23], $0x1, s3, s25, $0xb8;
	[tilespmem:$0x1CF00] =	vst v63  }
0x456: {  	s1 =	simm.s32 $0x1AB00  }
0x457: {  	[tilespmem:s1], [sflag:$0x3] =	stream.indirect.gather [spmem:s26], $0x1, s3, s25, $0xb8;
	[tilespmem:$0x1CF00] =	vst v63  }
0x458: {  	_ =	swait.ge [sflag:s30], $0x400  }
0x459: {  	[sflag:s30] =	ssyncset.done $0x0  }
0x45a: {  	[sflag:s30] =	ssyncadd.s32 $0xFFFFFC00  }
0x45b: {  	_ =	swait.ge [sflag:s30], $0x400  }
0x45c: {  	[sflag:s30] =	ssyncset.done $0x0  }
0x45d: {  	[sflag:s30] =	ssyncadd.s32 $0xFFFFFC00  }
0x45e: {  	_ =	swait.ge [sflag:s30], $0x400  }
0x45f: {  	[sflag:s30] =	ssyncset.done $0x0  }
0x460: {  	[sflag:s30] =	ssyncadd.s32 $0xFFFFFC00  }
0x461: {  	_ =	swait.ge [sflag:s30], $0x400  }
0x462: {  	s11 =	sld [smem:$0x7E1];
	_ =	sdelay $0x2  }
0x463: {  	[sflag:s30] =	ssyncset.done $0x0;
	s26 =	sadd.s32 s17, s11  }
0x464: {  	[sflag:s30] =	ssyncadd.s32 $0xFFFFFC00;
	s0 =	sadd.s32 $0x40, s26  }
0x465: {  	[hbm4b:s0+s2] =	stream.strided.scatter [tilespmem:s8], [sflag:$0x4], $0x400, s25, s2, $0x38;
	[tilespmem:$0x1CF00] =	vst v63  }
0x466: {  	s11 =	sld [smem:$0x78F];
	s9 =	sadd.s32 $0x50, s26  }
0x467: {  	[hbm4b:s9+s2] =	stream.strided.scatter [tilespmem:s10], [sflag:$0x4], $0x400, s25, s2, $0x38;
	[tilespmem:$0x1CF00] =	vst v63  }
0x468: {  	s0 =	sld [smem:$0x78E];
	s10 =	sadd.s32 $0x60, s26  }
0x469: {  	[hbm4b:s10+s2] =	stream.strided.scatter [tilespmem:s5], [sflag:$0x4], $0x400, s25, s2, $0x38;
	[tilespmem:$0x1CF00] =	vst v63  }
0x46a: {  	p0 =	seq.s32 s11, $0x1;
	s5 =	sadd.s32 $0x70, s26  }
0x46b: {  	[hbm4b:s5+s2] =	stream.strided.scatter [tilespmem:s1], [sflag:$0x4], $0x400, s25, s2, $0x38;
	[tilespmem:$0x1CF00] =	vst v63  }
0x46c: {  	_ =	swait.ge @!p0 [sflag:s0], $0x30E0  }
0x46d: {  	s26 =	sld [smem:$0x7BE];
	_ =	sdelay $0x1  }
0x46e: {  	[sflag:s0] =	ssyncset.done @!p0 $0x0  }
0x46f: {  	[sflag:s0] =	ssyncadd.s32 @!p0 $0xFFFFCF20;
	p0 =	seq.s32 s26, $0x1  }
0x470: {  	_ =	swait.ge @p0 [sflag:s7], $0x30E0  }
0x471: {  	s1 =	sld [smem:$0x7C0];
	_ =	sdelay $0x1  }
0x472: {  	[sflag:s7] =	ssyncset.done @p0 $0x0  }
0x473: {  	[sflag:s7] =	ssyncadd.s32 @p0 $0xFFFFCF20;
	p0 =	seq.s32 s1, $0x1  }
0x474: {  	_ =	swait.ge @p0 [sflag:s20], $0x30E0  }
0x475: {  	s4 =	sld [smem:$0x7BF];
	_ =	sdelay $0x1  }
0x476: {  	[sflag:s20] =	ssyncset.done @p0 $0x0  }
0x477: {  	[sflag:s20] =	ssyncadd.s32 @p0 $0xFFFFCF20;
	p6 =	seq.s32 s4, $0x1  }
0x478: {  	[bflag:$0x0] =	sbarrier.arrive @!p6 $0xFFFF  }
0x479: {  	s0 =	sld [smem:$0x790]  }
0x47a: {  	s5 =	sld [smem:$0x791]  }
0x47b: {  	s1 =	sld [smem:$0x793]  }
0x47c: {  	s4 =	sld [smem:$0x794]  }
0x47d: {  	s6 =	sld [smem:$0x795]  }
0x47e: {  	s7 =	sld [smem:$0x796];
	p0 =	seq.s32 s5, $0x1  }
0x47f: {  	s5 =	sadd.s32 @!p0 $0x61C00, s0;
	s0 =	sld [smem:$0x792];
	_ =	sdelay $0x2  }
0x480: {  	[spmem:s0@s1], [sflag:s4] =	dma.strided @!p0 [hbm:s5@s7], $0x30E0, s6, $0x10   }
0x481: {  	s0 =	simm.s32 @p6 $0x1  }
0x482: {  	_ =	swait.ge @p6 [sflag:s0], $0x30E0  }
0x483: {  	[sflag:s0] =	ssyncset.done @p6 $0x0  }
0x484: {  	[sflag:s0] =	ssyncadd.s32 @p6 $0xFFFFCF20  }
0x485: {  	[bflag:$0x0] =	sbarrier.arrive @p6 $0xFFFF  }
0x486: {  	s6 =	sld [smem:$0x7C6]  }
0x487: {  	s0 =	sld [smem:$0x797]  }
0x488: {  	s7 =	sld [smem:$0x7C7]  }
0x489: {  	s1 =	sld [smem:$0x799]  }
0x48a: {  	s4 =	sld [smem:$0x79A]  }
0x48b: {  	p6 =	seq.s32 s6, $0x1;
	s6 =	sld [smem:$0x79B]  }
0x48c: {  	p0 =	seq.s32 s7, $0x1;
	s7 =	sld [smem:$0x79C]  }
0x48d: {  	s5 =	sadd.s32 @p0 $0x61C10, s0;
	s0 =	sld [smem:$0x798];
	_ =	sdelay $0x2  }
0x48e: {  	[spmem:s0@s6], [sflag:s4] =	dma.strided @p0 [hbm:s5@s1], $0x30E0, s7, $0x10   }
0x48f: {  	s0 =	sld [smem:$0x79D]  }
0x490: {  	s1 =	sld [smem:$0x79F]  }
0x491: {  	s4 =	sld [smem:$0x7A0]  }
0x492: {  	s6 =	sld [smem:$0x7A1]  }
0x493: {  	s7 =	sld [smem:$0x7A2]  }
0x494: {  	s5 =	sadd.s32 @p6 $0x61C20, s0;
	s0 =	sld [smem:$0x79E];
	_ =	sdelay $0x2  }
0x495: {  	[spmem:s1@s4], [sflag:s0] =	dma.strided @p6 [hbm:s5@s6], $0x30E0, s7, $0x10   }
0x496: {  	s0 =	sld [smem:$0x7A3]  }
0x497: {  	s1 =	sld [smem:$0x7A5]  }
0x498: {  	s4 =	sld [smem:$0x7A6]  }
0x499: {  	s6 =	sld [smem:$0x7A7]  }
0x49a: {  	s5 =	sadd.s32 @p5 $0x61C30, s0;
	s0 =	sld [smem:$0x7A4];
	_ =	sdelay $0x2  }
0x49b: {  	[spmem:s0@s6], [sflag:s4] =	dma.strided @p5 [hbm:s5@s1], $0x30E0, s21, $0x10   }
0x49c: {  	_ =	swait.ge [sflag:s13], $0x400  }
0x49d: {  	[sflag:s13] =	ssyncset.done $0x0  }
0x49e: {  	[sflag:s13] =	ssyncadd.s32 $0xFFFFFC00  }
0x49f: {  	_ =	swait.ge [sflag:s13], $0x400  }
0x4a0: {  	[sflag:s13] =	ssyncset.done $0x0  }
0x4a1: {  	[sflag:s13] =	ssyncadd.s32 $0xFFFFFC00  }
0x4a2: {  	_ =	swait.ge [sflag:s13], $0x400  }
0x4a3: {  	[sflag:s13] =	ssyncset.done $0x0  }
0x4a4: {  	[sflag:s13] =	ssyncadd.s32 $0xFFFFFC00  }
0x4a5: {  	_ =	swait.ge [sflag:s13], $0x400  }
0x4a6: {  	[sflag:s13] =	ssyncset.done $0x0  }
0x4a7: {  	s8 =	simm.s32 $0x1AF00;
	[sflag:s13] =	ssyncadd.s32 $0xFFFFFC00  }
0x4a8: {  	[tilespmem:s8], [sflag:$0x3] =	stream.indirect.gather [spmem:s12], $0x1, s3, s25, $0xb8;
	[tilespmem:$0x1CF00] =	vst v63  }
0x4a9: {  	s9 =	simm.s32 $0x1B300  }
0x4aa: {  	[tilespmem:s9], [sflag:$0x3] =	stream.indirect.gather [spmem:s18], $0x1, s3, s25, $0xb8;
	[tilespmem:$0x1CF00] =	vst v63  }
0x4ab: {  	s10 =	simm.s32 $0x1B700  }
0x4ac: {  	[tilespmem:s10], [sflag:$0x3] =	stream.indirect.gather [spmem:s29], $0x1, s3, s25, $0xb8;
	[tilespmem:$0x1CF00] =	vst v63  }
0x4ad: {  	s11 =	simm.s32 $0x1BB00  }
0x4ae: {  	[tilespmem:s11], [sflag:$0x3] =	stream.indirect.gather [spmem:s14], $0x1, s3, s25, $0xb8;
	[tilespmem:$0x1CF00] =	vst v63  }
0x4af: {  	_ =	swait.ge [sflag:s30], $0x400  }
0x4b0: {  	[sflag:s30] =	ssyncset.done $0x0  }
0x4b1: {  	[sflag:s30] =	ssyncadd.s32 $0xFFFFFC00  }
0x4b2: {  	_ =	swait.ge [sflag:s30], $0x400  }
0x4b3: {  	[sflag:s30] =	ssyncset.done $0x0  }
0x4b4: {  	[sflag:s30] =	ssyncadd.s32 $0xFFFFFC00  }
0x4b5: {  	_ =	swait.ge [sflag:s30], $0x400  }
0x4b6: {  	[sflag:s30] =	ssyncset.done $0x0  }
0x4b7: {  	[sflag:s30] =	ssyncadd.s32 $0xFFFFFC00  }
0x4b8: {  	_ =	swait.ge [sflag:s30], $0x400  }
0x4b9: {  	s20 =	smov.u32 s12;
	s12 =	sld [smem:$0x7DD];
	_ =	sdelay $0x1  }
0x4ba: {  	[sflag:s30] =	ssyncset.done $0x0  }
0x4bb: {  	s26 =	smov.u32 s18;
	[sflag:s30] =	ssyncadd.s32 $0xFFFFFC00;
	s13 =	sadd.s32 s17, s12  }
0x4bc: {  	[hbm4b:s13+s2] =	stream.strided.scatter [tilespmem:s8], [sflag:$0x4], $0x400, s25, s2, $0x38;
	[tilespmem:$0x1CF00] =	vst v63  }
0x4bd: {  	s18 =	smov.u32 s29;
	s29 =	smov.u32 s14;
	s14 =	sadd.s32 $0x10, s13  }
0x4be: {  	[hbm4b:s14+s2] =	stream.strided.scatter [tilespmem:s9], [sflag:$0x4], $0x400, s25, s2, $0x38;
	[tilespmem:$0x1CF00] =	vst v63  }
0x4bf: {  	s21 =	sadd.s32 $0x20, s13  }
0x4c0: {  	[hbm4b:s21+s2] =	stream.strided.scatter [tilespmem:s10], [sflag:$0x4], $0x400, s25, s2, $0x38;
	[tilespmem:$0x1CF00] =	vst v63  }
0x4c1: {  	s4 =	sadd.s32 $0x30, s13  }
0x4c2: {  	[hbm4b:s4+s2] =	stream.strided.scatter [tilespmem:s11], [sflag:$0x4], $0x400, s25, s2, $0x38;
	[tilespmem:$0x1CF00] =	vst v63  }
0x4c3: {  	_ =	swait.ge @p1 [sflag:s22], $0x30E0  }
0x4c4: {  	[sflag:s22] =	ssyncset.done @p1 $0x0  }
0x4c5: {  	[sflag:s22] =	ssyncadd.s32 @p1 $0xFFFFCF20  }
0x4c6: {  	_ =	swait.ge @p4 [sflag:s31], $0x30E0  }
.Ltmp8:
0x4c7: {  	[sflag:s31] =	ssyncset.done @p4 $0x0;
	(pc) =	sbr.rel @!p2 .LBB3_10-.Ltmp8, $4  }
0x4c8: {  	[sflag:s31] =	ssyncadd.s32 @p4 $0xFFFFCF20  }
0x4c9: {  	_ =	swait.ge @p3 [sflag:s28], $0x30E0  }
0x4ca: {  	[sflag:s28] =	ssyncset.done @p3 $0x0  }
0x4cb: {  	s9 =	smov.u32 s19;
	[sflag:s28] =	ssyncadd.s32 @p3 $0xFFFFCF20  }
0x4cc: {  	s0 =	simm.s32 $0x1  }
.Ltmp9:
0x4cd: {  	_ =	swait.ge [sflag:s0], $0x30E0;
	(pc) =	sbr.rel .LBB3_11-.Ltmp9, $4  }
0x4ce: {  	[sflag:s0] =	ssyncset.done $0x0  }
0x4cf: {  	[sflag:s0] =	ssyncadd.s32 $0xFFFFCF20  }
0x4d0: {  	[bflag:$0x0] =	sbarrier.arrive $0xFFFF  }
0x4d1: {  	s10 =	stileid.u32  }
.LBB3_12:
0x4d2: {  	s0 =	sld [smem:$0x7EC];
	_ =	sdelay $0x2  }
0x4d3: {  	s5 =	sld [smem:$0x7B1];
	p0 =	seq.s32 s0, $0x1  }
0x4d4: {  	s4 =	rddreg [dreg:$0x17];
	s0 =	simm.s32 @!p0 $0x1  }
0x4d5: {  	s1 =	simm.s32 @!p0 $0x10;
	s2 =	simm.s32 @!p0 $0x80;
	s3 =	simm.s32 @!p0 $0x1E81  }
0x4d6: {  	[spmem:s5@s1], [sflag:s3] =	dma.strided @!p0 [hbm:s4@s2], $0x30E0, s0, $0x10   }
0x4d7: {  	s0 =	sld [smem:$0x7ED];
	_ =	sdelay $0x2  }
0x4d8: {  	s5 =	sld [smem:$0x7B2];
	p5 =	seq.s32 s0, $0x1  }
0x4d9: {  	s4 =	rddreg [dreg:$0x16];
	s0 =	simm.s32 @!p5 $0x1  }
0x4da: {  	s1 =	simm.s32 @!p5 $0x10;
	s2 =	simm.s32 @!p5 $0x80;
	s3 =	simm.s32 @!p5 $0x1EC1  }
0x4db: {  	[spmem:s5@s1], [sflag:s3] =	dma.strided @!p5 [hbm:s4@s2], $0x30E0, s0, $0x10   }
0x4dc: {  	s0 =	sld [smem:$0x7BC];
	_ =	sdelay $0x2  }
0x4dd: {  	s5 =	sld [smem:$0x7B3];
	p0 =	seq.s32 s0, $0x1  }
0x4de: {  	s4 =	rddreg [dreg:$0x19];
	s0 =	simm.s32 @!p0 $0x1  }
0x4df: {  	s1 =	simm.s32 @!p0 $0x10;
	s2 =	simm.s32 @!p0 $0x80;
	s3 =	simm.s32 @!p0 $0x1E01  }
0x4e0: {  	[spmem:s5@s1], [sflag:s3] =	dma.strided @!p0 [hbm:s4@s2], $0x30E0, s0, $0x10   }
0x4e1: {  	s0 =	sld [smem:$0x7BA];
	_ =	sdelay $0x2  }
0x4e2: {  	s5 =	sld [smem:$0x7B4];
	p1 =	seq.s32 s0, $0x1  }
0x4e3: {  	s12 =	simm.s32 $0x4;
	s4 =	rddreg [dreg:$0x18];
	s0 =	simm.s32 @!p1 $0x1  }
0x4e4: {  	s1 =	simm.s32 @!p1 $0x10;
	s2 =	simm.s32 @!p1 $0x80;
	s3 =	simm.s32 @!p1 $0x1E41  }
0x4e5: {  	[spmem:s5@s1], [sflag:s3] =	dma.strided @!p1 [hbm:s4@s2], $0x30E0, s0, $0x10   }
0x4e6: {  	_ =	swait.ge [sflag:s12], $0x400  }
0x4e7: {  	[sflag:s12] =	ssyncset.done $0x0  }
0x4e8: {  	[sflag:s12] =	ssyncadd.s32 $0xFFFFFC00  }
0x4e9: {  	_ =	swait.ge [sflag:s12], $0x400  }
0x4ea: {  	[sflag:s12] =	ssyncset.done $0x0  }
0x4eb: {  	[sflag:s12] =	ssyncadd.s32 $0xFFFFFC00  }
0x4ec: {  	_ =	swait.ge [sflag:s12], $0x400  }
0x4ed: {  	[sflag:s12] =	ssyncset.done $0x0  }
0x4ee: {  	[sflag:s12] =	ssyncadd.s32 $0xFFFFFC00  }
0x4ef: {  	_ =	swait.ge [sflag:s12], $0x400  }
0x4f0: {  	[sflag:s12] =	ssyncset.done $0x0  }
0x4f1: {  	[sflag:s12] =	ssyncadd.s32 $0xFFFFFC00  }
0x4f2: {  	s13 =	simm.s32 $0x18700;
	s15 =	simm.s32 $0x18F00;
	s16 =	rddreg [dreg:$0x3]  }
0x4f3: {  	[tilespmem:s15], [sflag:$0x3] =	stream.indirect.gather [spmem:s16], $0x1, s13, s25, $0xb8;
	[tilespmem:$0x1CF00] =	vst v63  }
0x4f4: {  	s17 =	simm.s32 $0x19300;
	s19 =	rddreg [dreg:$0x4]  }
0x4f5: {  	[tilespmem:s17], [sflag:$0x3] =	stream.indirect.gather [spmem:s19], $0x1, s13, s25, $0xb8;
	[tilespmem:$0x1CF00] =	vst v63  }
0x4f6: {  	s21 =	simm.s32 $0x19700;
	s22 =	rddreg [dreg:$0x5]  }
0x4f7: {  	[tilespmem:s21], [sflag:$0x3] =	stream.indirect.gather [spmem:s22], $0x1, s13, s25, $0xb8;
	[tilespmem:$0x1CF00] =	vst v63  }
0x4f8: {  	s28 =	simm.s32 $0x19B00;
	s31 =	rddreg [dreg:$0x6]  }
0x4f9: {  	[tilespmem:s28], [sflag:$0x3] =	stream.indirect.gather [spmem:s31], $0x1, s13, s25, $0xb8;
	[tilespmem:$0x1CF00] =	vst v63  }
0x4fa: {  	_ =	swait.ge [sflag:s30], $0x400  }
0x4fb: {  	[sflag:s30] =	ssyncset.done $0x0  }
0x4fc: {  	[sflag:s30] =	ssyncadd.s32 $0xFFFFFC00  }
0x4fd: {  	_ =	swait.ge [sflag:s30], $0x400  }
0x4fe: {  	[sflag:s30] =	ssyncset.done $0x0  }
0x4ff: {  	[sflag:s30] =	ssyncadd.s32 $0xFFFFFC00  }
0x500: {  	_ =	swait.ge [sflag:s30], $0x400  }
0x501: {  	[sflag:s30] =	ssyncset.done $0x0  }
0x502: {  	[sflag:s30] =	ssyncadd.s32 $0xFFFFFC00  }
0x503: {  	_ =	swait.ge [sflag:s30], $0x400  }
0x504: {  	s6 =	rddreg [dreg:$0x1e]  }
0x505: {  	s8 =	rddreg [dreg:$0x1f]  }
0x506: {  	p6 =	por $0x0, $0x0;
	[sflag:s30] =	ssyncset.done $0x0;
	s13 =	sld [smem:$0x7BB]  }
0x507: {  	p4 =	por @!p1 $0x0, $0x0;
	s12 =	sld [smem:$0x7CE];
	[sflag:s30] =	ssyncadd.s32 $0xFFFFFC00  }
0x508: {  	[hbm4b:s6+s14] =	stream.strided.scatter [tilespmem:s15], [sflag:$0x4], $0x400, s25, s14, $0x38;
	[tilespmem:$0x1CF00] =	vst v63  }
0x509: {  	p3 =	por @!p1 $0x1, $0x1;
	s16 =	sld [smem:$0x7CB];
	p1 =	seq.s32 s13, $0x1  }
0x50a: {  	[hbm4b:s8+s14] =	stream.strided.scatter [tilespmem:s17], [sflag:$0x4], $0x400, s25, s14, $0x38;
	[tilespmem:$0x1CF00] =	vst v63  }
0x50b: {  	p4 =	por @!p1 p6, p6;
	p3 =	por @!p1 p6, p6;
	p1 =	por @!p0 $0x0, $0x0  }
0x50c: {  	s15 =	sld [smem:$0x7CF];
	p3 =	por @!p0 p1, p1  }
0x50d: {  	[hbm4b:s12+s14] =	stream.strided.scatter [tilespmem:s21], [sflag:$0x4], $0x400, s25, s14, $0x38;
	[tilespmem:$0x1CF00] =	vst v63  }
0x50e: {  	s0 =	simm.s32 @!p3 $0x0  }
0x50f: {  	p6 =	seq.s32 s16, $0x1;
	s0 =	simm.s32 @p3 $0x1  }
0x510: {  	[hbm4b:s15+s14] =	stream.strided.scatter [tilespmem:s28], [sflag:$0x4], $0x400, s25, s14, $0x38;
	[tilespmem:$0x1CF00] =	vst v63  }
0x511: {  	[smem:$0x787] =	sst s0;
	s0 =	simm.s32 @p6 $0x1  }
0x512: {  	s17 =	sld [smem:$0x7EF];
	_ =	swait.ge @p6 [sflag:s0], $0x30E0  }
0x513: {  	s21 =	sld [smem:$0x7C9]  }
0x514: {  	p2 =	por $0x0, $0x0  }
0x515: {  	p4 =	por @!p0 p1, p1;
	p0 =	por @!p5 $0x1, $0x1;
	p1 =	por @!p5 $0x0, $0x0  }
0x516: {  	[sflag:s0] =	ssyncset.done @p6 $0x0;
	s19 =	sld [smem:$0x7EC];
	p3 =	seq.s32 s21, $0x1  }
0x517: {  	p5 =	seq.s32 s17, $0x1;
	[sflag:s0] =	ssyncadd.s32 @p6 $0xFFFFCF20;
	s0 =	simm.s32 @p3 $0x1  }
0x518: {  	p0 =	por @!p5 p2, p2;
	_ =	swait.ge @p3 [sflag:s0], $0x30E0  }
0x519: {  	p1 =	por @!p5 p2, p2;
	p2 =	seq.s32 s19, $0x1;
	s22 =	sld [smem:$0x7EE]  }
0x51a: {  	p6 =	por p1, p1;
	p5 =	por @!p2 $0x0, $0x0;
	s28 =	sld [smem:$0x787]  }
0x51b: {  	p0 =	por @!p2 p5, p5;
	p6 =	por @!p2 p5, p5;
	p5 =	por @!p2 $0x1, $0x1  }
0x51c: {  	p1 =	por @!p2 p5, p5  }
0x51d: {  	s31 =	sld [smem:$0x7CC];
	p5 =	seq.s32 s22, $0x1;
	p2 =	seq.s32 s28, $0x1  }
0x51e: {  	p6 =	por @!p5 p2, p2  }
0x51f: {  	p0 =	por @!p5 p4, p4;
	s1 =	simm.s32 @!p6 $0x0  }
0x520: {  	s1 =	simm.s32 @p6 $0x1;
	p6 =	por p0, p0;
	p0 =	seq.s32 s31, $0x1  }
.Ltmp10:
0x521: {  	_ = 	snop;
	(pc) =	sbr.rel @!p0 .LBB3_13-.Ltmp10, $3  }
0x522: {  	_ =	sdelay $0x1  }
0x523: {  	[sflag:s0] =	ssyncset.done @p3 $0x0;
	p1 =	por @!p5 p4, p4  }
0x524: {  	[sflag:s0] =	ssyncadd.s32 @p3 $0xFFFFCF20;
	p2 =	por p1, p1;
	[smem:$0x788] =	sst s1  }
0x525: {  	s0 =	simm.s32 $0x1  }
0x526: {  	_ =	swait.ge [sflag:s0], $0x30E0  }
0x527: {  	s31 =	sld [smem:$0x7C8];
	_ =	sdelay $0x2  }
0x528: {  	p0 =	seq.s32 s31, $0x1  }
.Ltmp11:
0x529: {  	_ = 	snop;
	(pc) =	sbr.rel @p0 .LBB3_14-.Ltmp11, $3  }
0x52a: {  	_ =	sdelay $0x1  }
0x52b: {  	[sflag:s0] =	ssyncset.done $0x0  }
0x52c: {  	s2 =	rddreg [dreg:$0x10];
	[sflag:s0] =	ssyncadd.s32 $0xFFFFCF20  }
.Ltmp12:
0x52d: {  	(pc) =	sbr.rel .LBB3_18-.Ltmp12, $4  }
0x52e: {  	p0 =	por $0x0, $0x0  }
0x52f: {  	[bflag:$0x0] =	sbarrier.arrive $0xFFFF;
	s0 =	simm.s32 @!p0 $0x0  }
0x530: {  	p3 =	por $0x0, $0x0;
	s1 =	rddreg [dreg:$0xe];
	s0 =	simm.s32 @p0 $0x1  }
0x531: {  	p4 =	por $0x0, $0x0;
	p5 =	por $0x0, $0x0;
	[smem:$0x786] =	sst s0  }
.LBB3_13:
0x532: {  	s0 =	sld [smem:$0x7C8];
	_ =	sdelay $0x2  }
0x533: {  	p0 =	seq.s32 s0, $0x1  }
.Ltmp13:
0x534: {  	_ = 	snop;
	(pc) =	sbr.rel @p0 .LBB3_14-.Ltmp13, $2  }
0x535: {  	_ =	sdelay $0x2  }
0x536: {  	s2 =	rddreg [dreg:$0x10]  }
0x537: {  	s0 =	simm.s32 @!p2 $0x0  }
0x538: {  	s0 =	simm.s32 @p2 $0x1;
	p2 =	sgt.s32 s10, $0xD  }
0x539: {  	p4 =	seq.s32 @p2 s10, $0xE  }
0x53a: {  	p0 =	por !p4, !p2  }
0x53b: {  	[smem:$0x785] =	sst s0;
	p5 =	por p4, !p2;
	s0 =	simm.s32 @!p0 $0x0  }
0x53c: {  	s1 =	simm.s32 @!p0 $0x1;
	s3 =	simm.s32 @!p0 $0x80;
	s0 =	simm.s32 @p0 $0x1  }
0x53d: {  	s4 =	simm.s32 @!p0 $0x1F81;
	p5 =	seq.s32 @!p5 s10, $0xF;
	[smem:$0x77E] =	sst s0  }
0x53e: {  	p4 =	por @p2 !p5, p4;
	s0 =	sshrl.u32 @!p0 s2, $0x3;
	[bflag:$0x0] =	sbarrier.arrive $0xFFFF  }
0x53f: {  	s2 =	simm.s32 @!p0 $0x10;
	p5 =	por p4, !p2;
	s5 =	rddreg [dreg:$0x1b]  }
0x540: {  	[spmem:s0@s2], [sflag:s4] =	dma.strided @!p0 [hbm:s5@s3], $0x30E0, s1, $0x10   }
0x541: {  	s0 =	sshrl.u32 @!p5 s11, $0x3;
	s1 =	simm.s32 @!p5 $0x1;
	s2 =	simm.s32 @!p5 $0x10  }
0x542: {  	s3 =	simm.s32 @!p5 $0x80;
	s4 =	simm.s32 @!p5 $0x1FC1;
	s5 =	rddreg [dreg:$0x1a]  }
0x543: {  	[spmem:s0@s2], [sflag:s4] =	dma.strided @!p5 [hbm:s5@s3], $0x30E0, s1, $0x10   }
0x544: {  	s0 =	simm.s32 @!p6 $0x0  }
0x545: {  	s0 =	simm.s32 @p6 $0x1;
	p6 =	seq.s32 @!p2 s10, $0xC  }
0x546: {  	p1 =	por p6, p2  }
0x547: {  	[smem:$0x780] =	sst s0;
	s0 =	simm.s32 @!p1 $0x0  }
0x548: {  	s0 =	simm.s32 @p1 $0x1  }
0x549: {  	[smem:$0x77B] =	sst s0  }
0x54a: {  	s0 =	sld [smem:$0x77B]  }
0x54b: {  	p4 =	por !p4, !p2  }
0x54c: {  	p3 =	por @!p5 $0x1, $0x1;
	p1 =	por @!p5 $0x0, $0x0;
	p5 =	por $0x0, $0x0  }
0x54d: {  	s6 =	sld [smem:$0x77E];
	p3 =	por @!p4 p5, p5;
	p5 =	seq.s32 s0, $0x1  }
0x54e: {  	p0 =	seq.s32 @!p5 s10, $0xD;
	p5 =	por $0x0, $0x0  }
0x54f: {  	s5 =	rddreg [dreg:$0x1d];
	p1 =	por @!p4 p5, p5;
	p5 =	por @!p2 !p0, p6  }
0x550: {  	p4 =	por !p6, p2;
	p0 =	seq.s32 s6, $0x1;
	s0 =	simm.s32 @!p5 $0x0  }
0x551: {  	p6 =	por @!p0 $0x0, $0x0;
	s1 =	simm.s32 @!p4 $0x1;
	s2 =	simm.s32 @!p4 $0x10  }
0x552: {  	s3 =	simm.s32 @!p4 $0x80;
	s4 =	simm.s32 @!p4 $0x1F01;
	s0 =	simm.s32 @p5 $0x1  }
0x553: {  	p3 =	por @!p0 p6, p6;
	[smem:$0x77D] =	sst s0;
	s0 =	sshrl.u32 @!p4 s24, $0x3  }
0x554: {  	[spmem:s0@s2], [sflag:s4] =	dma.strided @!p4 [hbm:s5@s3], $0x30E0, s1, $0x10   }
0x555: {  	s0 =	simm.s32 @!p3 $0x0  }
0x556: {  	s0 =	simm.s32 @p3 $0x1;
	p3 =	por @!p0 $0x0, $0x0  }
0x557: {  	[smem:$0x784] =	sst s0;
	s0 =	simm.s32 @!p3 $0x0  }
0x558: {  	s0 =	simm.s32 @p3 $0x1  }
0x559: {  	[smem:$0x77C] =	sst s0  }
0x55a: {  	s12 =	sld [smem:$0x77C]  }
0x55b: {  	s8 =	sld [smem:$0x77D]  }
0x55c: {  	s13 =	sld [smem:$0x77D]  }
0x55d: {  	p6 =	por p0, p0;
	p0 =	por p1, p1;
	p3 =	seq.s32 s12, $0x1  }
0x55e: {  	s15 =	sld [smem:$0x77E];
	p5 =	seq.s32 s8, $0x1;
	p0 =	por @!p6 p3, p3  }
0x55f: {  	p5 =	por p5, p2;
	p6 =	seq.s32 s13, $0x1;
	s0 =	simm.s32 @!p0 $0x0  }
0x560: {  	p3 =	por $0x0, $0x0;
	p6 =	por !p6, p2;
	s0 =	simm.s32 @p0 $0x1  }
0x561: {  	p0 =	por @!p5 $0x0, $0x0;
	[smem:$0x786] =	sst s0;
	s0 =	simm.s32 @!p6 $0x0  }
0x562: {  	p0 =	por @!p6 p3, p3;
	s0 =	simm.s32 @p6 $0x1;
	p6 =	seq.s32 s15, $0x1  }
0x563: {  	p3 =	por @!p6 $0x1, $0x1  }
0x564: {  	p1 =	por @!p6 p3, p3  }
0x565: {  	[smem:$0x77F] =	sst s0;
	s0 =	simm.s32 @!p1 $0x0  }
0x566: {  	s0 =	simm.s32 @p1 $0x1  }
0x567: {  	[smem:$0x781] =	sst s0;
	s0 =	simm.s32 @!p0 $0x0  }
0x568: {  	s16 =	sld [smem:$0x77F];
	s0 =	simm.s32 @p0 $0x1  }
0x569: {  	[smem:$0x783] =	sst s0  }
0x56a: {  	s0 =	sld [smem:$0x783];
	_ =	sdelay $0x1  }
0x56b: {  	p3 =	por $0x0, $0x0;
	p6 =	por @!p5 $0x1, $0x1;
	p1 =	seq.s32 s16, $0x1  }
0x56c: {  	p6 =	por @!p1 p3, p3;
	p3 =	por @!p4 $0x0, $0x0;
	p1 =	seq.s32 s0, $0x1  }
0x56d: {  	p1 =	por @!p4 p3, p3  }
0x56e: {  	s0 =	simm.s32 @!p1 $0x0  }
0x56f: {  	s0 =	simm.s32 @p1 $0x1;
	p1 =	por @!p4 $0x0, $0x0  }
0x570: {  	p6 =	por @!p4 p1, p1  }
0x571: {  	s17 =	sld [smem:$0x780];
	p1 =	por p6, p6;
	p6 =	por @!p4 $0x1, $0x1  }
0x572: {  	s5 =	rddreg [dreg:$0x1c];
	p0 =	por @!p4 p6, p6  }
0x573: {  	s1 =	simm.s32 @!p5 $0x1;
	[smem:$0x783] =	sst s0;
	s0 =	simm.s32 @!p0 $0x0  }
0x574: {  	s2 =	simm.s32 @!p5 $0x10;
	s3 =	simm.s32 @!p5 $0x80;
	s0 =	simm.s32 @p0 $0x1  }
0x575: {  	s4 =	simm.s32 @!p5 $0x1F41;
	[smem:$0x782] =	sst s0;
	s0 =	sshrl.u32 @!p5 s9, $0x3  }
0x576: {  	[spmem:s0@s2], [sflag:s4] =	dma.strided @!p5 [hbm:s5@s3], $0x30E0, s1, $0x10   }
0x577: {  	s19 =	sld [smem:$0x786];
	_ =	sdelay $0x1  }
0x578: {  	s21 =	sld [smem:$0x782]  }
0x579: {  	s0 =	sld [smem:$0x781];
	p0 =	seq.s32 s19, $0x1  }
0x57a: {  	s2 =	rddreg [dreg:$0x10];
	p4 =	por p0, p0  }
0x57b: {  	s22 =	sld [smem:$0x783];
	p4 =	por @!p2 p1, p1;
	p1 =	seq.s32 s21, $0x1  }
.Ltmp14:
0x57c: {  	s28 =	sld [smem:$0x784];
	p0 =	por @!p2 p1, p1;
	(pc) =	sbr.rel .LBB3_18-.Ltmp14, $4  }
0x57d: {  	s31 =	sld [smem:$0x785];
	p5 =	seq.s32 s0, $0x1;
	s0 =	simm.s32 @!p0 $0x0  }
0x57e: {  	p6 =	seq.s32 s17, $0x1;
	s1 =	rddreg [dreg:$0xe];
	s0 =	simm.s32 @p0 $0x1  }
0x57f: {  	p3 =	seq.s32 s28, $0x1;
	p0 =	seq.s32 s22, $0x1;
	[smem:$0x786] =	sst s0  }
0x580: {  	p3 =	por @!p2 p0, p0;
	p5 =	por @!p2 p0, p0;
	p2 =	seq.s32 s31, $0x1  }
.LBB3_19:
0x581: {  	_ =	sfence.sel $0x180000  }
0x582: {  	[bflag:$0x0] =	sbarrier.arrive $0xFFFF  }
0x583: {  	_ =	strace $0x90000047  }
0x584: {  	[bflag:$0x2] =	sbarrier.arrive $0xFFFF  }
0x585: {  	s1 =	sld [smem:$0x7FA];
	_ =	sdelay $0x2  }
0x586: {  	s0 =	rddreg [dreg:$0x12];
	p0 =	seq.s32 s1, $0x1  }
0x587: {  	s0 =	sadd.s32 @!p0 $0x100000, s0  }
0x588: {  	[sflag:s0] =	ssyncadd.tile.s32 @!p0 $0x1;
	_ =	shalt  }
.Lfunc_end3:
_tile_overlayer_lowered:
.L_overlay_start_3:
0x589: {  	(tag) =	ssettag $0x3  }
0x58a: {  	s0 =	rddreg [dreg:$0x0];
	s2 =	stileid.u32  }
0x58b: {  	s1 =	rddreg [dreg:$0x1];
	p0 =	sne.s32 s2, $0x0  }
0x58c: {  	s3 =	rddreg [dreg:$0x2];
	[bflag:$0x3] =	sbarrier.arrive $0xFFFF;
	s2 =	simm.s32 @!p0 $0x1C05  }
0x58d: {  	[timem:s3], [sflag:s2] =	dma.local @!p0 [hbm:s0], s1  }
0x58e: {  	s0 =	simm.s32 @!p0 $0x5  }
0x58f: {  	_ =	swait.ge @!p0 [sflag:s0], s1  }
0x590: {  	s1 =	ssub.s32 @!p0 $0x0, s1;
	[sflag:s0] =	ssyncset.done @!p0 $0x0  }
0x591: {  	[sflag:s0] =	ssyncadd.s32 @!p0 s1  }
0x592: {  	[bflag:$0x3] =	sbarrier.arrive $0xFFFF  }
0x593: {  	_ =	shalt  }

</sc_bundles>
